<compile_context>
chip_gen: v7x
topology: tpu7x:2x2x1
jax: 0.10.2.dev20260603
libtpu: 0.0.44.dev20260713+nightly
codegen_flags: <defaults>
</compile_context>

<pallas_src>
import functools

import jax
import jax.numpy as jnp
from jax import lax
from jax.experimental import pallas as pl
from jax.experimental.pallas import tpu as pltpu
from jax.experimental.pallas import tpu_sc as plsc

N = 10000
E = 320000
D = 128

NC = 2
NS = 16
NW = NC * NS
K = 128
NCH = E // K
CHW_LO = NCH // NW
CHW_EXTRA = NCH - CHW_LO * NW

RSTRIDE = 624
RWIN = 640
ZR = 128
DEGW = 16

BLK = 1000
NBLK = N // BLK

_SC_MESH = dict(core_axis_name="c", subcore_axis_name="s",
                num_cores=NC, num_subcores=NS)


def _worker_chunks(wid):
    extra = jnp.minimum(wid, CHW_EXTRA)
    start = wid * CHW_LO + extra
    n = jnp.where(wid < CHW_EXTRA, CHW_LO + 1, CHW_LO)
    return start, n


def _zero_rows(zbuf, nrows, width):
    z16 = jnp.zeros((16,), jnp.float32)

    def body(i, _):
        for j in range(width // 16):
            zbuf[i, pl.ds(j * 16, 16)] = z16
        return 0

    lax.fori_loop(0, nrows, body, 0)


@functools.cache
def _build_deg_kernel():
    return pl.kernel(
        _deg_body,
        out_type=jax.ShapeDtypeStruct((NC, N, DEGW), jnp.float32),
        mesh=plsc.VectorSubcoreMesh(**_SC_MESH),
        scratch_types=[
            pltpu.VMEM_SHARED((N, DEGW), jnp.float32),
            pltpu.VMEM((2, K), jnp.int32),
            pltpu.VMEM((2, K), jnp.int32),
            pltpu.VMEM((2, K), jnp.int32),
            pltpu.VMEM((K, DEGW), jnp.float32),
            pltpu.VMEM((ZR, DEGW), jnp.float32),
            pltpu.SemaphoreType.DMA,
            pltpu.SemaphoreType.DMA,
            pltpu.SemaphoreType.DMA,
            pltpu.SemaphoreType.DMA,
            pltpu.SemaphoreType.DMA,
            pltpu.SemaphoreType.DMA,
        ],
    )


def _deg_body(ei_hbm, out_hbm, dacc, i0, i1, i2, ones_v, zbuf,
              si0, si1, si2, ss0, ss1, ss2):
    cid = lax.axis_index("c")
    sid = lax.axis_index("s")
    wid = sid * NC + cid
    ch0, ncw = _worker_chunks(wid)

    idx = (i0, i1, i2)
    sem_i = (si0, si1, si2)
    sem_s = (ss0, ss1, ss2)

    one16 = jnp.ones((16,), jnp.float32)

    def fill(i, _):
        ones_v[i, :] = one16
        return 0

    lax.fori_loop(0, K, fill, 0)
    _zero_rows(zbuf, ZR, DEGW)
    for z in range(RWIN // ZR):
        pltpu.sync_copy(zbuf, dacc.at[pl.ds(sid * RSTRIDE + z * ZR, ZR)])
    plsc.subcore_barrier()

    def outer(t, _):
        for k in range(3):
            i = t * 3 + k
            a, b = k, (k - 1) % 3

            @pl.when((i >= 3) & (i < ncw + 3))
            def _():
                pltpu.make_async_copy(ones_v, dacc.at[idx[a].at[1]],
                                      sem_s[a]).wait()

            @pl.when(i < ncw)
            def _():
                off = (ch0 + i) * K
                pltpu.async_copy(ei_hbm.at[:, pl.ds(off, K)], idx[a],
                                 sem_i[a])

            @pl.when((i >= 1) & (i <= ncw))
            def _():
                pltpu.make_async_copy(ei_hbm.at[:, pl.ds(0, K)], idx[b],
                                      sem_i[b]).wait()
                pltpu.async_copy(ones_v, dacc.at[idx[b].at[1]], sem_s[b],
                                 add=True)

        return 0

    lax.fori_loop(0, (ncw + 5) // 3, outer, 0)
    plsc.subcore_barrier()
    pltpu.sync_copy(dacc.at[pl.ds(sid * RSTRIDE, RWIN)],
                    out_hbm.at[cid, pl.ds(sid * RSTRIDE, RWIN)])


@functools.cache
def _build_scatter_kernel():
    return pl.kernel(
        _scatter_body,
        out_type=jax.ShapeDtypeStruct((NC, N, D), jnp.float32),
        mesh=plsc.VectorSubcoreMesh(**_SC_MESH),
        scratch_types=[
            pltpu.VMEM_SHARED((N, D), jnp.float32),
            pltpu.VMEM((2, K), jnp.int32),
            pltpu.VMEM((2, K), jnp.int32),
            pltpu.VMEM((2, K), jnp.int32),
            pltpu.VMEM((K, D), jnp.float32),
            pltpu.VMEM((K, D), jnp.float32),
            pltpu.VMEM((K, D), jnp.float32),
            pltpu.SemaphoreType.DMA,
            pltpu.SemaphoreType.DMA,
            pltpu.SemaphoreType.DMA,
            pltpu.SemaphoreType.DMA,
            pltpu.SemaphoreType.DMA,
            pltpu.SemaphoreType.DMA,
            pltpu.SemaphoreType.DMA,
            pltpu.SemaphoreType.DMA,
            pltpu.SemaphoreType.DMA,
        ],
    )


def _scatter_body(g_hbm, ei_hbm, out_hbm, acc, i0, i1, i2, r0, r1, r2,
                  si0, si1, si2, sg0, sg1, sg2, ss0, ss1, ss2):
    cid = lax.axis_index("c")
    sid = lax.axis_index("s")
    wid = sid * NC + cid
    ch0, ncw = _worker_chunks(wid)

    idx = (i0, i1, i2)
    rows = (r0, r1, r2)
    sem_i = (si0, si1, si2)
    sem_g = (sg0, sg1, sg2)
    sem_s = (ss0, ss1, ss2)

    _zero_rows(r0, ZR, D)
    for z in range(RWIN // ZR):
        pltpu.sync_copy(r0, acc.at[pl.ds(sid * RSTRIDE + z * ZR, ZR)])
    plsc.subcore_barrier()

    def outer(t, _):
        for k in range(3):
            i = t * 3 + k
            a, b, c = k, (k - 1) % 3, (k - 2) % 3

            @pl.when((i >= 3) & (i < ncw + 3))
            def _():
                pltpu.make_async_copy(rows[a], acc.at[idx[a].at[1]],
                                      sem_s[a]).wait()

            @pl.when(i < ncw)
            def _():
                off = (ch0 + i) * K
                pltpu.async_copy(ei_hbm.at[:, pl.ds(off, K)], idx[a],
                                 sem_i[a])

            @pl.when((i >= 1) & (i <= ncw))
            def _():
                pltpu.make_async_copy(ei_hbm.at[:, pl.ds(0, K)], idx[b],
                                      sem_i[b]).wait()
                pltpu.async_copy(g_hbm.at[idx[b].at[0]], rows[b], sem_g[b])

            @pl.when((i >= 2) & (i <= ncw + 1))
            def _():
                pltpu.make_async_copy(g_hbm.at[idx[c].at[0]], rows[c],
                                      sem_g[c]).wait()
                pltpu.async_copy(rows[c], acc.at[idx[c].at[1]], sem_s[c],
                                 add=True)

        return 0

    lax.fori_loop(0, (ncw + 5) // 3, outer, 0)
    plsc.subcore_barrier()
    pltpu.sync_copy(acc.at[pl.ds(sid * RSTRIDE, RWIN)],
                    out_hbm.at[cid, pl.ds(sid * RSTRIDE, RWIN)])


def _dis_inv(degp):
    deg = degp[0, :, 0] + degp[1, :, 0] + 1.0
    return lax.rsqrt(deg), 1.0 / deg


def _gelu(x):
    return 0.5 * x * (1.0 + lax.erf(x * (2.0 ** -0.5)))


def _m1_body(x_ref, w_ref, h_ref):
    h_ref[...] = jnp.dot(x_ref[...], w_ref[...],
                         preferred_element_type=jnp.float32)


def _s1_body(h_ref, degp_ref, g_ref):
    dis, _ = _dis_inv(degp_ref[...])
    g_ref[...] = h_ref[...] * dis[:, None]


def _tc_mid_body(sp_ref, hp_ref, degp_ref, b_ref, w_ref, h_ref, g_ref):
    dis, inv = _dis_inv(degp_ref[...])
    s = sp_ref[0] + sp_ref[1]
    pre = s * dis[:, None] + hp_ref[...] * inv[:, None] + b_ref[...]
    a = _gelu(pre)
    h = jnp.dot(a, w_ref[...], preferred_element_type=jnp.float32)
    h_ref[...] = h
    g_ref[...] = h * dis[:, None]


def _tc_fin_body(sp_ref, hp_ref, degp_ref, b_ref, out_ref):
    dis, inv = _dis_inv(degp_ref[...])
    s = sp_ref[0] + sp_ref[1]
    out_ref[...] = s * dis[:, None] + hp_ref[...] * inv[:, None] + b_ref[...]


_ROW_SPEC = pl.BlockSpec((BLK, D), lambda i: (i, 0))
_PART_SPEC = pl.BlockSpec((NC, BLK, D), lambda i: (0, i, 0))
_DEGP_SPEC = pl.BlockSpec((NC, BLK, DEGW), lambda i: (0, i, 0))
_W_SPEC = pl.BlockSpec((D, D), lambda i: (0, 0))
_B_SPEC = pl.BlockSpec((1, D), lambda i: (0, 0))
_ND_F32 = jax.ShapeDtypeStruct((N, D), jnp.float32)


def _m1(x, w):
    return pl.pallas_call(
        _m1_body,
        grid=(NBLK,),
        in_specs=[_ROW_SPEC, _W_SPEC],
        out_specs=_ROW_SPEC,
        out_shape=_ND_F32,
    )(x, w)


def _s1(h, degp):
    return pl.pallas_call(
        _s1_body,
        grid=(NBLK,),
        in_specs=[_ROW_SPEC, _DEGP_SPEC],
        out_specs=_ROW_SPEC,
        out_shape=_ND_F32,
    )(h, degp)


def _tc_mid(sp, hp, degp, b, w):
    return pl.pallas_call(
        _tc_mid_body,
        grid=(NBLK,),
        in_specs=[_PART_SPEC, _ROW_SPEC, _DEGP_SPEC, _B_SPEC, _W_SPEC],
        out_specs=[_ROW_SPEC, _ROW_SPEC],
        out_shape=[_ND_F32, _ND_F32],
    )(sp, hp, degp, b.reshape(1, D), w)


def _tc_fin(sp, hp, degp, b):
    return pl.pallas_call(
        _tc_fin_body,
        grid=(NBLK,),
        in_specs=[_PART_SPEC, _ROW_SPEC, _DEGP_SPEC, _B_SPEC],
        out_specs=_ROW_SPEC,
        out_shape=_ND_F32,
    )(sp, hp, degp, b.reshape(1, D))


def kernel(x_piece, edge_index_piece, batch, W1, b1, W2, b2, W3, b3):
    ei = edge_index_piece.astype(jnp.int32)

    deg_k = _build_deg_kernel()
    scat_k = _build_scatter_kernel()
    degp = deg_k(ei)

    h1 = _m1(x_piece, W1)
    g1 = _s1(h1, degp)
    s1 = scat_k(g1, ei)
    h2, g2 = _tc_mid(s1, h1, degp, b1, W2)
    s2 = scat_k(g2, ei)
    h3, g3 = _tc_mid(s2, h2, degp, b2, W3)
    s3 = scat_k(g3, ei)
    return _tc_fin(s3, h3, degp, b3)

# --- scband reference (transcript-rebuilt; emitter-appended) ---
"""Pipeline reference for scband-piece-gnn-6691559047721 (READ-ONLY COPY).

The authoritative reference and input builder live on the scoring server;
editing this copy changes nothing except your own understanding.
"""

import jax, jax.numpy as jnp
import numpy as np

N_NODES = 10000
N_EDGES = 320000
D_IN = 128
D_HID = 128
D_OUT = 128


def setup_inputs(seed: int = 0) -> dict:
    key = jax.random.key(seed)
    k = jax.random.split(key, 9)
    x_piece = jax.random.normal(k[0], (N_NODES, D_IN), dtype=jnp.float32)
    edge_index_piece = jax.random.randint(k[1], (2, N_EDGES), 0, N_NODES, dtype=jnp.int64)
    batch = jnp.sort(jax.random.randint(k[2], (N_NODES,), 0, 16, dtype=jnp.int64))
    s1 = 1.0 / np.sqrt(D_IN)
    s2 = 1.0 / np.sqrt(D_HID)
    W1 = jax.random.uniform(k[3], (D_IN, D_HID), dtype=jnp.float32, minval=-s1, maxval=s1)
    b1 = jnp.zeros((D_HID,), dtype=jnp.float32)
    W2 = jax.random.uniform(k[4], (D_HID, D_HID), dtype=jnp.float32, minval=-s2, maxval=s2)
    b2 = jnp.zeros((D_HID,), dtype=jnp.float32)
    W3 = jax.random.uniform(k[5], (D_HID, D_OUT), dtype=jnp.float32, minval=-s2, maxval=s2)
    b3 = jnp.zeros((D_OUT,), dtype=jnp.float32)
    return {"x_piece": x_piece, "edge_index_piece": edge_index_piece, "batch": batch,
            "W1": W1, "b1": b1, "W2": W2, "b2": b2, "W3": W3, "b3": b3}


def _gcn_conv(x, edge_index, W, b):
    # PyG GCNConv: add self-loops, symmetric normalization D^-1/2 A D^-1/2, then linear + bias
    N = x.shape[0]
    loop = jnp.arange(N, dtype=edge_index.dtype)
    src = jnp.concatenate([edge_index[0], loop])
    dst = jnp.concatenate([edge_index[1], loop])
    ones = jnp.ones(src.shape[0], dtype=x.dtype)
    deg = jnp.zeros((N,), dtype=x.dtype).at[dst].add(ones)
    deg_inv_sqrt = jnp.where(deg > 0, deg ** -0.5, 0.0)
    norm = deg_inv_sqrt[src] * deg_inv_sqrt[dst]
    h = x @ W
    msg = jnp.take(h, src, axis=0) * norm[:, None]
    out = jax.ops.segment_sum(msg, dst, num_segments=N)
    return out + b


def reference(x_piece, edge_index_piece, batch, W1, b1, W2, b2, W3, b3):
    x = _gcn_conv(x_piece, edge_index_piece, W1, b1)
    x = jax.nn.gelu(x, approximate=False)
    x = _gcn_conv(x, edge_index_piece, W2, b2)
    x = jax.nn.gelu(x, approximate=False)
    x = _gcn_conv(x, edge_index_piece, W3, b3)
    return x

if __name__ == "__main__":
    import jax
    _d = setup_inputs()
    print(jax.jit(kernel)(*tuple(_d.values())))

</pallas_src>

<mosaic_0001>
#map = affine_map<(d0, d1) -> (0, 0)>
#map1 = affine_map<(d0, d1) -> (0, 0, 0)>
module attributes {stable_mosaic.version = 14 : i64} {
  func.func @_deg_body(%arg0: i32, %arg1: i32, %arg2: memref<2x320000xi32, #tpu.memory_space<hbm>>, %arg3: memref<2x10000x16xf32, #tpu.memory_space<hbm>>, %arg4: memref<10000x16xf32, #tpu.memory_space<vmem_shared>>, %arg5: memref<2x128xi32, #tpu.memory_space<vmem>>, %arg6: memref<2x128xi32, #tpu.memory_space<vmem>>, %arg7: memref<2x128xi32, #tpu.memory_space<vmem>>, %arg8: memref<128x16xf32, #tpu.memory_space<vmem>>, %arg9: memref<128x16xf32, #tpu.memory_space<vmem>>, %arg10: memref<!tpu.dma_semaphore, #tpu.memory_space<semaphore_mem>>, %arg11: memref<!tpu.dma_semaphore, #tpu.memory_space<semaphore_mem>>, %arg12: memref<!tpu.dma_semaphore, #tpu.memory_space<semaphore_mem>>, %arg13: memref<!tpu.dma_semaphore, #tpu.memory_space<semaphore_mem>>, %arg14: memref<!tpu.dma_semaphore, #tpu.memory_space<semaphore_mem>>, %arg15: memref<!tpu.dma_semaphore, #tpu.memory_space<semaphore_mem>>) attributes {dimension_semantics = [#tpu.dimension_semantics<core_parallel>, #tpu.dimension_semantics<subcore_parallel>], iteration_bounds = array<i64: 2, 16>, scalar_prefetch = 0 : i64, scratch_operands = 12 : i64, tpu.core_type = #tpu.core_type<sc_vector_subcore>, window_params = [{transform_indices = #map}, {transform_indices = #map1}]} {
    %mul3A = arith.constant 2 : i32
    %mul3A_0 = arith.muli %arg1, %mul3A : i32
    %add3A = arith.addi %mul3A_0, %arg0 : i32
    %min3A = arith.constant 4 : i32
    %min3A_1 = arith.minsi %add3A, %min3A : i32
    %mul3A_2 = arith.constant 78 : i32
    %mul3A_3 = arith.muli %add3A, %mul3A_2 : i32
    %add3A_4 = arith.addi %mul3A_3, %min3A_1 : i32
    %lt3A = arith.constant 4 : i32
    %lt3A_5 = arith.cmpi slt, %add3A, %lt3A : i32
    %jit3A = arith.constant 79 : i32
    %jit3A_6 = arith.constant 78 : i32
    %select_n3A = arith.select %lt3A_5, %jit3A, %jit3A_6 : i32
    %broadcast_in_dim3A = arith.constant 1.000000e+00 : f32
    %broadcast_in_dim3A_7 = vector.broadcast %broadcast_in_dim3A : f32 to vector<16xf32>
    %scan3A = arith.constant 0 : i32
    %scan3A_8 = arith.constant 0 : i32
    %scan3A_9 = arith.constant 128 : i32
    %scan3A_10 = arith.addi %scan3A_8, %scan3A_9 : i32
    %scan3A_11 = arith.constant 1 : i32
    %scan3A_12 = scf.for %scan3A_79 = %scan3A_8 to %scan3A_10 step %scan3A_11 iter_args(%scan3A_80 = %scan3A) -> (i32)  : i32 {
      %swap3A = arith.index_cast %scan3A_79 : i32 to index
      %swap3A_81 = arith.constant 0 : index
      %swap3A_82 = tpu.vector_load %arg8[%swap3A, %swap3A_81] {strides = array<i32>} : memref<128x16xf32, #tpu.memory_space<vmem>>, vector<1x16xf32>,
      %swap3A_83 = vector.shape_cast %swap3A_82 : vector<1x16xf32> to vector<16xf32>
      %swap3A_84 = vector.shape_cast %broadcast_in_dim3A_7 : vector<16xf32> to vector<1x16xf32>
      tpu.vector_store %arg8[%swap3A, %swap3A_81], %swap3A_84 {strides = array<i32>} : memref<128x16xf32, #tpu.memory_space<vmem>>, vector<1x16xf32>,
      %scan3A_85 = arith.constant 0 : i32
      scf.yield %scan3A_85 : i32
    }
    %scan3A_13 = arith.constant 128 : i32
    %broadcast_in_dim3A_14 = arith.constant 0.000000e+00 : f32
    %broadcast_in_dim3A_15 = vector.broadcast %broadcast_in_dim3A_14 : f32 to vector<16xf32>
    %scan3A_16 = arith.constant 0 : i32
    %scan3A_17 = arith.constant 0 : i32
    %scan3A_18 = arith.constant 128 : i32
    %scan3A_19 = arith.addi %scan3A_17, %scan3A_18 : i32
    %scan3A_20 = arith.constant 1 : i32
    %scan3A_21 = scf.for %scan3A_79 = %scan3A_17 to %scan3A_19 step %scan3A_20 iter_args(%scan3A_80 = %scan3A_16) -> (i32)  : i32 {
      %swap3A = arith.index_cast %scan3A_79 : i32 to index
      %swap3A_81 = arith.constant 0 : index
      %swap3A_82 = tpu.vector_load %arg9[%swap3A, %swap3A_81] {strides = array<i32>} : memref<128x16xf32, #tpu.memory_space<vmem>>, vector<1x16xf32>,
      %swap3A_83 = vector.shape_cast %swap3A_82 : vector<1x16xf32> to vector<16xf32>
      %swap3A_84 = vector.shape_cast %broadcast_in_dim3A_15 : vector<16xf32> to vector<1x16xf32>
      tpu.vector_store %arg9[%swap3A, %swap3A_81], %swap3A_84 {strides = array<i32>} : memref<128x16xf32, #tpu.memory_space<vmem>>, vector<1x16xf32>,
      %scan3A_85 = arith.constant 0 : i32
      scf.yield %scan3A_85 : i32
    }
    %scan3A_22 = arith.constant 128 : i32
    %mul3A_23 = arith.constant 624 : i32
    %mul3A_24 = arith.muli %arg1, %mul3A_23 : i32
    %add3A_25 = arith.constant 0 : i32
    %add3A_26 = arith.addi %mul3A_24, %add3A_25 : i32
    "tpu.region"() ({
      %run_scoped3A = tpu.sem_alloc : memref<!tpu.dma_semaphore, #tpu.memory_space<semaphore_mem>>
      %dma_start3A = arith.constant 0 : i32
      %dma_start3A_79 = tpu.memref_slice %arg4[%add3A_26, %dma_start3A] : memref<10000x16xf32, #tpu.memory_space<vmem_shared>> -> memref<128x16xf32, #tpu.memory_space<vmem_shared>>
      %dma_start3A_80 = arith.constant 0 : i32
      %dma_start3A_81 = tpu.memref_slice %arg4[%add3A_26, %dma_start3A_80] : memref<10000x16xf32, #tpu.memory_space<vmem_shared>> -> memref<128x16xf32, #tpu.memory_space<vmem_shared>>
      tpu.enqueue_dma source(%arg9 : memref<128x16xf32, #tpu.memory_space<vmem>>) target(%dma_start3A_81 : memref<128x16xf32, #tpu.memory_space<vmem_shared>>) target_semaphore(%run_scoped3A : memref<!tpu.dma_semaphore, #tpu.memory_space<semaphore_mem>>)
      %dma_wait3A = arith.constant 0 : i32
      %dma_wait3A_82 = tpu.memref_slice %arg4[%add3A_26, %dma_wait3A] : memref<10000x16xf32, #tpu.memory_space<vmem_shared>> -> memref<128x16xf32, #tpu.memory_space<vmem_shared>>
      %dma_wait3A_83 = arith.constant 0 : i32
      %dma_wait3A_84 = tpu.memref_slice %arg4[%add3A_26, %dma_wait3A_83] : memref<10000x16xf32, #tpu.memory_space<vmem_shared>> -> memref<128x16xf32, #tpu.memory_space<vmem_shared>>
      tpu.wait_dma2 semaphore(%run_scoped3A : memref<!tpu.dma_semaphore, #tpu.memory_space<semaphore_mem>>) src(%arg9 : memref<128x16xf32, #tpu.memory_space<vmem>>) dst(%dma_wait3A_84 : memref<128x16xf32, #tpu.memory_space<vmem_shared>>)
      tpu.yield
    }) : () -> ()
    %mul3A_27 = arith.constant 624 : i32
    %mul3A_28 = arith.muli %arg1, %mul3A_27 : i32
    %add3A_29 = arith.constant 128 : i32
    %add3A_30 = arith.addi %mul3A_28, %add3A_29 : i32
    "tpu.region"() ({
      %run_scoped3A = tpu.sem_alloc : memref<!tpu.dma_semaphore, #tpu.memory_space<semaphore_mem>>
      %dma_start3A = arith.constant 0 : i32
      %dma_start3A_79 = tpu.memref_slice %arg4[%add3A_30, %dma_start3A] : memref<10000x16xf32, #tpu.memory_space<vmem_shared>> -> memref<128x16xf32, #tpu.memory_space<vmem_shared>>
      %dma_start3A_80 = arith.constant 0 : i32
      %dma_start3A_81 = tpu.memref_slice %arg4[%add3A_30, %dma_start3A_80] : memref<10000x16xf32, #tpu.memory_space<vmem_shared>> -> memref<128x16xf32, #tpu.memory_space<vmem_shared>>
      tpu.enqueue_dma source(%arg9 : memref<128x16xf32, #tpu.memory_space<vmem>>) target(%dma_start3A_81 : memref<128x16xf32, #tpu.memory_space<vmem_shared>>) target_semaphore(%run_scoped3A : memref<!tpu.dma_semaphore, #tpu.memory_space<semaphore_mem>>)
      %dma_wait3A = arith.constant 0 : i32
      %dma_wait3A_82 = tpu.memref_slice %arg4[%add3A_30, %dma_wait3A] : memref<10000x16xf32, #tpu.memory_space<vmem_shared>> -> memref<128x16xf32, #tpu.memory_space<vmem_shared>>
      %dma_wait3A_83 = arith.constant 0 : i32
      %dma_wait3A_84 = tpu.memref_slice %arg4[%add3A_30, %dma_wait3A_83] : memref<10000x16xf32, #tpu.memory_space<vmem_shared>> -> memref<128x16xf32, #tpu.memory_space<vmem_shared>>
      tpu.wait_dma2 semaphore(%run_scoped3A : memref<!tpu.dma_semaphore, #tpu.memory_space<semaphore_mem>>) src(%arg9 : memref<128x16xf32, #tpu.memory_space<vmem>>) dst(%dma_wait3A_84 : memref<128x16xf32, #tpu.memory_space<vmem_shared>>)
      tpu.yield
    }) : () -> ()
    %mul3A_31 = arith.constant 624 : i32
    %mul3A_32 = arith.muli %arg1, %mul3A_31 : i32
    %add3A_33 = arith.constant 256 : i32
    %add3A_34 = arith.addi %mul3A_32, %add3A_33 : i32
    "tpu.region"() ({
      %run_scoped3A = tpu.sem_alloc : memref<!tpu.dma_semaphore, #tpu.memory_space<semaphore_mem>>
      %dma_start3A = arith.constant 0 : i32
      %dma_start3A_79 = tpu.memref_slice %arg4[%add3A_34, %dma_start3A] : memref<10000x16xf32, #tpu.memory_space<vmem_shared>> -> memref<128x16xf32, #tpu.memory_space<vmem_shared>>
      %dma_start3A_80 = arith.constant 0 : i32
      %dma_start3A_81 = tpu.memref_slice %arg4[%add3A_34, %dma_start3A_80] : memref<10000x16xf32, #tpu.memory_space<vmem_shared>> -> memref<128x16xf32, #tpu.memory_space<vmem_shared>>
      tpu.enqueue_dma source(%arg9 : memref<128x16xf32, #tpu.memory_space<vmem>>) target(%dma_start3A_81 : memref<128x16xf32, #tpu.memory_space<vmem_shared>>) target_semaphore(%run_scoped3A : memref<!tpu.dma_semaphore, #tpu.memory_space<semaphore_mem>>)
      %dma_wait3A = arith.constant 0 : i32
      %dma_wait3A_82 = tpu.memref_slice %arg4[%add3A_34, %dma_wait3A] : memref<10000x16xf32, #tpu.memory_space<vmem_shared>> -> memref<128x16xf32, #tpu.memory_space<vmem_shared>>
      %dma_wait3A_83 = arith.constant 0 : i32
      %dma_wait3A_84 = tpu.memref_slice %arg4[%add3A_34, %dma_wait3A_83] : memref<10000x16xf32, #tpu.memory_space<vmem_shared>> -> memref<128x16xf32, #tpu.memory_space<vmem_shared>>
      tpu.wait_dma2 semaphore(%run_scoped3A : memref<!tpu.dma_semaphore, #tpu.memory_space<semaphore_mem>>) src(%arg9 : memref<128x16xf32, #tpu.memory_space<vmem>>) dst(%dma_wait3A_84 : memref<128x16xf32, #tpu.memory_space<vmem_shared>>)
      tpu.yield
    }) : () -> ()
    %mul3A_35 = arith.constant 624 : i32
    %mul3A_36 = arith.muli %arg1, %mul3A_35 : i32
    %add3A_37 = arith.constant 384 : i32
    %add3A_38 = arith.addi %mul3A_36, %add3A_37 : i32
    "tpu.region"() ({
      %run_scoped3A = tpu.sem_alloc : memref<!tpu.dma_semaphore, #tpu.memory_space<semaphore_mem>>
      %dma_start3A = arith.constant 0 : i32
      %dma_start3A_79 = tpu.memref_slice %arg4[%add3A_38, %dma_start3A] : memref<10000x16xf32, #tpu.memory_space<vmem_shared>> -> memref<128x16xf32, #tpu.memory_space<vmem_shared>>
      %dma_start3A_80 = arith.constant 0 : i32
      %dma_start3A_81 = tpu.memref_slice %arg4[%add3A_38, %dma_start3A_80] : memref<10000x16xf32, #tpu.memory_space<vmem_shared>> -> memref<128x16xf32, #tpu.memory_space<vmem_shared>>
      tpu.enqueue_dma source(%arg9 : memref<128x16xf32, #tpu.memory_space<vmem>>) target(%dma_start3A_81 : memref<128x16xf32, #tpu.memory_space<vmem_shared>>) target_semaphore(%run_scoped3A : memref<!tpu.dma_semaphore, #tpu.memory_space<semaphore_mem>>)
      %dma_wait3A = arith.constant 0 : i32
      %dma_wait3A_82 = tpu.memref_slice %arg4[%add3A_38, %dma_wait3A] : memref<10000x16xf32, #tpu.memory_space<vmem_shared>> -> memref<128x16xf32, #tpu.memory_space<vmem_shared>>
      %dma_wait3A_83 = arith.constant 0 : i32
      %dma_wait3A_84 = tpu.memref_slice %arg4[%add3A_38, %dma_wait3A_83] : memref<10000x16xf32, #tpu.memory_space<vmem_shared>> -> memref<128x16xf32, #tpu.memory_space<vmem_shared>>
      tpu.wait_dma2 semaphore(%run_scoped3A : memref<!tpu.dma_semaphore, #tpu.memory_space<semaphore_mem>>) src(%arg9 : memref<128x16xf32, #tpu.memory_space<vmem>>) dst(%dma_wait3A_84 : memref<128x16xf32, #tpu.memory_space<vmem_shared>>)
      tpu.yield
    }) : () -> ()
    %mul3A_39 = arith.constant 624 : i32
    %mul3A_40 = arith.muli %arg1, %mul3A_39 : i32
    %add3A_41 = arith.constant 512 : i32
    %add3A_42 = arith.addi %mul3A_40, %add3A_41 : i32
    "tpu.region"() ({
      %run_scoped3A = tpu.sem_alloc : memref<!tpu.dma_semaphore, #tpu.memory_space<semaphore_mem>>
      %dma_start3A = arith.constant 0 : i32
      %dma_start3A_79 = tpu.memref_slice %arg4[%add3A_42, %dma_start3A] : memref<10000x16xf32, #tpu.memory_space<vmem_shared>> -> memref<128x16xf32, #tpu.memory_space<vmem_shared>>
      %dma_start3A_80 = arith.constant 0 : i32
      %dma_start3A_81 = tpu.memref_slice %arg4[%add3A_42, %dma_start3A_80] : memref<10000x16xf32, #tpu.memory_space<vmem_shared>> -> memref<128x16xf32, #tpu.memory_space<vmem_shared>>
      tpu.enqueue_dma source(%arg9 : memref<128x16xf32, #tpu.memory_space<vmem>>) target(%dma_start3A_81 : memref<128x16xf32, #tpu.memory_space<vmem_shared>>) target_semaphore(%run_scoped3A : memref<!tpu.dma_semaphore, #tpu.memory_space<semaphore_mem>>)
      %dma_wait3A = arith.constant 0 : i32
      %dma_wait3A_82 = tpu.memref_slice %arg4[%add3A_42, %dma_wait3A] : memref<10000x16xf32, #tpu.memory_space<vmem_shared>> -> memref<128x16xf32, #tpu.memory_space<vmem_shared>>
      %dma_wait3A_83 = arith.constant 0 : i32
      %dma_wait3A_84 = tpu.memref_slice %arg4[%add3A_42, %dma_wait3A_83] : memref<10000x16xf32, #tpu.memory_space<vmem_shared>> -> memref<128x16xf32, #tpu.memory_space<vmem_shared>>
      tpu.wait_dma2 semaphore(%run_scoped3A : memref<!tpu.dma_semaphore, #tpu.memory_space<semaphore_mem>>) src(%arg9 : memref<128x16xf32, #tpu.memory_space<vmem>>) dst(%dma_wait3A_84 : memref<128x16xf32, #tpu.memory_space<vmem_shared>>)
      tpu.yield
    }) : () -> ()
    %barrier3A = arith.constant 0 : index
    tpu.barrier barrier_id(%barrier3A)
    %add3A_43 = arith.constant 5 : i32
    %add3A_44 = arith.addi %select_n3A, %add3A_43 : i32
    %jit3A_45 = arith.constant 3 : i32
    %div3A = arith.divsi %add3A_44, %jit3A_45 : i32
    %sign3A = arith.constant 0 : i32
    %sign3A_46 = arith.cmpi sgt, %add3A_44, %sign3A : i32
    %sign3A_47 = arith.extui %sign3A_46 : i1 to i32
    %sign3A_48 = arith.constant 0 : i32
    %sign3A_49 = arith.cmpi slt, %add3A_44, %sign3A_48 : i32
    %sign3A_50 = arith.extui %sign3A_49 : i1 to i32
    %sign3A_51 = arith.subi %sign3A_47, %sign3A_50 : i32
    %sign3A_52 = arith.constant 0 : i32
    %sign3A_53 = arith.cmpi sgt, %jit3A_45, %sign3A_52 : i32
    %sign3A_54 = arith.extui %sign3A_53 : i1 to i32
    %sign3A_55 = arith.constant 0 : i32
    %sign3A_56 = arith.cmpi slt, %jit3A_45, %sign3A_55 : i32
    %sign3A_57 = arith.extui %sign3A_56 : i1 to i32
    %sign3A_58 = arith.subi %sign3A_54, %sign3A_57 : i32
    %ne3A = arith.cmpi ne, %sign3A_51, %sign3A_58 : i32
    %rem3A = arith.remsi %add3A_44, %jit3A_45 : i32
    %ne3A_59 = arith.constant 0 : i32
    %ne3A_60 = arith.cmpi ne, %rem3A, %ne3A_59 : i32
    %and3A = arith.andi %ne3A, %ne3A_60 : i1
    %sub3A = arith.constant 1 : i32
    %sub3A_61 = arith.subi %div3A, %sub3A : i32
    %select_n3A_62 = arith.select %and3A, %sub3A_61, %div3A : i32
    %while3A = arith.constant 0 : i32
    %while3A_63 = arith.constant 0 : i32
    %while3A_64 = arith.subi %select_n3A_62, %while3A : i32
    %while3A_65 = arith.addi %while3A, %while3A_64 : i32
    %while3A_66 = arith.constant 1 : i32
    %while3A_67 = arith.divsi %while3A_64, %while3A_66 : i32
    %while3A_68 = arith.muli %while3A_67, %while3A_66 : i32
    %while3A_69 = arith.addi %while3A, %while3A_68 : i32
    %while3A_70 = arith.constant 1 : i32
    %while3A_71 = scf.for %while3A_79 = %while3A to %while3A_69 step %while3A_70 iter_args(%while3A_80 = %while3A_63) -> (i32)  : i32 {
      %mul3A_81 = arith.constant 3 : i32
      %mul3A_82 = arith.muli %while3A_79, %mul3A_81 : i32
      %add3A_83 = arith.constant 0 : i32
      %add3A_84 = arith.addi %mul3A_82, %add3A_83 : i32
      %ge3A = arith.constant 3 : i32
      %ge3A_85 = arith.cmpi sge, %add3A_84, %ge3A : i32
      %add3A_86 = arith.constant 3 : i32
      %add3A_87 = arith.addi %select_n3A, %add3A_86 : i32
      %lt3A_88 = arith.cmpi slt, %add3A_84, %add3A_87 : i32
      %and3A_89 = arith.andi %ge3A_85, %lt3A_88 : i1
      %convert_element_type3A = arith.extui %and3A_89 : i1 to i32
      %cond3A = arith.constant 0 : i32
      %cond3A_90 = arith.cmpi ne, %convert_element_type3A, %cond3A : i32
      scf.if %cond3A_90 {
        %dma_wait3A = arith.constant 1 : i32
        %dma_wait3A_150 = arith.constant 0 : i32
        %dma_wait3A_151 = tpu.memref_slice %arg5[%dma_wait3A, %dma_wait3A_150] : memref<2x128xi32, #tpu.memory_space<vmem>> -> memref<1x128xi32, #tpu.memory_space<vmem>>
        %dma_wait3A_152 = tpu.memref_squeeze %dma_wait3A_151 : memref<1x128xi32, #tpu.memory_space<vmem>> -> memref<128xi32, #tpu.memory_space<vmem>>
        %dma_wait3A_153 = arith.constant 0 : i32
        %dma_wait3A_154 = arith.constant 0 : i32
        %dma_wait3A_155 = tpu.memref_slice %arg4[%dma_wait3A_153, %dma_wait3A_154] : memref<10000x16xf32, #tpu.memory_space<vmem_shared>> -> memref<10000x16xf32, #tpu.memory_space<vmem_shared>>
        tpu.wait_indirect_dma semaphore(%arg13 : memref<!tpu.dma_semaphore, #tpu.memory_space<semaphore_mem>>) src(%arg8 : memref<128x16xf32, #tpu.memory_space<vmem>>) dst(%dma_wait3A_155 : memref<10000x16xf32, #tpu.memory_space<vmem_shared>>)
      } else {
      }
      %lt3A_91 = arith.cmpi slt, %add3A_84, %select_n3A : i32
      %convert_element_type3A_92 = arith.extui %lt3A_91 : i1 to i32
      %cond3A_93 = arith.constant 0 : i32
      %cond3A_94 = arith.cmpi ne, %convert_element_type3A_92, %cond3A_93 : i32
      scf.if %cond3A_94 {
        %add3A_150 = arith.addi %add3A_4, %add3A_84 : i32
        %mul3A_151 = arith.constant 128 : i32
        %mul3A_152 = arith.muli %add3A_150, %mul3A_151 : i32
        %dma_start3A = arith.constant 0 : i32
        %dma_start3A_153 = tpu.memref_slice %arg2[%dma_start3A, %mul3A_152] : memref<2x320000xi32, #tpu.memory_space<hbm>> -> memref<2x128xi32, #tpu.memory_space<hbm>>
        %dma_start3A_154 = arith.constant 0 : i32
        %dma_start3A_155 = tpu.memref_slice %arg2[%dma_start3A_154, %mul3A_152] : memref<2x320000xi32, #tpu.memory_space<hbm>> -> memref<2x128xi32, #tpu.memory_space<hbm>>
        tpu.enqueue_dma source(%dma_start3A_155 : memref<2x128xi32, #tpu.memory_space<hbm>>) target(%arg5 : memref<2x128xi32, #tpu.memory_space<vmem>>) target_semaphore(%arg10 : memref<!tpu.dma_semaphore, #tpu.memory_space<semaphore_mem>>)
      } else {
      }
      %ge3A_95 = arith.constant 1 : i32
      %ge3A_96 = arith.cmpi sge, %add3A_84, %ge3A_95 : i32
      %le3A = arith.cmpi sle, %add3A_84, %select_n3A : i32
      %and3A_97 = arith.andi %ge3A_96, %le3A : i1
      %convert_element_type3A_98 = arith.extui %and3A_97 : i1 to i32
      %cond3A_99 = arith.constant 0 : i32
      %cond3A_100 = arith.cmpi ne, %convert_element_type3A_98, %cond3A_99 : i32
      scf.if %cond3A_100 {
        %dma_wait3A = arith.constant 0 : i32
        %dma_wait3A_150 = arith.constant 0 : i32
        %dma_wait3A_151 = tpu.memref_slice %arg2[%dma_wait3A, %dma_wait3A_150] : memref<2x320000xi32, #tpu.memory_space<hbm>> -> memref<2x128xi32, #tpu.memory_space<hbm>>
        %dma_wait3A_152 = arith.constant 0 : i32
        %dma_wait3A_153 = arith.constant 0 : i32
        %dma_wait3A_154 = tpu.memref_slice %arg2[%dma_wait3A_152, %dma_wait3A_153] : memref<2x320000xi32, #tpu.memory_space<hbm>> -> memref<2x128xi32, #tpu.memory_space<hbm>>
        tpu.wait_dma2 semaphore(%arg12 : memref<!tpu.dma_semaphore, #tpu.memory_space<semaphore_mem>>) src(%dma_wait3A_154 : memref<2x128xi32, #tpu.memory_space<hbm>>) dst(%arg7 : memref<2x128xi32, #tpu.memory_space<vmem>>)
        %dma_start3A = arith.constant 1 : i32
        %dma_start3A_155 = arith.constant 0 : i32
        %dma_start3A_156 = tpu.memref_slice %arg7[%dma_start3A, %dma_start3A_155] : memref<2x128xi32, #tpu.memory_space<vmem>> -> memref<1x128xi32, #tpu.memory_space<vmem>>
        %dma_start3A_157 = tpu.memref_squeeze %dma_start3A_156 : memref<1x128xi32, #tpu.memory_space<vmem>> -> memref<128xi32, #tpu.memory_space<vmem>>
        %dma_start3A_158 = arith.constant 0 : i32
        %dma_start3A_159 = arith.constant 0 : i32
        %dma_start3A_160 = tpu.memref_slice %arg4[%dma_start3A_158, %dma_start3A_159] : memref<10000x16xf32, #tpu.memory_space<vmem_shared>> -> memref<10000x16xf32, #tpu.memory_space<vmem_shared>>
        tpu.enqueue_indirect_dma source(%arg8 : memref<128x16xf32, #tpu.memory_space<vmem>>) target(%dma_start3A_160 : memref<10000x16xf32, #tpu.memory_space<vmem_shared>>) offsets(%dma_start3A_157 : memref<128xi32, #tpu.memory_space<vmem>>) semaphore(%arg15 : memref<!tpu.dma_semaphore, #tpu.memory_space<semaphore_mem>>) {add = true}
      } else {
      }
      %mul3A_101 = arith.constant 3 : i32
      %mul3A_102 = arith.muli %while3A_79, %mul3A_101 : i32
      %add3A_103 = arith.constant 1 : i32
      %add3A_104 = arith.addi %mul3A_102, %add3A_103 : i32
      %ge3A_105 = arith.constant 3 : i32
      %ge3A_106 = arith.cmpi sge, %add3A_104, %ge3A_105 : i32
      %add3A_107 = arith.constant 3 : i32
      %add3A_108 = arith.addi %select_n3A, %add3A_107 : i32
      %lt3A_109 = arith.cmpi slt, %add3A_104, %add3A_108 : i32
      %and3A_110 = arith.andi %ge3A_106, %lt3A_109 : i1
      %convert_element_type3A_111 = arith.extui %and3A_110 : i1 to i32
      %cond3A_112 = arith.constant 0 : i32
      %cond3A_113 = arith.cmpi ne, %convert_element_type3A_111, %cond3A_112 : i32
      scf.if %cond3A_113 {
        %dma_wait3A = arith.constant 1 : i32
        %dma_wait3A_150 = arith.constant 0 : i32
        %dma_wait3A_151 = tpu.memref_slice %arg6[%dma_wait3A, %dma_wait3A_150] : memref<2x128xi32, #tpu.memory_space<vmem>> -> memref<1x128xi32, #tpu.memory_space<vmem>>
        %dma_wait3A_152 = tpu.memref_squeeze %dma_wait3A_151 : memref<1x128xi32, #tpu.memory_space<vmem>> -> memref<128xi32, #tpu.memory_space<vmem>>
        %dma_wait3A_153 = arith.constant 0 : i32
        %dma_wait3A_154 = arith.constant 0 : i32
        %dma_wait3A_155 = tpu.memref_slice %arg4[%dma_wait3A_153, %dma_wait3A_154] : memref<10000x16xf32, #tpu.memory_space<vmem_shared>> -> memref<10000x16xf32, #tpu.memory_space<vmem_shared>>
        tpu.wait_indirect_dma semaphore(%arg14 : memref<!tpu.dma_semaphore, #tpu.memory_space<semaphore_mem>>) src(%arg8 : memref<128x16xf32, #tpu.memory_space<vmem>>) dst(%dma_wait3A_155 : memref<10000x16xf32, #tpu.memory_space<vmem_shared>>)
      } else {
      }
      %lt3A_114 = arith.cmpi slt, %add3A_104, %select_n3A : i32
      %convert_element_type3A_115 = arith.extui %lt3A_114 : i1 to i32
      %cond3A_116 = arith.constant 0 : i32
      %cond3A_117 = arith.cmpi ne, %convert_element_type3A_115, %cond3A_116 : i32
      scf.if %cond3A_117 {
        %add3A_150 = arith.addi %add3A_4, %add3A_104 : i32
        %mul3A_151 = arith.constant 128 : i32
        %mul3A_152 = arith.muli %add3A_150, %mul3A_151 : i32
        %dma_start3A = arith.constant 0 : i32
        %dma_start3A_153 = tpu.memref_slice %arg2[%dma_start3A, %mul3A_152] : memref<2x320000xi32, #tpu.memory_space<hbm>> -> memref<2x128xi32, #tpu.memory_space<hbm>>
        %dma_start3A_154 = arith.constant 0 : i32
        %dma_start3A_155 = tpu.memref_slice %arg2[%dma_start3A_154, %mul3A_152] : memref<2x320000xi32, #tpu.memory_space<hbm>> -> memref<2x128xi32, #tpu.memory_space<hbm>>
        tpu.enqueue_dma source(%dma_start3A_155 : memref<2x128xi32, #tpu.memory_space<hbm>>) target(%arg6 : memref<2x128xi32, #tpu.memory_space<vmem>>) target_semaphore(%arg11 : memref<!tpu.dma_semaphore, #tpu.memory_space<semaphore_mem>>)
      } else {
      }
      %ge3A_118 = arith.constant 1 : i32
      %ge3A_119 = arith.cmpi sge, %add3A_104, %ge3A_118 : i32
      %le3A_120 = arith.cmpi sle, %add3A_104, %select_n3A : i32
      %and3A_121 = arith.andi %ge3A_119, %le3A_120 : i1
      %convert_element_type3A_122 = arith.extui %and3A_121 : i1 to i32
      %cond3A_123 = arith.constant 0 : i32
      %cond3A_124 = arith.cmpi ne, %convert_element_type3A_122, %cond3A_123 : i32
      scf.if %cond3A_124 {
        %dma_wait3A = arith.constant 0 : i32
        %dma_wait3A_150 = arith.constant 0 : i32
        %dma_wait3A_151 = tpu.memref_slice %arg2[%dma_wait3A, %dma_wait3A_150] : memref<2x320000xi32, #tpu.memory_space<hbm>> -> memref<2x128xi32, #tpu.memory_space<hbm>>
        %dma_wait3A_152 = arith.constant 0 : i32
        %dma_wait3A_153 = arith.constant 0 : i32
        %dma_wait3A_154 = tpu.memref_slice %arg2[%dma_wait3A_152, %dma_wait3A_153] : memref<2x320000xi32, #tpu.memory_space<hbm>> -> memref<2x128xi32, #tpu.memory_space<hbm>>
        tpu.wait_dma2 semaphore(%arg10 : memref<!tpu.dma_semaphore, #tpu.memory_space<semaphore_mem>>) src(%dma_wait3A_154 : memref<2x128xi32, #tpu.memory_space<hbm>>) dst(%arg5 : memref<2x128xi32, #tpu.memory_space<vmem>>)
        %dma_start3A = arith.constant 1 : i32
        %dma_start3A_155 = arith.constant 0 : i32
        %dma_start3A_156 = tpu.memref_slice %arg5[%dma_start3A, %dma_start3A_155] : memref<2x128xi32, #tpu.memory_space<vmem>> -> memref<1x128xi32, #tpu.memory_space<vmem>>
        %dma_start3A_157 = tpu.memref_squeeze %dma_start3A_156 : memref<1x128xi32, #tpu.memory_space<vmem>> -> memref<128xi32, #tpu.memory_space<vmem>>
        %dma_start3A_158 = arith.constant 0 : i32
        %dma_start3A_159 = arith.constant 0 : i32
        %dma_start3A_160 = tpu.memref_slice %arg4[%dma_start3A_158, %dma_start3A_159] : memref<10000x16xf32, #tpu.memory_space<vmem_shared>> -> memref<10000x16xf32, #tpu.memory_space<vmem_shared>>
        tpu.enqueue_indirect_dma source(%arg8 : memref<128x16xf32, #tpu.memory_space<vmem>>) target(%dma_start3A_160 : memref<10000x16xf32, #tpu.memory_space<vmem_shared>>) offsets(%dma_start3A_157 : memref<128xi32, #tpu.memory_space<vmem>>) semaphore(%arg13 : memref<!tpu.dma_semaphore, #tpu.memory_space<semaphore_mem>>) {add = true}
      } else {
      }
      %mul3A_125 = arith.constant 3 : i32
      %mul3A_126 = arith.muli %while3A_79, %mul3A_125 : i32
      %add3A_127 = arith.constant 2 : i32
      %add3A_128 = arith.addi %mul3A_126, %add3A_127 : i32
      %ge3A_129 = arith.constant 3 : i32
      %ge3A_130 = arith.cmpi sge, %add3A_128, %ge3A_129 : i32
      %add3A_131 = arith.constant 3 : i32
      %add3A_132 = arith.addi %select_n3A, %add3A_131 : i32
      %lt3A_133 = arith.cmpi slt, %add3A_128, %add3A_132 : i32
      %and3A_134 = arith.andi %ge3A_130, %lt3A_133 : i1
      %convert_element_type3A_135 = arith.extui %and3A_134 : i1 to i32
      %cond3A_136 = arith.constant 0 : i32
      %cond3A_137 = arith.cmpi ne, %convert_element_type3A_135, %cond3A_136 : i32
      scf.if %cond3A_137 {
        %dma_wait3A = arith.constant 1 : i32
        %dma_wait3A_150 = arith.constant 0 : i32
        %dma_wait3A_151 = tpu.memref_slice %arg7[%dma_wait3A, %dma_wait3A_150] : memref<2x128xi32, #tpu.memory_space<vmem>> -> memref<1x128xi32, #tpu.memory_space<vmem>>
        %dma_wait3A_152 = tpu.memref_squeeze %dma_wait3A_151 : memref<1x128xi32, #tpu.memory_space<vmem>> -> memref<128xi32, #tpu.memory_space<vmem>>
        %dma_wait3A_153 = arith.constant 0 : i32
        %dma_wait3A_154 = arith.constant 0 : i32
        %dma_wait3A_155 = tpu.memref_slice %arg4[%dma_wait3A_153, %dma_wait3A_154] : memref<10000x16xf32, #tpu.memory_space<vmem_shared>> -> memref<10000x16xf32, #tpu.memory_space<vmem_shared>>
        tpu.wait_indirect_dma semaphore(%arg15 : memref<!tpu.dma_semaphore, #tpu.memory_space<semaphore_mem>>) src(%arg8 : memref<128x16xf32, #tpu.memory_space<vmem>>) dst(%dma_wait3A_155 : memref<10000x16xf32, #tpu.memory_space<vmem_shared>>)
      } else {
      }
      %lt3A_138 = arith.cmpi slt, %add3A_128, %select_n3A : i32
      %convert_element_type3A_139 = arith.extui %lt3A_138 : i1 to i32
      %cond3A_140 = arith.constant 0 : i32
      %cond3A_141 = arith.cmpi ne, %convert_element_type3A_139, %cond3A_140 : i32
      scf.if %cond3A_141 {
        %add3A_150 = arith.addi %add3A_4, %add3A_128 : i32
        %mul3A_151 = arith.constant 128 : i32
        %mul3A_152 = arith.muli %add3A_150, %mul3A_151 : i32
        %dma_start3A = arith.constant 0 : i32
        %dma_start3A_153 = tpu.memref_slice %arg2[%dma_start3A, %mul3A_152] : memref<2x320000xi32, #tpu.memory_space<hbm>> -> memref<2x128xi32, #tpu.memory_space<hbm>>
        %dma_start3A_154 = arith.constant 0 : i32
        %dma_start3A_155 = tpu.memref_slice %arg2[%dma_start3A_154, %mul3A_152] : memref<2x320000xi32, #tpu.memory_space<hbm>> -> memref<2x128xi32, #tpu.memory_space<hbm>>
        tpu.enqueue_dma source(%dma_start3A_155 : memref<2x128xi32, #tpu.memory_space<hbm>>) target(%arg7 : memref<2x128xi32, #tpu.memory_space<vmem>>) target_semaphore(%arg12 : memref<!tpu.dma_semaphore, #tpu.memory_space<semaphore_mem>>)
      } else {
      }
      %ge3A_142 = arith.constant 1 : i32
      %ge3A_143 = arith.cmpi sge, %add3A_128, %ge3A_142 : i32
      %le3A_144 = arith.cmpi sle, %add3A_128, %select_n3A : i32
      %and3A_145 = arith.andi %ge3A_143, %le3A_144 : i1
      %convert_element_type3A_146 = arith.extui %and3A_145 : i1 to i32
      %cond3A_147 = arith.constant 0 : i32
      %cond3A_148 = arith.cmpi ne, %convert_element_type3A_146, %cond3A_147 : i32
      scf.if %cond3A_148 {
        %dma_wait3A = arith.constant 0 : i32
        %dma_wait3A_150 = arith.constant 0 : i32
        %dma_wait3A_151 = tpu.memref_slice %arg2[%dma_wait3A, %dma_wait3A_150] : memref<2x320000xi32, #tpu.memory_space<hbm>> -> memref<2x128xi32, #tpu.memory_space<hbm>>
        %dma_wait3A_152 = arith.constant 0 : i32
        %dma_wait3A_153 = arith.constant 0 : i32
        %dma_wait3A_154 = tpu.memref_slice %arg2[%dma_wait3A_152, %dma_wait3A_153] : memref<2x320000xi32, #tpu.memory_space<hbm>> -> memref<2x128xi32, #tpu.memory_space<hbm>>
        tpu.wait_dma2 semaphore(%arg11 : memref<!tpu.dma_semaphore, #tpu.memory_space<semaphore_mem>>) src(%dma_wait3A_154 : memref<2x128xi32, #tpu.memory_space<hbm>>) dst(%arg6 : memref<2x128xi32, #tpu.memory_space<vmem>>)
        %dma_start3A = arith.constant 1 : i32
        %dma_start3A_155 = arith.constant 0 : i32
        %dma_start3A_156 = tpu.memref_slice %arg6[%dma_start3A, %dma_start3A_155] : memref<2x128xi32, #tpu.memory_space<vmem>> -> memref<1x128xi32, #tpu.memory_space<vmem>>
        %dma_start3A_157 = tpu.memref_squeeze %dma_start3A_156 : memref<1x128xi32, #tpu.memory_space<vmem>> -> memref<128xi32, #tpu.memory_space<vmem>>
        %dma_start3A_158 = arith.constant 0 : i32
        %dma_start3A_159 = arith.constant 0 : i32
        %dma_start3A_160 = tpu.memref_slice %arg4[%dma_start3A_158, %dma_start3A_159] : memref<10000x16xf32, #tpu.memory_space<vmem_shared>> -> memref<10000x16xf32, #tpu.memory_space<vmem_shared>>
        tpu.enqueue_indirect_dma source(%arg8 : memref<128x16xf32, #tpu.memory_space<vmem>>) target(%dma_start3A_160 : memref<10000x16xf32, #tpu.memory_space<vmem_shared>>) offsets(%dma_start3A_157 : memref<128xi32, #tpu.memory_space<vmem>>) semaphore(%arg14 : memref<!tpu.dma_semaphore, #tpu.memory_space<semaphore_mem>>) {add = true}
      } else {
      }
      %while3A_149 = arith.constant 0 : i32
      scf.yield %while3A_149 : i32
    }
    %while3A_72 = arith.constant 1 : i32
    %while3A_73 = scf.for %while3A_79 = %while3A_69 to %while3A_65 step %while3A_72 iter_args(%while3A_80 = %while3A_71) -> (i32)  : i32 {
      %mul3A_81 = arith.constant 3 : i32
      %mul3A_82 = arith.muli %while3A_79, %mul3A_81 : i32
      %add3A_83 = arith.constant 0 : i32
      %add3A_84 = arith.addi %mul3A_82, %add3A_83 : i32
      %ge3A = arith.constant 3 : i32
      %ge3A_85 = arith.cmpi sge, %add3A_84, %ge3A : i32
      %add3A_86 = arith.constant 3 : i32
      %add3A_87 = arith.addi %select_n3A, %add3A_86 : i32
      %lt3A_88 = arith.cmpi slt, %add3A_84, %add3A_87 : i32
      %and3A_89 = arith.andi %ge3A_85, %lt3A_88 : i1
      %convert_element_type3A = arith.extui %and3A_89 : i1 to i32
      %cond3A = arith.constant 0 : i32
      %cond3A_90 = arith.cmpi ne, %convert_element_type3A, %cond3A : i32
      scf.if %cond3A_90 {
        %dma_wait3A = arith.constant 1 : i32
        %dma_wait3A_150 = arith.constant 0 : i32
        %dma_wait3A_151 = tpu.memref_slice %arg5[%dma_wait3A, %dma_wait3A_150] : memref<2x128xi32, #tpu.memory_space<vmem>> -> memref<1x128xi32, #tpu.memory_space<vmem>>
        %dma_wait3A_152 = tpu.memref_squeeze %dma_wait3A_151 : memref<1x128xi32, #tpu.memory_space<vmem>> -> memref<128xi32, #tpu.memory_space<vmem>>
        %dma_wait3A_153 = arith.constant 0 : i32
        %dma_wait3A_154 = arith.constant 0 : i32
        %dma_wait3A_155 = tpu.memref_slice %arg4[%dma_wait3A_153, %dma_wait3A_154] : memref<10000x16xf32, #tpu.memory_space<vmem_shared>> -> memref<10000x16xf32, #tpu.memory_space<vmem_shared>>
        tpu.wait_indirect_dma semaphore(%arg13 : memref<!tpu.dma_semaphore, #tpu.memory_space<semaphore_mem>>) src(%arg8 : memref<128x16xf32, #tpu.memory_space<vmem>>) dst(%dma_wait3A_155 : memref<10000x16xf32, #tpu.memory_space<vmem_shared>>)
      } else {
      }
      %lt3A_91 = arith.cmpi slt, %add3A_84, %select_n3A : i32
      %convert_element_type3A_92 = arith.extui %lt3A_91 : i1 to i32
      %cond3A_93 = arith.constant 0 : i32
      %cond3A_94 = arith.cmpi ne, %convert_element_type3A_92, %cond3A_93 : i32
      scf.if %cond3A_94 {
        %add3A_150 = arith.addi %add3A_4, %add3A_84 : i32
        %mul3A_151 = arith.constant 128 : i32
        %mul3A_152 = arith.muli %add3A_150, %mul3A_151 : i32
        %dma_start3A = arith.constant 0 : i32
        %dma_start3A_153 = tpu.memref_slice %arg2[%dma_start3A, %mul3A_152] : memref<2x320000xi32, #tpu.memory_space<hbm>> -> memref<2x128xi32, #tpu.memory_space<hbm>>
        %dma_start3A_154 = arith.constant 0 : i32
        %dma_start3A_155 = tpu.memref_slice %arg2[%dma_start3A_154, %mul3A_152] : memref<2x320000xi32, #tpu.memory_space<hbm>> -> memref<2x128xi32, #tpu.memory_space<hbm>>
        tpu.enqueue_dma source(%dma_start3A_155 : memref<2x128xi32, #tpu.memory_space<hbm>>) target(%arg5 : memref<2x128xi32, #tpu.memory_space<vmem>>) target_semaphore(%arg10 : memref<!tpu.dma_semaphore, #tpu.memory_space<semaphore_mem>>)
      } else {
      }
      %ge3A_95 = arith.constant 1 : i32
      %ge3A_96 = arith.cmpi sge, %add3A_84, %ge3A_95 : i32
      %le3A = arith.cmpi sle, %add3A_84, %select_n3A : i32
      %and3A_97 = arith.andi %ge3A_96, %le3A : i1
      %convert_element_type3A_98 = arith.extui %and3A_97 : i1 to i32
      %cond3A_99 = arith.constant 0 : i32
      %cond3A_100 = arith.cmpi ne, %convert_element_type3A_98, %cond3A_99 : i32
      scf.if %cond3A_100 {
        %dma_wait3A = arith.constant 0 : i32
        %dma_wait3A_150 = arith.constant 0 : i32
        %dma_wait3A_151 = tpu.memref_slice %arg2[%dma_wait3A, %dma_wait3A_150] : memref<2x320000xi32, #tpu.memory_space<hbm>> -> memref<2x128xi32, #tpu.memory_space<hbm>>
        %dma_wait3A_152 = arith.constant 0 : i32
        %dma_wait3A_153 = arith.constant 0 : i32
        %dma_wait3A_154 = tpu.memref_slice %arg2[%dma_wait3A_152, %dma_wait3A_153] : memref<2x320000xi32, #tpu.memory_space<hbm>> -> memref<2x128xi32, #tpu.memory_space<hbm>>
        tpu.wait_dma2 semaphore(%arg12 : memref<!tpu.dma_semaphore, #tpu.memory_space<semaphore_mem>>) src(%dma_wait3A_154 : memref<2x128xi32, #tpu.memory_space<hbm>>) dst(%arg7 : memref<2x128xi32, #tpu.memory_space<vmem>>)
        %dma_start3A = arith.constant 1 : i32
        %dma_start3A_155 = arith.constant 0 : i32
        %dma_start3A_156 = tpu.memref_slice %arg7[%dma_start3A, %dma_start3A_155] : memref<2x128xi32, #tpu.memory_space<vmem>> -> memref<1x128xi32, #tpu.memory_space<vmem>>
        %dma_start3A_157 = tpu.memref_squeeze %dma_start3A_156 : memref<1x128xi32, #tpu.memory_space<vmem>> -> memref<128xi32, #tpu.memory_space<vmem>>
        %dma_start3A_158 = arith.constant 0 : i32
        %dma_start3A_159 = arith.constant 0 : i32
        %dma_start3A_160 = tpu.memref_slice %arg4[%dma_start3A_158, %dma_start3A_159] : memref<10000x16xf32, #tpu.memory_space<vmem_shared>> -> memref<10000x16xf32, #tpu.memory_space<vmem_shared>>
        tpu.enqueue_indirect_dma source(%arg8 : memref<128x16xf32, #tpu.memory_space<vmem>>) target(%dma_start3A_160 : memref<10000x16xf32, #tpu.memory_space<vmem_shared>>) offsets(%dma_start3A_157 : memref<128xi32, #tpu.memory_space<vmem>>) semaphore(%arg15 : memref<!tpu.dma_semaphore, #tpu.memory_space<semaphore_mem>>) {add = true}
      } else {
      }
      %mul3A_101 = arith.constant 3 : i32
      %mul3A_102 = arith.muli %while3A_79, %mul3A_101 : i32
      %add3A_103 = arith.constant 1 : i32
      %add3A_104 = arith.addi %mul3A_102, %add3A_103 : i32
      %ge3A_105 = arith.constant 3 : i32
      %ge3A_106 = arith.cmpi sge, %add3A_104, %ge3A_105 : i32
      %add3A_107 = arith.constant 3 : i32
      %add3A_108 = arith.addi %select_n3A, %add3A_107 : i32
      %lt3A_109 = arith.cmpi slt, %add3A_104, %add3A_108 : i32
      %and3A_110 = arith.andi %ge3A_106, %lt3A_109 : i1
      %convert_element_type3A_111 = arith.extui %and3A_110 : i1 to i32
      %cond3A_112 = arith.constant 0 : i32
      %cond3A_113 = arith.cmpi ne, %convert_element_type3A_111, %cond3A_112 : i32
      scf.if %cond3A_113 {
        %dma_wait3A = arith.constant 1 : i32
        %dma_wait3A_150 = arith.constant 0 : i32
        %dma_wait3A_151 = tpu.memref_slice %arg6[%dma_wait3A, %dma_wait3A_150] : memref<2x128xi32, #tpu.memory_space<vmem>> -> memref<1x128xi32, #tpu.memory_space<vmem>>
        %dma_wait3A_152 = tpu.memref_squeeze %dma_wait3A_151 : memref<1x128xi32, #tpu.memory_space<vmem>> -> memref<128xi32, #tpu.memory_space<vmem>>
        %dma_wait3A_153 = arith.constant 0 : i32
        %dma_wait3A_154 = arith.constant 0 : i32
        %dma_wait3A_155 = tpu.memref_slice %arg4[%dma_wait3A_153, %dma_wait3A_154] : memref<10000x16xf32, #tpu.memory_space<vmem_shared>> -> memref<10000x16xf32, #tpu.memory_space<vmem_shared>>
        tpu.wait_indirect_dma semaphore(%arg14 : memref<!tpu.dma_semaphore, #tpu.memory_space<semaphore_mem>>) src(%arg8 : memref<128x16xf32, #tpu.memory_space<vmem>>) dst(%dma_wait3A_155 : memref<10000x16xf32, #tpu.memory_space<vmem_shared>>)
      } else {
      }
      %lt3A_114 = arith.cmpi slt, %add3A_104, %select_n3A : i32
      %convert_element_type3A_115 = arith.extui %lt3A_114 : i1 to i32
      %cond3A_116 = arith.constant 0 : i32
      %cond3A_117 = arith.cmpi ne, %convert_element_type3A_115, %cond3A_116 : i32
      scf.if %cond3A_117 {
        %add3A_150 = arith.addi %add3A_4, %add3A_104 : i32
        %mul3A_151 = arith.constant 128 : i32
        %mul3A_152 = arith.muli %add3A_150, %mul3A_151 : i32
        %dma_start3A = arith.constant 0 : i32
        %dma_start3A_153 = tpu.memref_slice %arg2[%dma_start3A, %mul3A_152] : memref<2x320000xi32, #tpu.memory_space<hbm>> -> memref<2x128xi32, #tpu.memory_space<hbm>>
        %dma_start3A_154 = arith.constant 0 : i32
        %dma_start3A_155 = tpu.memref_slice %arg2[%dma_start3A_154, %mul3A_152] : memref<2x320000xi32, #tpu.memory_space<hbm>> -> memref<2x128xi32, #tpu.memory_space<hbm>>
        tpu.enqueue_dma source(%dma_start3A_155 : memref<2x128xi32, #tpu.memory_space<hbm>>) target(%arg6 : memref<2x128xi32, #tpu.memory_space<vmem>>) target_semaphore(%arg11 : memref<!tpu.dma_semaphore, #tpu.memory_space<semaphore_mem>>)
      } else {
      }
      %ge3A_118 = arith.constant 1 : i32
      %ge3A_119 = arith.cmpi sge, %add3A_104, %ge3A_118 : i32
      %le3A_120 = arith.cmpi sle, %add3A_104, %select_n3A : i32
      %and3A_121 = arith.andi %ge3A_119, %le3A_120 : i1
      %convert_element_type3A_122 = arith.extui %and3A_121 : i1 to i32
      %cond3A_123 = arith.constant 0 : i32
      %cond3A_124 = arith.cmpi ne, %convert_element_type3A_122, %cond3A_123 : i32
      scf.if %cond3A_124 {
        %dma_wait3A = arith.constant 0 : i32
        %dma_wait3A_150 = arith.constant 0 : i32
        %dma_wait3A_151 = tpu.memref_slice %arg2[%dma_wait3A, %dma_wait3A_150] : memref<2x320000xi32, #tpu.memory_space<hbm>> -> memref<2x128xi32, #tpu.memory_space<hbm>>
        %dma_wait3A_152 = arith.constant 0 : i32
        %dma_wait3A_153 = arith.constant 0 : i32
        %dma_wait3A_154 = tpu.memref_slice %arg2[%dma_wait3A_152, %dma_wait3A_153] : memref<2x320000xi32, #tpu.memory_space<hbm>> -> memref<2x128xi32, #tpu.memory_space<hbm>>
        tpu.wait_dma2 semaphore(%arg10 : memref<!tpu.dma_semaphore, #tpu.memory_space<semaphore_mem>>) src(%dma_wait3A_154 : memref<2x128xi32, #tpu.memory_space<hbm>>) dst(%arg5 : memref<2x128xi32, #tpu.memory_space<vmem>>)
        %dma_start3A = arith.constant 1 : i32
        %dma_start3A_155 = arith.constant 0 : i32
        %dma_start3A_156 = tpu.memref_slice %arg5[%dma_start3A, %dma_start3A_155] : memref<2x128xi32, #tpu.memory_space<vmem>> -> memref<1x128xi32, #tpu.memory_space<vmem>>
        %dma_start3A_157 = tpu.memref_squeeze %dma_start3A_156 : memref<1x128xi32, #tpu.memory_space<vmem>> -> memref<128xi32, #tpu.memory_space<vmem>>
        %dma_start3A_158 = arith.constant 0 : i32
        %dma_start3A_159 = arith.constant 0 : i32
        %dma_start3A_160 = tpu.memref_slice %arg4[%dma_start3A_158, %dma_start3A_159] : memref<10000x16xf32, #tpu.memory_space<vmem_shared>> -> memref<10000x16xf32, #tpu.memory_space<vmem_shared>>
        tpu.enqueue_indirect_dma source(%arg8 : memref<128x16xf32, #tpu.memory_space<vmem>>) target(%dma_start3A_160 : memref<10000x16xf32, #tpu.memory_space<vmem_shared>>) offsets(%dma_start3A_157 : memref<128xi32, #tpu.memory_space<vmem>>) semaphore(%arg13 : memref<!tpu.dma_semaphore, #tpu.memory_space<semaphore_mem>>) {add = true}
      } else {
      }
      %mul3A_125 = arith.constant 3 : i32
      %mul3A_126 = arith.muli %while3A_79, %mul3A_125 : i32
      %add3A_127 = arith.constant 2 : i32
      %add3A_128 = arith.addi %mul3A_126, %add3A_127 : i32
      %ge3A_129 = arith.constant 3 : i32
      %ge3A_130 = arith.cmpi sge, %add3A_128, %ge3A_129 : i32
      %add3A_131 = arith.constant 3 : i32
      %add3A_132 = arith.addi %select_n3A, %add3A_131 : i32
      %lt3A_133 = arith.cmpi slt, %add3A_128, %add3A_132 : i32
      %and3A_134 = arith.andi %ge3A_130, %lt3A_133 : i1
      %convert_element_type3A_135 = arith.extui %and3A_134 : i1 to i32
      %cond3A_136 = arith.constant 0 : i32
      %cond3A_137 = arith.cmpi ne, %convert_element_type3A_135, %cond3A_136 : i32
      scf.if %cond3A_137 {
        %dma_wait3A = arith.constant 1 : i32
        %dma_wait3A_150 = arith.constant 0 : i32
        %dma_wait3A_151 = tpu.memref_slice %arg7[%dma_wait3A, %dma_wait3A_150] : memref<2x128xi32, #tpu.memory_space<vmem>> -> memref<1x128xi32, #tpu.memory_space<vmem>>
        %dma_wait3A_152 = tpu.memref_squeeze %dma_wait3A_151 : memref<1x128xi32, #tpu.memory_space<vmem>> -> memref<128xi32, #tpu.memory_space<vmem>>
        %dma_wait3A_153 = arith.constant 0 : i32
        %dma_wait3A_154 = arith.constant 0 : i32
        %dma_wait3A_155 = tpu.memref_slice %arg4[%dma_wait3A_153, %dma_wait3A_154] : memref<10000x16xf32, #tpu.memory_space<vmem_shared>> -> memref<10000x16xf32, #tpu.memory_space<vmem_shared>>
        tpu.wait_indirect_dma semaphore(%arg15 : memref<!tpu.dma_semaphore, #tpu.memory_space<semaphore_mem>>) src(%arg8 : memref<128x16xf32, #tpu.memory_space<vmem>>) dst(%dma_wait3A_155 : memref<10000x16xf32, #tpu.memory_space<vmem_shared>>)
      } else {
      }
      %lt3A_138 = arith.cmpi slt, %add3A_128, %select_n3A : i32
      %convert_element_type3A_139 = arith.extui %lt3A_138 : i1 to i32
      %cond3A_140 = arith.constant 0 : i32
      %cond3A_141 = arith.cmpi ne, %convert_element_type3A_139, %cond3A_140 : i32
      scf.if %cond3A_141 {
        %add3A_150 = arith.addi %add3A_4, %add3A_128 : i32
        %mul3A_151 = arith.constant 128 : i32
        %mul3A_152 = arith.muli %add3A_150, %mul3A_151 : i32
        %dma_start3A = arith.constant 0 : i32
        %dma_start3A_153 = tpu.memref_slice %arg2[%dma_start3A, %mul3A_152] : memref<2x320000xi32, #tpu.memory_space<hbm>> -> memref<2x128xi32, #tpu.memory_space<hbm>>
        %dma_start3A_154 = arith.constant 0 : i32
        %dma_start3A_155 = tpu.memref_slice %arg2[%dma_start3A_154, %mul3A_152] : memref<2x320000xi32, #tpu.memory_space<hbm>> -> memref<2x128xi32, #tpu.memory_space<hbm>>
        tpu.enqueue_dma source(%dma_start3A_155 : memref<2x128xi32, #tpu.memory_space<hbm>>) target(%arg7 : memref<2x128xi32, #tpu.memory_space<vmem>>) target_semaphore(%arg12 : memref<!tpu.dma_semaphore, #tpu.memory_space<semaphore_mem>>)
      } else {
      }
      %ge3A_142 = arith.constant 1 : i32
      %ge3A_143 = arith.cmpi sge, %add3A_128, %ge3A_142 : i32
      %le3A_144 = arith.cmpi sle, %add3A_128, %select_n3A : i32
      %and3A_145 = arith.andi %ge3A_143, %le3A_144 : i1
      %convert_element_type3A_146 = arith.extui %and3A_145 : i1 to i32
      %cond3A_147 = arith.constant 0 : i32
      %cond3A_148 = arith.cmpi ne, %convert_element_type3A_146, %cond3A_147 : i32
      scf.if %cond3A_148 {
        %dma_wait3A = arith.constant 0 : i32
        %dma_wait3A_150 = arith.constant 0 : i32
        %dma_wait3A_151 = tpu.memref_slice %arg2[%dma_wait3A, %dma_wait3A_150] : memref<2x320000xi32, #tpu.memory_space<hbm>> -> memref<2x128xi32, #tpu.memory_space<hbm>>
        %dma_wait3A_152 = arith.constant 0 : i32
        %dma_wait3A_153 = arith.constant 0 : i32
        %dma_wait3A_154 = tpu.memref_slice %arg2[%dma_wait3A_152, %dma_wait3A_153] : memref<2x320000xi32, #tpu.memory_space<hbm>> -> memref<2x128xi32, #tpu.memory_space<hbm>>
        tpu.wait_dma2 semaphore(%arg11 : memref<!tpu.dma_semaphore, #tpu.memory_space<semaphore_mem>>) src(%dma_wait3A_154 : memref<2x128xi32, #tpu.memory_space<hbm>>) dst(%arg6 : memref<2x128xi32, #tpu.memory_space<vmem>>)
        %dma_start3A = arith.constant 1 : i32
        %dma_start3A_155 = arith.constant 0 : i32
        %dma_start3A_156 = tpu.memref_slice %arg6[%dma_start3A, %dma_start3A_155] : memref<2x128xi32, #tpu.memory_space<vmem>> -> memref<1x128xi32, #tpu.memory_space<vmem>>
        %dma_start3A_157 = tpu.memref_squeeze %dma_start3A_156 : memref<1x128xi32, #tpu.memory_space<vmem>> -> memref<128xi32, #tpu.memory_space<vmem>>
        %dma_start3A_158 = arith.constant 0 : i32
        %dma_start3A_159 = arith.constant 0 : i32
        %dma_start3A_160 = tpu.memref_slice %arg4[%dma_start3A_158, %dma_start3A_159] : memref<10000x16xf32, #tpu.memory_space<vmem_shared>> -> memref<10000x16xf32, #tpu.memory_space<vmem_shared>>
        tpu.enqueue_indirect_dma source(%arg8 : memref<128x16xf32, #tpu.memory_space<vmem>>) target(%dma_start3A_160 : memref<10000x16xf32, #tpu.memory_space<vmem_shared>>) offsets(%dma_start3A_157 : memref<128xi32, #tpu.memory_space<vmem>>) semaphore(%arg14 : memref<!tpu.dma_semaphore, #tpu.memory_space<semaphore_mem>>) {add = true}
      } else {
      }
      %while3A_149 = arith.constant 0 : i32
      scf.yield %while3A_149 : i32
    }
    %barrier3A_74 = arith.constant 0 : index
    tpu.barrier barrier_id(%barrier3A_74)
    %mul3A_75 = arith.constant 624 : i32
    %mul3A_76 = arith.muli %arg1, %mul3A_75 : i32
    %mul3A_77 = arith.constant 624 : i32
    %mul3A_78 = arith.muli %arg1, %mul3A_77 : i32
    "tpu.region"() ({
      %run_scoped3A = tpu.sem_alloc : memref<!tpu.dma_semaphore, #tpu.memory_space<semaphore_mem>>
      %dma_start3A = arith.constant 0 : i32
      %dma_start3A_79 = tpu.memref_slice %arg3[%arg0, %mul3A_78, %dma_start3A] : memref<2x10000x16xf32, #tpu.memory_space<hbm>> -> memref<1x640x16xf32, #tpu.memory_space<hbm>>
      %dma_start3A_80 = tpu.memref_squeeze %dma_start3A_79 : memref<1x640x16xf32, #tpu.memory_space<hbm>> -> memref<640x16xf32, #tpu.memory_space<hbm>>
      %dma_start3A_81 = arith.constant 0 : i32
      %dma_start3A_82 = tpu.memref_slice %arg4[%mul3A_76, %dma_start3A_81] : memref<10000x16xf32, #tpu.memory_space<vmem_shared>> -> memref<640x16xf32, #tpu.memory_space<vmem_shared>>
      tpu.enqueue_dma source(%dma_start3A_82 : memref<640x16xf32, #tpu.memory_space<vmem_shared>>) target(%dma_start3A_80 : memref<640x16xf32, #tpu.memory_space<hbm>>) target_semaphore(%run_scoped3A : memref<!tpu.dma_semaphore, #tpu.memory_space<semaphore_mem>>)
      %dma_wait3A = arith.constant 0 : i32
      %dma_wait3A_83 = tpu.memref_slice %arg3[%arg0, %mul3A_78, %dma_wait3A] : memref<2x10000x16xf32, #tpu.memory_space<hbm>> -> memref<1x640x16xf32, #tpu.memory_space<hbm>>
      %dma_wait3A_84 = tpu.memref_squeeze %dma_wait3A_83 : memref<1x640x16xf32, #tpu.memory_space<hbm>> -> memref<640x16xf32, #tpu.memory_space<hbm>>
      %dma_wait3A_85 = arith.constant 0 : i32
      %dma_wait3A_86 = tpu.memref_slice %arg4[%mul3A_76, %dma_wait3A_85] : memref<10000x16xf32, #tpu.memory_space<vmem_shared>> -> memref<640x16xf32, #tpu.memory_space<vmem_shared>>
      tpu.wait_dma2 semaphore(%run_scoped3A : memref<!tpu.dma_semaphore, #tpu.memory_space<semaphore_mem>>) src(%dma_wait3A_86 : memref<640x16xf32, #tpu.memory_space<vmem_shared>>) dst(%dma_wait3A_84 : memref<640x16xf32, #tpu.memory_space<hbm>>)
      tpu.yield
    }) : () -> ()
    return
  }
}

#map = affine_map<(d0, d1) -> (0, 0)>
#map1 = affine_map<(d0, d1) -> (0, 0, 0)>
module attributes {stable_mosaic.version = 14 : i64} {
  func.func @_scatter_body(%arg0: i32, %arg1: i32, %arg2: memref<10000x128xf32, #tpu.memory_space<hbm>>, %arg3: memref<2x320000xi32, #tpu.memory_space<hbm>>, %arg4: memref<2x10000x128xf32, #tpu.memory_space<hbm>>, %arg5: memref<10000x128xf32, #tpu.memory_space<vmem_shared>>, %arg6: memref<2x128xi32, #tpu.memory_space<vmem>>, %arg7: memref<2x128xi32, #tpu.memory_space<vmem>>, %arg8: memref<2x128xi32, #tpu.memory_space<vmem>>, %arg9: memref<128x128xf32, #tpu.memory_space<vmem>>, %arg10: memref<128x128xf32, #tpu.memory_space<vmem>>, %arg11: memref<128x128xf32, #tpu.memory_space<vmem>>, %arg12: memref<!tpu.dma_semaphore, #tpu.memory_space<semaphore_mem>>, %arg13: memref<!tpu.dma_semaphore, #tpu.memory_space<semaphore_mem>>, %arg14: memref<!tpu.dma_semaphore, #tpu.memory_space<semaphore_mem>>, %arg15: memref<!tpu.dma_semaphore, #tpu.memory_space<semaphore_mem>>, %arg16: memref<!tpu.dma_semaphore, #tpu.memory_space<semaphore_mem>>, %arg17: memref<!tpu.dma_semaphore, #tpu.memory_space<semaphore_mem>>, %arg18: memref<!tpu.dma_semaphore, #tpu.memory_space<semaphore_mem>>, %arg19: memref<!tpu.dma_semaphore, #tpu.memory_space<semaphore_mem>>, %arg20: memref<!tpu.dma_semaphore, #tpu.memory_space<semaphore_mem>>) attributes {dimension_semantics = [#tpu.dimension_semantics<core_parallel>, #tpu.dimension_semantics<subcore_parallel>], iteration_bounds = array<i64: 2, 16>, scalar_prefetch = 0 : i64, scratch_operands = 16 : i64, tpu.core_type = #tpu.core_type<sc_vector_subcore>, window_params = [{transform_indices = #map}, {transform_indices = #map}, {transform_indices = #map1}]} {
    %mul3A = arith.constant 2 : i32
    %mul3A_0 = arith.muli %arg1, %mul3A : i32
    %add3A = arith.addi %mul3A_0, %arg0 : i32
    %min3A = arith.constant 4 : i32
    %min3A_1 = arith.minsi %add3A, %min3A : i32
    %mul3A_2 = arith.constant 78 : i32
    %mul3A_3 = arith.muli %add3A, %mul3A_2 : i32
    %add3A_4 = arith.addi %mul3A_3, %min3A_1 : i32
    %lt3A = arith.constant 4 : i32
    %lt3A_5 = arith.cmpi slt, %add3A, %lt3A : i32
    %jit3A = arith.constant 79 : i32
    %jit3A_6 = arith.constant 78 : i32
    %select_n3A = arith.select %lt3A_5, %jit3A, %jit3A_6 : i32
    %broadcast_in_dim3A = arith.constant 0.000000e+00 : f32
    %broadcast_in_dim3A_7 = vector.broadcast %broadcast_in_dim3A : f32 to vector<16xf32>
    %scan3A = arith.constant 0 : i32
    %scan3A_8 = arith.constant 0 : i32
    %scan3A_9 = arith.constant 128 : i32
    %scan3A_10 = arith.addi %scan3A_8, %scan3A_9 : i32
    %scan3A_11 = arith.constant 1 : i32
    %scan3A_12 = scf.for %scan3A_70 = %scan3A_8 to %scan3A_10 step %scan3A_11 iter_args(%scan3A_71 = %scan3A) -> (i32)  : i32 {
      %swap3A = arith.index_cast %scan3A_70 : i32 to index
      %swap3A_72 = arith.constant 0 : index
      %swap3A_73 = tpu.vector_load %arg9[%swap3A, %swap3A_72] {strides = array<i32>} : memref<128x128xf32, #tpu.memory_space<vmem>>, vector<1x16xf32>,
      %swap3A_74 = vector.shape_cast %swap3A_73 : vector<1x16xf32> to vector<16xf32>
      %swap3A_75 = vector.shape_cast %broadcast_in_dim3A_7 : vector<16xf32> to vector<1x16xf32>
      tpu.vector_store %arg9[%swap3A, %swap3A_72], %swap3A_75 {strides = array<i32>} : memref<128x128xf32, #tpu.memory_space<vmem>>, vector<1x16xf32>,
      %swap3A_76 = arith.index_cast %scan3A_70 : i32 to index
      %swap3A_77 = arith.constant 16 : index
      %swap3A_78 = tpu.vector_load %arg9[%swap3A_76, %swap3A_77] {strides = array<i32>} : memref<128x128xf32, #tpu.memory_space<vmem>>, vector<1x16xf32>,
      %swap3A_79 = vector.shape_cast %swap3A_78 : vector<1x16xf32> to vector<16xf32>
      %swap3A_80 = vector.shape_cast %broadcast_in_dim3A_7 : vector<16xf32> to vector<1x16xf32>
      tpu.vector_store %arg9[%swap3A_76, %swap3A_77], %swap3A_80 {strides = array<i32>} : memref<128x128xf32, #tpu.memory_space<vmem>>, vector<1x16xf32>,
      %swap3A_81 = arith.index_cast %scan3A_70 : i32 to index
      %swap3A_82 = arith.constant 32 : index
      %swap3A_83 = tpu.vector_load %arg9[%swap3A_81, %swap3A_82] {strides = array<i32>} : memref<128x128xf32, #tpu.memory_space<vmem>>, vector<1x16xf32>,
      %swap3A_84 = vector.shape_cast %swap3A_83 : vector<1x16xf32> to vector<16xf32>
      %swap3A_85 = vector.shape_cast %broadcast_in_dim3A_7 : vector<16xf32> to vector<1x16xf32>
      tpu.vector_store %arg9[%swap3A_81, %swap3A_82], %swap3A_85 {strides = array<i32>} : memref<128x128xf32, #tpu.memory_space<vmem>>, vector<1x16xf32>,
      %swap3A_86 = arith.index_cast %scan3A_70 : i32 to index
      %swap3A_87 = arith.constant 48 : index
      %swap3A_88 = tpu.vector_load %arg9[%swap3A_86, %swap3A_87] {strides = array<i32>} : memref<128x128xf32, #tpu.memory_space<vmem>>, vector<1x16xf32>,
      %swap3A_89 = vector.shape_cast %swap3A_88 : vector<1x16xf32> to vector<16xf32>
      %swap3A_90 = vector.shape_cast %broadcast_in_dim3A_7 : vector<16xf32> to vector<1x16xf32>
      tpu.vector_store %arg9[%swap3A_86, %swap3A_87], %swap3A_90 {strides = array<i32>} : memref<128x128xf32, #tpu.memory_space<vmem>>, vector<1x16xf32>,
      %swap3A_91 = arith.index_cast %scan3A_70 : i32 to index
      %swap3A_92 = arith.constant 64 : index
      %swap3A_93 = tpu.vector_load %arg9[%swap3A_91, %swap3A_92] {strides = array<i32>} : memref<128x128xf32, #tpu.memory_space<vmem>>, vector<1x16xf32>,
      %swap3A_94 = vector.shape_cast %swap3A_93 : vector<1x16xf32> to vector<16xf32>
      %swap3A_95 = vector.shape_cast %broadcast_in_dim3A_7 : vector<16xf32> to vector<1x16xf32>
      tpu.vector_store %arg9[%swap3A_91, %swap3A_92], %swap3A_95 {strides = array<i32>} : memref<128x128xf32, #tpu.memory_space<vmem>>, vector<1x16xf32>,
      %swap3A_96 = arith.index_cast %scan3A_70 : i32 to index
      %swap3A_97 = arith.constant 80 : index
      %swap3A_98 = tpu.vector_load %arg9[%swap3A_96, %swap3A_97] {strides = array<i32>} : memref<128x128xf32, #tpu.memory_space<vmem>>, vector<1x16xf32>,
      %swap3A_99 = vector.shape_cast %swap3A_98 : vector<1x16xf32> to vector<16xf32>
      %swap3A_100 = vector.shape_cast %broadcast_in_dim3A_7 : vector<16xf32> to vector<1x16xf32>
      tpu.vector_store %arg9[%swap3A_96, %swap3A_97], %swap3A_100 {strides = array<i32>} : memref<128x128xf32, #tpu.memory_space<vmem>>, vector<1x16xf32>,
      %swap3A_101 = arith.index_cast %scan3A_70 : i32 to index
      %swap3A_102 = arith.constant 96 : index
      %swap3A_103 = tpu.vector_load %arg9[%swap3A_101, %swap3A_102] {strides = array<i32>} : memref<128x128xf32, #tpu.memory_space<vmem>>, vector<1x16xf32>,
      %swap3A_104 = vector.shape_cast %swap3A_103 : vector<1x16xf32> to vector<16xf32>
      %swap3A_105 = vector.shape_cast %broadcast_in_dim3A_7 : vector<16xf32> to vector<1x16xf32>
      tpu.vector_store %arg9[%swap3A_101, %swap3A_102], %swap3A_105 {strides = array<i32>} : memref<128x128xf32, #tpu.memory_space<vmem>>, vector<1x16xf32>,
      %swap3A_106 = arith.index_cast %scan3A_70 : i32 to index
      %swap3A_107 = arith.constant 112 : index
      %swap3A_108 = tpu.vector_load %arg9[%swap3A_106, %swap3A_107] {strides = array<i32>} : memref<128x128xf32, #tpu.memory_space<vmem>>, vector<1x16xf32>,
      %swap3A_109 = vector.shape_cast %swap3A_108 : vector<1x16xf32> to vector<16xf32>
      %swap3A_110 = vector.shape_cast %broadcast_in_dim3A_7 : vector<16xf32> to vector<1x16xf32>
      tpu.vector_store %arg9[%swap3A_106, %swap3A_107], %swap3A_110 {strides = array<i32>} : memref<128x128xf32, #tpu.memory_space<vmem>>, vector<1x16xf32>,
      %scan3A_111 = arith.constant 0 : i32
      scf.yield %scan3A_111 : i32
    }
    %scan3A_13 = arith.constant 128 : i32
    %mul3A_14 = arith.constant 624 : i32
    %mul3A_15 = arith.muli %arg1, %mul3A_14 : i32
    %add3A_16 = arith.constant 0 : i32
    %add3A_17 = arith.addi %mul3A_15, %add3A_16 : i32
    "tpu.region"() ({
      %run_scoped3A = tpu.sem_alloc : memref<!tpu.dma_semaphore, #tpu.memory_space<semaphore_mem>>
      %dma_start3A = arith.constant 0 : i32
      %dma_start3A_70 = tpu.memref_slice %arg5[%add3A_17, %dma_start3A] : memref<10000x128xf32, #tpu.memory_space<vmem_shared>> -> memref<128x128xf32, #tpu.memory_space<vmem_shared>>
      %dma_start3A_71 = arith.constant 0 : i32
      %dma_start3A_72 = tpu.memref_slice %arg5[%add3A_17, %dma_start3A_71] : memref<10000x128xf32, #tpu.memory_space<vmem_shared>> -> memref<128x128xf32, #tpu.memory_space<vmem_shared>>
      tpu.enqueue_dma source(%arg9 : memref<128x128xf32, #tpu.memory_space<vmem>>) target(%dma_start3A_72 : memref<128x128xf32, #tpu.memory_space<vmem_shared>>) target_semaphore(%run_scoped3A : memref<!tpu.dma_semaphore, #tpu.memory_space<semaphore_mem>>)
      %dma_wait3A = arith.constant 0 : i32
      %dma_wait3A_73 = tpu.memref_slice %arg5[%add3A_17, %dma_wait3A] : memref<10000x128xf32, #tpu.memory_space<vmem_shared>> -> memref<128x128xf32, #tpu.memory_space<vmem_shared>>
      %dma_wait3A_74 = arith.constant 0 : i32
      %dma_wait3A_75 = tpu.memref_slice %arg5[%add3A_17, %dma_wait3A_74] : memref<10000x128xf32, #tpu.memory_space<vmem_shared>> -> memref<128x128xf32, #tpu.memory_space<vmem_shared>>
      tpu.wait_dma2 semaphore(%run_scoped3A : memref<!tpu.dma_semaphore, #tpu.memory_space<semaphore_mem>>) src(%arg9 : memref<128x128xf32, #tpu.memory_space<vmem>>) dst(%dma_wait3A_75 : memref<128x128xf32, #tpu.memory_space<vmem_shared>>)
      tpu.yield
    }) : () -> ()
    %mul3A_18 = arith.constant 624 : i32
    %mul3A_19 = arith.muli %arg1, %mul3A_18 : i32
    %add3A_20 = arith.constant 128 : i32
    %add3A_21 = arith.addi %mul3A_19, %add3A_20 : i32
    "tpu.region"() ({
      %run_scoped3A = tpu.sem_alloc : memref<!tpu.dma_semaphore, #tpu.memory_space<semaphore_mem>>
      %dma_start3A = arith.constant 0 : i32
      %dma_start3A_70 = tpu.memref_slice %arg5[%add3A_21, %dma_start3A] : memref<10000x128xf32, #tpu.memory_space<vmem_shared>> -> memref<128x128xf32, #tpu.memory_space<vmem_shared>>
      %dma_start3A_71 = arith.constant 0 : i32
      %dma_start3A_72 = tpu.memref_slice %arg5[%add3A_21, %dma_start3A_71] : memref<10000x128xf32, #tpu.memory_space<vmem_shared>> -> memref<128x128xf32, #tpu.memory_space<vmem_shared>>
      tpu.enqueue_dma source(%arg9 : memref<128x128xf32, #tpu.memory_space<vmem>>) target(%dma_start3A_72 : memref<128x128xf32, #tpu.memory_space<vmem_shared>>) target_semaphore(%run_scoped3A : memref<!tpu.dma_semaphore, #tpu.memory_space<semaphore_mem>>)
      %dma_wait3A = arith.constant 0 : i32
      %dma_wait3A_73 = tpu.memref_slice %arg5[%add3A_21, %dma_wait3A] : memref<10000x128xf32, #tpu.memory_space<vmem_shared>> -> memref<128x128xf32, #tpu.memory_space<vmem_shared>>
      %dma_wait3A_74 = arith.constant 0 : i32
      %dma_wait3A_75 = tpu.memref_slice %arg5[%add3A_21, %dma_wait3A_74] : memref<10000x128xf32, #tpu.memory_space<vmem_shared>> -> memref<128x128xf32, #tpu.memory_space<vmem_shared>>
      tpu.wait_dma2 semaphore(%run_scoped3A : memref<!tpu.dma_semaphore, #tpu.memory_space<semaphore_mem>>) src(%arg9 : memref<128x128xf32, #tpu.memory_space<vmem>>) dst(%dma_wait3A_75 : memref<128x128xf32, #tpu.memory_space<vmem_shared>>)
      tpu.yield
    }) : () -> ()
    %mul3A_22 = arith.constant 624 : i32
    %mul3A_23 = arith.muli %arg1, %mul3A_22 : i32
    %add3A_24 = arith.constant 256 : i32
    %add3A_25 = arith.addi %mul3A_23, %add3A_24 : i32
    "tpu.region"() ({
      %run_scoped3A = tpu.sem_alloc : memref<!tpu.dma_semaphore, #tpu.memory_space<semaphore_mem>>
      %dma_start3A = arith.constant 0 : i32
      %dma_start3A_70 = tpu.memref_slice %arg5[%add3A_25, %dma_start3A] : memref<10000x128xf32, #tpu.memory_space<vmem_shared>> -> memref<128x128xf32, #tpu.memory_space<vmem_shared>>
      %dma_start3A_71 = arith.constant 0 : i32
      %dma_start3A_72 = tpu.memref_slice %arg5[%add3A_25, %dma_start3A_71] : memref<10000x128xf32, #tpu.memory_space<vmem_shared>> -> memref<128x128xf32, #tpu.memory_space<vmem_shared>>
      tpu.enqueue_dma source(%arg9 : memref<128x128xf32, #tpu.memory_space<vmem>>) target(%dma_start3A_72 : memref<128x128xf32, #tpu.memory_space<vmem_shared>>) target_semaphore(%run_scoped3A : memref<!tpu.dma_semaphore, #tpu.memory_space<semaphore_mem>>)
      %dma_wait3A = arith.constant 0 : i32
      %dma_wait3A_73 = tpu.memref_slice %arg5[%add3A_25, %dma_wait3A] : memref<10000x128xf32, #tpu.memory_space<vmem_shared>> -> memref<128x128xf32, #tpu.memory_space<vmem_shared>>
      %dma_wait3A_74 = arith.constant 0 : i32
      %dma_wait3A_75 = tpu.memref_slice %arg5[%add3A_25, %dma_wait3A_74] : memref<10000x128xf32, #tpu.memory_space<vmem_shared>> -> memref<128x128xf32, #tpu.memory_space<vmem_shared>>
      tpu.wait_dma2 semaphore(%run_scoped3A : memref<!tpu.dma_semaphore, #tpu.memory_space<semaphore_mem>>) src(%arg9 : memref<128x128xf32, #tpu.memory_space<vmem>>) dst(%dma_wait3A_75 : memref<128x128xf32, #tpu.memory_space<vmem_shared>>)
      tpu.yield
    }) : () -> ()
    %mul3A_26 = arith.constant 624 : i32
    %mul3A_27 = arith.muli %arg1, %mul3A_26 : i32
    %add3A_28 = arith.constant 384 : i32
    %add3A_29 = arith.addi %mul3A_27, %add3A_28 : i32
    "tpu.region"() ({
      %run_scoped3A = tpu.sem_alloc : memref<!tpu.dma_semaphore, #tpu.memory_space<semaphore_mem>>
      %dma_start3A = arith.constant 0 : i32
      %dma_start3A_70 = tpu.memref_slice %arg5[%add3A_29, %dma_start3A] : memref<10000x128xf32, #tpu.memory_space<vmem_shared>> -> memref<128x128xf32, #tpu.memory_space<vmem_shared>>
      %dma_start3A_71 = arith.constant 0 : i32
      %dma_start3A_72 = tpu.memref_slice %arg5[%add3A_29, %dma_start3A_71] : memref<10000x128xf32, #tpu.memory_space<vmem_shared>> -> memref<128x128xf32, #tpu.memory_space<vmem_shared>>
      tpu.enqueue_dma source(%arg9 : memref<128x128xf32, #tpu.memory_space<vmem>>) target(%dma_start3A_72 : memref<128x128xf32, #tpu.memory_space<vmem_shared>>) target_semaphore(%run_scoped3A : memref<!tpu.dma_semaphore, #tpu.memory_space<semaphore_mem>>)
      %dma_wait3A = arith.constant 0 : i32
      %dma_wait3A_73 = tpu.memref_slice %arg5[%add3A_29, %dma_wait3A] : memref<10000x128xf32, #tpu.memory_space<vmem_shared>> -> memref<128x128xf32, #tpu.memory_space<vmem_shared>>
      %dma_wait3A_74 = arith.constant 0 : i32
      %dma_wait3A_75 = tpu.memref_slice %arg5[%add3A_29, %dma_wait3A_74] : memref<10000x128xf32, #tpu.memory_space<vmem_shared>> -> memref<128x128xf32, #tpu.memory_space<vmem_shared>>
      tpu.wait_dma2 semaphore(%run_scoped3A : memref<!tpu.dma_semaphore, #tpu.memory_space<semaphore_mem>>) src(%arg9 : memref<128x128xf32, #tpu.memory_space<vmem>>) dst(%dma_wait3A_75 : memref<128x128xf32, #tpu.memory_space<vmem_shared>>)
      tpu.yield
    }) : () -> ()
    %mul3A_30 = arith.constant 624 : i32
    %mul3A_31 = arith.muli %arg1, %mul3A_30 : i32
    %add3A_32 = arith.constant 512 : i32
    %add3A_33 = arith.addi %mul3A_31, %add3A_32 : i32
    "tpu.region"() ({
      %run_scoped3A = tpu.sem_alloc : memref<!tpu.dma_semaphore, #tpu.memory_space<semaphore_mem>>
      %dma_start3A = arith.constant 0 : i32
      %dma_start3A_70 = tpu.memref_slice %arg5[%add3A_33, %dma_start3A] : memref<10000x128xf32, #tpu.memory_space<vmem_shared>> -> memref<128x128xf32, #tpu.memory_space<vmem_shared>>
      %dma_start3A_71 = arith.constant 0 : i32
      %dma_start3A_72 = tpu.memref_slice %arg5[%add3A_33, %dma_start3A_71] : memref<10000x128xf32, #tpu.memory_space<vmem_shared>> -> memref<128x128xf32, #tpu.memory_space<vmem_shared>>
      tpu.enqueue_dma source(%arg9 : memref<128x128xf32, #tpu.memory_space<vmem>>) target(%dma_start3A_72 : memref<128x128xf32, #tpu.memory_space<vmem_shared>>) target_semaphore(%run_scoped3A : memref<!tpu.dma_semaphore, #tpu.memory_space<semaphore_mem>>)
      %dma_wait3A = arith.constant 0 : i32
      %dma_wait3A_73 = tpu.memref_slice %arg5[%add3A_33, %dma_wait3A] : memref<10000x128xf32, #tpu.memory_space<vmem_shared>> -> memref<128x128xf32, #tpu.memory_space<vmem_shared>>
      %dma_wait3A_74 = arith.constant 0 : i32
      %dma_wait3A_75 = tpu.memref_slice %arg5[%add3A_33, %dma_wait3A_74] : memref<10000x128xf32, #tpu.memory_space<vmem_shared>> -> memref<128x128xf32, #tpu.memory_space<vmem_shared>>
      tpu.wait_dma2 semaphore(%run_scoped3A : memref<!tpu.dma_semaphore, #tpu.memory_space<semaphore_mem>>) src(%arg9 : memref<128x128xf32, #tpu.memory_space<vmem>>) dst(%dma_wait3A_75 : memref<128x128xf32, #tpu.memory_space<vmem_shared>>)
      tpu.yield
    }) : () -> ()
    %barrier3A = arith.constant 0 : index
    tpu.barrier barrier_id(%barrier3A)
    %add3A_34 = arith.constant 5 : i32
    %add3A_35 = arith.addi %select_n3A, %add3A_34 : i32
    %jit3A_36 = arith.constant 3 : i32
    %div3A = arith.divsi %add3A_35, %jit3A_36 : i32
    %sign3A = arith.constant 0 : i32
    %sign3A_37 = arith.cmpi sgt, %add3A_35, %sign3A : i32
    %sign3A_38 = arith.extui %sign3A_37 : i1 to i32
    %sign3A_39 = arith.constant 0 : i32
    %sign3A_40 = arith.cmpi slt, %add3A_35, %sign3A_39 : i32
    %sign3A_41 = arith.extui %sign3A_40 : i1 to i32
    %sign3A_42 = arith.subi %sign3A_38, %sign3A_41 : i32
    %sign3A_43 = arith.constant 0 : i32
    %sign3A_44 = arith.cmpi sgt, %jit3A_36, %sign3A_43 : i32
    %sign3A_45 = arith.extui %sign3A_44 : i1 to i32
    %sign3A_46 = arith.constant 0 : i32
    %sign3A_47 = arith.cmpi slt, %jit3A_36, %sign3A_46 : i32
    %sign3A_48 = arith.extui %sign3A_47 : i1 to i32
    %sign3A_49 = arith.subi %sign3A_45, %sign3A_48 : i32
    %ne3A = arith.cmpi ne, %sign3A_42, %sign3A_49 : i32
    %rem3A = arith.remsi %add3A_35, %jit3A_36 : i32
    %ne3A_50 = arith.constant 0 : i32
    %ne3A_51 = arith.cmpi ne, %rem3A, %ne3A_50 : i32
    %and3A = arith.andi %ne3A, %ne3A_51 : i1
    %sub3A = arith.constant 1 : i32
    %sub3A_52 = arith.subi %div3A, %sub3A : i32
    %select_n3A_53 = arith.select %and3A, %sub3A_52, %div3A : i32
    %while3A = arith.constant 0 : i32
    %while3A_54 = arith.constant 0 : i32
    %while3A_55 = arith.subi %select_n3A_53, %while3A : i32
    %while3A_56 = arith.addi %while3A, %while3A_55 : i32
    %while3A_57 = arith.constant 1 : i32
    %while3A_58 = arith.divsi %while3A_55, %while3A_57 : i32
    %while3A_59 = arith.muli %while3A_58, %while3A_57 : i32
    %while3A_60 = arith.addi %while3A, %while3A_59 : i32
    %while3A_61 = arith.constant 1 : i32
    %while3A_62 = scf.for %while3A_70 = %while3A to %while3A_60 step %while3A_61 iter_args(%while3A_71 = %while3A_54) -> (i32)  : i32 {
      %mul3A_72 = arith.constant 3 : i32
      %mul3A_73 = arith.muli %while3A_70, %mul3A_72 : i32
      %add3A_74 = arith.constant 0 : i32
      %add3A_75 = arith.addi %mul3A_73, %add3A_74 : i32
      %ge3A = arith.constant 3 : i32
      %ge3A_76 = arith.cmpi sge, %add3A_75, %ge3A : i32
      %add3A_77 = arith.constant 3 : i32
      %add3A_78 = arith.addi %select_n3A, %add3A_77 : i32
      %lt3A_79 = arith.cmpi slt, %add3A_75, %add3A_78 : i32
      %and3A_80 = arith.andi %ge3A_76, %lt3A_79 : i1
      %convert_element_type3A = arith.extui %and3A_80 : i1 to i32
      %cond3A = arith.constant 0 : i32
      %cond3A_81 = arith.cmpi ne, %convert_element_type3A, %cond3A : i32
      scf.if %cond3A_81 {
        %dma_wait3A = arith.constant 1 : i32
        %dma_wait3A_168 = arith.constant 0 : i32
        %dma_wait3A_169 = tpu.memref_slice %arg6[%dma_wait3A, %dma_wait3A_168] : memref<2x128xi32, #tpu.memory_space<vmem>> -> memref<1x128xi32, #tpu.memory_space<vmem>>
        %dma_wait3A_170 = tpu.memref_squeeze %dma_wait3A_169 : memref<1x128xi32, #tpu.memory_space<vmem>> -> memref<128xi32, #tpu.memory_space<vmem>>
        %dma_wait3A_171 = arith.constant 0 : i32
        %dma_wait3A_172 = arith.constant 0 : i32
        %dma_wait3A_173 = tpu.memref_slice %arg5[%dma_wait3A_171, %dma_wait3A_172] : memref<10000x128xf32, #tpu.memory_space<vmem_shared>> -> memref<10000x128xf32, #tpu.memory_space<vmem_shared>>
        tpu.wait_indirect_dma semaphore(%arg18 : memref<!tpu.dma_semaphore, #tpu.memory_space<semaphore_mem>>) src(%arg9 : memref<128x128xf32, #tpu.memory_space<vmem>>) dst(%dma_wait3A_173 : memref<10000x128xf32, #tpu.memory_space<vmem_shared>>)
      } else {
      }
      %lt3A_82 = arith.cmpi slt, %add3A_75, %select_n3A : i32
      %convert_element_type3A_83 = arith.extui %lt3A_82 : i1 to i32
      %cond3A_84 = arith.constant 0 : i32
      %cond3A_85 = arith.cmpi ne, %convert_element_type3A_83, %cond3A_84 : i32
      scf.if %cond3A_85 {
        %add3A_168 = arith.addi %add3A_4, %add3A_75 : i32
        %mul3A_169 = arith.constant 128 : i32
        %mul3A_170 = arith.muli %add3A_168, %mul3A_169 : i32
        %dma_start3A = arith.constant 0 : i32
        %dma_start3A_171 = tpu.memref_slice %arg3[%dma_start3A, %mul3A_170] : memref<2x320000xi32, #tpu.memory_space<hbm>> -> memref<2x128xi32, #tpu.memory_space<hbm>>
        %dma_start3A_172 = arith.constant 0 : i32
        %dma_start3A_173 = tpu.memref_slice %arg3[%dma_start3A_172, %mul3A_170] : memref<2x320000xi32, #tpu.memory_space<hbm>> -> memref<2x128xi32, #tpu.memory_space<hbm>>
        tpu.enqueue_dma source(%dma_start3A_173 : memref<2x128xi32, #tpu.memory_space<hbm>>) target(%arg6 : memref<2x128xi32, #tpu.memory_space<vmem>>) target_semaphore(%arg12 : memref<!tpu.dma_semaphore, #tpu.memory_space<semaphore_mem>>)
      } else {
      }
      %ge3A_86 = arith.constant 1 : i32
      %ge3A_87 = arith.cmpi sge, %add3A_75, %ge3A_86 : i32
      %le3A = arith.cmpi sle, %add3A_75, %select_n3A : i32
      %and3A_88 = arith.andi %ge3A_87, %le3A : i1
      %convert_element_type3A_89 = arith.extui %and3A_88 : i1 to i32
      %cond3A_90 = arith.constant 0 : i32
      %cond3A_91 = arith.cmpi ne, %convert_element_type3A_89, %cond3A_90 : i32
      scf.if %cond3A_91 {
        %dma_wait3A = arith.constant 0 : i32
        %dma_wait3A_168 = arith.constant 0 : i32
        %dma_wait3A_169 = tpu.memref_slice %arg3[%dma_wait3A, %dma_wait3A_168] : memref<2x320000xi32, #tpu.memory_space<hbm>> -> memref<2x128xi32, #tpu.memory_space<hbm>>
        %dma_wait3A_170 = arith.constant 0 : i32
        %dma_wait3A_171 = arith.constant 0 : i32
        %dma_wait3A_172 = tpu.memref_slice %arg3[%dma_wait3A_170, %dma_wait3A_171] : memref<2x320000xi32, #tpu.memory_space<hbm>> -> memref<2x128xi32, #tpu.memory_space<hbm>>
        tpu.wait_dma2 semaphore(%arg14 : memref<!tpu.dma_semaphore, #tpu.memory_space<semaphore_mem>>) src(%dma_wait3A_172 : memref<2x128xi32, #tpu.memory_space<hbm>>) dst(%arg8 : memref<2x128xi32, #tpu.memory_space<vmem>>)
        %dma_start3A = arith.constant 0 : i32
        %dma_start3A_173 = arith.constant 0 : i32
        %dma_start3A_174 = tpu.memref_slice %arg8[%dma_start3A, %dma_start3A_173] : memref<2x128xi32, #tpu.memory_space<vmem>> -> memref<1x128xi32, #tpu.memory_space<vmem>>
        %dma_start3A_175 = tpu.memref_squeeze %dma_start3A_174 : memref<1x128xi32, #tpu.memory_space<vmem>> -> memref<128xi32, #tpu.memory_space<vmem>>
        %dma_start3A_176 = arith.constant 0 : i32
        %dma_start3A_177 = arith.constant 0 : i32
        %dma_start3A_178 = tpu.memref_slice %arg2[%dma_start3A_176, %dma_start3A_177] : memref<10000x128xf32, #tpu.memory_space<hbm>> -> memref<10000x128xf32, #tpu.memory_space<hbm>>
        tpu.enqueue_indirect_dma source(%dma_start3A_178 : memref<10000x128xf32, #tpu.memory_space<hbm>>) target(%arg11 : memref<128x128xf32, #tpu.memory_space<vmem>>) offsets(%dma_start3A_175 : memref<128xi32, #tpu.memory_space<vmem>>) semaphore(%arg17 : memref<!tpu.dma_semaphore, #tpu.memory_space<semaphore_mem>>)
      } else {
      }
      %ge3A_92 = arith.constant 2 : i32
      %ge3A_93 = arith.cmpi sge, %add3A_75, %ge3A_92 : i32
      %add3A_94 = arith.constant 1 : i32
      %add3A_95 = arith.addi %select_n3A, %add3A_94 : i32
      %le3A_96 = arith.cmpi sle, %add3A_75, %add3A_95 : i32
      %and3A_97 = arith.andi %ge3A_93, %le3A_96 : i1
      %convert_element_type3A_98 = arith.extui %and3A_97 : i1 to i32
      %cond3A_99 = arith.constant 0 : i32
      %cond3A_100 = arith.cmpi ne, %convert_element_type3A_98, %cond3A_99 : i32
      scf.if %cond3A_100 {
        %dma_wait3A = arith.constant 0 : i32
        %dma_wait3A_168 = arith.constant 0 : i32
        %dma_wait3A_169 = tpu.memref_slice %arg7[%dma_wait3A, %dma_wait3A_168] : memref<2x128xi32, #tpu.memory_space<vmem>> -> memref<1x128xi32, #tpu.memory_space<vmem>>
        %dma_wait3A_170 = tpu.memref_squeeze %dma_wait3A_169 : memref<1x128xi32, #tpu.memory_space<vmem>> -> memref<128xi32, #tpu.memory_space<vmem>>
        %dma_wait3A_171 = arith.constant 0 : i32
        %dma_wait3A_172 = arith.constant 0 : i32
        %dma_wait3A_173 = tpu.memref_slice %arg2[%dma_wait3A_171, %dma_wait3A_172] : memref<10000x128xf32, #tpu.memory_space<hbm>> -> memref<10000x128xf32, #tpu.memory_space<hbm>>
        tpu.wait_indirect_dma semaphore(%arg16 : memref<!tpu.dma_semaphore, #tpu.memory_space<semaphore_mem>>) src(%dma_wait3A_173 : memref<10000x128xf32, #tpu.memory_space<hbm>>) dst(%arg10 : memref<128x128xf32, #tpu.memory_space<vmem>>)
        %dma_start3A = arith.constant 1 : i32
        %dma_start3A_174 = arith.constant 0 : i32
        %dma_start3A_175 = tpu.memref_slice %arg7[%dma_start3A, %dma_start3A_174] : memref<2x128xi32, #tpu.memory_space<vmem>> -> memref<1x128xi32, #tpu.memory_space<vmem>>
        %dma_start3A_176 = tpu.memref_squeeze %dma_start3A_175 : memref<1x128xi32, #tpu.memory_space<vmem>> -> memref<128xi32, #tpu.memory_space<vmem>>
        %dma_start3A_177 = arith.constant 0 : i32
        %dma_start3A_178 = arith.constant 0 : i32
        %dma_start3A_179 = tpu.memref_slice %arg5[%dma_start3A_177, %dma_start3A_178] : memref<10000x128xf32, #tpu.memory_space<vmem_shared>> -> memref<10000x128xf32, #tpu.memory_space<vmem_shared>>
        tpu.enqueue_indirect_dma source(%arg10 : memref<128x128xf32, #tpu.memory_space<vmem>>) target(%dma_start3A_179 : memref<10000x128xf32, #tpu.memory_space<vmem_shared>>) offsets(%dma_start3A_176 : memref<128xi32, #tpu.memory_space<vmem>>) semaphore(%arg19 : memref<!tpu.dma_semaphore, #tpu.memory_space<semaphore_mem>>) {add = true}
      } else {
      }
      %mul3A_101 = arith.constant 3 : i32
      %mul3A_102 = arith.muli %while3A_70, %mul3A_101 : i32
      %add3A_103 = arith.constant 1 : i32
      %add3A_104 = arith.addi %mul3A_102, %add3A_103 : i32
      %ge3A_105 = arith.constant 3 : i32
      %ge3A_106 = arith.cmpi sge, %add3A_104, %ge3A_105 : i32
      %add3A_107 = arith.constant 3 : i32
      %add3A_108 = arith.addi %select_n3A, %add3A_107 : i32
      %lt3A_109 = arith.cmpi slt, %add3A_104, %add3A_108 : i32
      %and3A_110 = arith.andi %ge3A_106, %lt3A_109 : i1
      %convert_element_type3A_111 = arith.extui %and3A_110 : i1 to i32
      %cond3A_112 = arith.constant 0 : i32
      %cond3A_113 = arith.cmpi ne, %convert_element_type3A_111, %cond3A_112 : i32
      scf.if %cond3A_113 {
        %dma_wait3A = arith.constant 1 : i32
        %dma_wait3A_168 = arith.constant 0 : i32
        %dma_wait3A_169 = tpu.memref_slice %arg7[%dma_wait3A, %dma_wait3A_168] : memref<2x128xi32, #tpu.memory_space<vmem>> -> memref<1x128xi32, #tpu.memory_space<vmem>>
        %dma_wait3A_170 = tpu.memref_squeeze %dma_wait3A_169 : memref<1x128xi32, #tpu.memory_space<vmem>> -> memref<128xi32, #tpu.memory_space<vmem>>
        %dma_wait3A_171 = arith.constant 0 : i32
        %dma_wait3A_172 = arith.constant 0 : i32
        %dma_wait3A_173 = tpu.memref_slice %arg5[%dma_wait3A_171, %dma_wait3A_172] : memref<10000x128xf32, #tpu.memory_space<vmem_shared>> -> memref<10000x128xf32, #tpu.memory_space<vmem_shared>>
        tpu.wait_indirect_dma semaphore(%arg19 : memref<!tpu.dma_semaphore, #tpu.memory_space<semaphore_mem>>) src(%arg10 : memref<128x128xf32, #tpu.memory_space<vmem>>) dst(%dma_wait3A_173 : memref<10000x128xf32, #tpu.memory_space<vmem_shared>>)
      } else {
      }
      %lt3A_114 = arith.cmpi slt, %add3A_104, %select_n3A : i32
      %convert_element_type3A_115 = arith.extui %lt3A_114 : i1 to i32
      %cond3A_116 = arith.constant 0 : i32
      %cond3A_117 = arith.cmpi ne, %convert_element_type3A_115, %cond3A_116 : i32
      scf.if %cond3A_117 {
        %add3A_168 = arith.addi %add3A_4, %add3A_104 : i32
        %mul3A_169 = arith.constant 128 : i32
        %mul3A_170 = arith.muli %add3A_168, %mul3A_169 : i32
        %dma_start3A = arith.constant 0 : i32
        %dma_start3A_171 = tpu.memref_slice %arg3[%dma_start3A, %mul3A_170] : memref<2x320000xi32, #tpu.memory_space<hbm>> -> memref<2x128xi32, #tpu.memory_space<hbm>>
        %dma_start3A_172 = arith.constant 0 : i32
        %dma_start3A_173 = tpu.memref_slice %arg3[%dma_start3A_172, %mul3A_170] : memref<2x320000xi32, #tpu.memory_space<hbm>> -> memref<2x128xi32, #tpu.memory_space<hbm>>
        tpu.enqueue_dma source(%dma_start3A_173 : memref<2x128xi32, #tpu.memory_space<hbm>>) target(%arg7 : memref<2x128xi32, #tpu.memory_space<vmem>>) target_semaphore(%arg13 : memref<!tpu.dma_semaphore, #tpu.memory_space<semaphore_mem>>)
      } else {
      }
      %ge3A_118 = arith.constant 1 : i32
      %ge3A_119 = arith.cmpi sge, %add3A_104, %ge3A_118 : i32
      %le3A_120 = arith.cmpi sle, %add3A_104, %select_n3A : i32
      %and3A_121 = arith.andi %ge3A_119, %le3A_120 : i1
      %convert_element_type3A_122 = arith.extui %and3A_121 : i1 to i32
      %cond3A_123 = arith.constant 0 : i32
      %cond3A_124 = arith.cmpi ne, %convert_element_type3A_122, %cond3A_123 : i32
      scf.if %cond3A_124 {
        %dma_wait3A = arith.constant 0 : i32
        %dma_wait3A_168 = arith.constant 0 : i32
        %dma_wait3A_169 = tpu.memref_slice %arg3[%dma_wait3A, %dma_wait3A_168] : memref<2x320000xi32, #tpu.memory_space<hbm>> -> memref<2x128xi32, #tpu.memory_space<hbm>>
        %dma_wait3A_170 = arith.constant 0 : i32
        %dma_wait3A_171 = arith.constant 0 : i32
        %dma_wait3A_172 = tpu.memref_slice %arg3[%dma_wait3A_170, %dma_wait3A_171] : memref<2x320000xi32, #tpu.memory_space<hbm>> -> memref<2x128xi32, #tpu.memory_space<hbm>>
        tpu.wait_dma2 semaphore(%arg12 : memref<!tpu.dma_semaphore, #tpu.memory_space<semaphore_mem>>) src(%dma_wait3A_172 : memref<2x128xi32, #tpu.memory_space<hbm>>) dst(%arg6 : memref<2x128xi32, #tpu.memory_space<vmem>>)
        %dma_start3A = arith.constant 0 : i32
        %dma_start3A_173 = arith.constant 0 : i32
        %dma_start3A_174 = tpu.memref_slice %arg6[%dma_start3A, %dma_start3A_173] : memref<2x128xi32, #tpu.memory_space<vmem>> -> memref<1x128xi32, #tpu.memory_space<vmem>>
        %dma_start3A_175 = tpu.memref_squeeze %dma_start3A_174 : memref<1x128xi32, #tpu.memory_space<vmem>> -> memref<128xi32, #tpu.memory_space<vmem>>
        %dma_start3A_176 = arith.constant 0 : i32
        %dma_start3A_177 = arith.constant 0 : i32
        %dma_start3A_178 = tpu.memref_slice %arg2[%dma_start3A_176, %dma_start3A_177] : memref<10000x128xf32, #tpu.memory_space<hbm>> -> memref<10000x128xf32, #tpu.memory_space<hbm>>
        tpu.enqueue_indirect_dma source(%dma_start3A_178 : memref<10000x128xf32, #tpu.memory_space<hbm>>) target(%arg9 : memref<128x128xf32, #tpu.memory_space<vmem>>) offsets(%dma_start3A_175 : memref<128xi32, #tpu.memory_space<vmem>>) semaphore(%arg15 : memref<!tpu.dma_semaphore, #tpu.memory_space<semaphore_mem>>)
      } else {
      }
      %ge3A_125 = arith.constant 2 : i32
      %ge3A_126 = arith.cmpi sge, %add3A_104, %ge3A_125 : i32
      %add3A_127 = arith.constant 1 : i32
      %add3A_128 = arith.addi %select_n3A, %add3A_127 : i32
      %le3A_129 = arith.cmpi sle, %add3A_104, %add3A_128 : i32
      %and3A_130 = arith.andi %ge3A_126, %le3A_129 : i1
      %convert_element_type3A_131 = arith.extui %and3A_130 : i1 to i32
      %cond3A_132 = arith.constant 0 : i32
      %cond3A_133 = arith.cmpi ne, %convert_element_type3A_131, %cond3A_132 : i32
      scf.if %cond3A_133 {
        %dma_wait3A = arith.constant 0 : i32
        %dma_wait3A_168 = arith.constant 0 : i32
        %dma_wait3A_169 = tpu.memref_slice %arg8[%dma_wait3A, %dma_wait3A_168] : memref<2x128xi32, #tpu.memory_space<vmem>> -> memref<1x128xi32, #tpu.memory_space<vmem>>
        %dma_wait3A_170 = tpu.memref_squeeze %dma_wait3A_169 : memref<1x128xi32, #tpu.memory_space<vmem>> -> memref<128xi32, #tpu.memory_space<vmem>>
        %dma_wait3A_171 = arith.constant 0 : i32
        %dma_wait3A_172 = arith.constant 0 : i32
        %dma_wait3A_173 = tpu.memref_slice %arg2[%dma_wait3A_171, %dma_wait3A_172] : memref<10000x128xf32, #tpu.memory_space<hbm>> -> memref<10000x128xf32, #tpu.memory_space<hbm>>
        tpu.wait_indirect_dma semaphore(%arg17 : memref<!tpu.dma_semaphore, #tpu.memory_space<semaphore_mem>>) src(%dma_wait3A_173 : memref<10000x128xf32, #tpu.memory_space<hbm>>) dst(%arg11 : memref<128x128xf32, #tpu.memory_space<vmem>>)
        %dma_start3A = arith.constant 1 : i32
        %dma_start3A_174 = arith.constant 0 : i32
        %dma_start3A_175 = tpu.memref_slice %arg8[%dma_start3A, %dma_start3A_174] : memref<2x128xi32, #tpu.memory_space<vmem>> -> memref<1x128xi32, #tpu.memory_space<vmem>>
        %dma_start3A_176 = tpu.memref_squeeze %dma_start3A_175 : memref<1x128xi32, #tpu.memory_space<vmem>> -> memref<128xi32, #tpu.memory_space<vmem>>
        %dma_start3A_177 = arith.constant 0 : i32
        %dma_start3A_178 = arith.constant 0 : i32
        %dma_start3A_179 = tpu.memref_slice %arg5[%dma_start3A_177, %dma_start3A_178] : memref<10000x128xf32, #tpu.memory_space<vmem_shared>> -> memref<10000x128xf32, #tpu.memory_space<vmem_shared>>
        tpu.enqueue_indirect_dma source(%arg11 : memref<128x128xf32, #tpu.memory_space<vmem>>) target(%dma_start3A_179 : memref<10000x128xf32, #tpu.memory_space<vmem_shared>>) offsets(%dma_start3A_176 : memref<128xi32, #tpu.memory_space<vmem>>) semaphore(%arg20 : memref<!tpu.dma_semaphore, #tpu.memory_space<semaphore_mem>>) {add = true}
      } else {
      }
      %mul3A_134 = arith.constant 3 : i32
      %mul3A_135 = arith.muli %while3A_70, %mul3A_134 : i32
      %add3A_136 = arith.constant 2 : i32
      %add3A_137 = arith.addi %mul3A_135, %add3A_136 : i32
      %ge3A_138 = arith.constant 3 : i32
      %ge3A_139 = arith.cmpi sge, %add3A_137, %ge3A_138 : i32
      %add3A_140 = arith.constant 3 : i32
      %add3A_141 = arith.addi %select_n3A, %add3A_140 : i32
      %lt3A_142 = arith.cmpi slt, %add3A_137, %add3A_141 : i32
      %and3A_143 = arith.andi %ge3A_139, %lt3A_142 : i1
      %convert_element_type3A_144 = arith.extui %and3A_143 : i1 to i32
      %cond3A_145 = arith.constant 0 : i32
      %cond3A_146 = arith.cmpi ne, %convert_element_type3A_144, %cond3A_145 : i32
      scf.if %cond3A_146 {
        %dma_wait3A = arith.constant 1 : i32
        %dma_wait3A_168 = arith.constant 0 : i32
        %dma_wait3A_169 = tpu.memref_slice %arg8[%dma_wait3A, %dma_wait3A_168] : memref<2x128xi32, #tpu.memory_space<vmem>> -> memref<1x128xi32, #tpu.memory_space<vmem>>
        %dma_wait3A_170 = tpu.memref_squeeze %dma_wait3A_169 : memref<1x128xi32, #tpu.memory_space<vmem>> -> memref<128xi32, #tpu.memory_space<vmem>>
        %dma_wait3A_171 = arith.constant 0 : i32
        %dma_wait3A_172 = arith.constant 0 : i32
        %dma_wait3A_173 = tpu.memref_slice %arg5[%dma_wait3A_171, %dma_wait3A_172] : memref<10000x128xf32, #tpu.memory_space<vmem_shared>> -> memref<10000x128xf32, #tpu.memory_space<vmem_shared>>
        tpu.wait_indirect_dma semaphore(%arg20 : memref<!tpu.dma_semaphore, #tpu.memory_space<semaphore_mem>>) src(%arg11 : memref<128x128xf32, #tpu.memory_space<vmem>>) dst(%dma_wait3A_173 : memref<10000x128xf32, #tpu.memory_space<vmem_shared>>)
      } else {
      }
      %lt3A_147 = arith.cmpi slt, %add3A_137, %select_n3A : i32
      %convert_element_type3A_148 = arith.extui %lt3A_147 : i1 to i32
      %cond3A_149 = arith.constant 0 : i32
      %cond3A_150 = arith.cmpi ne, %convert_element_type3A_148, %cond3A_149 : i32
      scf.if %cond3A_150 {
        %add3A_168 = arith.addi %add3A_4, %add3A_137 : i32
        %mul3A_169 = arith.constant 128 : i32
        %mul3A_170 = arith.muli %add3A_168, %mul3A_169 : i32
        %dma_start3A = arith.constant 0 : i32
        %dma_start3A_171 = tpu.memref_slice %arg3[%dma_start3A, %mul3A_170] : memref<2x320000xi32, #tpu.memory_space<hbm>> -> memref<2x128xi32, #tpu.memory_space<hbm>>
        %dma_start3A_172 = arith.constant 0 : i32
        %dma_start3A_173 = tpu.memref_slice %arg3[%dma_start3A_172, %mul3A_170] : memref<2x320000xi32, #tpu.memory_space<hbm>> -> memref<2x128xi32, #tpu.memory_space<hbm>>
        tpu.enqueue_dma source(%dma_start3A_173 : memref<2x128xi32, #tpu.memory_space<hbm>>) target(%arg8 : memref<2x128xi32, #tpu.memory_space<vmem>>) target_semaphore(%arg14 : memref<!tpu.dma_semaphore, #tpu.memory_space<semaphore_mem>>)
      } else {
      }
      %ge3A_151 = arith.constant 1 : i32
      %ge3A_152 = arith.cmpi sge, %add3A_137, %ge3A_151 : i32
      %le3A_153 = arith.cmpi sle, %add3A_137, %select_n3A : i32
      %and3A_154 = arith.andi %ge3A_152, %le3A_153 : i1
      %convert_element_type3A_155 = arith.extui %and3A_154 : i1 to i32
      %cond3A_156 = arith.constant 0 : i32
      %cond3A_157 = arith.cmpi ne, %convert_element_type3A_155, %cond3A_156 : i32
      scf.if %cond3A_157 {
        %dma_wait3A = arith.constant 0 : i32
        %dma_wait3A_168 = arith.constant 0 : i32
        %dma_wait3A_169 = tpu.memref_slice %arg3[%dma_wait3A, %dma_wait3A_168] : memref<2x320000xi32, #tpu.memory_space<hbm>> -> memref<2x128xi32, #tpu.memory_space<hbm>>
        %dma_wait3A_170 = arith.constant 0 : i32
        %dma_wait3A_171 = arith.constant 0 : i32
        %dma_wait3A_172 = tpu.memref_slice %arg3[%dma_wait3A_170, %dma_wait3A_171] : memref<2x320000xi32, #tpu.memory_space<hbm>> -> memref<2x128xi32, #tpu.memory_space<hbm>>
        tpu.wait_dma2 semaphore(%arg13 : memref<!tpu.dma_semaphore, #tpu.memory_space<semaphore_mem>>) src(%dma_wait3A_172 : memref<2x128xi32, #tpu.memory_space<hbm>>) dst(%arg7 : memref<2x128xi32, #tpu.memory_space<vmem>>)
        %dma_start3A = arith.constant 0 : i32
        %dma_start3A_173 = arith.constant 0 : i32
        %dma_start3A_174 = tpu.memref_slice %arg7[%dma_start3A, %dma_start3A_173] : memref<2x128xi32, #tpu.memory_space<vmem>> -> memref<1x128xi32, #tpu.memory_space<vmem>>
        %dma_start3A_175 = tpu.memref_squeeze %dma_start3A_174 : memref<1x128xi32, #tpu.memory_space<vmem>> -> memref<128xi32, #tpu.memory_space<vmem>>
        %dma_start3A_176 = arith.constant 0 : i32
        %dma_start3A_177 = arith.constant 0 : i32
        %dma_start3A_178 = tpu.memref_slice %arg2[%dma_start3A_176, %dma_start3A_177] : memref<10000x128xf32, #tpu.memory_space<hbm>> -> memref<10000x128xf32, #tpu.memory_space<hbm>>
        tpu.enqueue_indirect_dma source(%dma_start3A_178 : memref<10000x128xf32, #tpu.memory_space<hbm>>) target(%arg10 : memref<128x128xf32, #tpu.memory_space<vmem>>) offsets(%dma_start3A_175 : memref<128xi32, #tpu.memory_space<vmem>>) semaphore(%arg16 : memref<!tpu.dma_semaphore, #tpu.memory_space<semaphore_mem>>)
      } else {
      }
      %ge3A_158 = arith.constant 2 : i32
      %ge3A_159 = arith.cmpi sge, %add3A_137, %ge3A_158 : i32
      %add3A_160 = arith.constant 1 : i32
      %add3A_161 = arith.addi %select_n3A, %add3A_160 : i32
      %le3A_162 = arith.cmpi sle, %add3A_137, %add3A_161 : i32
      %and3A_163 = arith.andi %ge3A_159, %le3A_162 : i1
      %convert_element_type3A_164 = arith.extui %and3A_163 : i1 to i32
      %cond3A_165 = arith.constant 0 : i32
      %cond3A_166 = arith.cmpi ne, %convert_element_type3A_164, %cond3A_165 : i32
      scf.if %cond3A_166 {
        %dma_wait3A = arith.constant 0 : i32
        %dma_wait3A_168 = arith.constant 0 : i32
        %dma_wait3A_169 = tpu.memref_slice %arg6[%dma_wait3A, %dma_wait3A_168] : memref<2x128xi32, #tpu.memory_space<vmem>> -> memref<1x128xi32, #tpu.memory_space<vmem>>
        %dma_wait3A_170 = tpu.memref_squeeze %dma_wait3A_169 : memref<1x128xi32, #tpu.memory_space<vmem>> -> memref<128xi32, #tpu.memory_space<vmem>>
        %dma_wait3A_171 = arith.constant 0 : i32
        %dma_wait3A_172 = arith.constant 0 : i32
        %dma_wait3A_173 = tpu.memref_slice %arg2[%dma_wait3A_171, %dma_wait3A_172] : memref<10000x128xf32, #tpu.memory_space<hbm>> -> memref<10000x128xf32, #tpu.memory_space<hbm>>
        tpu.wait_indirect_dma semaphore(%arg15 : memref<!tpu.dma_semaphore, #tpu.memory_space<semaphore_mem>>) src(%dma_wait3A_173 : memref<10000x128xf32, #tpu.memory_space<hbm>>) dst(%arg9 : memref<128x128xf32, #tpu.memory_space<vmem>>)
        %dma_start3A = arith.constant 1 : i32
        %dma_start3A_174 = arith.constant 0 : i32
        %dma_start3A_175 = tpu.memref_slice %arg6[%dma_start3A, %dma_start3A_174] : memref<2x128xi32, #tpu.memory_space<vmem>> -> memref<1x128xi32, #tpu.memory_space<vmem>>
        %dma_start3A_176 = tpu.memref_squeeze %dma_start3A_175 : memref<1x128xi32, #tpu.memory_space<vmem>> -> memref<128xi32, #tpu.memory_space<vmem>>
        %dma_start3A_177 = arith.constant 0 : i32
        %dma_start3A_178 = arith.constant 0 : i32
        %dma_start3A_179 = tpu.memref_slice %arg5[%dma_start3A_177, %dma_start3A_178] : memref<10000x128xf32, #tpu.memory_space<vmem_shared>> -> memref<10000x128xf32, #tpu.memory_space<vmem_shared>>
        tpu.enqueue_indirect_dma source(%arg9 : memref<128x128xf32, #tpu.memory_space<vmem>>) target(%dma_start3A_179 : memref<10000x128xf32, #tpu.memory_space<vmem_shared>>) offsets(%dma_start3A_176 : memref<128xi32, #tpu.memory_space<vmem>>) semaphore(%arg18 : memref<!tpu.dma_semaphore, #tpu.memory_space<semaphore_mem>>) {add = true}
      } else {
      }
      %while3A_167 = arith.constant 0 : i32
      scf.yield %while3A_167 : i32
    }
    %while3A_63 = arith.constant 1 : i32
    %while3A_64 = scf.for %while3A_70 = %while3A_60 to %while3A_56 step %while3A_63 iter_args(%while3A_71 = %while3A_62) -> (i32)  : i32 {
      %mul3A_72 = arith.constant 3 : i32
      %mul3A_73 = arith.muli %while3A_70, %mul3A_72 : i32
      %add3A_74 = arith.constant 0 : i32
      %add3A_75 = arith.addi %mul3A_73, %add3A_74 : i32
      %ge3A = arith.constant 3 : i32
      %ge3A_76 = arith.cmpi sge, %add3A_75, %ge3A : i32
      %add3A_77 = arith.constant 3 : i32
      %add3A_78 = arith.addi %select_n3A, %add3A_77 : i32
      %lt3A_79 = arith.cmpi slt, %add3A_75, %add3A_78 : i32
      %and3A_80 = arith.andi %ge3A_76, %lt3A_79 : i1
      %convert_element_type3A = arith.extui %and3A_80 : i1 to i32
      %cond3A = arith.constant 0 : i32
      %cond3A_81 = arith.cmpi ne, %convert_element_type3A, %cond3A : i32
      scf.if %cond3A_81 {
        %dma_wait3A = arith.constant 1 : i32
        %dma_wait3A_168 = arith.constant 0 : i32
        %dma_wait3A_169 = tpu.memref_slice %arg6[%dma_wait3A, %dma_wait3A_168] : memref<2x128xi32, #tpu.memory_space<vmem>> -> memref<1x128xi32, #tpu.memory_space<vmem>>
        %dma_wait3A_170 = tpu.memref_squeeze %dma_wait3A_169 : memref<1x128xi32, #tpu.memory_space<vmem>> -> memref<128xi32, #tpu.memory_space<vmem>>
        %dma_wait3A_171 = arith.constant 0 : i32
        %dma_wait3A_172 = arith.constant 0 : i32
        %dma_wait3A_173 = tpu.memref_slice %arg5[%dma_wait3A_171, %dma_wait3A_172] : memref<10000x128xf32, #tpu.memory_space<vmem_shared>> -> memref<10000x128xf32, #tpu.memory_space<vmem_shared>>
        tpu.wait_indirect_dma semaphore(%arg18 : memref<!tpu.dma_semaphore, #tpu.memory_space<semaphore_mem>>) src(%arg9 : memref<128x128xf32, #tpu.memory_space<vmem>>) dst(%dma_wait3A_173 : memref<10000x128xf32, #tpu.memory_space<vmem_shared>>)
      } else {
      }
      %lt3A_82 = arith.cmpi slt, %add3A_75, %select_n3A : i32
      %convert_element_type3A_83 = arith.extui %lt3A_82 : i1 to i32
      %cond3A_84 = arith.constant 0 : i32
      %cond3A_85 = arith.cmpi ne, %convert_element_type3A_83, %cond3A_84 : i32
      scf.if %cond3A_85 {
        %add3A_168 = arith.addi %add3A_4, %add3A_75 : i32
        %mul3A_169 = arith.constant 128 : i32
        %mul3A_170 = arith.muli %add3A_168, %mul3A_169 : i32
        %dma_start3A = arith.constant 0 : i32
        %dma_start3A_171 = tpu.memref_slice %arg3[%dma_start3A, %mul3A_170] : memref<2x320000xi32, #tpu.memory_space<hbm>> -> memref<2x128xi32, #tpu.memory_space<hbm>>
        %dma_start3A_172 = arith.constant 0 : i32
        %dma_start3A_173 = tpu.memref_slice %arg3[%dma_start3A_172, %mul3A_170] : memref<2x320000xi32, #tpu.memory_space<hbm>> -> memref<2x128xi32, #tpu.memory_space<hbm>>
        tpu.enqueue_dma source(%dma_start3A_173 : memref<2x128xi32, #tpu.memory_space<hbm>>) target(%arg6 : memref<2x128xi32, #tpu.memory_space<vmem>>) target_semaphore(%arg12 : memref<!tpu.dma_semaphore, #tpu.memory_space<semaphore_mem>>)
      } else {
      }
      %ge3A_86 = arith.constant 1 : i32
      %ge3A_87 = arith.cmpi sge, %add3A_75, %ge3A_86 : i32
      %le3A = arith.cmpi sle, %add3A_75, %select_n3A : i32
      %and3A_88 = arith.andi %ge3A_87, %le3A : i1
      %convert_element_type3A_89 = arith.extui %and3A_88 : i1 to i32
      %cond3A_90 = arith.constant 0 : i32
      %cond3A_91 = arith.cmpi ne, %convert_element_type3A_89, %cond3A_90 : i32
      scf.if %cond3A_91 {
        %dma_wait3A = arith.constant 0 : i32
        %dma_wait3A_168 = arith.constant 0 : i32
        %dma_wait3A_169 = tpu.memref_slice %arg3[%dma_wait3A, %dma_wait3A_168] : memref<2x320000xi32, #tpu.memory_space<hbm>> -> memref<2x128xi32, #tpu.memory_space<hbm>>
        %dma_wait3A_170 = arith.constant 0 : i32
        %dma_wait3A_171 = arith.constant 0 : i32
        %dma_wait3A_172 = tpu.memref_slice %arg3[%dma_wait3A_170, %dma_wait3A_171] : memref<2x320000xi32, #tpu.memory_space<hbm>> -> memref<2x128xi32, #tpu.memory_space<hbm>>
        tpu.wait_dma2 semaphore(%arg14 : memref<!tpu.dma_semaphore, #tpu.memory_space<semaphore_mem>>) src(%dma_wait3A_172 : memref<2x128xi32, #tpu.memory_space<hbm>>) dst(%arg8 : memref<2x128xi32, #tpu.memory_space<vmem>>)
        %dma_start3A = arith.constant 0 : i32
        %dma_start3A_173 = arith.constant 0 : i32
        %dma_start3A_174 = tpu.memref_slice %arg8[%dma_start3A, %dma_start3A_173] : memref<2x128xi32, #tpu.memory_space<vmem>> -> memref<1x128xi32, #tpu.memory_space<vmem>>
        %dma_start3A_175 = tpu.memref_squeeze %dma_start3A_174 : memref<1x128xi32, #tpu.memory_space<vmem>> -> memref<128xi32, #tpu.memory_space<vmem>>
        %dma_start3A_176 = arith.constant 0 : i32
        %dma_start3A_177 = arith.constant 0 : i32
        %dma_start3A_178 = tpu.memref_slice %arg2[%dma_start3A_176, %dma_start3A_177] : memref<10000x128xf32, #tpu.memory_space<hbm>> -> memref<10000x128xf32, #tpu.memory_space<hbm>>
        tpu.enqueue_indirect_dma source(%dma_start3A_178 : memref<10000x128xf32, #tpu.memory_space<hbm>>) target(%arg11 : memref<128x128xf32, #tpu.memory_space<vmem>>) offsets(%dma_start3A_175 : memref<128xi32, #tpu.memory_space<vmem>>) semaphore(%arg17 : memref<!tpu.dma_semaphore, #tpu.memory_space<semaphore_mem>>)
      } else {
      }
      %ge3A_92 = arith.constant 2 : i32
      %ge3A_93 = arith.cmpi sge, %add3A_75, %ge3A_92 : i32
      %add3A_94 = arith.constant 1 : i32
      %add3A_95 = arith.addi %select_n3A, %add3A_94 : i32
      %le3A_96 = arith.cmpi sle, %add3A_75, %add3A_95 : i32
      %and3A_97 = arith.andi %ge3A_93, %le3A_96 : i1
      %convert_element_type3A_98 = arith.extui %and3A_97 : i1 to i32
      %cond3A_99 = arith.constant 0 : i32
      %cond3A_100 = arith.cmpi ne, %convert_element_type3A_98, %cond3A_99 : i32
      scf.if %cond3A_100 {
        %dma_wait3A = arith.constant 0 : i32
        %dma_wait3A_168 = arith.constant 0 : i32
        %dma_wait3A_169 = tpu.memref_slice %arg7[%dma_wait3A, %dma_wait3A_168] : memref<2x128xi32, #tpu.memory_space<vmem>> -> memref<1x128xi32, #tpu.memory_space<vmem>>
        %dma_wait3A_170 = tpu.memref_squeeze %dma_wait3A_169 : memref<1x128xi32, #tpu.memory_space<vmem>> -> memref<128xi32, #tpu.memory_space<vmem>>
        %dma_wait3A_171 = arith.constant 0 : i32
        %dma_wait3A_172 = arith.constant 0 : i32
        %dma_wait3A_173 = tpu.memref_slice %arg2[%dma_wait3A_171, %dma_wait3A_172] : memref<10000x128xf32, #tpu.memory_space<hbm>> -> memref<10000x128xf32, #tpu.memory_space<hbm>>
        tpu.wait_indirect_dma semaphore(%arg16 : memref<!tpu.dma_semaphore, #tpu.memory_space<semaphore_mem>>) src(%dma_wait3A_173 : memref<10000x128xf32, #tpu.memory_space<hbm>>) dst(%arg10 : memref<128x128xf32, #tpu.memory_space<vmem>>)
        %dma_start3A = arith.constant 1 : i32
        %dma_start3A_174 = arith.constant 0 : i32
        %dma_start3A_175 = tpu.memref_slice %arg7[%dma_start3A, %dma_start3A_174] : memref<2x128xi32, #tpu.memory_space<vmem>> -> memref<1x128xi32, #tpu.memory_space<vmem>>
        %dma_start3A_176 = tpu.memref_squeeze %dma_start3A_175 : memref<1x128xi32, #tpu.memory_space<vmem>> -> memref<128xi32, #tpu.memory_space<vmem>>
        %dma_start3A_177 = arith.constant 0 : i32
        %dma_start3A_178 = arith.constant 0 : i32
        %dma_start3A_179 = tpu.memref_slice %arg5[%dma_start3A_177, %dma_start3A_178] : memref<10000x128xf32, #tpu.memory_space<vmem_shared>> -> memref<10000x128xf32, #tpu.memory_space<vmem_shared>>
        tpu.enqueue_indirect_dma source(%arg10 : memref<128x128xf32, #tpu.memory_space<vmem>>) target(%dma_start3A_179 : memref<10000x128xf32, #tpu.memory_space<vmem_shared>>) offsets(%dma_start3A_176 : memref<128xi32, #tpu.memory_space<vmem>>) semaphore(%arg19 : memref<!tpu.dma_semaphore, #tpu.memory_space<semaphore_mem>>) {add = true}
      } else {
      }
      %mul3A_101 = arith.constant 3 : i32
      %mul3A_102 = arith.muli %while3A_70, %mul3A_101 : i32
      %add3A_103 = arith.constant 1 : i32
      %add3A_104 = arith.addi %mul3A_102, %add3A_103 : i32
      %ge3A_105 = arith.constant 3 : i32
      %ge3A_106 = arith.cmpi sge, %add3A_104, %ge3A_105 : i32
      %add3A_107 = arith.constant 3 : i32
      %add3A_108 = arith.addi %select_n3A, %add3A_107 : i32
      %lt3A_109 = arith.cmpi slt, %add3A_104, %add3A_108 : i32
      %and3A_110 = arith.andi %ge3A_106, %lt3A_109 : i1
      %convert_element_type3A_111 = arith.extui %and3A_110 : i1 to i32
      %cond3A_112 = arith.constant 0 : i32
      %cond3A_113 = arith.cmpi ne, %convert_element_type3A_111, %cond3A_112 : i32
      scf.if %cond3A_113 {
        %dma_wait3A = arith.constant 1 : i32
        %dma_wait3A_168 = arith.constant 0 : i32
        %dma_wait3A_169 = tpu.memref_slice %arg7[%dma_wait3A, %dma_wait3A_168] : memref<2x128xi32, #tpu.memory_space<vmem>> -> memref<1x128xi32, #tpu.memory_space<vmem>>
        %dma_wait3A_170 = tpu.memref_squeeze %dma_wait3A_169 : memref<1x128xi32, #tpu.memory_space<vmem>> -> memref<128xi32, #tpu.memory_space<vmem>>
        %dma_wait3A_171 = arith.constant 0 : i32
        %dma_wait3A_172 = arith.constant 0 : i32
        %dma_wait3A_173 = tpu.memref_slice %arg5[%dma_wait3A_171, %dma_wait3A_172] : memref<10000x128xf32, #tpu.memory_space<vmem_shared>> -> memref<10000x128xf32, #tpu.memory_space<vmem_shared>>
        tpu.wait_indirect_dma semaphore(%arg19 : memref<!tpu.dma_semaphore, #tpu.memory_space<semaphore_mem>>) src(%arg10 : memref<128x128xf32, #tpu.memory_space<vmem>>) dst(%dma_wait3A_173 : memref<10000x128xf32, #tpu.memory_space<vmem_shared>>)
      } else {
      }
      %lt3A_114 = arith.cmpi slt, %add3A_104, %select_n3A : i32
      %convert_element_type3A_115 = arith.extui %lt3A_114 : i1 to i32
      %cond3A_116 = arith.constant 0 : i32
      %cond3A_117 = arith.cmpi ne, %convert_element_type3A_115, %cond3A_116 : i32
      scf.if %cond3A_117 {
        %add3A_168 = arith.addi %add3A_4, %add3A_104 : i32
        %mul3A_169 = arith.constant 128 : i32
        %mul3A_170 = arith.muli %add3A_168, %mul3A_169 : i32
        %dma_start3A = arith.constant 0 : i32
        %dma_start3A_171 = tpu.memref_slice %arg3[%dma_start3A, %mul3A_170] : memref<2x320000xi32, #tpu.memory_space<hbm>> -> memref<2x128xi32, #tpu.memory_space<hbm>>
        %dma_start3A_172 = arith.constant 0 : i32
        %dma_start3A_173 = tpu.memref_slice %arg3[%dma_start3A_172, %mul3A_170] : memref<2x320000xi32, #tpu.memory_space<hbm>> -> memref<2x128xi32, #tpu.memory_space<hbm>>
        tpu.enqueue_dma source(%dma_start3A_173 : memref<2x128xi32, #tpu.memory_space<hbm>>) target(%arg7 : memref<2x128xi32, #tpu.memory_space<vmem>>) target_semaphore(%arg13 : memref<!tpu.dma_semaphore, #tpu.memory_space<semaphore_mem>>)
      } else {
      }
      %ge3A_118 = arith.constant 1 : i32
      %ge3A_119 = arith.cmpi sge, %add3A_104, %ge3A_118 : i32
      %le3A_120 = arith.cmpi sle, %add3A_104, %select_n3A : i32
      %and3A_121 = arith.andi %ge3A_119, %le3A_120 : i1
      %convert_element_type3A_122 = arith.extui %and3A_121 : i1 to i32
      %cond3A_123 = arith.constant 0 : i32
      %cond3A_124 = arith.cmpi ne, %convert_element_type3A_122, %cond3A_123 : i32
      scf.if %cond3A_124 {
        %dma_wait3A = arith.constant 0 : i32
        %dma_wait3A_168 = arith.constant 0 : i32
        %dma_wait3A_169 = tpu.memref_slice %arg3[%dma_wait3A, %dma_wait3A_168] : memref<2x320000xi32, #tpu.memory_space<hbm>> -> memref<2x128xi32, #tpu.memory_space<hbm>>
        %dma_wait3A_170 = arith.constant 0 : i32
        %dma_wait3A_171 = arith.constant 0 : i32
        %dma_wait3A_172 = tpu.memref_slice %arg3[%dma_wait3A_170, %dma_wait3A_171] : memref<2x320000xi32, #tpu.memory_space<hbm>> -> memref<2x128xi32, #tpu.memory_space<hbm>>
        tpu.wait_dma2 semaphore(%arg12 : memref<!tpu.dma_semaphore, #tpu.memory_space<semaphore_mem>>) src(%dma_wait3A_172 : memref<2x128xi32, #tpu.memory_space<hbm>>) dst(%arg6 : memref<2x128xi32, #tpu.memory_space<vmem>>)
        %dma_start3A = arith.constant 0 : i32
        %dma_start3A_173 = arith.constant 0 : i32
        %dma_start3A_174 = tpu.memref_slice %arg6[%dma_start3A, %dma_start3A_173] : memref<2x128xi32, #tpu.memory_space<vmem>> -> memref<1x128xi32, #tpu.memory_space<vmem>>
        %dma_start3A_175 = tpu.memref_squeeze %dma_start3A_174 : memref<1x128xi32, #tpu.memory_space<vmem>> -> memref<128xi32, #tpu.memory_space<vmem>>
        %dma_start3A_176 = arith.constant 0 : i32
        %dma_start3A_177 = arith.constant 0 : i32
        %dma_start3A_178 = tpu.memref_slice %arg2[%dma_start3A_176, %dma_start3A_177] : memref<10000x128xf32, #tpu.memory_space<hbm>> -> memref<10000x128xf32, #tpu.memory_space<hbm>>
        tpu.enqueue_indirect_dma source(%dma_start3A_178 : memref<10000x128xf32, #tpu.memory_space<hbm>>) target(%arg9 : memref<128x128xf32, #tpu.memory_space<vmem>>) offsets(%dma_start3A_175 : memref<128xi32, #tpu.memory_space<vmem>>) semaphore(%arg15 : memref<!tpu.dma_semaphore, #tpu.memory_space<semaphore_mem>>)
      } else {
      }
      %ge3A_125 = arith.constant 2 : i32
      %ge3A_126 = arith.cmpi sge, %add3A_104, %ge3A_125 : i32
      %add3A_127 = arith.constant 1 : i32
      %add3A_128 = arith.addi %select_n3A, %add3A_127 : i32
      %le3A_129 = arith.cmpi sle, %add3A_104, %add3A_128 : i32
      %and3A_130 = arith.andi %ge3A_126, %le3A_129 : i1
      %convert_element_type3A_131 = arith.extui %and3A_130 : i1 to i32
      %cond3A_132 = arith.constant 0 : i32
      %cond3A_133 = arith.cmpi ne, %convert_element_type3A_131, %cond3A_132 : i32
      scf.if %cond3A_133 {
        %dma_wait3A = arith.constant 0 : i32
        %dma_wait3A_168 = arith.constant 0 : i32
        %dma_wait3A_169 = tpu.memref_slice %arg8[%dma_wait3A, %dma_wait3A_168] : memref<2x128xi32, #tpu.memory_space<vmem>> -> memref<1x128xi32, #tpu.memory_space<vmem>>
        %dma_wait3A_170 = tpu.memref_squeeze %dma_wait3A_169 : memref<1x128xi32, #tpu.memory_space<vmem>> -> memref<128xi32, #tpu.memory_space<vmem>>
        %dma_wait3A_171 = arith.constant 0 : i32
        %dma_wait3A_172 = arith.constant 0 : i32
        %dma_wait3A_173 = tpu.memref_slice %arg2[%dma_wait3A_171, %dma_wait3A_172] : memref<10000x128xf32, #tpu.memory_space<hbm>> -> memref<10000x128xf32, #tpu.memory_space<hbm>>
        tpu.wait_indirect_dma semaphore(%arg17 : memref<!tpu.dma_semaphore, #tpu.memory_space<semaphore_mem>>) src(%dma_wait3A_173 : memref<10000x128xf32, #tpu.memory_space<hbm>>) dst(%arg11 : memref<128x128xf32, #tpu.memory_space<vmem>>)
        %dma_start3A = arith.constant 1 : i32
        %dma_start3A_174 = arith.constant 0 : i32
        %dma_start3A_175 = tpu.memref_slice %arg8[%dma_start3A, %dma_start3A_174] : memref<2x128xi32, #tpu.memory_space<vmem>> -> memref<1x128xi32, #tpu.memory_space<vmem>>
        %dma_start3A_176 = tpu.memref_squeeze %dma_start3A_175 : memref<1x128xi32, #tpu.memory_space<vmem>> -> memref<128xi32, #tpu.memory_space<vmem>>
        %dma_start3A_177 = arith.constant 0 : i32
        %dma_start3A_178 = arith.constant 0 : i32
        %dma_start3A_179 = tpu.memref_slice %arg5[%dma_start3A_177, %dma_start3A_178] : memref<10000x128xf32, #tpu.memory_space<vmem_shared>> -> memref<10000x128xf32, #tpu.memory_space<vmem_shared>>
        tpu.enqueue_indirect_dma source(%arg11 : memref<128x128xf32, #tpu.memory_space<vmem>>) target(%dma_start3A_179 : memref<10000x128xf32, #tpu.memory_space<vmem_shared>>) offsets(%dma_start3A_176 : memref<128xi32, #tpu.memory_space<vmem>>) semaphore(%arg20 : memref<!tpu.dma_semaphore, #tpu.memory_space<semaphore_mem>>) {add = true}
      } else {
      }
      %mul3A_134 = arith.constant 3 : i32
      %mul3A_135 = arith.muli %while3A_70, %mul3A_134 : i32
      %add3A_136 = arith.constant 2 : i32
      %add3A_137 = arith.addi %mul3A_135, %add3A_136 : i32
      %ge3A_138 = arith.constant 3 : i32
      %ge3A_139 = arith.cmpi sge, %add3A_137, %ge3A_138 : i32
      %add3A_140 = arith.constant 3 : i32
      %add3A_141 = arith.addi %select_n3A, %add3A_140 : i32
      %lt3A_142 = arith.cmpi slt, %add3A_137, %add3A_141 : i32
      %and3A_143 = arith.andi %ge3A_139, %lt3A_142 : i1
      %convert_element_type3A_144 = arith.extui %and3A_143 : i1 to i32
      %cond3A_145 = arith.constant 0 : i32
      %cond3A_146 = arith.cmpi ne, %convert_element_type3A_144, %cond3A_145 : i32
      scf.if %cond3A_146 {
        %dma_wait3A = arith.constant 1 : i32
        %dma_wait3A_168 = arith.constant 0 : i32
        %dma_wait3A_169 = tpu.memref_slice %arg8[%dma_wait3A, %dma_wait3A_168] : memref<2x128xi32, #tpu.memory_space<vmem>> -> memref<1x128xi32, #tpu.memory_space<vmem>>
        %dma_wait3A_170 = tpu.memref_squeeze %dma_wait3A_169 : memref<1x128xi32, #tpu.memory_space<vmem>> -> memref<128xi32, #tpu.memory_space<vmem>>
        %dma_wait3A_171 = arith.constant 0 : i32
        %dma_wait3A_172 = arith.constant 0 : i32
        %dma_wait3A_173 = tpu.memref_slice %arg5[%dma_wait3A_171, %dma_wait3A_172] : memref<10000x128xf32, #tpu.memory_space<vmem_shared>> -> memref<10000x128xf32, #tpu.memory_space<vmem_shared>>
        tpu.wait_indirect_dma semaphore(%arg20 : memref<!tpu.dma_semaphore, #tpu.memory_space<semaphore_mem>>) src(%arg11 : memref<128x128xf32, #tpu.memory_space<vmem>>) dst(%dma_wait3A_173 : memref<10000x128xf32, #tpu.memory_space<vmem_shared>>)
      } else {
      }
      %lt3A_147 = arith.cmpi slt, %add3A_137, %select_n3A : i32
      %convert_element_type3A_148 = arith.extui %lt3A_147 : i1 to i32
      %cond3A_149 = arith.constant 0 : i32
      %cond3A_150 = arith.cmpi ne, %convert_element_type3A_148, %cond3A_149 : i32
      scf.if %cond3A_150 {
        %add3A_168 = arith.addi %add3A_4, %add3A_137 : i32
        %mul3A_169 = arith.constant 128 : i32
        %mul3A_170 = arith.muli %add3A_168, %mul3A_169 : i32
        %dma_start3A = arith.constant 0 : i32
        %dma_start3A_171 = tpu.memref_slice %arg3[%dma_start3A, %mul3A_170] : memref<2x320000xi32, #tpu.memory_space<hbm>> -> memref<2x128xi32, #tpu.memory_space<hbm>>
        %dma_start3A_172 = arith.constant 0 : i32
        %dma_start3A_173 = tpu.memref_slice %arg3[%dma_start3A_172, %mul3A_170] : memref<2x320000xi32, #tpu.memory_space<hbm>> -> memref<2x128xi32, #tpu.memory_space<hbm>>
        tpu.enqueue_dma source(%dma_start3A_173 : memref<2x128xi32, #tpu.memory_space<hbm>>) target(%arg8 : memref<2x128xi32, #tpu.memory_space<vmem>>) target_semaphore(%arg14 : memref<!tpu.dma_semaphore, #tpu.memory_space<semaphore_mem>>)
      } else {
      }
      %ge3A_151 = arith.constant 1 : i32
      %ge3A_152 = arith.cmpi sge, %add3A_137, %ge3A_151 : i32
      %le3A_153 = arith.cmpi sle, %add3A_137, %select_n3A : i32
      %and3A_154 = arith.andi %ge3A_152, %le3A_153 : i1
      %convert_element_type3A_155 = arith.extui %and3A_154 : i1 to i32
      %cond3A_156 = arith.constant 0 : i32
      %cond3A_157 = arith.cmpi ne, %convert_element_type3A_155, %cond3A_156 : i32
      scf.if %cond3A_157 {
        %dma_wait3A = arith.constant 0 : i32
        %dma_wait3A_168 = arith.constant 0 : i32
        %dma_wait3A_169 = tpu.memref_slice %arg3[%dma_wait3A, %dma_wait3A_168] : memref<2x320000xi32, #tpu.memory_space<hbm>> -> memref<2x128xi32, #tpu.memory_space<hbm>>
        %dma_wait3A_170 = arith.constant 0 : i32
        %dma_wait3A_171 = arith.constant 0 : i32
        %dma_wait3A_172 = tpu.memref_slice %arg3[%dma_wait3A_170, %dma_wait3A_171] : memref<2x320000xi32, #tpu.memory_space<hbm>> -> memref<2x128xi32, #tpu.memory_space<hbm>>
        tpu.wait_dma2 semaphore(%arg13 : memref<!tpu.dma_semaphore, #tpu.memory_space<semaphore_mem>>) src(%dma_wait3A_172 : memref<2x128xi32, #tpu.memory_space<hbm>>) dst(%arg7 : memref<2x128xi32, #tpu.memory_space<vmem>>)
        %dma_start3A = arith.constant 0 : i32
        %dma_start3A_173 = arith.constant 0 : i32
        %dma_start3A_174 = tpu.memref_slice %arg7[%dma_start3A, %dma_start3A_173] : memref<2x128xi32, #tpu.memory_space<vmem>> -> memref<1x128xi32, #tpu.memory_space<vmem>>
        %dma_start3A_175 = tpu.memref_squeeze %dma_start3A_174 : memref<1x128xi32, #tpu.memory_space<vmem>> -> memref<128xi32, #tpu.memory_space<vmem>>
        %dma_start3A_176 = arith.constant 0 : i32
        %dma_start3A_177 = arith.constant 0 : i32
        %dma_start3A_178 = tpu.memref_slice %arg2[%dma_start3A_176, %dma_start3A_177] : memref<10000x128xf32, #tpu.memory_space<hbm>> -> memref<10000x128xf32, #tpu.memory_space<hbm>>
        tpu.enqueue_indirect_dma source(%dma_start3A_178 : memref<10000x128xf32, #tpu.memory_space<hbm>>) target(%arg10 : memref<128x128xf32, #tpu.memory_space<vmem>>) offsets(%dma_start3A_175 : memref<128xi32, #tpu.memory_space<vmem>>) semaphore(%arg16 : memref<!tpu.dma_semaphore, #tpu.memory_space<semaphore_mem>>)
      } else {
      }
      %ge3A_158 = arith.constant 2 : i32
      %ge3A_159 = arith.cmpi sge, %add3A_137, %ge3A_158 : i32
      %add3A_160 = arith.constant 1 : i32
      %add3A_161 = arith.addi %select_n3A, %add3A_160 : i32
      %le3A_162 = arith.cmpi sle, %add3A_137, %add3A_161 : i32
      %and3A_163 = arith.andi %ge3A_159, %le3A_162 : i1
      %convert_element_type3A_164 = arith.extui %and3A_163 : i1 to i32
      %cond3A_165 = arith.constant 0 : i32
      %cond3A_166 = arith.cmpi ne, %convert_element_type3A_164, %cond3A_165 : i32
      scf.if %cond3A_166 {
        %dma_wait3A = arith.constant 0 : i32
        %dma_wait3A_168 = arith.constant 0 : i32
        %dma_wait3A_169 = tpu.memref_slice %arg6[%dma_wait3A, %dma_wait3A_168] : memref<2x128xi32, #tpu.memory_space<vmem>> -> memref<1x128xi32, #tpu.memory_space<vmem>>
        %dma_wait3A_170 = tpu.memref_squeeze %dma_wait3A_169 : memref<1x128xi32, #tpu.memory_space<vmem>> -> memref<128xi32, #tpu.memory_space<vmem>>
        %dma_wait3A_171 = arith.constant 0 : i32
        %dma_wait3A_172 = arith.constant 0 : i32
        %dma_wait3A_173 = tpu.memref_slice %arg2[%dma_wait3A_171, %dma_wait3A_172] : memref<10000x128xf32, #tpu.memory_space<hbm>> -> memref<10000x128xf32, #tpu.memory_space<hbm>>
        tpu.wait_indirect_dma semaphore(%arg15 : memref<!tpu.dma_semaphore, #tpu.memory_space<semaphore_mem>>) src(%dma_wait3A_173 : memref<10000x128xf32, #tpu.memory_space<hbm>>) dst(%arg9 : memref<128x128xf32, #tpu.memory_space<vmem>>)
        %dma_start3A = arith.constant 1 : i32
        %dma_start3A_174 = arith.constant 0 : i32
        %dma_start3A_175 = tpu.memref_slice %arg6[%dma_start3A, %dma_start3A_174] : memref<2x128xi32, #tpu.memory_space<vmem>> -> memref<1x128xi32, #tpu.memory_space<vmem>>
        %dma_start3A_176 = tpu.memref_squeeze %dma_start3A_175 : memref<1x128xi32, #tpu.memory_space<vmem>> -> memref<128xi32, #tpu.memory_space<vmem>>
        %dma_start3A_177 = arith.constant 0 : i32
        %dma_start3A_178 = arith.constant 0 : i32
        %dma_start3A_179 = tpu.memref_slice %arg5[%dma_start3A_177, %dma_start3A_178] : memref<10000x128xf32, #tpu.memory_space<vmem_shared>> -> memref<10000x128xf32, #tpu.memory_space<vmem_shared>>
        tpu.enqueue_indirect_dma source(%arg9 : memref<128x128xf32, #tpu.memory_space<vmem>>) target(%dma_start3A_179 : memref<10000x128xf32, #tpu.memory_space<vmem_shared>>) offsets(%dma_start3A_176 : memref<128xi32, #tpu.memory_space<vmem>>) semaphore(%arg18 : memref<!tpu.dma_semaphore, #tpu.memory_space<semaphore_mem>>) {add = true}
      } else {
      }
      %while3A_167 = arith.constant 0 : i32
      scf.yield %while3A_167 : i32
    }
    %barrier3A_65 = arith.constant 0 : index
    tpu.barrier barrier_id(%barrier3A_65)
    %mul3A_66 = arith.constant 624 : i32
    %mul3A_67 = arith.muli %arg1, %mul3A_66 : i32
    %mul3A_68 = arith.constant 624 : i32
    %mul3A_69 = arith.muli %arg1, %mul3A_68 : i32
    "tpu.region"() ({
      %run_scoped3A = tpu.sem_alloc : memref<!tpu.dma_semaphore, #tpu.memory_space<semaphore_mem>>
      %dma_start3A = arith.constant 0 : i32
      %dma_start3A_70 = tpu.memref_slice %arg4[%arg0, %mul3A_69, %dma_start3A] : memref<2x10000x128xf32, #tpu.memory_space<hbm>> -> memref<1x640x128xf32, #tpu.memory_space<hbm>>
      %dma_start3A_71 = tpu.memref_squeeze %dma_start3A_70 : memref<1x640x128xf32, #tpu.memory_space<hbm>> -> memref<640x128xf32, #tpu.memory_space<hbm>>
      %dma_start3A_72 = arith.constant 0 : i32
      %dma_start3A_73 = tpu.memref_slice %arg5[%mul3A_67, %dma_start3A_72] : memref<10000x128xf32, #tpu.memory_space<vmem_shared>> -> memref<640x128xf32, #tpu.memory_space<vmem_shared>>
      tpu.enqueue_dma source(%dma_start3A_73 : memref<640x128xf32, #tpu.memory_space<vmem_shared>>) target(%dma_start3A_71 : memref<640x128xf32, #tpu.memory_space<hbm>>) target_semaphore(%run_scoped3A : memref<!tpu.dma_semaphore, #tpu.memory_space<semaphore_mem>>)
      %dma_wait3A = arith.constant 0 : i32
      %dma_wait3A_74 = tpu.memref_slice %arg4[%arg0, %mul3A_69, %dma_wait3A] : memref<2x10000x128xf32, #tpu.memory_space<hbm>> -> memref<1x640x128xf32, #tpu.memory_space<hbm>>
      %dma_wait3A_75 = tpu.memref_squeeze %dma_wait3A_74 : memref<1x640x128xf32, #tpu.memory_space<hbm>> -> memref<640x128xf32, #tpu.memory_space<hbm>>
      %dma_wait3A_76 = arith.constant 0 : i32
      %dma_wait3A_77 = tpu.memref_slice %arg5[%mul3A_67, %dma_wait3A_76] : memref<10000x128xf32, #tpu.memory_space<vmem_shared>> -> memref<640x128xf32, #tpu.memory_space<vmem_shared>>
      tpu.wait_dma2 semaphore(%run_scoped3A : memref<!tpu.dma_semaphore, #tpu.memory_space<semaphore_mem>>) src(%dma_wait3A_77 : memref<640x128xf32, #tpu.memory_space<vmem_shared>>) dst(%dma_wait3A_75 : memref<640x128xf32, #tpu.memory_space<hbm>>)
      tpu.yield
    }) : () -> ()
    return
  }
}

#map = affine_map<(d0, d1) -> (0, 0)>
#map1 = affine_map<(d0, d1) -> (0, 0, 0)>
module attributes {stable_mosaic.version = 14 : i64} {
  func.func @_scatter_body(%arg0: i32, %arg1: i32, %arg2: memref<10000x128xf32, #tpu.memory_space<hbm>>, %arg3: memref<2x320000xi32, #tpu.memory_space<hbm>>, %arg4: memref<2x10000x128xf32, #tpu.memory_space<hbm>>, %arg5: memref<10000x128xf32, #tpu.memory_space<vmem_shared>>, %arg6: memref<2x128xi32, #tpu.memory_space<vmem>>, %arg7: memref<2x128xi32, #tpu.memory_space<vmem>>, %arg8: memref<2x128xi32, #tpu.memory_space<vmem>>, %arg9: memref<128x128xf32, #tpu.memory_space<vmem>>, %arg10: memref<128x128xf32, #tpu.memory_space<vmem>>, %arg11: memref<128x128xf32, #tpu.memory_space<vmem>>, %arg12: memref<!tpu.dma_semaphore, #tpu.memory_space<semaphore_mem>>, %arg13: memref<!tpu.dma_semaphore, #tpu.memory_space<semaphore_mem>>, %arg14: memref<!tpu.dma_semaphore, #tpu.memory_space<semaphore_mem>>, %arg15: memref<!tpu.dma_semaphore, #tpu.memory_space<semaphore_mem>>, %arg16: memref<!tpu.dma_semaphore, #tpu.memory_space<semaphore_mem>>, %arg17: memref<!tpu.dma_semaphore, #tpu.memory_space<semaphore_mem>>, %arg18: memref<!tpu.dma_semaphore, #tpu.memory_space<semaphore_mem>>, %arg19: memref<!tpu.dma_semaphore, #tpu.memory_space<semaphore_mem>>, %arg20: memref<!tpu.dma_semaphore, #tpu.memory_space<semaphore_mem>>) attributes {dimension_semantics = [#tpu.dimension_semantics<core_parallel>, #tpu.dimension_semantics<subcore_parallel>], iteration_bounds = array<i64: 2, 16>, scalar_prefetch = 0 : i64, scratch_operands = 16 : i64, tpu.core_type = #tpu.core_type<sc_vector_subcore>, window_params = [{transform_indices = #map}, {transform_indices = #map}, {transform_indices = #map1}]} {
    %mul3A = arith.constant 2 : i32
    %mul3A_0 = arith.muli %arg1, %mul3A : i32
    %add3A = arith.addi %mul3A_0, %arg0 : i32
    %min3A = arith.constant 4 : i32
    %min3A_1 = arith.minsi %add3A, %min3A : i32
    %mul3A_2 = arith.constant 78 : i32
    %mul3A_3 = arith.muli %add3A, %mul3A_2 : i32
    %add3A_4 = arith.addi %mul3A_3, %min3A_1 : i32
    %lt3A = arith.constant 4 : i32
    %lt3A_5 = arith.cmpi slt, %add3A, %lt3A : i32
    %jit3A = arith.constant 79 : i32
    %jit3A_6 = arith.constant 78 : i32
    %select_n3A = arith.select %lt3A_5, %jit3A, %jit3A_6 : i32
    %broadcast_in_dim3A = arith.constant 0.000000e+00 : f32
    %broadcast_in_dim3A_7 = vector.broadcast %broadcast_in_dim3A : f32 to vector<16xf32>
    %scan3A = arith.constant 0 : i32
    %scan3A_8 = arith.constant 0 : i32
    %scan3A_9 = arith.constant 128 : i32
    %scan3A_10 = arith.addi %scan3A_8, %scan3A_9 : i32
    %scan3A_11 = arith.constant 1 : i32
    %scan3A_12 = scf.for %scan3A_70 = %scan3A_8 to %scan3A_10 step %scan3A_11 iter_args(%scan3A_71 = %scan3A) -> (i32)  : i32 {
      %swap3A = arith.index_cast %scan3A_70 : i32 to index
      %swap3A_72 = arith.constant 0 : index
      %swap3A_73 = tpu.vector_load %arg9[%swap3A, %swap3A_72] {strides = array<i32>} : memref<128x128xf32, #tpu.memory_space<vmem>>, vector<1x16xf32>,
      %swap3A_74 = vector.shape_cast %swap3A_73 : vector<1x16xf32> to vector<16xf32>
      %swap3A_75 = vector.shape_cast %broadcast_in_dim3A_7 : vector<16xf32> to vector<1x16xf32>
      tpu.vector_store %arg9[%swap3A, %swap3A_72], %swap3A_75 {strides = array<i32>} : memref<128x128xf32, #tpu.memory_space<vmem>>, vector<1x16xf32>,
      %swap3A_76 = arith.index_cast %scan3A_70 : i32 to index
      %swap3A_77 = arith.constant 16 : index
      %swap3A_78 = tpu.vector_load %arg9[%swap3A_76, %swap3A_77] {strides = array<i32>} : memref<128x128xf32, #tpu.memory_space<vmem>>, vector<1x16xf32>,
      %swap3A_79 = vector.shape_cast %swap3A_78 : vector<1x16xf32> to vector<16xf32>
      %swap3A_80 = vector.shape_cast %broadcast_in_dim3A_7 : vector<16xf32> to vector<1x16xf32>
      tpu.vector_store %arg9[%swap3A_76, %swap3A_77], %swap3A_80 {strides = array<i32>} : memref<128x128xf32, #tpu.memory_space<vmem>>, vector<1x16xf32>,
      %swap3A_81 = arith.index_cast %scan3A_70 : i32 to index
      %swap3A_82 = arith.constant 32 : index
      %swap3A_83 = tpu.vector_load %arg9[%swap3A_81, %swap3A_82] {strides = array<i32>} : memref<128x128xf32, #tpu.memory_space<vmem>>, vector<1x16xf32>,
      %swap3A_84 = vector.shape_cast %swap3A_83 : vector<1x16xf32> to vector<16xf32>
      %swap3A_85 = vector.shape_cast %broadcast_in_dim3A_7 : vector<16xf32> to vector<1x16xf32>
      tpu.vector_store %arg9[%swap3A_81, %swap3A_82], %swap3A_85 {strides = array<i32>} : memref<128x128xf32, #tpu.memory_space<vmem>>, vector<1x16xf32>,
      %swap3A_86 = arith.index_cast %scan3A_70 : i32 to index
      %swap3A_87 = arith.constant 48 : index
      %swap3A_88 = tpu.vector_load %arg9[%swap3A_86, %swap3A_87] {strides = array<i32>} : memref<128x128xf32, #tpu.memory_space<vmem>>, vector<1x16xf32>,
      %swap3A_89 = vector.shape_cast %swap3A_88 : vector<1x16xf32> to vector<16xf32>
      %swap3A_90 = vector.shape_cast %broadcast_in_dim3A_7 : vector<16xf32> to vector<1x16xf32>
      tpu.vector_store %arg9[%swap3A_86, %swap3A_87], %swap3A_90 {strides = array<i32>} : memref<128x128xf32, #tpu.memory_space<vmem>>, vector<1x16xf32>,
      %swap3A_91 = arith.index_cast %scan3A_70 : i32 to index
      %swap3A_92 = arith.constant 64 : index
      %swap3A_93 = tpu.vector_load %arg9[%swap3A_91, %swap3A_92] {strides = array<i32>} : memref<128x128xf32, #tpu.memory_space<vmem>>, vector<1x16xf32>,
      %swap3A_94 = vector.shape_cast %swap3A_93 : vector<1x16xf32> to vector<16xf32>
      %swap3A_95 = vector.shape_cast %broadcast_in_dim3A_7 : vector<16xf32> to vector<1x16xf32>
      tpu.vector_store %arg9[%swap3A_91, %swap3A_92], %swap3A_95 {strides = array<i32>} : memref<128x128xf32, #tpu.memory_space<vmem>>, vector<1x16xf32>,
      %swap3A_96 = arith.index_cast %scan3A_70 : i32 to index
      %swap3A_97 = arith.constant 80 : index
      %swap3A_98 = tpu.vector_load %arg9[%swap3A_96, %swap3A_97] {strides = array<i32>} : memref<128x128xf32, #tpu.memory_space<vmem>>, vector<1x16xf32>,
      %swap3A_99 = vector.shape_cast %swap3A_98 : vector<1x16xf32> to vector<16xf32>
      %swap3A_100 = vector.shape_cast %broadcast_in_dim3A_7 : vector<16xf32> to vector<1x16xf32>
      tpu.vector_store %arg9[%swap3A_96, %swap3A_97], %swap3A_100 {strides = array<i32>} : memref<128x128xf32, #tpu.memory_space<vmem>>, vector<1x16xf32>,
      %swap3A_101 = arith.index_cast %scan3A_70 : i32 to index
      %swap3A_102 = arith.constant 96 : index
      %swap3A_103 = tpu.vector_load %arg9[%swap3A_101, %swap3A_102] {strides = array<i32>} : memref<128x128xf32, #tpu.memory_space<vmem>>, vector<1x16xf32>,
      %swap3A_104 = vector.shape_cast %swap3A_103 : vector<1x16xf32> to vector<16xf32>
      %swap3A_105 = vector.shape_cast %broadcast_in_dim3A_7 : vector<16xf32> to vector<1x16xf32>
      tpu.vector_store %arg9[%swap3A_101, %swap3A_102], %swap3A_105 {strides = array<i32>} : memref<128x128xf32, #tpu.memory_space<vmem>>, vector<1x16xf32>,
      %swap3A_106 = arith.index_cast %scan3A_70 : i32 to index
      %swap3A_107 = arith.constant 112 : index
      %swap3A_108 = tpu.vector_load %arg9[%swap3A_106, %swap3A_107] {strides = array<i32>} : memref<128x128xf32, #tpu.memory_space<vmem>>, vector<1x16xf32>,
      %swap3A_109 = vector.shape_cast %swap3A_108 : vector<1x16xf32> to vector<16xf32>
      %swap3A_110 = vector.shape_cast %broadcast_in_dim3A_7 : vector<16xf32> to vector<1x16xf32>
      tpu.vector_store %arg9[%swap3A_106, %swap3A_107], %swap3A_110 {strides = array<i32>} : memref<128x128xf32, #tpu.memory_space<vmem>>, vector<1x16xf32>,
      %scan3A_111 = arith.constant 0 : i32
      scf.yield %scan3A_111 : i32
    }
    %scan3A_13 = arith.constant 128 : i32
    %mul3A_14 = arith.constant 624 : i32
    %mul3A_15 = arith.muli %arg1, %mul3A_14 : i32
    %add3A_16 = arith.constant 0 : i32
    %add3A_17 = arith.addi %mul3A_15, %add3A_16 : i32
    "tpu.region"() ({
      %run_scoped3A = tpu.sem_alloc : memref<!tpu.dma_semaphore, #tpu.memory_space<semaphore_mem>>
      %dma_start3A = arith.constant 0 : i32
      %dma_start3A_70 = tpu.memref_slice %arg5[%add3A_17, %dma_start3A] : memref<10000x128xf32, #tpu.memory_space<vmem_shared>> -> memref<128x128xf32, #tpu.memory_space<vmem_shared>>
      %dma_start3A_71 = arith.constant 0 : i32
      %dma_start3A_72 = tpu.memref_slice %arg5[%add3A_17, %dma_start3A_71] : memref<10000x128xf32, #tpu.memory_space<vmem_shared>> -> memref<128x128xf32, #tpu.memory_space<vmem_shared>>
      tpu.enqueue_dma source(%arg9 : memref<128x128xf32, #tpu.memory_space<vmem>>) target(%dma_start3A_72 : memref<128x128xf32, #tpu.memory_space<vmem_shared>>) target_semaphore(%run_scoped3A : memref<!tpu.dma_semaphore, #tpu.memory_space<semaphore_mem>>)
      %dma_wait3A = arith.constant 0 : i32
      %dma_wait3A_73 = tpu.memref_slice %arg5[%add3A_17, %dma_wait3A] : memref<10000x128xf32, #tpu.memory_space<vmem_shared>> -> memref<128x128xf32, #tpu.memory_space<vmem_shared>>
      %dma_wait3A_74 = arith.constant 0 : i32
      %dma_wait3A_75 = tpu.memref_slice %arg5[%add3A_17, %dma_wait3A_74] : memref<10000x128xf32, #tpu.memory_space<vmem_shared>> -> memref<128x128xf32, #tpu.memory_space<vmem_shared>>
      tpu.wait_dma2 semaphore(%run_scoped3A : memref<!tpu.dma_semaphore, #tpu.memory_space<semaphore_mem>>) src(%arg9 : memref<128x128xf32, #tpu.memory_space<vmem>>) dst(%dma_wait3A_75 : memref<128x128xf32, #tpu.memory_space<vmem_shared>>)
      tpu.yield
    }) : () -> ()
    %mul3A_18 = arith.constant 624 : i32
    %mul3A_19 = arith.muli %arg1, %mul3A_18 : i32
    %add3A_20 = arith.constant 128 : i32
    %add3A_21 = arith.addi %mul3A_19, %add3A_20 : i32
    "tpu.region"() ({
      %run_scoped3A = tpu.sem_alloc : memref<!tpu.dma_semaphore, #tpu.memory_space<semaphore_mem>>
      %dma_start3A = arith.constant 0 : i32
      %dma_start3A_70 = tpu.memref_slice %arg5[%add3A_21, %dma_start3A] : memref<10000x128xf32, #tpu.memory_space<vmem_shared>> -> memref<128x128xf32, #tpu.memory_space<vmem_shared>>
      %dma_start3A_71 = arith.constant 0 : i32
      %dma_start3A_72 = tpu.memref_slice %arg5[%add3A_21, %dma_start3A_71] : memref<10000x128xf32, #tpu.memory_space<vmem_shared>> -> memref<128x128xf32, #tpu.memory_space<vmem_shared>>
      tpu.enqueue_dma source(%arg9 : memref<128x128xf32, #tpu.memory_space<vmem>>) target(%dma_start3A_72 : memref<128x128xf32, #tpu.memory_space<vmem_shared>>) target_semaphore(%run_scoped3A : memref<!tpu.dma_semaphore, #tpu.memory_space<semaphore_mem>>)
      %dma_wait3A = arith.constant 0 : i32
      %dma_wait3A_73 = tpu.memref_slice %arg5[%add3A_21, %dma_wait3A] : memref<10000x128xf32, #tpu.memory_space<vmem_shared>> -> memref<128x128xf32, #tpu.memory_space<vmem_shared>>
      %dma_wait3A_74 = arith.constant 0 : i32
      %dma_wait3A_75 = tpu.memref_slice %arg5[%add3A_21, %dma_wait3A_74] : memref<10000x128xf32, #tpu.memory_space<vmem_shared>> -> memref<128x128xf32, #tpu.memory_space<vmem_shared>>
      tpu.wait_dma2 semaphore(%run_scoped3A : memref<!tpu.dma_semaphore, #tpu.memory_space<semaphore_mem>>) src(%arg9 : memref<128x128xf32, #tpu.memory_space<vmem>>) dst(%dma_wait3A_75 : memref<128x128xf32, #tpu.memory_space<vmem_shared>>)
      tpu.yield
    }) : () -> ()
    %mul3A_22 = arith.constant 624 : i32
    %mul3A_23 = arith.muli %arg1, %mul3A_22 : i32
    %add3A_24 = arith.constant 256 : i32
    %add3A_25 = arith.addi %mul3A_23, %add3A_24 : i32
    "tpu.region"() ({
      %run_scoped3A = tpu.sem_alloc : memref<!tpu.dma_semaphore, #tpu.memory_space<semaphore_mem>>
      %dma_start3A = arith.constant 0 : i32
      %dma_start3A_70 = tpu.memref_slice %arg5[%add3A_25, %dma_start3A] : memref<10000x128xf32, #tpu.memory_space<vmem_shared>> -> memref<128x128xf32, #tpu.memory_space<vmem_shared>>
      %dma_start3A_71 = arith.constant 0 : i32
      %dma_start3A_72 = tpu.memref_slice %arg5[%add3A_25, %dma_start3A_71] : memref<10000x128xf32, #tpu.memory_space<vmem_shared>> -> memref<128x128xf32, #tpu.memory_space<vmem_shared>>
      tpu.enqueue_dma source(%arg9 : memref<128x128xf32, #tpu.memory_space<vmem>>) target(%dma_start3A_72 : memref<128x128xf32, #tpu.memory_space<vmem_shared>>) target_semaphore(%run_scoped3A : memref<!tpu.dma_semaphore, #tpu.memory_space<semaphore_mem>>)
      %dma_wait3A = arith.constant 0 : i32
      %dma_wait3A_73 = tpu.memref_slice %arg5[%add3A_25, %dma_wait3A] : memref<10000x128xf32, #tpu.memory_space<vmem_shared>> -> memref<128x128xf32, #tpu.memory_space<vmem_shared>>
      %dma_wait3A_74 = arith.constant 0 : i32
      %dma_wait3A_75 = tpu.memref_slice %arg5[%add3A_25, %dma_wait3A_74] : memref<10000x128xf32, #tpu.memory_space<vmem_shared>> -> memref<128x128xf32, #tpu.memory_space<vmem_shared>>
      tpu.wait_dma2 semaphore(%run_scoped3A : memref<!tpu.dma_semaphore, #tpu.memory_space<semaphore_mem>>) src(%arg9 : memref<128x128xf32, #tpu.memory_space<vmem>>) dst(%dma_wait3A_75 : memref<128x128xf32, #tpu.memory_space<vmem_shared>>)
      tpu.yield
    }) : () -> ()
    %mul3A_26 = arith.constant 624 : i32
    %mul3A_27 = arith.muli %arg1, %mul3A_26 : i32
    %add3A_28 = arith.constant 384 : i32
    %add3A_29 = arith.addi %mul3A_27, %add3A_28 : i32
    "tpu.region"() ({
      %run_scoped3A = tpu.sem_alloc : memref<!tpu.dma_semaphore, #tpu.memory_space<semaphore_mem>>
      %dma_start3A = arith.constant 0 : i32
      %dma_start3A_70 = tpu.memref_slice %arg5[%add3A_29, %dma_start3A] : memref<10000x128xf32, #tpu.memory_space<vmem_shared>> -> memref<128x128xf32, #tpu.memory_space<vmem_shared>>
      %dma_start3A_71 = arith.constant 0 : i32
      %dma_start3A_72 = tpu.memref_slice %arg5[%add3A_29, %dma_start3A_71] : memref<10000x128xf32, #tpu.memory_space<vmem_shared>> -> memref<128x128xf32, #tpu.memory_space<vmem_shared>>
      tpu.enqueue_dma source(%arg9 : memref<128x128xf32, #tpu.memory_space<vmem>>) target(%dma_start3A_72 : memref<128x128xf32, #tpu.memory_space<vmem_shared>>) target_semaphore(%run_scoped3A : memref<!tpu.dma_semaphore, #tpu.memory_space<semaphore_mem>>)
      %dma_wait3A = arith.constant 0 : i32
      %dma_wait3A_73 = tpu.memref_slice %arg5[%add3A_29, %dma_wait3A] : memref<10000x128xf32, #tpu.memory_space<vmem_shared>> -> memref<128x128xf32, #tpu.memory_space<vmem_shared>>
      %dma_wait3A_74 = arith.constant 0 : i32
      %dma_wait3A_75 = tpu.memref_slice %arg5[%add3A_29, %dma_wait3A_74] : memref<10000x128xf32, #tpu.memory_space<vmem_shared>> -> memref<128x128xf32, #tpu.memory_space<vmem_shared>>
      tpu.wait_dma2 semaphore(%run_scoped3A : memref<!tpu.dma_semaphore, #tpu.memory_space<semaphore_mem>>) src(%arg9 : memref<128x128xf32, #tpu.memory_space<vmem>>) dst(%dma_wait3A_75 : memref<128x128xf32, #tpu.memory_space<vmem_shared>>)
      tpu.yield
    }) : () -> ()
    %mul3A_30 = arith.constant 624 : i32
    %mul3A_31 = arith.muli %arg1, %mul3A_30 : i32
    %add3A_32 = arith.constant 512 : i32
    %add3A_33 = arith.addi %mul3A_31, %add3A_32 : i32
    "tpu.region"() ({
      %run_scoped3A = tpu.sem_alloc : memref<!tpu.dma_semaphore, #tpu.memory_space<semaphore_mem>>
      %dma_start3A = arith.constant 0 : i32
      %dma_start3A_70 = tpu.memref_slice %arg5[%add3A_33, %dma_start3A] : memref<10000x128xf32, #tpu.memory_space<vmem_shared>> -> memref<128x128xf32, #tpu.memory_space<vmem_shared>>
      %dma_start3A_71 = arith.constant 0 : i32
      %dma_start3A_72 = tpu.memref_slice %arg5[%add3A_33, %dma_start3A_71] : memref<10000x128xf32, #tpu.memory_space<vmem_shared>> -> memref<128x128xf32, #tpu.memory_space<vmem_shared>>
      tpu.enqueue_dma source(%arg9 : memref<128x128xf32, #tpu.memory_space<vmem>>) target(%dma_start3A_72 : memref<128x128xf32, #tpu.memory_space<vmem_shared>>) target_semaphore(%run_scoped3A : memref<!tpu.dma_semaphore, #tpu.memory_space<semaphore_mem>>)
      %dma_wait3A = arith.constant 0 : i32
      %dma_wait3A_73 = tpu.memref_slice %arg5[%add3A_33, %dma_wait3A] : memref<10000x128xf32, #tpu.memory_space<vmem_shared>> -> memref<128x128xf32, #tpu.memory_space<vmem_shared>>
      %dma_wait3A_74 = arith.constant 0 : i32
      %dma_wait3A_75 = tpu.memref_slice %arg5[%add3A_33, %dma_wait3A_74] : memref<10000x128xf32, #tpu.memory_space<vmem_shared>> -> memref<128x128xf32, #tpu.memory_space<vmem_shared>>
      tpu.wait_dma2 semaphore(%run_scoped3A : memref<!tpu.dma_semaphore, #tpu.memory_space<semaphore_mem>>) src(%arg9 : memref<128x128xf32, #tpu.memory_space<vmem>>) dst(%dma_wait3A_75 : memref<128x128xf32, #tpu.memory_space<vmem_shared>>)
      tpu.yield
    }) : () -> ()
    %barrier3A = arith.constant 0 : index
    tpu.barrier barrier_id(%barrier3A)
    %add3A_34 = arith.constant 5 : i32
    %add3A_35 = arith.addi %select_n3A, %add3A_34 : i32
    %jit3A_36 = arith.constant 3 : i32
    %div3A = arith.divsi %add3A_35, %jit3A_36 : i32
    %sign3A = arith.constant 0 : i32
    %sign3A_37 = arith.cmpi sgt, %add3A_35, %sign3A : i32
    %sign3A_38 = arith.extui %sign3A_37 : i1 to i32
    %sign3A_39 = arith.constant 0 : i32
    %sign3A_40 = arith.cmpi slt, %add3A_35, %sign3A_39 : i32
    %sign3A_41 = arith.extui %sign3A_40 : i1 to i32
    %sign3A_42 = arith.subi %sign3A_38, %sign3A_41 : i32
    %sign3A_43 = arith.constant 0 : i32
    %sign3A_44 = arith.cmpi sgt, %jit3A_36, %sign3A_43 : i32
    %sign3A_45 = arith.extui %sign3A_44 : i1 to i32
    %sign3A_46 = arith.constant 0 : i32
    %sign3A_47 = arith.cmpi slt, %jit3A_36, %sign3A_46 : i32
    %sign3A_48 = arith.extui %sign3A_47 : i1 to i32
    %sign3A_49 = arith.subi %sign3A_45, %sign3A_48 : i32
    %ne3A = arith.cmpi ne, %sign3A_42, %sign3A_49 : i32
    %rem3A = arith.remsi %add3A_35, %jit3A_36 : i32
    %ne3A_50 = arith.constant 0 : i32
    %ne3A_51 = arith.cmpi ne, %rem3A, %ne3A_50 : i32
    %and3A = arith.andi %ne3A, %ne3A_51 : i1
    %sub3A = arith.constant 1 : i32
    %sub3A_52 = arith.subi %div3A, %sub3A : i32
    %select_n3A_53 = arith.select %and3A, %sub3A_52, %div3A : i32
    %while3A = arith.constant 0 : i32
    %while3A_54 = arith.constant 0 : i32
    %while3A_55 = arith.subi %select_n3A_53, %while3A : i32
    %while3A_56 = arith.addi %while3A, %while3A_55 : i32
    %while3A_57 = arith.constant 1 : i32
    %while3A_58 = arith.divsi %while3A_55, %while3A_57 : i32
    %while3A_59 = arith.muli %while3A_58, %while3A_57 : i32
    %while3A_60 = arith.addi %while3A, %while3A_59 : i32
    %while3A_61 = arith.constant 1 : i32
    %while3A_62 = scf.for %while3A_70 = %while3A to %while3A_60 step %while3A_61 iter_args(%while3A_71 = %while3A_54) -> (i32)  : i32 {
      %mul3A_72 = arith.constant 3 : i32
      %mul3A_73 = arith.muli %while3A_70, %mul3A_72 : i32
      %add3A_74 = arith.constant 0 : i32
      %add3A_75 = arith.addi %mul3A_73, %add3A_74 : i32
      %ge3A = arith.constant 3 : i32
      %ge3A_76 = arith.cmpi sge, %add3A_75, %ge3A : i32
      %add3A_77 = arith.constant 3 : i32
      %add3A_78 = arith.addi %select_n3A, %add3A_77 : i32
      %lt3A_79 = arith.cmpi slt, %add3A_75, %add3A_78 : i32
      %and3A_80 = arith.andi %ge3A_76, %lt3A_79 : i1
      %convert_element_type3A = arith.extui %and3A_80 : i1 to i32
      %cond3A = arith.constant 0 : i32
      %cond3A_81 = arith.cmpi ne, %convert_element_type3A, %cond3A : i32
      scf.if %cond3A_81 {
        %dma_wait3A = arith.constant 1 : i32
        %dma_wait3A_168 = arith.constant 0 : i32
        %dma_wait3A_169 = tpu.memref_slice %arg6[%dma_wait3A, %dma_wait3A_168] : memref<2x128xi32, #tpu.memory_space<vmem>> -> memref<1x128xi32, #tpu.memory_space<vmem>>
        %dma_wait3A_170 = tpu.memref_squeeze %dma_wait3A_169 : memref<1x128xi32, #tpu.memory_space<vmem>> -> memref<128xi32, #tpu.memory_space<vmem>>
        %dma_wait3A_171 = arith.constant 0 : i32
        %dma_wait3A_172 = arith.constant 0 : i32
        %dma_wait3A_173 = tpu.memref_slice %arg5[%dma_wait3A_171, %dma_wait3A_172] : memref<10000x128xf32, #tpu.memory_space<vmem_shared>> -> memref<10000x128xf32, #tpu.memory_space<vmem_shared>>
        tpu.wait_indirect_dma semaphore(%arg18 : memref<!tpu.dma_semaphore, #tpu.memory_space<semaphore_mem>>) src(%arg9 : memref<128x128xf32, #tpu.memory_space<vmem>>) dst(%dma_wait3A_173 : memref<10000x128xf32, #tpu.memory_space<vmem_shared>>)
      } else {
      }
      %lt3A_82 = arith.cmpi slt, %add3A_75, %select_n3A : i32
      %convert_element_type3A_83 = arith.extui %lt3A_82 : i1 to i32
      %cond3A_84 = arith.constant 0 : i32
      %cond3A_85 = arith.cmpi ne, %convert_element_type3A_83, %cond3A_84 : i32
      scf.if %cond3A_85 {
        %add3A_168 = arith.addi %add3A_4, %add3A_75 : i32
        %mul3A_169 = arith.constant 128 : i32
        %mul3A_170 = arith.muli %add3A_168, %mul3A_169 : i32
        %dma_start3A = arith.constant 0 : i32
        %dma_start3A_171 = tpu.memref_slice %arg3[%dma_start3A, %mul3A_170] : memref<2x320000xi32, #tpu.memory_space<hbm>> -> memref<2x128xi32, #tpu.memory_space<hbm>>
        %dma_start3A_172 = arith.constant 0 : i32
        %dma_start3A_173 = tpu.memref_slice %arg3[%dma_start3A_172, %mul3A_170] : memref<2x320000xi32, #tpu.memory_space<hbm>> -> memref<2x128xi32, #tpu.memory_space<hbm>>
        tpu.enqueue_dma source(%dma_start3A_173 : memref<2x128xi32, #tpu.memory_space<hbm>>) target(%arg6 : memref<2x128xi32, #tpu.memory_space<vmem>>) target_semaphore(%arg12 : memref<!tpu.dma_semaphore, #tpu.memory_space<semaphore_mem>>)
      } else {
      }
      %ge3A_86 = arith.constant 1 : i32
      %ge3A_87 = arith.cmpi sge, %add3A_75, %ge3A_86 : i32
      %le3A = arith.cmpi sle, %add3A_75, %select_n3A : i32
      %and3A_88 = arith.andi %ge3A_87, %le3A : i1
      %convert_element_type3A_89 = arith.extui %and3A_88 : i1 to i32
      %cond3A_90 = arith.constant 0 : i32
      %cond3A_91 = arith.cmpi ne, %convert_element_type3A_89, %cond3A_90 : i32
      scf.if %cond3A_91 {
        %dma_wait3A = arith.constant 0 : i32
        %dma_wait3A_168 = arith.constant 0 : i32
        %dma_wait3A_169 = tpu.memref_slice %arg3[%dma_wait3A, %dma_wait3A_168] : memref<2x320000xi32, #tpu.memory_space<hbm>> -> memref<2x128xi32, #tpu.memory_space<hbm>>
        %dma_wait3A_170 = arith.constant 0 : i32
        %dma_wait3A_171 = arith.constant 0 : i32
        %dma_wait3A_172 = tpu.memref_slice %arg3[%dma_wait3A_170, %dma_wait3A_171] : memref<2x320000xi32, #tpu.memory_space<hbm>> -> memref<2x128xi32, #tpu.memory_space<hbm>>
        tpu.wait_dma2 semaphore(%arg14 : memref<!tpu.dma_semaphore, #tpu.memory_space<semaphore_mem>>) src(%dma_wait3A_172 : memref<2x128xi32, #tpu.memory_space<hbm>>) dst(%arg8 : memref<2x128xi32, #tpu.memory_space<vmem>>)
        %dma_start3A = arith.constant 0 : i32
        %dma_start3A_173 = arith.constant 0 : i32
        %dma_start3A_174 = tpu.memref_slice %arg8[%dma_start3A, %dma_start3A_173] : memref<2x128xi32, #tpu.memory_space<vmem>> -> memref<1x128xi32, #tpu.memory_space<vmem>>
        %dma_start3A_175 = tpu.memref_squeeze %dma_start3A_174 : memref<1x128xi32, #tpu.memory_space<vmem>> -> memref<128xi32, #tpu.memory_space<vmem>>
        %dma_start3A_176 = arith.constant 0 : i32
        %dma_start3A_177 = arith.constant 0 : i32
        %dma_start3A_178 = tpu.memref_slice %arg2[%dma_start3A_176, %dma_start3A_177] : memref<10000x128xf32, #tpu.memory_space<hbm>> -> memref<10000x128xf32, #tpu.memory_space<hbm>>
        tpu.enqueue_indirect_dma source(%dma_start3A_178 : memref<10000x128xf32, #tpu.memory_space<hbm>>) target(%arg11 : memref<128x128xf32, #tpu.memory_space<vmem>>) offsets(%dma_start3A_175 : memref<128xi32, #tpu.memory_space<vmem>>) semaphore(%arg17 : memref<!tpu.dma_semaphore, #tpu.memory_space<semaphore_mem>>)
      } else {
      }
      %ge3A_92 = arith.constant 2 : i32
      %ge3A_93 = arith.cmpi sge, %add3A_75, %ge3A_92 : i32
      %add3A_94 = arith.constant 1 : i32
      %add3A_95 = arith.addi %select_n3A, %add3A_94 : i32
      %le3A_96 = arith.cmpi sle, %add3A_75, %add3A_95 : i32
      %and3A_97 = arith.andi %ge3A_93, %le3A_96 : i1
      %convert_element_type3A_98 = arith.extui %and3A_97 : i1 to i32
      %cond3A_99 = arith.constant 0 : i32
      %cond3A_100 = arith.cmpi ne, %convert_element_type3A_98, %cond3A_99 : i32
      scf.if %cond3A_100 {
        %dma_wait3A = arith.constant 0 : i32
        %dma_wait3A_168 = arith.constant 0 : i32
        %dma_wait3A_169 = tpu.memref_slice %arg7[%dma_wait3A, %dma_wait3A_168] : memref<2x128xi32, #tpu.memory_space<vmem>> -> memref<1x128xi32, #tpu.memory_space<vmem>>
        %dma_wait3A_170 = tpu.memref_squeeze %dma_wait3A_169 : memref<1x128xi32, #tpu.memory_space<vmem>> -> memref<128xi32, #tpu.memory_space<vmem>>
        %dma_wait3A_171 = arith.constant 0 : i32
        %dma_wait3A_172 = arith.constant 0 : i32
        %dma_wait3A_173 = tpu.memref_slice %arg2[%dma_wait3A_171, %dma_wait3A_172] : memref<10000x128xf32, #tpu.memory_space<hbm>> -> memref<10000x128xf32, #tpu.memory_space<hbm>>
        tpu.wait_indirect_dma semaphore(%arg16 : memref<!tpu.dma_semaphore, #tpu.memory_space<semaphore_mem>>) src(%dma_wait3A_173 : memref<10000x128xf32, #tpu.memory_space<hbm>>) dst(%arg10 : memref<128x128xf32, #tpu.memory_space<vmem>>)
        %dma_start3A = arith.constant 1 : i32
        %dma_start3A_174 = arith.constant 0 : i32
        %dma_start3A_175 = tpu.memref_slice %arg7[%dma_start3A, %dma_start3A_174] : memref<2x128xi32, #tpu.memory_space<vmem>> -> memref<1x128xi32, #tpu.memory_space<vmem>>
        %dma_start3A_176 = tpu.memref_squeeze %dma_start3A_175 : memref<1x128xi32, #tpu.memory_space<vmem>> -> memref<128xi32, #tpu.memory_space<vmem>>
        %dma_start3A_177 = arith.constant 0 : i32
        %dma_start3A_178 = arith.constant 0 : i32
        %dma_start3A_179 = tpu.memref_slice %arg5[%dma_start3A_177, %dma_start3A_178] : memref<10000x128xf32, #tpu.memory_space<vmem_shared>> -> memref<10000x128xf32, #tpu.memory_space<vmem_shared>>
        tpu.enqueue_indirect_dma source(%arg10 : memref<128x128xf32, #tpu.memory_space<vmem>>) target(%dma_start3A_179 : memref<10000x128xf32, #tpu.memory_space<vmem_shared>>) offsets(%dma_start3A_176 : memref<128xi32, #tpu.memory_space<vmem>>) semaphore(%arg19 : memref<!tpu.dma_semaphore, #tpu.memory_space<semaphore_mem>>) {add = true}
      } else {
      }
      %mul3A_101 = arith.constant 3 : i32
      %mul3A_102 = arith.muli %while3A_70, %mul3A_101 : i32
      %add3A_103 = arith.constant 1 : i32
      %add3A_104 = arith.addi %mul3A_102, %add3A_103 : i32
      %ge3A_105 = arith.constant 3 : i32
      %ge3A_106 = arith.cmpi sge, %add3A_104, %ge3A_105 : i32
      %add3A_107 = arith.constant 3 : i32
      %add3A_108 = arith.addi %select_n3A, %add3A_107 : i32
      %lt3A_109 = arith.cmpi slt, %add3A_104, %add3A_108 : i32
      %and3A_110 = arith.andi %ge3A_106, %lt3A_109 : i1
      %convert_element_type3A_111 = arith.extui %and3A_110 : i1 to i32
      %cond3A_112 = arith.constant 0 : i32
      %cond3A_113 = arith.cmpi ne, %convert_element_type3A_111, %cond3A_112 : i32
      scf.if %cond3A_113 {
        %dma_wait3A = arith.constant 1 : i32
        %dma_wait3A_168 = arith.constant 0 : i32
        %dma_wait3A_169 = tpu.memref_slice %arg7[%dma_wait3A, %dma_wait3A_168] : memref<2x128xi32, #tpu.memory_space<vmem>> -> memref<1x128xi32, #tpu.memory_space<vmem>>
        %dma_wait3A_170 = tpu.memref_squeeze %dma_wait3A_169 : memref<1x128xi32, #tpu.memory_space<vmem>> -> memref<128xi32, #tpu.memory_space<vmem>>
        %dma_wait3A_171 = arith.constant 0 : i32
        %dma_wait3A_172 = arith.constant 0 : i32
        %dma_wait3A_173 = tpu.memref_slice %arg5[%dma_wait3A_171, %dma_wait3A_172] : memref<10000x128xf32, #tpu.memory_space<vmem_shared>> -> memref<10000x128xf32, #tpu.memory_space<vmem_shared>>
        tpu.wait_indirect_dma semaphore(%arg19 : memref<!tpu.dma_semaphore, #tpu.memory_space<semaphore_mem>>) src(%arg10 : memref<128x128xf32, #tpu.memory_space<vmem>>) dst(%dma_wait3A_173 : memref<10000x128xf32, #tpu.memory_space<vmem_shared>>)
      } else {
      }
      %lt3A_114 = arith.cmpi slt, %add3A_104, %select_n3A : i32
      %convert_element_type3A_115 = arith.extui %lt3A_114 : i1 to i32
      %cond3A_116 = arith.constant 0 : i32
      %cond3A_117 = arith.cmpi ne, %convert_element_type3A_115, %cond3A_116 : i32
      scf.if %cond3A_117 {
        %add3A_168 = arith.addi %add3A_4, %add3A_104 : i32
        %mul3A_169 = arith.constant 128 : i32
        %mul3A_170 = arith.muli %add3A_168, %mul3A_169 : i32
        %dma_start3A = arith.constant 0 : i32
        %dma_start3A_171 = tpu.memref_slice %arg3[%dma_start3A, %mul3A_170] : memref<2x320000xi32, #tpu.memory_space<hbm>> -> memref<2x128xi32, #tpu.memory_space<hbm>>
        %dma_start3A_172 = arith.constant 0 : i32
        %dma_start3A_173 = tpu.memref_slice %arg3[%dma_start3A_172, %mul3A_170] : memref<2x320000xi32, #tpu.memory_space<hbm>> -> memref<2x128xi32, #tpu.memory_space<hbm>>
        tpu.enqueue_dma source(%dma_start3A_173 : memref<2x128xi32, #tpu.memory_space<hbm>>) target(%arg7 : memref<2x128xi32, #tpu.memory_space<vmem>>) target_semaphore(%arg13 : memref<!tpu.dma_semaphore, #tpu.memory_space<semaphore_mem>>)
      } else {
      }
      %ge3A_118 = arith.constant 1 : i32
      %ge3A_119 = arith.cmpi sge, %add3A_104, %ge3A_118 : i32
      %le3A_120 = arith.cmpi sle, %add3A_104, %select_n3A : i32
      %and3A_121 = arith.andi %ge3A_119, %le3A_120 : i1
      %convert_element_type3A_122 = arith.extui %and3A_121 : i1 to i32
      %cond3A_123 = arith.constant 0 : i32
      %cond3A_124 = arith.cmpi ne, %convert_element_type3A_122, %cond3A_123 : i32
      scf.if %cond3A_124 {
        %dma_wait3A = arith.constant 0 : i32
        %dma_wait3A_168 = arith.constant 0 : i32
        %dma_wait3A_169 = tpu.memref_slice %arg3[%dma_wait3A, %dma_wait3A_168] : memref<2x320000xi32, #tpu.memory_space<hbm>> -> memref<2x128xi32, #tpu.memory_space<hbm>>
        %dma_wait3A_170 = arith.constant 0 : i32
        %dma_wait3A_171 = arith.constant 0 : i32
        %dma_wait3A_172 = tpu.memref_slice %arg3[%dma_wait3A_170, %dma_wait3A_171] : memref<2x320000xi32, #tpu.memory_space<hbm>> -> memref<2x128xi32, #tpu.memory_space<hbm>>
        tpu.wait_dma2 semaphore(%arg12 : memref<!tpu.dma_semaphore, #tpu.memory_space<semaphore_mem>>) src(%dma_wait3A_172 : memref<2x128xi32, #tpu.memory_space<hbm>>) dst(%arg6 : memref<2x128xi32, #tpu.memory_space<vmem>>)
        %dma_start3A = arith.constant 0 : i32
        %dma_start3A_173 = arith.constant 0 : i32
        %dma_start3A_174 = tpu.memref_slice %arg6[%dma_start3A, %dma_start3A_173] : memref<2x128xi32, #tpu.memory_space<vmem>> -> memref<1x128xi32, #tpu.memory_space<vmem>>
        %dma_start3A_175 = tpu.memref_squeeze %dma_start3A_174 : memref<1x128xi32, #tpu.memory_space<vmem>> -> memref<128xi32, #tpu.memory_space<vmem>>
        %dma_start3A_176 = arith.constant 0 : i32
        %dma_start3A_177 = arith.constant 0 : i32
        %dma_start3A_178 = tpu.memref_slice %arg2[%dma_start3A_176, %dma_start3A_177] : memref<10000x128xf32, #tpu.memory_space<hbm>> -> memref<10000x128xf32, #tpu.memory_space<hbm>>
        tpu.enqueue_indirect_dma source(%dma_start3A_178 : memref<10000x128xf32, #tpu.memory_space<hbm>>) target(%arg9 : memref<128x128xf32, #tpu.memory_space<vmem>>) offsets(%dma_start3A_175 : memref<128xi32, #tpu.memory_space<vmem>>) semaphore(%arg15 : memref<!tpu.dma_semaphore, #tpu.memory_space<semaphore_mem>>)
      } else {
      }
      %ge3A_125 = arith.constant 2 : i32
      %ge3A_126 = arith.cmpi sge, %add3A_104, %ge3A_125 : i32
      %add3A_127 = arith.constant 1 : i32
      %add3A_128 = arith.addi %select_n3A, %add3A_127 : i32
      %le3A_129 = arith.cmpi sle, %add3A_104, %add3A_128 : i32
      %and3A_130 = arith.andi %ge3A_126, %le3A_129 : i1
      %convert_element_type3A_131 = arith.extui %and3A_130 : i1 to i32
      %cond3A_132 = arith.constant 0 : i32
      %cond3A_133 = arith.cmpi ne, %convert_element_type3A_131, %cond3A_132 : i32
      scf.if %cond3A_133 {
        %dma_wait3A = arith.constant 0 : i32
        %dma_wait3A_168 = arith.constant 0 : i32
        %dma_wait3A_169 = tpu.memref_slice %arg8[%dma_wait3A, %dma_wait3A_168] : memref<2x128xi32, #tpu.memory_space<vmem>> -> memref<1x128xi32, #tpu.memory_space<vmem>>
        %dma_wait3A_170 = tpu.memref_squeeze %dma_wait3A_169 : memref<1x128xi32, #tpu.memory_space<vmem>> -> memref<128xi32, #tpu.memory_space<vmem>>
        %dma_wait3A_171 = arith.constant 0 : i32
        %dma_wait3A_172 = arith.constant 0 : i32
        %dma_wait3A_173 = tpu.memref_slice %arg2[%dma_wait3A_171, %dma_wait3A_172] : memref<10000x128xf32, #tpu.memory_space<hbm>> -> memref<10000x128xf32, #tpu.memory_space<hbm>>
        tpu.wait_indirect_dma semaphore(%arg17 : memref<!tpu.dma_semaphore, #tpu.memory_space<semaphore_mem>>) src(%dma_wait3A_173 : memref<10000x128xf32, #tpu.memory_space<hbm>>) dst(%arg11 : memref<128x128xf32, #tpu.memory_space<vmem>>)
        %dma_start3A = arith.constant 1 : i32
        %dma_start3A_174 = arith.constant 0 : i32
        %dma_start3A_175 = tpu.memref_slice %arg8[%dma_start3A, %dma_start3A_174] : memref<2x128xi32, #tpu.memory_space<vmem>> -> memref<1x128xi32, #tpu.memory_space<vmem>>
        %dma_start3A_176 = tpu.memref_squeeze %dma_start3A_175 : memref<1x128xi32, #tpu.memory_space<vmem>> -> memref<128xi32, #tpu.memory_space<vmem>>
        %dma_start3A_177 = arith.constant 0 : i32
        %dma_start3A_178 = arith.constant 0 : i32
        %dma_start3A_179 = tpu.memref_slice %arg5[%dma_start3A_177, %dma_start3A_178] : memref<10000x128xf32, #tpu.memory_space<vmem_shared>> -> memref<10000x128xf32, #tpu.memory_space<vmem_shared>>
        tpu.enqueue_indirect_dma source(%arg11 : memref<128x128xf32, #tpu.memory_space<vmem>>) target(%dma_start3A_179 : memref<10000x128xf32, #tpu.memory_space<vmem_shared>>) offsets(%dma_start3A_176 : memref<128xi32, #tpu.memory_space<vmem>>) semaphore(%arg20 : memref<!tpu.dma_semaphore, #tpu.memory_space<semaphore_mem>>) {add = true}
      } else {
      }
      %mul3A_134 = arith.constant 3 : i32
      %mul3A_135 = arith.muli %while3A_70, %mul3A_134 : i32
      %add3A_136 = arith.constant 2 : i32
      %add3A_137 = arith.addi %mul3A_135, %add3A_136 : i32
      %ge3A_138 = arith.constant 3 : i32
      %ge3A_139 = arith.cmpi sge, %add3A_137, %ge3A_138 : i32
      %add3A_140 = arith.constant 3 : i32
      %add3A_141 = arith.addi %select_n3A, %add3A_140 : i32
      %lt3A_142 = arith.cmpi slt, %add3A_137, %add3A_141 : i32
      %and3A_143 = arith.andi %ge3A_139, %lt3A_142 : i1
      %convert_element_type3A_144 = arith.extui %and3A_143 : i1 to i32
      %cond3A_145 = arith.constant 0 : i32
      %cond3A_146 = arith.cmpi ne, %convert_element_type3A_144, %cond3A_145 : i32
      scf.if %cond3A_146 {
        %dma_wait3A = arith.constant 1 : i32
        %dma_wait3A_168 = arith.constant 0 : i32
        %dma_wait3A_169 = tpu.memref_slice %arg8[%dma_wait3A, %dma_wait3A_168] : memref<2x128xi32, #tpu.memory_space<vmem>> -> memref<1x128xi32, #tpu.memory_space<vmem>>
        %dma_wait3A_170 = tpu.memref_squeeze %dma_wait3A_169 : memref<1x128xi32, #tpu.memory_space<vmem>> -> memref<128xi32, #tpu.memory_space<vmem>>
        %dma_wait3A_171 = arith.constant 0 : i32
        %dma_wait3A_172 = arith.constant 0 : i32
        %dma_wait3A_173 = tpu.memref_slice %arg5[%dma_wait3A_171, %dma_wait3A_172] : memref<10000x128xf32, #tpu.memory_space<vmem_shared>> -> memref<10000x128xf32, #tpu.memory_space<vmem_shared>>
        tpu.wait_indirect_dma semaphore(%arg20 : memref<!tpu.dma_semaphore, #tpu.memory_space<semaphore_mem>>) src(%arg11 : memref<128x128xf32, #tpu.memory_space<vmem>>) dst(%dma_wait3A_173 : memref<10000x128xf32, #tpu.memory_space<vmem_shared>>)
      } else {
      }
      %lt3A_147 = arith.cmpi slt, %add3A_137, %select_n3A : i32
      %convert_element_type3A_148 = arith.extui %lt3A_147 : i1 to i32
      %cond3A_149 = arith.constant 0 : i32
      %cond3A_150 = arith.cmpi ne, %convert_element_type3A_148, %cond3A_149 : i32
      scf.if %cond3A_150 {
        %add3A_168 = arith.addi %add3A_4, %add3A_137 : i32
        %mul3A_169 = arith.constant 128 : i32
        %mul3A_170 = arith.muli %add3A_168, %mul3A_169 : i32
        %dma_start3A = arith.constant 0 : i32
        %dma_start3A_171 = tpu.memref_slice %arg3[%dma_start3A, %mul3A_170] : memref<2x320000xi32, #tpu.memory_space<hbm>> -> memref<2x128xi32, #tpu.memory_space<hbm>>
        %dma_start3A_172 = arith.constant 0 : i32
        %dma_start3A_173 = tpu.memref_slice %arg3[%dma_start3A_172, %mul3A_170] : memref<2x320000xi32, #tpu.memory_space<hbm>> -> memref<2x128xi32, #tpu.memory_space<hbm>>
        tpu.enqueue_dma source(%dma_start3A_173 : memref<2x128xi32, #tpu.memory_space<hbm>>) target(%arg8 : memref<2x128xi32, #tpu.memory_space<vmem>>) target_semaphore(%arg14 : memref<!tpu.dma_semaphore, #tpu.memory_space<semaphore_mem>>)
      } else {
      }
      %ge3A_151 = arith.constant 1 : i32
      %ge3A_152 = arith.cmpi sge, %add3A_137, %ge3A_151 : i32
      %le3A_153 = arith.cmpi sle, %add3A_137, %select_n3A : i32
      %and3A_154 = arith.andi %ge3A_152, %le3A_153 : i1
      %convert_element_type3A_155 = arith.extui %and3A_154 : i1 to i32
      %cond3A_156 = arith.constant 0 : i32
      %cond3A_157 = arith.cmpi ne, %convert_element_type3A_155, %cond3A_156 : i32
      scf.if %cond3A_157 {
        %dma_wait3A = arith.constant 0 : i32
        %dma_wait3A_168 = arith.constant 0 : i32
        %dma_wait3A_169 = tpu.memref_slice %arg3[%dma_wait3A, %dma_wait3A_168] : memref<2x320000xi32, #tpu.memory_space<hbm>> -> memref<2x128xi32, #tpu.memory_space<hbm>>
        %dma_wait3A_170 = arith.constant 0 : i32
        %dma_wait3A_171 = arith.constant 0 : i32
        %dma_wait3A_172 = tpu.memref_slice %arg3[%dma_wait3A_170, %dma_wait3A_171] : memref<2x320000xi32, #tpu.memory_space<hbm>> -> memref<2x128xi32, #tpu.memory_space<hbm>>
        tpu.wait_dma2 semaphore(%arg13 : memref<!tpu.dma_semaphore, #tpu.memory_space<semaphore_mem>>) src(%dma_wait3A_172 : memref<2x128xi32, #tpu.memory_space<hbm>>) dst(%arg7 : memref<2x128xi32, #tpu.memory_space<vmem>>)
        %dma_start3A = arith.constant 0 : i32
        %dma_start3A_173 = arith.constant 0 : i32
        %dma_start3A_174 = tpu.memref_slice %arg7[%dma_start3A, %dma_start3A_173] : memref<2x128xi32, #tpu.memory_space<vmem>> -> memref<1x128xi32, #tpu.memory_space<vmem>>
        %dma_start3A_175 = tpu.memref_squeeze %dma_start3A_174 : memref<1x128xi32, #tpu.memory_space<vmem>> -> memref<128xi32, #tpu.memory_space<vmem>>
        %dma_start3A_176 = arith.constant 0 : i32
        %dma_start3A_177 = arith.constant 0 : i32
        %dma_start3A_178 = tpu.memref_slice %arg2[%dma_start3A_176, %dma_start3A_177] : memref<10000x128xf32, #tpu.memory_space<hbm>> -> memref<10000x128xf32, #tpu.memory_space<hbm>>
        tpu.enqueue_indirect_dma source(%dma_start3A_178 : memref<10000x128xf32, #tpu.memory_space<hbm>>) target(%arg10 : memref<128x128xf32, #tpu.memory_space<vmem>>) offsets(%dma_start3A_175 : memref<128xi32, #tpu.memory_space<vmem>>) semaphore(%arg16 : memref<!tpu.dma_semaphore, #tpu.memory_space<semaphore_mem>>)
      } else {
      }
      %ge3A_158 = arith.constant 2 : i32
      %ge3A_159 = arith.cmpi sge, %add3A_137, %ge3A_158 : i32
      %add3A_160 = arith.constant 1 : i32
      %add3A_161 = arith.addi %select_n3A, %add3A_160 : i32
      %le3A_162 = arith.cmpi sle, %add3A_137, %add3A_161 : i32
      %and3A_163 = arith.andi %ge3A_159, %le3A_162 : i1
      %convert_element_type3A_164 = arith.extui %and3A_163 : i1 to i32
      %cond3A_165 = arith.constant 0 : i32
      %cond3A_166 = arith.cmpi ne, %convert_element_type3A_164, %cond3A_165 : i32
      scf.if %cond3A_166 {
        %dma_wait3A = arith.constant 0 : i32
        %dma_wait3A_168 = arith.constant 0 : i32
        %dma_wait3A_169 = tpu.memref_slice %arg6[%dma_wait3A, %dma_wait3A_168] : memref<2x128xi32, #tpu.memory_space<vmem>> -> memref<1x128xi32, #tpu.memory_space<vmem>>
        %dma_wait3A_170 = tpu.memref_squeeze %dma_wait3A_169 : memref<1x128xi32, #tpu.memory_space<vmem>> -> memref<128xi32, #tpu.memory_space<vmem>>
        %dma_wait3A_171 = arith.constant 0 : i32
        %dma_wait3A_172 = arith.constant 0 : i32
        %dma_wait3A_173 = tpu.memref_slice %arg2[%dma_wait3A_171, %dma_wait3A_172] : memref<10000x128xf32, #tpu.memory_space<hbm>> -> memref<10000x128xf32, #tpu.memory_space<hbm>>
        tpu.wait_indirect_dma semaphore(%arg15 : memref<!tpu.dma_semaphore, #tpu.memory_space<semaphore_mem>>) src(%dma_wait3A_173 : memref<10000x128xf32, #tpu.memory_space<hbm>>) dst(%arg9 : memref<128x128xf32, #tpu.memory_space<vmem>>)
        %dma_start3A = arith.constant 1 : i32
        %dma_start3A_174 = arith.constant 0 : i32
        %dma_start3A_175 = tpu.memref_slice %arg6[%dma_start3A, %dma_start3A_174] : memref<2x128xi32, #tpu.memory_space<vmem>> -> memref<1x128xi32, #tpu.memory_space<vmem>>
        %dma_start3A_176 = tpu.memref_squeeze %dma_start3A_175 : memref<1x128xi32, #tpu.memory_space<vmem>> -> memref<128xi32, #tpu.memory_space<vmem>>
        %dma_start3A_177 = arith.constant 0 : i32
        %dma_start3A_178 = arith.constant 0 : i32
        %dma_start3A_179 = tpu.memref_slice %arg5[%dma_start3A_177, %dma_start3A_178] : memref<10000x128xf32, #tpu.memory_space<vmem_shared>> -> memref<10000x128xf32, #tpu.memory_space<vmem_shared>>
        tpu.enqueue_indirect_dma source(%arg9 : memref<128x128xf32, #tpu.memory_space<vmem>>) target(%dma_start3A_179 : memref<10000x128xf32, #tpu.memory_space<vmem_shared>>) offsets(%dma_start3A_176 : memref<128xi32, #tpu.memory_space<vmem>>) semaphore(%arg18 : memref<!tpu.dma_semaphore, #tpu.memory_space<semaphore_mem>>) {add = true}
      } else {
      }
      %while3A_167 = arith.constant 0 : i32
      scf.yield %while3A_167 : i32
    }
    %while3A_63 = arith.constant 1 : i32
    %while3A_64 = scf.for %while3A_70 = %while3A_60 to %while3A_56 step %while3A_63 iter_args(%while3A_71 = %while3A_62) -> (i32)  : i32 {
      %mul3A_72 = arith.constant 3 : i32
      %mul3A_73 = arith.muli %while3A_70, %mul3A_72 : i32
      %add3A_74 = arith.constant 0 : i32
      %add3A_75 = arith.addi %mul3A_73, %add3A_74 : i32
      %ge3A = arith.constant 3 : i32
      %ge3A_76 = arith.cmpi sge, %add3A_75, %ge3A : i32
      %add3A_77 = arith.constant 3 : i32
      %add3A_78 = arith.addi %select_n3A, %add3A_77 : i32
      %lt3A_79 = arith.cmpi slt, %add3A_75, %add3A_78 : i32
      %and3A_80 = arith.andi %ge3A_76, %lt3A_79 : i1
      %convert_element_type3A = arith.extui %and3A_80 : i1 to i32
      %cond3A = arith.constant 0 : i32
      %cond3A_81 = arith.cmpi ne, %convert_element_type3A, %cond3A : i32
      scf.if %cond3A_81 {
        %dma_wait3A = arith.constant 1 : i32
        %dma_wait3A_168 = arith.constant 0 : i32
        %dma_wait3A_169 = tpu.memref_slice %arg6[%dma_wait3A, %dma_wait3A_168] : memref<2x128xi32, #tpu.memory_space<vmem>> -> memref<1x128xi32, #tpu.memory_space<vmem>>
        %dma_wait3A_170 = tpu.memref_squeeze %dma_wait3A_169 : memref<1x128xi32, #tpu.memory_space<vmem>> -> memref<128xi32, #tpu.memory_space<vmem>>
        %dma_wait3A_171 = arith.constant 0 : i32
        %dma_wait3A_172 = arith.constant 0 : i32
        %dma_wait3A_173 = tpu.memref_slice %arg5[%dma_wait3A_171, %dma_wait3A_172] : memref<10000x128xf32, #tpu.memory_space<vmem_shared>> -> memref<10000x128xf32, #tpu.memory_space<vmem_shared>>
        tpu.wait_indirect_dma semaphore(%arg18 : memref<!tpu.dma_semaphore, #tpu.memory_space<semaphore_mem>>) src(%arg9 : memref<128x128xf32, #tpu.memory_space<vmem>>) dst(%dma_wait3A_173 : memref<10000x128xf32, #tpu.memory_space<vmem_shared>>)
      } else {
      }
      %lt3A_82 = arith.cmpi slt, %add3A_75, %select_n3A : i32
      %convert_element_type3A_83 = arith.extui %lt3A_82 : i1 to i32
      %cond3A_84 = arith.constant 0 : i32
      %cond3A_85 = arith.cmpi ne, %convert_element_type3A_83, %cond3A_84 : i32
      scf.if %cond3A_85 {
        %add3A_168 = arith.addi %add3A_4, %add3A_75 : i32
        %mul3A_169 = arith.constant 128 : i32
        %mul3A_170 = arith.muli %add3A_168, %mul3A_169 : i32
        %dma_start3A = arith.constant 0 : i32
        %dma_start3A_171 = tpu.memref_slice %arg3[%dma_start3A, %mul3A_170] : memref<2x320000xi32, #tpu.memory_space<hbm>> -> memref<2x128xi32, #tpu.memory_space<hbm>>
        %dma_start3A_172 = arith.constant 0 : i32
        %dma_start3A_173 = tpu.memref_slice %arg3[%dma_start3A_172, %mul3A_170] : memref<2x320000xi32, #tpu.memory_space<hbm>> -> memref<2x128xi32, #tpu.memory_space<hbm>>
        tpu.enqueue_dma source(%dma_start3A_173 : memref<2x128xi32, #tpu.memory_space<hbm>>) target(%arg6 : memref<2x128xi32, #tpu.memory_space<vmem>>) target_semaphore(%arg12 : memref<!tpu.dma_semaphore, #tpu.memory_space<semaphore_mem>>)
      } else {
      }
      %ge3A_86 = arith.constant 1 : i32
      %ge3A_87 = arith.cmpi sge, %add3A_75, %ge3A_86 : i32
      %le3A = arith.cmpi sle, %add3A_75, %select_n3A : i32
      %and3A_88 = arith.andi %ge3A_87, %le3A : i1
      %convert_element_type3A_89 = arith.extui %and3A_88 : i1 to i32
      %cond3A_90 = arith.constant 0 : i32
      %cond3A_91 = arith.cmpi ne, %convert_element_type3A_89, %cond3A_90 : i32
      scf.if %cond3A_91 {
        %dma_wait3A = arith.constant 0 : i32
        %dma_wait3A_168 = arith.constant 0 : i32
        %dma_wait3A_169 = tpu.memref_slice %arg3[%dma_wait3A, %dma_wait3A_168] : memref<2x320000xi32, #tpu.memory_space<hbm>> -> memref<2x128xi32, #tpu.memory_space<hbm>>
        %dma_wait3A_170 = arith.constant 0 : i32
        %dma_wait3A_171 = arith.constant 0 : i32
        %dma_wait3A_172 = tpu.memref_slice %arg3[%dma_wait3A_170, %dma_wait3A_171] : memref<2x320000xi32, #tpu.memory_space<hbm>> -> memref<2x128xi32, #tpu.memory_space<hbm>>
        tpu.wait_dma2 semaphore(%arg14 : memref<!tpu.dma_semaphore, #tpu.memory_space<semaphore_mem>>) src(%dma_wait3A_172 : memref<2x128xi32, #tpu.memory_space<hbm>>) dst(%arg8 : memref<2x128xi32, #tpu.memory_space<vmem>>)
        %dma_start3A = arith.constant 0 : i32
        %dma_start3A_173 = arith.constant 0 : i32
        %dma_start3A_174 = tpu.memref_slice %arg8[%dma_start3A, %dma_start3A_173] : memref<2x128xi32, #tpu.memory_space<vmem>> -> memref<1x128xi32, #tpu.memory_space<vmem>>
        %dma_start3A_175 = tpu.memref_squeeze %dma_start3A_174 : memref<1x128xi32, #tpu.memory_space<vmem>> -> memref<128xi32, #tpu.memory_space<vmem>>
        %dma_start3A_176 = arith.constant 0 : i32
        %dma_start3A_177 = arith.constant 0 : i32
        %dma_start3A_178 = tpu.memref_slice %arg2[%dma_start3A_176, %dma_start3A_177] : memref<10000x128xf32, #tpu.memory_space<hbm>> -> memref<10000x128xf32, #tpu.memory_space<hbm>>
        tpu.enqueue_indirect_dma source(%dma_start3A_178 : memref<10000x128xf32, #tpu.memory_space<hbm>>) target(%arg11 : memref<128x128xf32, #tpu.memory_space<vmem>>) offsets(%dma_start3A_175 : memref<128xi32, #tpu.memory_space<vmem>>) semaphore(%arg17 : memref<!tpu.dma_semaphore, #tpu.memory_space<semaphore_mem>>)
      } else {
      }
      %ge3A_92 = arith.constant 2 : i32
      %ge3A_93 = arith.cmpi sge, %add3A_75, %ge3A_92 : i32
      %add3A_94 = arith.constant 1 : i32
      %add3A_95 = arith.addi %select_n3A, %add3A_94 : i32
      %le3A_96 = arith.cmpi sle, %add3A_75, %add3A_95 : i32
      %and3A_97 = arith.andi %ge3A_93, %le3A_96 : i1
      %convert_element_type3A_98 = arith.extui %and3A_97 : i1 to i32
      %cond3A_99 = arith.constant 0 : i32
      %cond3A_100 = arith.cmpi ne, %convert_element_type3A_98, %cond3A_99 : i32
      scf.if %cond3A_100 {
        %dma_wait3A = arith.constant 0 : i32
        %dma_wait3A_168 = arith.constant 0 : i32
        %dma_wait3A_169 = tpu.memref_slice %arg7[%dma_wait3A, %dma_wait3A_168] : memref<2x128xi32, #tpu.memory_space<vmem>> -> memref<1x128xi32, #tpu.memory_space<vmem>>
        %dma_wait3A_170 = tpu.memref_squeeze %dma_wait3A_169 : memref<1x128xi32, #tpu.memory_space<vmem>> -> memref<128xi32, #tpu.memory_space<vmem>>
        %dma_wait3A_171 = arith.constant 0 : i32
        %dma_wait3A_172 = arith.constant 0 : i32
        %dma_wait3A_173 = tpu.memref_slice %arg2[%dma_wait3A_171, %dma_wait3A_172] : memref<10000x128xf32, #tpu.memory_space<hbm>> -> memref<10000x128xf32, #tpu.memory_space<hbm>>
        tpu.wait_indirect_dma semaphore(%arg16 : memref<!tpu.dma_semaphore, #tpu.memory_space<semaphore_mem>>) src(%dma_wait3A_173 : memref<10000x128xf32, #tpu.memory_space<hbm>>) dst(%arg10 : memref<128x128xf32, #tpu.memory_space<vmem>>)
        %dma_start3A = arith.constant 1 : i32
        %dma_start3A_174 = arith.constant 0 : i32
        %dma_start3A_175 = tpu.memref_slice %arg7[%dma_start3A, %dma_start3A_174] : memref<2x128xi32, #tpu.memory_space<vmem>> -> memref<1x128xi32, #tpu.memory_space<vmem>>
        %dma_start3A_176 = tpu.memref_squeeze %dma_start3A_175 : memref<1x128xi32, #tpu.memory_space<vmem>> -> memref<128xi32, #tpu.memory_space<vmem>>
        %dma_start3A_177 = arith.constant 0 : i32
        %dma_start3A_178 = arith.constant 0 : i32
        %dma_start3A_179 = tpu.memref_slice %arg5[%dma_start3A_177, %dma_start3A_178] : memref<10000x128xf32, #tpu.memory_space<vmem_shared>> -> memref<10000x128xf32, #tpu.memory_space<vmem_shared>>
        tpu.enqueue_indirect_dma source(%arg10 : memref<128x128xf32, #tpu.memory_space<vmem>>) target(%dma_start3A_179 : memref<10000x128xf32, #tpu.memory_space<vmem_shared>>) offsets(%dma_start3A_176 : memref<128xi32, #tpu.memory_space<vmem>>) semaphore(%arg19 : memref<!tpu.dma_semaphore, #tpu.memory_space<semaphore_mem>>) {add = true}
      } else {
      }
      %mul3A_101 = arith.constant 3 : i32
      %mul3A_102 = arith.muli %while3A_70, %mul3A_101 : i32
      %add3A_103 = arith.constant 1 : i32
      %add3A_104 = arith.addi %mul3A_102, %add3A_103 : i32
      %ge3A_105 = arith.constant 3 : i32
      %ge3A_106 = arith.cmpi sge, %add3A_104, %ge3A_105 : i32
      %add3A_107 = arith.constant 3 : i32
      %add3A_108 = arith.addi %select_n3A, %add3A_107 : i32
      %lt3A_109 = arith.cmpi slt, %add3A_104, %add3A_108 : i32
      %and3A_110 = arith.andi %ge3A_106, %lt3A_109 : i1
      %convert_element_type3A_111 = arith.extui %and3A_110 : i1 to i32
      %cond3A_112 = arith.constant 0 : i32
      %cond3A_113 = arith.cmpi ne, %convert_element_type3A_111, %cond3A_112 : i32
      scf.if %cond3A_113 {
        %dma_wait3A = arith.constant 1 : i32
        %dma_wait3A_168 = arith.constant 0 : i32
        %dma_wait3A_169 = tpu.memref_slice %arg7[%dma_wait3A, %dma_wait3A_168] : memref<2x128xi32, #tpu.memory_space<vmem>> -> memref<1x128xi32, #tpu.memory_space<vmem>>
        %dma_wait3A_170 = tpu.memref_squeeze %dma_wait3A_169 : memref<1x128xi32, #tpu.memory_space<vmem>> -> memref<128xi32, #tpu.memory_space<vmem>>
        %dma_wait3A_171 = arith.constant 0 : i32
        %dma_wait3A_172 = arith.constant 0 : i32
        %dma_wait3A_173 = tpu.memref_slice %arg5[%dma_wait3A_171, %dma_wait3A_172] : memref<10000x128xf32, #tpu.memory_space<vmem_shared>> -> memref<10000x128xf32, #tpu.memory_space<vmem_shared>>
        tpu.wait_indirect_dma semaphore(%arg19 : memref<!tpu.dma_semaphore, #tpu.memory_space<semaphore_mem>>) src(%arg10 : memref<128x128xf32, #tpu.memory_space<vmem>>) dst(%dma_wait3A_173 : memref<10000x128xf32, #tpu.memory_space<vmem_shared>>)
      } else {
      }
      %lt3A_114 = arith.cmpi slt, %add3A_104, %select_n3A : i32
      %convert_element_type3A_115 = arith.extui %lt3A_114 : i1 to i32
      %cond3A_116 = arith.constant 0 : i32
      %cond3A_117 = arith.cmpi ne, %convert_element_type3A_115, %cond3A_116 : i32
      scf.if %cond3A_117 {
        %add3A_168 = arith.addi %add3A_4, %add3A_104 : i32
        %mul3A_169 = arith.constant 128 : i32
        %mul3A_170 = arith.muli %add3A_168, %mul3A_169 : i32
        %dma_start3A = arith.constant 0 : i32
        %dma_start3A_171 = tpu.memref_slice %arg3[%dma_start3A, %mul3A_170] : memref<2x320000xi32, #tpu.memory_space<hbm>> -> memref<2x128xi32, #tpu.memory_space<hbm>>
        %dma_start3A_172 = arith.constant 0 : i32
        %dma_start3A_173 = tpu.memref_slice %arg3[%dma_start3A_172, %mul3A_170] : memref<2x320000xi32, #tpu.memory_space<hbm>> -> memref<2x128xi32, #tpu.memory_space<hbm>>
        tpu.enqueue_dma source(%dma_start3A_173 : memref<2x128xi32, #tpu.memory_space<hbm>>) target(%arg7 : memref<2x128xi32, #tpu.memory_space<vmem>>) target_semaphore(%arg13 : memref<!tpu.dma_semaphore, #tpu.memory_space<semaphore_mem>>)
      } else {
      }
      %ge3A_118 = arith.constant 1 : i32
      %ge3A_119 = arith.cmpi sge, %add3A_104, %ge3A_118 : i32
      %le3A_120 = arith.cmpi sle, %add3A_104, %select_n3A : i32
      %and3A_121 = arith.andi %ge3A_119, %le3A_120 : i1
      %convert_element_type3A_122 = arith.extui %and3A_121 : i1 to i32
      %cond3A_123 = arith.constant 0 : i32
      %cond3A_124 = arith.cmpi ne, %convert_element_type3A_122, %cond3A_123 : i32
      scf.if %cond3A_124 {
        %dma_wait3A = arith.constant 0 : i32
        %dma_wait3A_168 = arith.constant 0 : i32
        %dma_wait3A_169 = tpu.memref_slice %arg3[%dma_wait3A, %dma_wait3A_168] : memref<2x320000xi32, #tpu.memory_space<hbm>> -> memref<2x128xi32, #tpu.memory_space<hbm>>
        %dma_wait3A_170 = arith.constant 0 : i32
        %dma_wait3A_171 = arith.constant 0 : i32
        %dma_wait3A_172 = tpu.memref_slice %arg3[%dma_wait3A_170, %dma_wait3A_171] : memref<2x320000xi32, #tpu.memory_space<hbm>> -> memref<2x128xi32, #tpu.memory_space<hbm>>
        tpu.wait_dma2 semaphore(%arg12 : memref<!tpu.dma_semaphore, #tpu.memory_space<semaphore_mem>>) src(%dma_wait3A_172 : memref<2x128xi32, #tpu.memory_space<hbm>>) dst(%arg6 : memref<2x128xi32, #tpu.memory_space<vmem>>)
        %dma_start3A = arith.constant 0 : i32
        %dma_start3A_173 = arith.constant 0 : i32
        %dma_start3A_174 = tpu.memref_slice %arg6[%dma_start3A, %dma_start3A_173] : memref<2x128xi32, #tpu.memory_space<vmem>> -> memref<1x128xi32, #tpu.memory_space<vmem>>
        %dma_start3A_175 = tpu.memref_squeeze %dma_start3A_174 : memref<1x128xi32, #tpu.memory_space<vmem>> -> memref<128xi32, #tpu.memory_space<vmem>>
        %dma_start3A_176 = arith.constant 0 : i32
        %dma_start3A_177 = arith.constant 0 : i32
        %dma_start3A_178 = tpu.memref_slice %arg2[%dma_start3A_176, %dma_start3A_177] : memref<10000x128xf32, #tpu.memory_space<hbm>> -> memref<10000x128xf32, #tpu.memory_space<hbm>>
        tpu.enqueue_indirect_dma source(%dma_start3A_178 : memref<10000x128xf32, #tpu.memory_space<hbm>>) target(%arg9 : memref<128x128xf32, #tpu.memory_space<vmem>>) offsets(%dma_start3A_175 : memref<128xi32, #tpu.memory_space<vmem>>) semaphore(%arg15 : memref<!tpu.dma_semaphore, #tpu.memory_space<semaphore_mem>>)
      } else {
      }
      %ge3A_125 = arith.constant 2 : i32
      %ge3A_126 = arith.cmpi sge, %add3A_104, %ge3A_125 : i32
      %add3A_127 = arith.constant 1 : i32
      %add3A_128 = arith.addi %select_n3A, %add3A_127 : i32
      %le3A_129 = arith.cmpi sle, %add3A_104, %add3A_128 : i32
      %and3A_130 = arith.andi %ge3A_126, %le3A_129 : i1
      %convert_element_type3A_131 = arith.extui %and3A_130 : i1 to i32
      %cond3A_132 = arith.constant 0 : i32
      %cond3A_133 = arith.cmpi ne, %convert_element_type3A_131, %cond3A_132 : i32
      scf.if %cond3A_133 {
        %dma_wait3A = arith.constant 0 : i32
        %dma_wait3A_168 = arith.constant 0 : i32
        %dma_wait3A_169 = tpu.memref_slice %arg8[%dma_wait3A, %dma_wait3A_168] : memref<2x128xi32, #tpu.memory_space<vmem>> -> memref<1x128xi32, #tpu.memory_space<vmem>>
        %dma_wait3A_170 = tpu.memref_squeeze %dma_wait3A_169 : memref<1x128xi32, #tpu.memory_space<vmem>> -> memref<128xi32, #tpu.memory_space<vmem>>
        %dma_wait3A_171 = arith.constant 0 : i32
        %dma_wait3A_172 = arith.constant 0 : i32
        %dma_wait3A_173 = tpu.memref_slice %arg2[%dma_wait3A_171, %dma_wait3A_172] : memref<10000x128xf32, #tpu.memory_space<hbm>> -> memref<10000x128xf32, #tpu.memory_space<hbm>>
        tpu.wait_indirect_dma semaphore(%arg17 : memref<!tpu.dma_semaphore, #tpu.memory_space<semaphore_mem>>) src(%dma_wait3A_173 : memref<10000x128xf32, #tpu.memory_space<hbm>>) dst(%arg11 : memref<128x128xf32, #tpu.memory_space<vmem>>)
        %dma_start3A = arith.constant 1 : i32
        %dma_start3A_174 = arith.constant 0 : i32
        %dma_start3A_175 = tpu.memref_slice %arg8[%dma_start3A, %dma_start3A_174] : memref<2x128xi32, #tpu.memory_space<vmem>> -> memref<1x128xi32, #tpu.memory_space<vmem>>
        %dma_start3A_176 = tpu.memref_squeeze %dma_start3A_175 : memref<1x128xi32, #tpu.memory_space<vmem>> -> memref<128xi32, #tpu.memory_space<vmem>>
        %dma_start3A_177 = arith.constant 0 : i32
        %dma_start3A_178 = arith.constant 0 : i32
        %dma_start3A_179 = tpu.memref_slice %arg5[%dma_start3A_177, %dma_start3A_178] : memref<10000x128xf32, #tpu.memory_space<vmem_shared>> -> memref<10000x128xf32, #tpu.memory_space<vmem_shared>>
        tpu.enqueue_indirect_dma source(%arg11 : memref<128x128xf32, #tpu.memory_space<vmem>>) target(%dma_start3A_179 : memref<10000x128xf32, #tpu.memory_space<vmem_shared>>) offsets(%dma_start3A_176 : memref<128xi32, #tpu.memory_space<vmem>>) semaphore(%arg20 : memref<!tpu.dma_semaphore, #tpu.memory_space<semaphore_mem>>) {add = true}
      } else {
      }
      %mul3A_134 = arith.constant 3 : i32
      %mul3A_135 = arith.muli %while3A_70, %mul3A_134 : i32
      %add3A_136 = arith.constant 2 : i32
      %add3A_137 = arith.addi %mul3A_135, %add3A_136 : i32
      %ge3A_138 = arith.constant 3 : i32
      %ge3A_139 = arith.cmpi sge, %add3A_137, %ge3A_138 : i32
      %add3A_140 = arith.constant 3 : i32
      %add3A_141 = arith.addi %select_n3A, %add3A_140 : i32
      %lt3A_142 = arith.cmpi slt, %add3A_137, %add3A_141 : i32
      %and3A_143 = arith.andi %ge3A_139, %lt3A_142 : i1
      %convert_element_type3A_144 = arith.extui %and3A_143 : i1 to i32
      %cond3A_145 = arith.constant 0 : i32
      %cond3A_146 = arith.cmpi ne, %convert_element_type3A_144, %cond3A_145 : i32
      scf.if %cond3A_146 {
        %dma_wait3A = arith.constant 1 : i32
        %dma_wait3A_168 = arith.constant 0 : i32
        %dma_wait3A_169 = tpu.memref_slice %arg8[%dma_wait3A, %dma_wait3A_168] : memref<2x128xi32, #tpu.memory_space<vmem>> -> memref<1x128xi32, #tpu.memory_space<vmem>>
        %dma_wait3A_170 = tpu.memref_squeeze %dma_wait3A_169 : memref<1x128xi32, #tpu.memory_space<vmem>> -> memref<128xi32, #tpu.memory_space<vmem>>
        %dma_wait3A_171 = arith.constant 0 : i32
        %dma_wait3A_172 = arith.constant 0 : i32
        %dma_wait3A_173 = tpu.memref_slice %arg5[%dma_wait3A_171, %dma_wait3A_172] : memref<10000x128xf32, #tpu.memory_space<vmem_shared>> -> memref<10000x128xf32, #tpu.memory_space<vmem_shared>>
        tpu.wait_indirect_dma semaphore(%arg20 : memref<!tpu.dma_semaphore, #tpu.memory_space<semaphore_mem>>) src(%arg11 : memref<128x128xf32, #tpu.memory_space<vmem>>) dst(%dma_wait3A_173 : memref<10000x128xf32, #tpu.memory_space<vmem_shared>>)
      } else {
      }
      %lt3A_147 = arith.cmpi slt, %add3A_137, %select_n3A : i32
      %convert_element_type3A_148 = arith.extui %lt3A_147 : i1 to i32
      %cond3A_149 = arith.constant 0 : i32
      %cond3A_150 = arith.cmpi ne, %convert_element_type3A_148, %cond3A_149 : i32
      scf.if %cond3A_150 {
        %add3A_168 = arith.addi %add3A_4, %add3A_137 : i32
        %mul3A_169 = arith.constant 128 : i32
        %mul3A_170 = arith.muli %add3A_168, %mul3A_169 : i32
        %dma_start3A = arith.constant 0 : i32
        %dma_start3A_171 = tpu.memref_slice %arg3[%dma_start3A, %mul3A_170] : memref<2x320000xi32, #tpu.memory_space<hbm>> -> memref<2x128xi32, #tpu.memory_space<hbm>>
        %dma_start3A_172 = arith.constant 0 : i32
        %dma_start3A_173 = tpu.memref_slice %arg3[%dma_start3A_172, %mul3A_170] : memref<2x320000xi32, #tpu.memory_space<hbm>> -> memref<2x128xi32, #tpu.memory_space<hbm>>
        tpu.enqueue_dma source(%dma_start3A_173 : memref<2x128xi32, #tpu.memory_space<hbm>>) target(%arg8 : memref<2x128xi32, #tpu.memory_space<vmem>>) target_semaphore(%arg14 : memref<!tpu.dma_semaphore, #tpu.memory_space<semaphore_mem>>)
      } else {
      }
      %ge3A_151 = arith.constant 1 : i32
      %ge3A_152 = arith.cmpi sge, %add3A_137, %ge3A_151 : i32
      %le3A_153 = arith.cmpi sle, %add3A_137, %select_n3A : i32
      %and3A_154 = arith.andi %ge3A_152, %le3A_153 : i1
      %convert_element_type3A_155 = arith.extui %and3A_154 : i1 to i32
      %cond3A_156 = arith.constant 0 : i32
      %cond3A_157 = arith.cmpi ne, %convert_element_type3A_155, %cond3A_156 : i32
      scf.if %cond3A_157 {
        %dma_wait3A = arith.constant 0 : i32
        %dma_wait3A_168 = arith.constant 0 : i32
        %dma_wait3A_169 = tpu.memref_slice %arg3[%dma_wait3A, %dma_wait3A_168] : memref<2x320000xi32, #tpu.memory_space<hbm>> -> memref<2x128xi32, #tpu.memory_space<hbm>>
        %dma_wait3A_170 = arith.constant 0 : i32
        %dma_wait3A_171 = arith.constant 0 : i32
        %dma_wait3A_172 = tpu.memref_slice %arg3[%dma_wait3A_170, %dma_wait3A_171] : memref<2x320000xi32, #tpu.memory_space<hbm>> -> memref<2x128xi32, #tpu.memory_space<hbm>>
        tpu.wait_dma2 semaphore(%arg13 : memref<!tpu.dma_semaphore, #tpu.memory_space<semaphore_mem>>) src(%dma_wait3A_172 : memref<2x128xi32, #tpu.memory_space<hbm>>) dst(%arg7 : memref<2x128xi32, #tpu.memory_space<vmem>>)
        %dma_start3A = arith.constant 0 : i32
        %dma_start3A_173 = arith.constant 0 : i32
        %dma_start3A_174 = tpu.memref_slice %arg7[%dma_start3A, %dma_start3A_173] : memref<2x128xi32, #tpu.memory_space<vmem>> -> memref<1x128xi32, #tpu.memory_space<vmem>>
        %dma_start3A_175 = tpu.memref_squeeze %dma_start3A_174 : memref<1x128xi32, #tpu.memory_space<vmem>> -> memref<128xi32, #tpu.memory_space<vmem>>
        %dma_start3A_176 = arith.constant 0 : i32
        %dma_start3A_177 = arith.constant 0 : i32
        %dma_start3A_178 = tpu.memref_slice %arg2[%dma_start3A_176, %dma_start3A_177] : memref<10000x128xf32, #tpu.memory_space<hbm>> -> memref<10000x128xf32, #tpu.memory_space<hbm>>
        tpu.enqueue_indirect_dma source(%dma_start3A_178 : memref<10000x128xf32, #tpu.memory_space<hbm>>) target(%arg10 : memref<128x128xf32, #tpu.memory_space<vmem>>) offsets(%dma_start3A_175 : memref<128xi32, #tpu.memory_space<vmem>>) semaphore(%arg16 : memref<!tpu.dma_semaphore, #tpu.memory_space<semaphore_mem>>)
      } else {
      }
      %ge3A_158 = arith.constant 2 : i32
      %ge3A_159 = arith.cmpi sge, %add3A_137, %ge3A_158 : i32
      %add3A_160 = arith.constant 1 : i32
      %add3A_161 = arith.addi %select_n3A, %add3A_160 : i32
      %le3A_162 = arith.cmpi sle, %add3A_137, %add3A_161 : i32
      %and3A_163 = arith.andi %ge3A_159, %le3A_162 : i1
      %convert_element_type3A_164 = arith.extui %and3A_163 : i1 to i32
      %cond3A_165 = arith.constant 0 : i32
      %cond3A_166 = arith.cmpi ne, %convert_element_type3A_164, %cond3A_165 : i32
      scf.if %cond3A_166 {
        %dma_wait3A = arith.constant 0 : i32
        %dma_wait3A_168 = arith.constant 0 : i32
        %dma_wait3A_169 = tpu.memref_slice %arg6[%dma_wait3A, %dma_wait3A_168] : memref<2x128xi32, #tpu.memory_space<vmem>> -> memref<1x128xi32, #tpu.memory_space<vmem>>
        %dma_wait3A_170 = tpu.memref_squeeze %dma_wait3A_169 : memref<1x128xi32, #tpu.memory_space<vmem>> -> memref<128xi32, #tpu.memory_space<vmem>>
        %dma_wait3A_171 = arith.constant 0 : i32
        %dma_wait3A_172 = arith.constant 0 : i32
        %dma_wait3A_173 = tpu.memref_slice %arg2[%dma_wait3A_171, %dma_wait3A_172] : memref<10000x128xf32, #tpu.memory_space<hbm>> -> memref<10000x128xf32, #tpu.memory_space<hbm>>
        tpu.wait_indirect_dma semaphore(%arg15 : memref<!tpu.dma_semaphore, #tpu.memory_space<semaphore_mem>>) src(%dma_wait3A_173 : memref<10000x128xf32, #tpu.memory_space<hbm>>) dst(%arg9 : memref<128x128xf32, #tpu.memory_space<vmem>>)
        %dma_start3A = arith.constant 1 : i32
        %dma_start3A_174 = arith.constant 0 : i32
        %dma_start3A_175 = tpu.memref_slice %arg6[%dma_start3A, %dma_start3A_174] : memref<2x128xi32, #tpu.memory_space<vmem>> -> memref<1x128xi32, #tpu.memory_space<vmem>>
        %dma_start3A_176 = tpu.memref_squeeze %dma_start3A_175 : memref<1x128xi32, #tpu.memory_space<vmem>> -> memref<128xi32, #tpu.memory_space<vmem>>
        %dma_start3A_177 = arith.constant 0 : i32
        %dma_start3A_178 = arith.constant 0 : i32
        %dma_start3A_179 = tpu.memref_slice %arg5[%dma_start3A_177, %dma_start3A_178] : memref<10000x128xf32, #tpu.memory_space<vmem_shared>> -> memref<10000x128xf32, #tpu.memory_space<vmem_shared>>
        tpu.enqueue_indirect_dma source(%arg9 : memref<128x128xf32, #tpu.memory_space<vmem>>) target(%dma_start3A_179 : memref<10000x128xf32, #tpu.memory_space<vmem_shared>>) offsets(%dma_start3A_176 : memref<128xi32, #tpu.memory_space<vmem>>) semaphore(%arg18 : memref<!tpu.dma_semaphore, #tpu.memory_space<semaphore_mem>>) {add = true}
      } else {
      }
      %while3A_167 = arith.constant 0 : i32
      scf.yield %while3A_167 : i32
    }
    %barrier3A_65 = arith.constant 0 : index
    tpu.barrier barrier_id(%barrier3A_65)
    %mul3A_66 = arith.constant 624 : i32
    %mul3A_67 = arith.muli %arg1, %mul3A_66 : i32
    %mul3A_68 = arith.constant 624 : i32
    %mul3A_69 = arith.muli %arg1, %mul3A_68 : i32
    "tpu.region"() ({
      %run_scoped3A = tpu.sem_alloc : memref<!tpu.dma_semaphore, #tpu.memory_space<semaphore_mem>>
      %dma_start3A = arith.constant 0 : i32
      %dma_start3A_70 = tpu.memref_slice %arg4[%arg0, %mul3A_69, %dma_start3A] : memref<2x10000x128xf32, #tpu.memory_space<hbm>> -> memref<1x640x128xf32, #tpu.memory_space<hbm>>
      %dma_start3A_71 = tpu.memref_squeeze %dma_start3A_70 : memref<1x640x128xf32, #tpu.memory_space<hbm>> -> memref<640x128xf32, #tpu.memory_space<hbm>>
      %dma_start3A_72 = arith.constant 0 : i32
      %dma_start3A_73 = tpu.memref_slice %arg5[%mul3A_67, %dma_start3A_72] : memref<10000x128xf32, #tpu.memory_space<vmem_shared>> -> memref<640x128xf32, #tpu.memory_space<vmem_shared>>
      tpu.enqueue_dma source(%dma_start3A_73 : memref<640x128xf32, #tpu.memory_space<vmem_shared>>) target(%dma_start3A_71 : memref<640x128xf32, #tpu.memory_space<hbm>>) target_semaphore(%run_scoped3A : memref<!tpu.dma_semaphore, #tpu.memory_space<semaphore_mem>>)
      %dma_wait3A = arith.constant 0 : i32
      %dma_wait3A_74 = tpu.memref_slice %arg4[%arg0, %mul3A_69, %dma_wait3A] : memref<2x10000x128xf32, #tpu.memory_space<hbm>> -> memref<1x640x128xf32, #tpu.memory_space<hbm>>
      %dma_wait3A_75 = tpu.memref_squeeze %dma_wait3A_74 : memref<1x640x128xf32, #tpu.memory_space<hbm>> -> memref<640x128xf32, #tpu.memory_space<hbm>>
      %dma_wait3A_76 = arith.constant 0 : i32
      %dma_wait3A_77 = tpu.memref_slice %arg5[%mul3A_67, %dma_wait3A_76] : memref<10000x128xf32, #tpu.memory_space<vmem_shared>> -> memref<640x128xf32, #tpu.memory_space<vmem_shared>>
      tpu.wait_dma2 semaphore(%run_scoped3A : memref<!tpu.dma_semaphore, #tpu.memory_space<semaphore_mem>>) src(%dma_wait3A_77 : memref<640x128xf32, #tpu.memory_space<vmem_shared>>) dst(%dma_wait3A_75 : memref<640x128xf32, #tpu.memory_space<hbm>>)
      tpu.yield
    }) : () -> ()
    return
  }
}

#map = affine_map<(d0, d1) -> (0, 0)>
#map1 = affine_map<(d0, d1) -> (0, 0, 0)>
module attributes {stable_mosaic.version = 14 : i64} {
  func.func @_scatter_body(%arg0: i32, %arg1: i32, %arg2: memref<10000x128xf32, #tpu.memory_space<hbm>>, %arg3: memref<2x320000xi32, #tpu.memory_space<hbm>>, %arg4: memref<2x10000x128xf32, #tpu.memory_space<hbm>>, %arg5: memref<10000x128xf32, #tpu.memory_space<vmem_shared>>, %arg6: memref<2x128xi32, #tpu.memory_space<vmem>>, %arg7: memref<2x128xi32, #tpu.memory_space<vmem>>, %arg8: memref<2x128xi32, #tpu.memory_space<vmem>>, %arg9: memref<128x128xf32, #tpu.memory_space<vmem>>, %arg10: memref<128x128xf32, #tpu.memory_space<vmem>>, %arg11: memref<128x128xf32, #tpu.memory_space<vmem>>, %arg12: memref<!tpu.dma_semaphore, #tpu.memory_space<semaphore_mem>>, %arg13: memref<!tpu.dma_semaphore, #tpu.memory_space<semaphore_mem>>, %arg14: memref<!tpu.dma_semaphore, #tpu.memory_space<semaphore_mem>>, %arg15: memref<!tpu.dma_semaphore, #tpu.memory_space<semaphore_mem>>, %arg16: memref<!tpu.dma_semaphore, #tpu.memory_space<semaphore_mem>>, %arg17: memref<!tpu.dma_semaphore, #tpu.memory_space<semaphore_mem>>, %arg18: memref<!tpu.dma_semaphore, #tpu.memory_space<semaphore_mem>>, %arg19: memref<!tpu.dma_semaphore, #tpu.memory_space<semaphore_mem>>, %arg20: memref<!tpu.dma_semaphore, #tpu.memory_space<semaphore_mem>>) attributes {dimension_semantics = [#tpu.dimension_semantics<core_parallel>, #tpu.dimension_semantics<subcore_parallel>], iteration_bounds = array<i64: 2, 16>, scalar_prefetch = 0 : i64, scratch_operands = 16 : i64, tpu.core_type = #tpu.core_type<sc_vector_subcore>, window_params = [{transform_indices = #map}, {transform_indices = #map}, {transform_indices = #map1}]} {
    %mul3A = arith.constant 2 : i32
    %mul3A_0 = arith.muli %arg1, %mul3A : i32
    %add3A = arith.addi %mul3A_0, %arg0 : i32
    %min3A = arith.constant 4 : i32
    %min3A_1 = arith.minsi %add3A, %min3A : i32
    %mul3A_2 = arith.constant 78 : i32
    %mul3A_3 = arith.muli %add3A, %mul3A_2 : i32
    %add3A_4 = arith.addi %mul3A_3, %min3A_1 : i32
    %lt3A = arith.constant 4 : i32
    %lt3A_5 = arith.cmpi slt, %add3A, %lt3A : i32
    %jit3A = arith.constant 79 : i32
    %jit3A_6 = arith.constant 78 : i32
    %select_n3A = arith.select %lt3A_5, %jit3A, %jit3A_6 : i32
    %broadcast_in_dim3A = arith.constant 0.000000e+00 : f32
    %broadcast_in_dim3A_7 = vector.broadcast %broadcast_in_dim3A : f32 to vector<16xf32>
    %scan3A = arith.constant 0 : i32
    %scan3A_8 = arith.constant 0 : i32
    %scan3A_9 = arith.constant 128 : i32
    %scan3A_10 = arith.addi %scan3A_8, %scan3A_9 : i32
    %scan3A_11 = arith.constant 1 : i32
    %scan3A_12 = scf.for %scan3A_70 = %scan3A_8 to %scan3A_10 step %scan3A_11 iter_args(%scan3A_71 = %scan3A) -> (i32)  : i32 {
      %swap3A = arith.index_cast %scan3A_70 : i32 to index
      %swap3A_72 = arith.constant 0 : index
      %swap3A_73 = tpu.vector_load %arg9[%swap3A, %swap3A_72] {strides = array<i32>} : memref<128x128xf32, #tpu.memory_space<vmem>>, vector<1x16xf32>,
      %swap3A_74 = vector.shape_cast %swap3A_73 : vector<1x16xf32> to vector<16xf32>
      %swap3A_75 = vector.shape_cast %broadcast_in_dim3A_7 : vector<16xf32> to vector<1x16xf32>
      tpu.vector_store %arg9[%swap3A, %swap3A_72], %swap3A_75 {strides = array<i32>} : memref<128x128xf32, #tpu.memory_space<vmem>>, vector<1x16xf32>,
      %swap3A_76 = arith.index_cast %scan3A_70 : i32 to index
      %swap3A_77 = arith.constant 16 : index
      %swap3A_78 = tpu.vector_load %arg9[%swap3A_76, %swap3A_77] {strides = array<i32>} : memref<128x128xf32, #tpu.memory_space<vmem>>, vector<1x16xf32>,
      %swap3A_79 = vector.shape_cast %swap3A_78 : vector<1x16xf32> to vector<16xf32>
      %swap3A_80 = vector.shape_cast %broadcast_in_dim3A_7 : vector<16xf32> to vector<1x16xf32>
      tpu.vector_store %arg9[%swap3A_76, %swap3A_77], %swap3A_80 {strides = array<i32>} : memref<128x128xf32, #tpu.memory_space<vmem>>, vector<1x16xf32>,
      %swap3A_81 = arith.index_cast %scan3A_70 : i32 to index
      %swap3A_82 = arith.constant 32 : index
      %swap3A_83 = tpu.vector_load %arg9[%swap3A_81, %swap3A_82] {strides = array<i32>} : memref<128x128xf32, #tpu.memory_space<vmem>>, vector<1x16xf32>,
      %swap3A_84 = vector.shape_cast %swap3A_83 : vector<1x16xf32> to vector<16xf32>
      %swap3A_85 = vector.shape_cast %broadcast_in_dim3A_7 : vector<16xf32> to vector<1x16xf32>
      tpu.vector_store %arg9[%swap3A_81, %swap3A_82], %swap3A_85 {strides = array<i32>} : memref<128x128xf32, #tpu.memory_space<vmem>>, vector<1x16xf32>,
      %swap3A_86 = arith.index_cast %scan3A_70 : i32 to index
      %swap3A_87 = arith.constant 48 : index
      %swap3A_88 = tpu.vector_load %arg9[%swap3A_86, %swap3A_87] {strides = array<i32>} : memref<128x128xf32, #tpu.memory_space<vmem>>, vector<1x16xf32>,
      %swap3A_89 = vector.shape_cast %swap3A_88 : vector<1x16xf32> to vector<16xf32>
      %swap3A_90 = vector.shape_cast %broadcast_in_dim3A_7 : vector<16xf32> to vector<1x16xf32>
      tpu.vector_store %arg9[%swap3A_86, %swap3A_87], %swap3A_90 {strides = array<i32>} : memref<128x128xf32, #tpu.memory_space<vmem>>, vector<1x16xf32>,
      %swap3A_91 = arith.index_cast %scan3A_70 : i32 to index
      %swap3A_92 = arith.constant 64 : index
      %swap3A_93 = tpu.vector_load %arg9[%swap3A_91, %swap3A_92] {strides = array<i32>} : memref<128x128xf32, #tpu.memory_space<vmem>>, vector<1x16xf32>,
      %swap3A_94 = vector.shape_cast %swap3A_93 : vector<1x16xf32> to vector<16xf32>
      %swap3A_95 = vector.shape_cast %broadcast_in_dim3A_7 : vector<16xf32> to vector<1x16xf32>
      tpu.vector_store %arg9[%swap3A_91, %swap3A_92], %swap3A_95 {strides = array<i32>} : memref<128x128xf32, #tpu.memory_space<vmem>>, vector<1x16xf32>,
      %swap3A_96 = arith.index_cast %scan3A_70 : i32 to index
      %swap3A_97 = arith.constant 80 : index
      %swap3A_98 = tpu.vector_load %arg9[%swap3A_96, %swap3A_97] {strides = array<i32>} : memref<128x128xf32, #tpu.memory_space<vmem>>, vector<1x16xf32>,
      %swap3A_99 = vector.shape_cast %swap3A_98 : vector<1x16xf32> to vector<16xf32>
      %swap3A_100 = vector.shape_cast %broadcast_in_dim3A_7 : vector<16xf32> to vector<1x16xf32>
      tpu.vector_store %arg9[%swap3A_96, %swap3A_97], %swap3A_100 {strides = array<i32>} : memref<128x128xf32, #tpu.memory_space<vmem>>, vector<1x16xf32>,
      %swap3A_101 = arith.index_cast %scan3A_70 : i32 to index
      %swap3A_102 = arith.constant 96 : index
      %swap3A_103 = tpu.vector_load %arg9[%swap3A_101, %swap3A_102] {strides = array<i32>} : memref<128x128xf32, #tpu.memory_space<vmem>>, vector<1x16xf32>,
      %swap3A_104 = vector.shape_cast %swap3A_103 : vector<1x16xf32> to vector<16xf32>
      %swap3A_105 = vector.shape_cast %broadcast_in_dim3A_7 : vector<16xf32> to vector<1x16xf32>
      tpu.vector_store %arg9[%swap3A_101, %swap3A_102], %swap3A_105 {strides = array<i32>} : memref<128x128xf32, #tpu.memory_space<vmem>>, vector<1x16xf32>,
      %swap3A_106 = arith.index_cast %scan3A_70 : i32 to index
      %swap3A_107 = arith.constant 112 : index
      %swap3A_108 = tpu.vector_load %arg9[%swap3A_106, %swap3A_107] {strides = array<i32>} : memref<128x128xf32, #tpu.memory_space<vmem>>, vector<1x16xf32>,
      %swap3A_109 = vector.shape_cast %swap3A_108 : vector<1x16xf32> to vector<16xf32>
      %swap3A_110 = vector.shape_cast %broadcast_in_dim3A_7 : vector<16xf32> to vector<1x16xf32>
      tpu.vector_store %arg9[%swap3A_106, %swap3A_107], %swap3A_110 {strides = array<i32>} : memref<128x128xf32, #tpu.memory_space<vmem>>, vector<1x16xf32>,
      %scan3A_111 = arith.constant 0 : i32
      scf.yield %scan3A_111 : i32
    }
    %scan3A_13 = arith.constant 128 : i32
    %mul3A_14 = arith.constant 624 : i32
    %mul3A_15 = arith.muli %arg1, %mul3A_14 : i32
    %add3A_16 = arith.constant 0 : i32
    %add3A_17 = arith.addi %mul3A_15, %add3A_16 : i32
    "tpu.region"() ({
      %run_scoped3A = tpu.sem_alloc : memref<!tpu.dma_semaphore, #tpu.memory_space<semaphore_mem>>
      %dma_start3A = arith.constant 0 : i32
      %dma_start3A_70 = tpu.memref_slice %arg5[%add3A_17, %dma_start3A] : memref<10000x128xf32, #tpu.memory_space<vmem_shared>> -> memref<128x128xf32, #tpu.memory_space<vmem_shared>>
      %dma_start3A_71 = arith.constant 0 : i32
      %dma_start3A_72 = tpu.memref_slice %arg5[%add3A_17, %dma_start3A_71] : memref<10000x128xf32, #tpu.memory_space<vmem_shared>> -> memref<128x128xf32, #tpu.memory_space<vmem_shared>>
      tpu.enqueue_dma source(%arg9 : memref<128x128xf32, #tpu.memory_space<vmem>>) target(%dma_start3A_72 : memref<128x128xf32, #tpu.memory_space<vmem_shared>>) target_semaphore(%run_scoped3A : memref<!tpu.dma_semaphore, #tpu.memory_space<semaphore_mem>>)
      %dma_wait3A = arith.constant 0 : i32
      %dma_wait3A_73 = tpu.memref_slice %arg5[%add3A_17, %dma_wait3A] : memref<10000x128xf32, #tpu.memory_space<vmem_shared>> -> memref<128x128xf32, #tpu.memory_space<vmem_shared>>
      %dma_wait3A_74 = arith.constant 0 : i32
      %dma_wait3A_75 = tpu.memref_slice %arg5[%add3A_17, %dma_wait3A_74] : memref<10000x128xf32, #tpu.memory_space<vmem_shared>> -> memref<128x128xf32, #tpu.memory_space<vmem_shared>>
      tpu.wait_dma2 semaphore(%run_scoped3A : memref<!tpu.dma_semaphore, #tpu.memory_space<semaphore_mem>>) src(%arg9 : memref<128x128xf32, #tpu.memory_space<vmem>>) dst(%dma_wait3A_75 : memref<128x128xf32, #tpu.memory_space<vmem_shared>>)
      tpu.yield
    }) : () -> ()
    %mul3A_18 = arith.constant 624 : i32
    %mul3A_19 = arith.muli %arg1, %mul3A_18 : i32
    %add3A_20 = arith.constant 128 : i32
    %add3A_21 = arith.addi %mul3A_19, %add3A_20 : i32
    "tpu.region"() ({
      %run_scoped3A = tpu.sem_alloc : memref<!tpu.dma_semaphore, #tpu.memory_space<semaphore_mem>>
      %dma_start3A = arith.constant 0 : i32
      %dma_start3A_70 = tpu.memref_slice %arg5[%add3A_21, %dma_start3A] : memref<10000x128xf32, #tpu.memory_space<vmem_shared>> -> memref<128x128xf32, #tpu.memory_space<vmem_shared>>
      %dma_start3A_71 = arith.constant 0 : i32
      %dma_start3A_72 = tpu.memref_slice %arg5[%add3A_21, %dma_start3A_71] : memref<10000x128xf32, #tpu.memory_space<vmem_shared>> -> memref<128x128xf32, #tpu.memory_space<vmem_shared>>
      tpu.enqueue_dma source(%arg9 : memref<128x128xf32, #tpu.memory_space<vmem>>) target(%dma_start3A_72 : memref<128x128xf32, #tpu.memory_space<vmem_shared>>) target_semaphore(%run_scoped3A : memref<!tpu.dma_semaphore, #tpu.memory_space<semaphore_mem>>)
      %dma_wait3A = arith.constant 0 : i32
      %dma_wait3A_73 = tpu.memref_slice %arg5[%add3A_21, %dma_wait3A] : memref<10000x128xf32, #tpu.memory_space<vmem_shared>> -> memref<128x128xf32, #tpu.memory_space<vmem_shared>>
      %dma_wait3A_74 = arith.constant 0 : i32
      %dma_wait3A_75 = tpu.memref_slice %arg5[%add3A_21, %dma_wait3A_74] : memref<10000x128xf32, #tpu.memory_space<vmem_shared>> -> memref<128x128xf32, #tpu.memory_space<vmem_shared>>
      tpu.wait_dma2 semaphore(%run_scoped3A : memref<!tpu.dma_semaphore, #tpu.memory_space<semaphore_mem>>) src(%arg9 : memref<128x128xf32, #tpu.memory_space<vmem>>) dst(%dma_wait3A_75 : memref<128x128xf32, #tpu.memory_space<vmem_shared>>)
      tpu.yield
    }) : () -> ()
    %mul3A_22 = arith.constant 624 : i32
    %mul3A_23 = arith.muli %arg1, %mul3A_22 : i32
    %add3A_24 = arith.constant 256 : i32
    %add3A_25 = arith.addi %mul3A_23, %add3A_24 : i32
    "tpu.region"() ({
      %run_scoped3A = tpu.sem_alloc : memref<!tpu.dma_semaphore, #tpu.memory_space<semaphore_mem>>
      %dma_start3A = arith.constant 0 : i32
      %dma_start3A_70 = tpu.memref_slice %arg5[%add3A_25, %dma_start3A] : memref<10000x128xf32, #tpu.memory_space<vmem_shared>> -> memref<128x128xf32, #tpu.memory_space<vmem_shared>>
      %dma_start3A_71 = arith.constant 0 : i32
      %dma_start3A_72 = tpu.memref_slice %arg5[%add3A_25, %dma_start3A_71] : memref<10000x128xf32, #tpu.memory_space<vmem_shared>> -> memref<128x128xf32, #tpu.memory_space<vmem_shared>>
      tpu.enqueue_dma source(%arg9 : memref<128x128xf32, #tpu.memory_space<vmem>>) target(%dma_start3A_72 : memref<128x128xf32, #tpu.memory_space<vmem_shared>>) target_semaphore(%run_scoped3A : memref<!tpu.dma_semaphore, #tpu.memory_space<semaphore_mem>>)
      %dma_wait3A = arith.constant 0 : i32
      %dma_wait3A_73 = tpu.memref_slice %arg5[%add3A_25, %dma_wait3A] : memref<10000x128xf32, #tpu.memory_space<vmem_shared>> -> memref<128x128xf32, #tpu.memory_space<vmem_shared>>
      %dma_wait3A_74 = arith.constant 0 : i32
      %dma_wait3A_75 = tpu.memref_slice %arg5[%add3A_25, %dma_wait3A_74] : memref<10000x128xf32, #tpu.memory_space<vmem_shared>> -> memref<128x128xf32, #tpu.memory_space<vmem_shared>>
      tpu.wait_dma2 semaphore(%run_scoped3A : memref<!tpu.dma_semaphore, #tpu.memory_space<semaphore_mem>>) src(%arg9 : memref<128x128xf32, #tpu.memory_space<vmem>>) dst(%dma_wait3A_75 : memref<128x128xf32, #tpu.memory_space<vmem_shared>>)
      tpu.yield
    }) : () -> ()
    %mul3A_26 = arith.constant 624 : i32
    %mul3A_27 = arith.muli %arg1, %mul3A_26 : i32
    %add3A_28 = arith.constant 384 : i32
    %add3A_29 = arith.addi %mul3A_27, %add3A_28 : i32
    "tpu.region"() ({
      %run_scoped3A = tpu.sem_alloc : memref<!tpu.dma_semaphore, #tpu.memory_space<semaphore_mem>>
      %dma_start3A = arith.constant 0 : i32
      %dma_start3A_70 = tpu.memref_slice %arg5[%add3A_29, %dma_start3A] : memref<10000x128xf32, #tpu.memory_space<vmem_shared>> -> memref<128x128xf32, #tpu.memory_space<vmem_shared>>
      %dma_start3A_71 = arith.constant 0 : i32
      %dma_start3A_72 = tpu.memref_slice %arg5[%add3A_29, %dma_start3A_71] : memref<10000x128xf32, #tpu.memory_space<vmem_shared>> -> memref<128x128xf32, #tpu.memory_space<vmem_shared>>
      tpu.enqueue_dma source(%arg9 : memref<128x128xf32, #tpu.memory_space<vmem>>) target(%dma_start3A_72 : memref<128x128xf32, #tpu.memory_space<vmem_shared>>) target_semaphore(%run_scoped3A : memref<!tpu.dma_semaphore, #tpu.memory_space<semaphore_mem>>)
      %dma_wait3A = arith.constant 0 : i32
      %dma_wait3A_73 = tpu.memref_slice %arg5[%add3A_29, %dma_wait3A] : memref<10000x128xf32, #tpu.memory_space<vmem_shared>> -> memref<128x128xf32, #tpu.memory_space<vmem_shared>>
      %dma_wait3A_74 = arith.constant 0 : i32
      %dma_wait3A_75 = tpu.memref_slice %arg5[%add3A_29, %dma_wait3A_74] : memref<10000x128xf32, #tpu.memory_space<vmem_shared>> -> memref<128x128xf32, #tpu.memory_space<vmem_shared>>
      tpu.wait_dma2 semaphore(%run_scoped3A : memref<!tpu.dma_semaphore, #tpu.memory_space<semaphore_mem>>) src(%arg9 : memref<128x128xf32, #tpu.memory_space<vmem>>) dst(%dma_wait3A_75 : memref<128x128xf32, #tpu.memory_space<vmem_shared>>)
      tpu.yield
    }) : () -> ()
    %mul3A_30 = arith.constant 624 : i32
    %mul3A_31 = arith.muli %arg1, %mul3A_30 : i32
    %add3A_32 = arith.constant 512 : i32
    %add3A_33 = arith.addi %mul3A_31, %add3A_32 : i32
    "tpu.region"() ({
      %run_scoped3A = tpu.sem_alloc : memref<!tpu.dma_semaphore, #tpu.memory_space<semaphore_mem>>
      %dma_start3A = arith.constant 0 : i32
      %dma_start3A_70 = tpu.memref_slice %arg5[%add3A_33, %dma_start3A] : memref<10000x128xf32, #tpu.memory_space<vmem_shared>> -> memref<128x128xf32, #tpu.memory_space<vmem_shared>>
      %dma_start3A_71 = arith.constant 0 : i32
      %dma_start3A_72 = tpu.memref_slice %arg5[%add3A_33, %dma_start3A_71] : memref<10000x128xf32, #tpu.memory_space<vmem_shared>> -> memref<128x128xf32, #tpu.memory_space<vmem_shared>>
      tpu.enqueue_dma source(%arg9 : memref<128x128xf32, #tpu.memory_space<vmem>>) target(%dma_start3A_72 : memref<128x128xf32, #tpu.memory_space<vmem_shared>>) target_semaphore(%run_scoped3A : memref<!tpu.dma_semaphore, #tpu.memory_space<semaphore_mem>>)
      %dma_wait3A = arith.constant 0 : i32
      %dma_wait3A_73 = tpu.memref_slice %arg5[%add3A_33, %dma_wait3A] : memref<10000x128xf32, #tpu.memory_space<vmem_shared>> -> memref<128x128xf32, #tpu.memory_space<vmem_shared>>
      %dma_wait3A_74 = arith.constant 0 : i32
      %dma_wait3A_75 = tpu.memref_slice %arg5[%add3A_33, %dma_wait3A_74] : memref<10000x128xf32, #tpu.memory_space<vmem_shared>> -> memref<128x128xf32, #tpu.memory_space<vmem_shared>>
      tpu.wait_dma2 semaphore(%run_scoped3A : memref<!tpu.dma_semaphore, #tpu.memory_space<semaphore_mem>>) src(%arg9 : memref<128x128xf32, #tpu.memory_space<vmem>>) dst(%dma_wait3A_75 : memref<128x128xf32, #tpu.memory_space<vmem_shared>>)
      tpu.yield
    }) : () -> ()
    %barrier3A = arith.constant 0 : index
    tpu.barrier barrier_id(%barrier3A)
    %add3A_34 = arith.constant 5 : i32
    %add3A_35 = arith.addi %select_n3A, %add3A_34 : i32
    %jit3A_36 = arith.constant 3 : i32
    %div3A = arith.divsi %add3A_35, %jit3A_36 : i32
    %sign3A = arith.constant 0 : i32
    %sign3A_37 = arith.cmpi sgt, %add3A_35, %sign3A : i32
    %sign3A_38 = arith.extui %sign3A_37 : i1 to i32
    %sign3A_39 = arith.constant 0 : i32
    %sign3A_40 = arith.cmpi slt, %add3A_35, %sign3A_39 : i32
    %sign3A_41 = arith.extui %sign3A_40 : i1 to i32
    %sign3A_42 = arith.subi %sign3A_38, %sign3A_41 : i32
    %sign3A_43 = arith.constant 0 : i32
    %sign3A_44 = arith.cmpi sgt, %jit3A_36, %sign3A_43 : i32
    %sign3A_45 = arith.extui %sign3A_44 : i1 to i32
    %sign3A_46 = arith.constant 0 : i32
    %sign3A_47 = arith.cmpi slt, %jit3A_36, %sign3A_46 : i32
    %sign3A_48 = arith.extui %sign3A_47 : i1 to i32
    %sign3A_49 = arith.subi %sign3A_45, %sign3A_48 : i32
    %ne3A = arith.cmpi ne, %sign3A_42, %sign3A_49 : i32
    %rem3A = arith.remsi %add3A_35, %jit3A_36 : i32
    %ne3A_50 = arith.constant 0 : i32
    %ne3A_51 = arith.cmpi ne, %rem3A, %ne3A_50 : i32
    %and3A = arith.andi %ne3A, %ne3A_51 : i1
    %sub3A = arith.constant 1 : i32
    %sub3A_52 = arith.subi %div3A, %sub3A : i32
    %select_n3A_53 = arith.select %and3A, %sub3A_52, %div3A : i32
    %while3A = arith.constant 0 : i32
    %while3A_54 = arith.constant 0 : i32
    %while3A_55 = arith.subi %select_n3A_53, %while3A : i32
    %while3A_56 = arith.addi %while3A, %while3A_55 : i32
    %while3A_57 = arith.constant 1 : i32
    %while3A_58 = arith.divsi %while3A_55, %while3A_57 : i32
    %while3A_59 = arith.muli %while3A_58, %while3A_57 : i32
    %while3A_60 = arith.addi %while3A, %while3A_59 : i32
    %while3A_61 = arith.constant 1 : i32
    %while3A_62 = scf.for %while3A_70 = %while3A to %while3A_60 step %while3A_61 iter_args(%while3A_71 = %while3A_54) -> (i32)  : i32 {
      %mul3A_72 = arith.constant 3 : i32
      %mul3A_73 = arith.muli %while3A_70, %mul3A_72 : i32
      %add3A_74 = arith.constant 0 : i32
      %add3A_75 = arith.addi %mul3A_73, %add3A_74 : i32
      %ge3A = arith.constant 3 : i32
      %ge3A_76 = arith.cmpi sge, %add3A_75, %ge3A : i32
      %add3A_77 = arith.constant 3 : i32
      %add3A_78 = arith.addi %select_n3A, %add3A_77 : i32
      %lt3A_79 = arith.cmpi slt, %add3A_75, %add3A_78 : i32
      %and3A_80 = arith.andi %ge3A_76, %lt3A_79 : i1
      %convert_element_type3A = arith.extui %and3A_80 : i1 to i32
      %cond3A = arith.constant 0 : i32
      %cond3A_81 = arith.cmpi ne, %convert_element_type3A, %cond3A : i32
      scf.if %cond3A_81 {
        %dma_wait3A = arith.constant 1 : i32
        %dma_wait3A_168 = arith.constant 0 : i32
        %dma_wait3A_169 = tpu.memref_slice %arg6[%dma_wait3A, %dma_wait3A_168] : memref<2x128xi32, #tpu.memory_space<vmem>> -> memref<1x128xi32, #tpu.memory_space<vmem>>
        %dma_wait3A_170 = tpu.memref_squeeze %dma_wait3A_169 : memref<1x128xi32, #tpu.memory_space<vmem>> -> memref<128xi32, #tpu.memory_space<vmem>>
        %dma_wait3A_171 = arith.constant 0 : i32
        %dma_wait3A_172 = arith.constant 0 : i32
        %dma_wait3A_173 = tpu.memref_slice %arg5[%dma_wait3A_171, %dma_wait3A_172] : memref<10000x128xf32, #tpu.memory_space<vmem_shared>> -> memref<10000x128xf32, #tpu.memory_space<vmem_shared>>
        tpu.wait_indirect_dma semaphore(%arg18 : memref<!tpu.dma_semaphore, #tpu.memory_space<semaphore_mem>>) src(%arg9 : memref<128x128xf32, #tpu.memory_space<vmem>>) dst(%dma_wait3A_173 : memref<10000x128xf32, #tpu.memory_space<vmem_shared>>)
      } else {
      }
      %lt3A_82 = arith.cmpi slt, %add3A_75, %select_n3A : i32
      %convert_element_type3A_83 = arith.extui %lt3A_82 : i1 to i32
      %cond3A_84 = arith.constant 0 : i32
      %cond3A_85 = arith.cmpi ne, %convert_element_type3A_83, %cond3A_84 : i32
      scf.if %cond3A_85 {
        %add3A_168 = arith.addi %add3A_4, %add3A_75 : i32
        %mul3A_169 = arith.constant 128 : i32
        %mul3A_170 = arith.muli %add3A_168, %mul3A_169 : i32
        %dma_start3A = arith.constant 0 : i32
        %dma_start3A_171 = tpu.memref_slice %arg3[%dma_start3A, %mul3A_170] : memref<2x320000xi32, #tpu.memory_space<hbm>> -> memref<2x128xi32, #tpu.memory_space<hbm>>
        %dma_start3A_172 = arith.constant 0 : i32
        %dma_start3A_173 = tpu.memref_slice %arg3[%dma_start3A_172, %mul3A_170] : memref<2x320000xi32, #tpu.memory_space<hbm>> -> memref<2x128xi32, #tpu.memory_space<hbm>>
        tpu.enqueue_dma source(%dma_start3A_173 : memref<2x128xi32, #tpu.memory_space<hbm>>) target(%arg6 : memref<2x128xi32, #tpu.memory_space<vmem>>) target_semaphore(%arg12 : memref<!tpu.dma_semaphore, #tpu.memory_space<semaphore_mem>>)
      } else {
      }
      %ge3A_86 = arith.constant 1 : i32
      %ge3A_87 = arith.cmpi sge, %add3A_75, %ge3A_86 : i32
      %le3A = arith.cmpi sle, %add3A_75, %select_n3A : i32
      %and3A_88 = arith.andi %ge3A_87, %le3A : i1
      %convert_element_type3A_89 = arith.extui %and3A_88 : i1 to i32
      %cond3A_90 = arith.constant 0 : i32
      %cond3A_91 = arith.cmpi ne, %convert_element_type3A_89, %cond3A_90 : i32
      scf.if %cond3A_91 {
        %dma_wait3A = arith.constant 0 : i32
        %dma_wait3A_168 = arith.constant 0 : i32
        %dma_wait3A_169 = tpu.memref_slice %arg3[%dma_wait3A, %dma_wait3A_168] : memref<2x320000xi32, #tpu.memory_space<hbm>> -> memref<2x128xi32, #tpu.memory_space<hbm>>
        %dma_wait3A_170 = arith.constant 0 : i32
        %dma_wait3A_171 = arith.constant 0 : i32
        %dma_wait3A_172 = tpu.memref_slice %arg3[%dma_wait3A_170, %dma_wait3A_171] : memref<2x320000xi32, #tpu.memory_space<hbm>> -> memref<2x128xi32, #tpu.memory_space<hbm>>
        tpu.wait_dma2 semaphore(%arg14 : memref<!tpu.dma_semaphore, #tpu.memory_space<semaphore_mem>>) src(%dma_wait3A_172 : memref<2x128xi32, #tpu.memory_space<hbm>>) dst(%arg8 : memref<2x128xi32, #tpu.memory_space<vmem>>)
        %dma_start3A = arith.constant 0 : i32
        %dma_start3A_173 = arith.constant 0 : i32
        %dma_start3A_174 = tpu.memref_slice %arg8[%dma_start3A, %dma_start3A_173] : memref<2x128xi32, #tpu.memory_space<vmem>> -> memref<1x128xi32, #tpu.memory_space<vmem>>
        %dma_start3A_175 = tpu.memref_squeeze %dma_start3A_174 : memref<1x128xi32, #tpu.memory_space<vmem>> -> memref<128xi32, #tpu.memory_space<vmem>>
        %dma_start3A_176 = arith.constant 0 : i32
        %dma_start3A_177 = arith.constant 0 : i32
        %dma_start3A_178 = tpu.memref_slice %arg2[%dma_start3A_176, %dma_start3A_177] : memref<10000x128xf32, #tpu.memory_space<hbm>> -> memref<10000x128xf32, #tpu.memory_space<hbm>>
        tpu.enqueue_indirect_dma source(%dma_start3A_178 : memref<10000x128xf32, #tpu.memory_space<hbm>>) target(%arg11 : memref<128x128xf32, #tpu.memory_space<vmem>>) offsets(%dma_start3A_175 : memref<128xi32, #tpu.memory_space<vmem>>) semaphore(%arg17 : memref<!tpu.dma_semaphore, #tpu.memory_space<semaphore_mem>>)
      } else {
      }
      %ge3A_92 = arith.constant 2 : i32
      %ge3A_93 = arith.cmpi sge, %add3A_75, %ge3A_92 : i32
      %add3A_94 = arith.constant 1 : i32
      %add3A_95 = arith.addi %select_n3A, %add3A_94 : i32
      %le3A_96 = arith.cmpi sle, %add3A_75, %add3A_95 : i32
      %and3A_97 = arith.andi %ge3A_93, %le3A_96 : i1
      %convert_element_type3A_98 = arith.extui %and3A_97 : i1 to i32
      %cond3A_99 = arith.constant 0 : i32
      %cond3A_100 = arith.cmpi ne, %convert_element_type3A_98, %cond3A_99 : i32
      scf.if %cond3A_100 {
        %dma_wait3A = arith.constant 0 : i32
        %dma_wait3A_168 = arith.constant 0 : i32
        %dma_wait3A_169 = tpu.memref_slice %arg7[%dma_wait3A, %dma_wait3A_168] : memref<2x128xi32, #tpu.memory_space<vmem>> -> memref<1x128xi32, #tpu.memory_space<vmem>>
        %dma_wait3A_170 = tpu.memref_squeeze %dma_wait3A_169 : memref<1x128xi32, #tpu.memory_space<vmem>> -> memref<128xi32, #tpu.memory_space<vmem>>
        %dma_wait3A_171 = arith.constant 0 : i32
        %dma_wait3A_172 = arith.constant 0 : i32
        %dma_wait3A_173 = tpu.memref_slice %arg2[%dma_wait3A_171, %dma_wait3A_172] : memref<10000x128xf32, #tpu.memory_space<hbm>> -> memref<10000x128xf32, #tpu.memory_space<hbm>>
        tpu.wait_indirect_dma semaphore(%arg16 : memref<!tpu.dma_semaphore, #tpu.memory_space<semaphore_mem>>) src(%dma_wait3A_173 : memref<10000x128xf32, #tpu.memory_space<hbm>>) dst(%arg10 : memref<128x128xf32, #tpu.memory_space<vmem>>)
        %dma_start3A = arith.constant 1 : i32
        %dma_start3A_174 = arith.constant 0 : i32
        %dma_start3A_175 = tpu.memref_slice %arg7[%dma_start3A, %dma_start3A_174] : memref<2x128xi32, #tpu.memory_space<vmem>> -> memref<1x128xi32, #tpu.memory_space<vmem>>
        %dma_start3A_176 = tpu.memref_squeeze %dma_start3A_175 : memref<1x128xi32, #tpu.memory_space<vmem>> -> memref<128xi32, #tpu.memory_space<vmem>>
        %dma_start3A_177 = arith.constant 0 : i32
        %dma_start3A_178 = arith.constant 0 : i32
        %dma_start3A_179 = tpu.memref_slice %arg5[%dma_start3A_177, %dma_start3A_178] : memref<10000x128xf32, #tpu.memory_space<vmem_shared>> -> memref<10000x128xf32, #tpu.memory_space<vmem_shared>>
        tpu.enqueue_indirect_dma source(%arg10 : memref<128x128xf32, #tpu.memory_space<vmem>>) target(%dma_start3A_179 : memref<10000x128xf32, #tpu.memory_space<vmem_shared>>) offsets(%dma_start3A_176 : memref<128xi32, #tpu.memory_space<vmem>>) semaphore(%arg19 : memref<!tpu.dma_semaphore, #tpu.memory_space<semaphore_mem>>) {add = true}
      } else {
      }
      %mul3A_101 = arith.constant 3 : i32
      %mul3A_102 = arith.muli %while3A_70, %mul3A_101 : i32
      %add3A_103 = arith.constant 1 : i32
      %add3A_104 = arith.addi %mul3A_102, %add3A_103 : i32
      %ge3A_105 = arith.constant 3 : i32
      %ge3A_106 = arith.cmpi sge, %add3A_104, %ge3A_105 : i32
      %add3A_107 = arith.constant 3 : i32
      %add3A_108 = arith.addi %select_n3A, %add3A_107 : i32
      %lt3A_109 = arith.cmpi slt, %add3A_104, %add3A_108 : i32
      %and3A_110 = arith.andi %ge3A_106, %lt3A_109 : i1
      %convert_element_type3A_111 = arith.extui %and3A_110 : i1 to i32
      %cond3A_112 = arith.constant 0 : i32
      %cond3A_113 = arith.cmpi ne, %convert_element_type3A_111, %cond3A_112 : i32
      scf.if %cond3A_113 {
        %dma_wait3A = arith.constant 1 : i32
        %dma_wait3A_168 = arith.constant 0 : i32
        %dma_wait3A_169 = tpu.memref_slice %arg7[%dma_wait3A, %dma_wait3A_168] : memref<2x128xi32, #tpu.memory_space<vmem>> -> memref<1x128xi32, #tpu.memory_space<vmem>>
        %dma_wait3A_170 = tpu.memref_squeeze %dma_wait3A_169 : memref<1x128xi32, #tpu.memory_space<vmem>> -> memref<128xi32, #tpu.memory_space<vmem>>
        %dma_wait3A_171 = arith.constant 0 : i32
        %dma_wait3A_172 = arith.constant 0 : i32
        %dma_wait3A_173 = tpu.memref_slice %arg5[%dma_wait3A_171, %dma_wait3A_172] : memref<10000x128xf32, #tpu.memory_space<vmem_shared>> -> memref<10000x128xf32, #tpu.memory_space<vmem_shared>>
        tpu.wait_indirect_dma semaphore(%arg19 : memref<!tpu.dma_semaphore, #tpu.memory_space<semaphore_mem>>) src(%arg10 : memref<128x128xf32, #tpu.memory_space<vmem>>) dst(%dma_wait3A_173 : memref<10000x128xf32, #tpu.memory_space<vmem_shared>>)
      } else {
      }
      %lt3A_114 = arith.cmpi slt, %add3A_104, %select_n3A : i32
      %convert_element_type3A_115 = arith.extui %lt3A_114 : i1 to i32
      %cond3A_116 = arith.constant 0 : i32
      %cond3A_117 = arith.cmpi ne, %convert_element_type3A_115, %cond3A_116 : i32
      scf.if %cond3A_117 {
        %add3A_168 = arith.addi %add3A_4, %add3A_104 : i32
        %mul3A_169 = arith.constant 128 : i32
        %mul3A_170 = arith.muli %add3A_168, %mul3A_169 : i32
        %dma_start3A = arith.constant 0 : i32
        %dma_start3A_171 = tpu.memref_slice %arg3[%dma_start3A, %mul3A_170] : memref<2x320000xi32, #tpu.memory_space<hbm>> -> memref<2x128xi32, #tpu.memory_space<hbm>>
        %dma_start3A_172 = arith.constant 0 : i32
        %dma_start3A_173 = tpu.memref_slice %arg3[%dma_start3A_172, %mul3A_170] : memref<2x320000xi32, #tpu.memory_space<hbm>> -> memref<2x128xi32, #tpu.memory_space<hbm>>
        tpu.enqueue_dma source(%dma_start3A_173 : memref<2x128xi32, #tpu.memory_space<hbm>>) target(%arg7 : memref<2x128xi32, #tpu.memory_space<vmem>>) target_semaphore(%arg13 : memref<!tpu.dma_semaphore, #tpu.memory_space<semaphore_mem>>)
      } else {
      }
      %ge3A_118 = arith.constant 1 : i32
      %ge3A_119 = arith.cmpi sge, %add3A_104, %ge3A_118 : i32
      %le3A_120 = arith.cmpi sle, %add3A_104, %select_n3A : i32
      %and3A_121 = arith.andi %ge3A_119, %le3A_120 : i1
      %convert_element_type3A_122 = arith.extui %and3A_121 : i1 to i32
      %cond3A_123 = arith.constant 0 : i32
      %cond3A_124 = arith.cmpi ne, %convert_element_type3A_122, %cond3A_123 : i32
      scf.if %cond3A_124 {
        %dma_wait3A = arith.constant 0 : i32
        %dma_wait3A_168 = arith.constant 0 : i32
        %dma_wait3A_169 = tpu.memref_slice %arg3[%dma_wait3A, %dma_wait3A_168] : memref<2x320000xi32, #tpu.memory_space<hbm>> -> memref<2x128xi32, #tpu.memory_space<hbm>>
        %dma_wait3A_170 = arith.constant 0 : i32
        %dma_wait3A_171 = arith.constant 0 : i32
        %dma_wait3A_172 = tpu.memref_slice %arg3[%dma_wait3A_170, %dma_wait3A_171] : memref<2x320000xi32, #tpu.memory_space<hbm>> -> memref<2x128xi32, #tpu.memory_space<hbm>>
        tpu.wait_dma2 semaphore(%arg12 : memref<!tpu.dma_semaphore, #tpu.memory_space<semaphore_mem>>) src(%dma_wait3A_172 : memref<2x128xi32, #tpu.memory_space<hbm>>) dst(%arg6 : memref<2x128xi32, #tpu.memory_space<vmem>>)
        %dma_start3A = arith.constant 0 : i32
        %dma_start3A_173 = arith.constant 0 : i32
        %dma_start3A_174 = tpu.memref_slice %arg6[%dma_start3A, %dma_start3A_173] : memref<2x128xi32, #tpu.memory_space<vmem>> -> memref<1x128xi32, #tpu.memory_space<vmem>>
        %dma_start3A_175 = tpu.memref_squeeze %dma_start3A_174 : memref<1x128xi32, #tpu.memory_space<vmem>> -> memref<128xi32, #tpu.memory_space<vmem>>
        %dma_start3A_176 = arith.constant 0 : i32
        %dma_start3A_177 = arith.constant 0 : i32
        %dma_start3A_178 = tpu.memref_slice %arg2[%dma_start3A_176, %dma_start3A_177] : memref<10000x128xf32, #tpu.memory_space<hbm>> -> memref<10000x128xf32, #tpu.memory_space<hbm>>
        tpu.enqueue_indirect_dma source(%dma_start3A_178 : memref<10000x128xf32, #tpu.memory_space<hbm>>) target(%arg9 : memref<128x128xf32, #tpu.memory_space<vmem>>) offsets(%dma_start3A_175 : memref<128xi32, #tpu.memory_space<vmem>>) semaphore(%arg15 : memref<!tpu.dma_semaphore, #tpu.memory_space<semaphore_mem>>)
      } else {
      }
      %ge3A_125 = arith.constant 2 : i32
      %ge3A_126 = arith.cmpi sge, %add3A_104, %ge3A_125 : i32
      %add3A_127 = arith.constant 1 : i32
      %add3A_128 = arith.addi %select_n3A, %add3A_127 : i32
      %le3A_129 = arith.cmpi sle, %add3A_104, %add3A_128 : i32
      %and3A_130 = arith.andi %ge3A_126, %le3A_129 : i1
      %convert_element_type3A_131 = arith.extui %and3A_130 : i1 to i32
      %cond3A_132 = arith.constant 0 : i32
      %cond3A_133 = arith.cmpi ne, %convert_element_type3A_131, %cond3A_132 : i32
      scf.if %cond3A_133 {
        %dma_wait3A = arith.constant 0 : i32
        %dma_wait3A_168 = arith.constant 0 : i32
        %dma_wait3A_169 = tpu.memref_slice %arg8[%dma_wait3A, %dma_wait3A_168] : memref<2x128xi32, #tpu.memory_space<vmem>> -> memref<1x128xi32, #tpu.memory_space<vmem>>
        %dma_wait3A_170 = tpu.memref_squeeze %dma_wait3A_169 : memref<1x128xi32, #tpu.memory_space<vmem>> -> memref<128xi32, #tpu.memory_space<vmem>>
        %dma_wait3A_171 = arith.constant 0 : i32
        %dma_wait3A_172 = arith.constant 0 : i32
        %dma_wait3A_173 = tpu.memref_slice %arg2[%dma_wait3A_171, %dma_wait3A_172] : memref<10000x128xf32, #tpu.memory_space<hbm>> -> memref<10000x128xf32, #tpu.memory_space<hbm>>
        tpu.wait_indirect_dma semaphore(%arg17 : memref<!tpu.dma_semaphore, #tpu.memory_space<semaphore_mem>>) src(%dma_wait3A_173 : memref<10000x128xf32, #tpu.memory_space<hbm>>) dst(%arg11 : memref<128x128xf32, #tpu.memory_space<vmem>>)
        %dma_start3A = arith.constant 1 : i32
        %dma_start3A_174 = arith.constant 0 : i32
        %dma_start3A_175 = tpu.memref_slice %arg8[%dma_start3A, %dma_start3A_174] : memref<2x128xi32, #tpu.memory_space<vmem>> -> memref<1x128xi32, #tpu.memory_space<vmem>>
        %dma_start3A_176 = tpu.memref_squeeze %dma_start3A_175 : memref<1x128xi32, #tpu.memory_space<vmem>> -> memref<128xi32, #tpu.memory_space<vmem>>
        %dma_start3A_177 = arith.constant 0 : i32
        %dma_start3A_178 = arith.constant 0 : i32
        %dma_start3A_179 = tpu.memref_slice %arg5[%dma_start3A_177, %dma_start3A_178] : memref<10000x128xf32, #tpu.memory_space<vmem_shared>> -> memref<10000x128xf32, #tpu.memory_space<vmem_shared>>
        tpu.enqueue_indirect_dma source(%arg11 : memref<128x128xf32, #tpu.memory_space<vmem>>) target(%dma_start3A_179 : memref<10000x128xf32, #tpu.memory_space<vmem_shared>>) offsets(%dma_start3A_176 : memref<128xi32, #tpu.memory_space<vmem>>) semaphore(%arg20 : memref<!tpu.dma_semaphore, #tpu.memory_space<semaphore_mem>>) {add = true}
      } else {
      }
      %mul3A_134 = arith.constant 3 : i32
      %mul3A_135 = arith.muli %while3A_70, %mul3A_134 : i32
      %add3A_136 = arith.constant 2 : i32
      %add3A_137 = arith.addi %mul3A_135, %add3A_136 : i32
      %ge3A_138 = arith.constant 3 : i32
      %ge3A_139 = arith.cmpi sge, %add3A_137, %ge3A_138 : i32
      %add3A_140 = arith.constant 3 : i32
      %add3A_141 = arith.addi %select_n3A, %add3A_140 : i32
      %lt3A_142 = arith.cmpi slt, %add3A_137, %add3A_141 : i32
      %and3A_143 = arith.andi %ge3A_139, %lt3A_142 : i1
      %convert_element_type3A_144 = arith.extui %and3A_143 : i1 to i32
      %cond3A_145 = arith.constant 0 : i32
      %cond3A_146 = arith.cmpi ne, %convert_element_type3A_144, %cond3A_145 : i32
      scf.if %cond3A_146 {
        %dma_wait3A = arith.constant 1 : i32
        %dma_wait3A_168 = arith.constant 0 : i32
        %dma_wait3A_169 = tpu.memref_slice %arg8[%dma_wait3A, %dma_wait3A_168] : memref<2x128xi32, #tpu.memory_space<vmem>> -> memref<1x128xi32, #tpu.memory_space<vmem>>
        %dma_wait3A_170 = tpu.memref_squeeze %dma_wait3A_169 : memref<1x128xi32, #tpu.memory_space<vmem>> -> memref<128xi32, #tpu.memory_space<vmem>>
        %dma_wait3A_171 = arith.constant 0 : i32
        %dma_wait3A_172 = arith.constant 0 : i32
        %dma_wait3A_173 = tpu.memref_slice %arg5[%dma_wait3A_171, %dma_wait3A_172] : memref<10000x128xf32, #tpu.memory_space<vmem_shared>> -> memref<10000x128xf32, #tpu.memory_space<vmem_shared>>
        tpu.wait_indirect_dma semaphore(%arg20 : memref<!tpu.dma_semaphore, #tpu.memory_space<semaphore_mem>>) src(%arg11 : memref<128x128xf32, #tpu.memory_space<vmem>>) dst(%dma_wait3A_173 : memref<10000x128xf32, #tpu.memory_space<vmem_shared>>)
      } else {
      }
      %lt3A_147 = arith.cmpi slt, %add3A_137, %select_n3A : i32
      %convert_element_type3A_148 = arith.extui %lt3A_147 : i1 to i32
      %cond3A_149 = arith.constant 0 : i32
      %cond3A_150 = arith.cmpi ne, %convert_element_type3A_148, %cond3A_149 : i32
      scf.if %cond3A_150 {
        %add3A_168 = arith.addi %add3A_4, %add3A_137 : i32
        %mul3A_169 = arith.constant 128 : i32
        %mul3A_170 = arith.muli %add3A_168, %mul3A_169 : i32
        %dma_start3A = arith.constant 0 : i32
        %dma_start3A_171 = tpu.memref_slice %arg3[%dma_start3A, %mul3A_170] : memref<2x320000xi32, #tpu.memory_space<hbm>> -> memref<2x128xi32, #tpu.memory_space<hbm>>
        %dma_start3A_172 = arith.constant 0 : i32
        %dma_start3A_173 = tpu.memref_slice %arg3[%dma_start3A_172, %mul3A_170] : memref<2x320000xi32, #tpu.memory_space<hbm>> -> memref<2x128xi32, #tpu.memory_space<hbm>>
        tpu.enqueue_dma source(%dma_start3A_173 : memref<2x128xi32, #tpu.memory_space<hbm>>) target(%arg8 : memref<2x128xi32, #tpu.memory_space<vmem>>) target_semaphore(%arg14 : memref<!tpu.dma_semaphore, #tpu.memory_space<semaphore_mem>>)
      } else {
      }
      %ge3A_151 = arith.constant 1 : i32
      %ge3A_152 = arith.cmpi sge, %add3A_137, %ge3A_151 : i32
      %le3A_153 = arith.cmpi sle, %add3A_137, %select_n3A : i32
      %and3A_154 = arith.andi %ge3A_152, %le3A_153 : i1
      %convert_element_type3A_155 = arith.extui %and3A_154 : i1 to i32
      %cond3A_156 = arith.constant 0 : i32
      %cond3A_157 = arith.cmpi ne, %convert_element_type3A_155, %cond3A_156 : i32
      scf.if %cond3A_157 {
        %dma_wait3A = arith.constant 0 : i32
        %dma_wait3A_168 = arith.constant 0 : i32
        %dma_wait3A_169 = tpu.memref_slice %arg3[%dma_wait3A, %dma_wait3A_168] : memref<2x320000xi32, #tpu.memory_space<hbm>> -> memref<2x128xi32, #tpu.memory_space<hbm>>
        %dma_wait3A_170 = arith.constant 0 : i32
        %dma_wait3A_171 = arith.constant 0 : i32
        %dma_wait3A_172 = tpu.memref_slice %arg3[%dma_wait3A_170, %dma_wait3A_171] : memref<2x320000xi32, #tpu.memory_space<hbm>> -> memref<2x128xi32, #tpu.memory_space<hbm>>
        tpu.wait_dma2 semaphore(%arg13 : memref<!tpu.dma_semaphore, #tpu.memory_space<semaphore_mem>>) src(%dma_wait3A_172 : memref<2x128xi32, #tpu.memory_space<hbm>>) dst(%arg7 : memref<2x128xi32, #tpu.memory_space<vmem>>)
        %dma_start3A = arith.constant 0 : i32
        %dma_start3A_173 = arith.constant 0 : i32
        %dma_start3A_174 = tpu.memref_slice %arg7[%dma_start3A, %dma_start3A_173] : memref<2x128xi32, #tpu.memory_space<vmem>> -> memref<1x128xi32, #tpu.memory_space<vmem>>
        %dma_start3A_175 = tpu.memref_squeeze %dma_start3A_174 : memref<1x128xi32, #tpu.memory_space<vmem>> -> memref<128xi32, #tpu.memory_space<vmem>>
        %dma_start3A_176 = arith.constant 0 : i32
        %dma_start3A_177 = arith.constant 0 : i32
        %dma_start3A_178 = tpu.memref_slice %arg2[%dma_start3A_176, %dma_start3A_177] : memref<10000x128xf32, #tpu.memory_space<hbm>> -> memref<10000x128xf32, #tpu.memory_space<hbm>>
        tpu.enqueue_indirect_dma source(%dma_start3A_178 : memref<10000x128xf32, #tpu.memory_space<hbm>>) target(%arg10 : memref<128x128xf32, #tpu.memory_space<vmem>>) offsets(%dma_start3A_175 : memref<128xi32, #tpu.memory_space<vmem>>) semaphore(%arg16 : memref<!tpu.dma_semaphore, #tpu.memory_space<semaphore_mem>>)
      } else {
      }
      %ge3A_158 = arith.constant 2 : i32
      %ge3A_159 = arith.cmpi sge, %add3A_137, %ge3A_158 : i32
      %add3A_160 = arith.constant 1 : i32
      %add3A_161 = arith.addi %select_n3A, %add3A_160 : i32
      %le3A_162 = arith.cmpi sle, %add3A_137, %add3A_161 : i32
      %and3A_163 = arith.andi %ge3A_159, %le3A_162 : i1
      %convert_element_type3A_164 = arith.extui %and3A_163 : i1 to i32
      %cond3A_165 = arith.constant 0 : i32
      %cond3A_166 = arith.cmpi ne, %convert_element_type3A_164, %cond3A_165 : i32
      scf.if %cond3A_166 {
        %dma_wait3A = arith.constant 0 : i32
        %dma_wait3A_168 = arith.constant 0 : i32
        %dma_wait3A_169 = tpu.memref_slice %arg6[%dma_wait3A, %dma_wait3A_168] : memref<2x128xi32, #tpu.memory_space<vmem>> -> memref<1x128xi32, #tpu.memory_space<vmem>>
        %dma_wait3A_170 = tpu.memref_squeeze %dma_wait3A_169 : memref<1x128xi32, #tpu.memory_space<vmem>> -> memref<128xi32, #tpu.memory_space<vmem>>
        %dma_wait3A_171 = arith.constant 0 : i32
        %dma_wait3A_172 = arith.constant 0 : i32
        %dma_wait3A_173 = tpu.memref_slice %arg2[%dma_wait3A_171, %dma_wait3A_172] : memref<10000x128xf32, #tpu.memory_space<hbm>> -> memref<10000x128xf32, #tpu.memory_space<hbm>>
        tpu.wait_indirect_dma semaphore(%arg15 : memref<!tpu.dma_semaphore, #tpu.memory_space<semaphore_mem>>) src(%dma_wait3A_173 : memref<10000x128xf32, #tpu.memory_space<hbm>>) dst(%arg9 : memref<128x128xf32, #tpu.memory_space<vmem>>)
        %dma_start3A = arith.constant 1 : i32
        %dma_start3A_174 = arith.constant 0 : i32
        %dma_start3A_175 = tpu.memref_slice %arg6[%dma_start3A, %dma_start3A_174] : memref<2x128xi32, #tpu.memory_space<vmem>> -> memref<1x128xi32, #tpu.memory_space<vmem>>
        %dma_start3A_176 = tpu.memref_squeeze %dma_start3A_175 : memref<1x128xi32, #tpu.memory_space<vmem>> -> memref<128xi32, #tpu.memory_space<vmem>>
        %dma_start3A_177 = arith.constant 0 : i32
        %dma_start3A_178 = arith.constant 0 : i32
        %dma_start3A_179 = tpu.memref_slice %arg5[%dma_start3A_177, %dma_start3A_178] : memref<10000x128xf32, #tpu.memory_space<vmem_shared>> -> memref<10000x128xf32, #tpu.memory_space<vmem_shared>>
        tpu.enqueue_indirect_dma source(%arg9 : memref<128x128xf32, #tpu.memory_space<vmem>>) target(%dma_start3A_179 : memref<10000x128xf32, #tpu.memory_space<vmem_shared>>) offsets(%dma_start3A_176 : memref<128xi32, #tpu.memory_space<vmem>>) semaphore(%arg18 : memref<!tpu.dma_semaphore, #tpu.memory_space<semaphore_mem>>) {add = true}
      } else {
      }
      %while3A_167 = arith.constant 0 : i32
      scf.yield %while3A_167 : i32
    }
    %while3A_63 = arith.constant 1 : i32
    %while3A_64 = scf.for %while3A_70 = %while3A_60 to %while3A_56 step %while3A_63 iter_args(%while3A_71 = %while3A_62) -> (i32)  : i32 {
      %mul3A_72 = arith.constant 3 : i32
      %mul3A_73 = arith.muli %while3A_70, %mul3A_72 : i32
      %add3A_74 = arith.constant 0 : i32
      %add3A_75 = arith.addi %mul3A_73, %add3A_74 : i32
      %ge3A = arith.constant 3 : i32
      %ge3A_76 = arith.cmpi sge, %add3A_75, %ge3A : i32
      %add3A_77 = arith.constant 3 : i32
      %add3A_78 = arith.addi %select_n3A, %add3A_77 : i32
      %lt3A_79 = arith.cmpi slt, %add3A_75, %add3A_78 : i32
      %and3A_80 = arith.andi %ge3A_76, %lt3A_79 : i1
      %convert_element_type3A = arith.extui %and3A_80 : i1 to i32
      %cond3A = arith.constant 0 : i32
      %cond3A_81 = arith.cmpi ne, %convert_element_type3A, %cond3A : i32
      scf.if %cond3A_81 {
        %dma_wait3A = arith.constant 1 : i32
        %dma_wait3A_168 = arith.constant 0 : i32
        %dma_wait3A_169 = tpu.memref_slice %arg6[%dma_wait3A, %dma_wait3A_168] : memref<2x128xi32, #tpu.memory_space<vmem>> -> memref<1x128xi32, #tpu.memory_space<vmem>>
        %dma_wait3A_170 = tpu.memref_squeeze %dma_wait3A_169 : memref<1x128xi32, #tpu.memory_space<vmem>> -> memref<128xi32, #tpu.memory_space<vmem>>
        %dma_wait3A_171 = arith.constant 0 : i32
        %dma_wait3A_172 = arith.constant 0 : i32
        %dma_wait3A_173 = tpu.memref_slice %arg5[%dma_wait3A_171, %dma_wait3A_172] : memref<10000x128xf32, #tpu.memory_space<vmem_shared>> -> memref<10000x128xf32, #tpu.memory_space<vmem_shared>>
        tpu.wait_indirect_dma semaphore(%arg18 : memref<!tpu.dma_semaphore, #tpu.memory_space<semaphore_mem>>) src(%arg9 : memref<128x128xf32, #tpu.memory_space<vmem>>) dst(%dma_wait3A_173 : memref<10000x128xf32, #tpu.memory_space<vmem_shared>>)
      } else {
      }
      %lt3A_82 = arith.cmpi slt, %add3A_75, %select_n3A : i32
      %convert_element_type3A_83 = arith.extui %lt3A_82 : i1 to i32
      %cond3A_84 = arith.constant 0 : i32
      %cond3A_85 = arith.cmpi ne, %convert_element_type3A_83, %cond3A_84 : i32
      scf.if %cond3A_85 {
        %add3A_168 = arith.addi %add3A_4, %add3A_75 : i32
        %mul3A_169 = arith.constant 128 : i32
        %mul3A_170 = arith.muli %add3A_168, %mul3A_169 : i32
        %dma_start3A = arith.constant 0 : i32
        %dma_start3A_171 = tpu.memref_slice %arg3[%dma_start3A, %mul3A_170] : memref<2x320000xi32, #tpu.memory_space<hbm>> -> memref<2x128xi32, #tpu.memory_space<hbm>>
        %dma_start3A_172 = arith.constant 0 : i32
        %dma_start3A_173 = tpu.memref_slice %arg3[%dma_start3A_172, %mul3A_170] : memref<2x320000xi32, #tpu.memory_space<hbm>> -> memref<2x128xi32, #tpu.memory_space<hbm>>
        tpu.enqueue_dma source(%dma_start3A_173 : memref<2x128xi32, #tpu.memory_space<hbm>>) target(%arg6 : memref<2x128xi32, #tpu.memory_space<vmem>>) target_semaphore(%arg12 : memref<!tpu.dma_semaphore, #tpu.memory_space<semaphore_mem>>)
      } else {
      }
      %ge3A_86 = arith.constant 1 : i32
      %ge3A_87 = arith.cmpi sge, %add3A_75, %ge3A_86 : i32
      %le3A = arith.cmpi sle, %add3A_75, %select_n3A : i32
      %and3A_88 = arith.andi %ge3A_87, %le3A : i1
      %convert_element_type3A_89 = arith.extui %and3A_88 : i1 to i32
      %cond3A_90 = arith.constant 0 : i32
      %cond3A_91 = arith.cmpi ne, %convert_element_type3A_89, %cond3A_90 : i32
      scf.if %cond3A_91 {
        %dma_wait3A = arith.constant 0 : i32
        %dma_wait3A_168 = arith.constant 0 : i32
        %dma_wait3A_169 = tpu.memref_slice %arg3[%dma_wait3A, %dma_wait3A_168] : memref<2x320000xi32, #tpu.memory_space<hbm>> -> memref<2x128xi32, #tpu.memory_space<hbm>>
        %dma_wait3A_170 = arith.constant 0 : i32
        %dma_wait3A_171 = arith.constant 0 : i32
        %dma_wait3A_172 = tpu.memref_slice %arg3[%dma_wait3A_170, %dma_wait3A_171] : memref<2x320000xi32, #tpu.memory_space<hbm>> -> memref<2x128xi32, #tpu.memory_space<hbm>>
        tpu.wait_dma2 semaphore(%arg14 : memref<!tpu.dma_semaphore, #tpu.memory_space<semaphore_mem>>) src(%dma_wait3A_172 : memref<2x128xi32, #tpu.memory_space<hbm>>) dst(%arg8 : memref<2x128xi32, #tpu.memory_space<vmem>>)
        %dma_start3A = arith.constant 0 : i32
        %dma_start3A_173 = arith.constant 0 : i32
        %dma_start3A_174 = tpu.memref_slice %arg8[%dma_start3A, %dma_start3A_173] : memref<2x128xi32, #tpu.memory_space<vmem>> -> memref<1x128xi32, #tpu.memory_space<vmem>>
        %dma_start3A_175 = tpu.memref_squeeze %dma_start3A_174 : memref<1x128xi32, #tpu.memory_space<vmem>> -> memref<128xi32, #tpu.memory_space<vmem>>
        %dma_start3A_176 = arith.constant 0 : i32
        %dma_start3A_177 = arith.constant 0 : i32
        %dma_start3A_178 = tpu.memref_slice %arg2[%dma_start3A_176, %dma_start3A_177] : memref<10000x128xf32, #tpu.memory_space<hbm>> -> memref<10000x128xf32, #tpu.memory_space<hbm>>
        tpu.enqueue_indirect_dma source(%dma_start3A_178 : memref<10000x128xf32, #tpu.memory_space<hbm>>) target(%arg11 : memref<128x128xf32, #tpu.memory_space<vmem>>) offsets(%dma_start3A_175 : memref<128xi32, #tpu.memory_space<vmem>>) semaphore(%arg17 : memref<!tpu.dma_semaphore, #tpu.memory_space<semaphore_mem>>)
      } else {
      }
      %ge3A_92 = arith.constant 2 : i32
      %ge3A_93 = arith.cmpi sge, %add3A_75, %ge3A_92 : i32
      %add3A_94 = arith.constant 1 : i32
      %add3A_95 = arith.addi %select_n3A, %add3A_94 : i32
      %le3A_96 = arith.cmpi sle, %add3A_75, %add3A_95 : i32
      %and3A_97 = arith.andi %ge3A_93, %le3A_96 : i1
      %convert_element_type3A_98 = arith.extui %and3A_97 : i1 to i32
      %cond3A_99 = arith.constant 0 : i32
      %cond3A_100 = arith.cmpi ne, %convert_element_type3A_98, %cond3A_99 : i32
      scf.if %cond3A_100 {
        %dma_wait3A = arith.constant 0 : i32
        %dma_wait3A_168 = arith.constant 0 : i32
        %dma_wait3A_169 = tpu.memref_slice %arg7[%dma_wait3A, %dma_wait3A_168] : memref<2x128xi32, #tpu.memory_space<vmem>> -> memref<1x128xi32, #tpu.memory_space<vmem>>
        %dma_wait3A_170 = tpu.memref_squeeze %dma_wait3A_169 : memref<1x128xi32, #tpu.memory_space<vmem>> -> memref<128xi32, #tpu.memory_space<vmem>>
        %dma_wait3A_171 = arith.constant 0 : i32
        %dma_wait3A_172 = arith.constant 0 : i32
        %dma_wait3A_173 = tpu.memref_slice %arg2[%dma_wait3A_171, %dma_wait3A_172] : memref<10000x128xf32, #tpu.memory_space<hbm>> -> memref<10000x128xf32, #tpu.memory_space<hbm>>
        tpu.wait_indirect_dma semaphore(%arg16 : memref<!tpu.dma_semaphore, #tpu.memory_space<semaphore_mem>>) src(%dma_wait3A_173 : memref<10000x128xf32, #tpu.memory_space<hbm>>) dst(%arg10 : memref<128x128xf32, #tpu.memory_space<vmem>>)
        %dma_start3A = arith.constant 1 : i32
        %dma_start3A_174 = arith.constant 0 : i32
        %dma_start3A_175 = tpu.memref_slice %arg7[%dma_start3A, %dma_start3A_174] : memref<2x128xi32, #tpu.memory_space<vmem>> -> memref<1x128xi32, #tpu.memory_space<vmem>>
        %dma_start3A_176 = tpu.memref_squeeze %dma_start3A_175 : memref<1x128xi32, #tpu.memory_space<vmem>> -> memref<128xi32, #tpu.memory_space<vmem>>
        %dma_start3A_177 = arith.constant 0 : i32
        %dma_start3A_178 = arith.constant 0 : i32
        %dma_start3A_179 = tpu.memref_slice %arg5[%dma_start3A_177, %dma_start3A_178] : memref<10000x128xf32, #tpu.memory_space<vmem_shared>> -> memref<10000x128xf32, #tpu.memory_space<vmem_shared>>
        tpu.enqueue_indirect_dma source(%arg10 : memref<128x128xf32, #tpu.memory_space<vmem>>) target(%dma_start3A_179 : memref<10000x128xf32, #tpu.memory_space<vmem_shared>>) offsets(%dma_start3A_176 : memref<128xi32, #tpu.memory_space<vmem>>) semaphore(%arg19 : memref<!tpu.dma_semaphore, #tpu.memory_space<semaphore_mem>>) {add = true}
      } else {
      }
      %mul3A_101 = arith.constant 3 : i32
      %mul3A_102 = arith.muli %while3A_70, %mul3A_101 : i32
      %add3A_103 = arith.constant 1 : i32
      %add3A_104 = arith.addi %mul3A_102, %add3A_103 : i32
      %ge3A_105 = arith.constant 3 : i32
      %ge3A_106 = arith.cmpi sge, %add3A_104, %ge3A_105 : i32
      %add3A_107 = arith.constant 3 : i32
      %add3A_108 = arith.addi %select_n3A, %add3A_107 : i32
      %lt3A_109 = arith.cmpi slt, %add3A_104, %add3A_108 : i32
      %and3A_110 = arith.andi %ge3A_106, %lt3A_109 : i1
      %convert_element_type3A_111 = arith.extui %and3A_110 : i1 to i32
      %cond3A_112 = arith.constant 0 : i32
      %cond3A_113 = arith.cmpi ne, %convert_element_type3A_111, %cond3A_112 : i32
      scf.if %cond3A_113 {
        %dma_wait3A = arith.constant 1 : i32
        %dma_wait3A_168 = arith.constant 0 : i32
        %dma_wait3A_169 = tpu.memref_slice %arg7[%dma_wait3A, %dma_wait3A_168] : memref<2x128xi32, #tpu.memory_space<vmem>> -> memref<1x128xi32, #tpu.memory_space<vmem>>
        %dma_wait3A_170 = tpu.memref_squeeze %dma_wait3A_169 : memref<1x128xi32, #tpu.memory_space<vmem>> -> memref<128xi32, #tpu.memory_space<vmem>>
        %dma_wait3A_171 = arith.constant 0 : i32
        %dma_wait3A_172 = arith.constant 0 : i32
        %dma_wait3A_173 = tpu.memref_slice %arg5[%dma_wait3A_171, %dma_wait3A_172] : memref<10000x128xf32, #tpu.memory_space<vmem_shared>> -> memref<10000x128xf32, #tpu.memory_space<vmem_shared>>
        tpu.wait_indirect_dma semaphore(%arg19 : memref<!tpu.dma_semaphore, #tpu.memory_space<semaphore_mem>>) src(%arg10 : memref<128x128xf32, #tpu.memory_space<vmem>>) dst(%dma_wait3A_173 : memref<10000x128xf32, #tpu.memory_space<vmem_shared>>)
      } else {
      }
      %lt3A_114 = arith.cmpi slt, %add3A_104, %select_n3A : i32
      %convert_element_type3A_115 = arith.extui %lt3A_114 : i1 to i32
      %cond3A_116 = arith.constant 0 : i32
      %cond3A_117 = arith.cmpi ne, %convert_element_type3A_115, %cond3A_116 : i32
      scf.if %cond3A_117 {
        %add3A_168 = arith.addi %add3A_4, %add3A_104 : i32
        %mul3A_169 = arith.constant 128 : i32
        %mul3A_170 = arith.muli %add3A_168, %mul3A_169 : i32
        %dma_start3A = arith.constant 0 : i32
        %dma_start3A_171 = tpu.memref_slice %arg3[%dma_start3A, %mul3A_170] : memref<2x320000xi32, #tpu.memory_space<hbm>> -> memref<2x128xi32, #tpu.memory_space<hbm>>
        %dma_start3A_172 = arith.constant 0 : i32
        %dma_start3A_173 = tpu.memref_slice %arg3[%dma_start3A_172, %mul3A_170] : memref<2x320000xi32, #tpu.memory_space<hbm>> -> memref<2x128xi32, #tpu.memory_space<hbm>>
        tpu.enqueue_dma source(%dma_start3A_173 : memref<2x128xi32, #tpu.memory_space<hbm>>) target(%arg7 : memref<2x128xi32, #tpu.memory_space<vmem>>) target_semaphore(%arg13 : memref<!tpu.dma_semaphore, #tpu.memory_space<semaphore_mem>>)
      } else {
      }
      %ge3A_118 = arith.constant 1 : i32
      %ge3A_119 = arith.cmpi sge, %add3A_104, %ge3A_118 : i32
      %le3A_120 = arith.cmpi sle, %add3A_104, %select_n3A : i32
      %and3A_121 = arith.andi %ge3A_119, %le3A_120 : i1
      %convert_element_type3A_122 = arith.extui %and3A_121 : i1 to i32
      %cond3A_123 = arith.constant 0 : i32
      %cond3A_124 = arith.cmpi ne, %convert_element_type3A_122, %cond3A_123 : i32
      scf.if %cond3A_124 {
        %dma_wait3A = arith.constant 0 : i32
        %dma_wait3A_168 = arith.constant 0 : i32
        %dma_wait3A_169 = tpu.memref_slice %arg3[%dma_wait3A, %dma_wait3A_168] : memref<2x320000xi32, #tpu.memory_space<hbm>> -> memref<2x128xi32, #tpu.memory_space<hbm>>
        %dma_wait3A_170 = arith.constant 0 : i32
        %dma_wait3A_171 = arith.constant 0 : i32
        %dma_wait3A_172 = tpu.memref_slice %arg3[%dma_wait3A_170, %dma_wait3A_171] : memref<2x320000xi32, #tpu.memory_space<hbm>> -> memref<2x128xi32, #tpu.memory_space<hbm>>
        tpu.wait_dma2 semaphore(%arg12 : memref<!tpu.dma_semaphore, #tpu.memory_space<semaphore_mem>>) src(%dma_wait3A_172 : memref<2x128xi32, #tpu.memory_space<hbm>>) dst(%arg6 : memref<2x128xi32, #tpu.memory_space<vmem>>)
        %dma_start3A = arith.constant 0 : i32
        %dma_start3A_173 = arith.constant 0 : i32
        %dma_start3A_174 = tpu.memref_slice %arg6[%dma_start3A, %dma_start3A_173] : memref<2x128xi32, #tpu.memory_space<vmem>> -> memref<1x128xi32, #tpu.memory_space<vmem>>
        %dma_start3A_175 = tpu.memref_squeeze %dma_start3A_174 : memref<1x128xi32, #tpu.memory_space<vmem>> -> memref<128xi32, #tpu.memory_space<vmem>>
        %dma_start3A_176 = arith.constant 0 : i32
        %dma_start3A_177 = arith.constant 0 : i32
        %dma_start3A_178 = tpu.memref_slice %arg2[%dma_start3A_176, %dma_start3A_177] : memref<10000x128xf32, #tpu.memory_space<hbm>> -> memref<10000x128xf32, #tpu.memory_space<hbm>>
        tpu.enqueue_indirect_dma source(%dma_start3A_178 : memref<10000x128xf32, #tpu.memory_space<hbm>>) target(%arg9 : memref<128x128xf32, #tpu.memory_space<vmem>>) offsets(%dma_start3A_175 : memref<128xi32, #tpu.memory_space<vmem>>) semaphore(%arg15 : memref<!tpu.dma_semaphore, #tpu.memory_space<semaphore_mem>>)
      } else {
      }
      %ge3A_125 = arith.constant 2 : i32
      %ge3A_126 = arith.cmpi sge, %add3A_104, %ge3A_125 : i32
      %add3A_127 = arith.constant 1 : i32
      %add3A_128 = arith.addi %select_n3A, %add3A_127 : i32
      %le3A_129 = arith.cmpi sle, %add3A_104, %add3A_128 : i32
      %and3A_130 = arith.andi %ge3A_126, %le3A_129 : i1
      %convert_element_type3A_131 = arith.extui %and3A_130 : i1 to i32
      %cond3A_132 = arith.constant 0 : i32
      %cond3A_133 = arith.cmpi ne, %convert_element_type3A_131, %cond3A_132 : i32
      scf.if %cond3A_133 {
        %dma_wait3A = arith.constant 0 : i32
        %dma_wait3A_168 = arith.constant 0 : i32
        %dma_wait3A_169 = tpu.memref_slice %arg8[%dma_wait3A, %dma_wait3A_168] : memref<2x128xi32, #tpu.memory_space<vmem>> -> memref<1x128xi32, #tpu.memory_space<vmem>>
        %dma_wait3A_170 = tpu.memref_squeeze %dma_wait3A_169 : memref<1x128xi32, #tpu.memory_space<vmem>> -> memref<128xi32, #tpu.memory_space<vmem>>
        %dma_wait3A_171 = arith.constant 0 : i32
        %dma_wait3A_172 = arith.constant 0 : i32
        %dma_wait3A_173 = tpu.memref_slice %arg2[%dma_wait3A_171, %dma_wait3A_172] : memref<10000x128xf32, #tpu.memory_space<hbm>> -> memref<10000x128xf32, #tpu.memory_space<hbm>>
        tpu.wait_indirect_dma semaphore(%arg17 : memref<!tpu.dma_semaphore, #tpu.memory_space<semaphore_mem>>) src(%dma_wait3A_173 : memref<10000x128xf32, #tpu.memory_space<hbm>>) dst(%arg11 : memref<128x128xf32, #tpu.memory_space<vmem>>)
        %dma_start3A = arith.constant 1 : i32
        %dma_start3A_174 = arith.constant 0 : i32
        %dma_start3A_175 = tpu.memref_slice %arg8[%dma_start3A, %dma_start3A_174] : memref<2x128xi32, #tpu.memory_space<vmem>> -> memref<1x128xi32, #tpu.memory_space<vmem>>
        %dma_start3A_176 = tpu.memref_squeeze %dma_start3A_175 : memref<1x128xi32, #tpu.memory_space<vmem>> -> memref<128xi32, #tpu.memory_space<vmem>>
        %dma_start3A_177 = arith.constant 0 : i32
        %dma_start3A_178 = arith.constant 0 : i32
        %dma_start3A_179 = tpu.memref_slice %arg5[%dma_start3A_177, %dma_start3A_178] : memref<10000x128xf32, #tpu.memory_space<vmem_shared>> -> memref<10000x128xf32, #tpu.memory_space<vmem_shared>>
        tpu.enqueue_indirect_dma source(%arg11 : memref<128x128xf32, #tpu.memory_space<vmem>>) target(%dma_start3A_179 : memref<10000x128xf32, #tpu.memory_space<vmem_shared>>) offsets(%dma_start3A_176 : memref<128xi32, #tpu.memory_space<vmem>>) semaphore(%arg20 : memref<!tpu.dma_semaphore, #tpu.memory_space<semaphore_mem>>) {add = true}
      } else {
      }
      %mul3A_134 = arith.constant 3 : i32
      %mul3A_135 = arith.muli %while3A_70, %mul3A_134 : i32
      %add3A_136 = arith.constant 2 : i32
      %add3A_137 = arith.addi %mul3A_135, %add3A_136 : i32
      %ge3A_138 = arith.constant 3 : i32
      %ge3A_139 = arith.cmpi sge, %add3A_137, %ge3A_138 : i32
      %add3A_140 = arith.constant 3 : i32
      %add3A_141 = arith.addi %select_n3A, %add3A_140 : i32
      %lt3A_142 = arith.cmpi slt, %add3A_137, %add3A_141 : i32
      %and3A_143 = arith.andi %ge3A_139, %lt3A_142 : i1
      %convert_element_type3A_144 = arith.extui %and3A_143 : i1 to i32
      %cond3A_145 = arith.constant 0 : i32
      %cond3A_146 = arith.cmpi ne, %convert_element_type3A_144, %cond3A_145 : i32
      scf.if %cond3A_146 {
        %dma_wait3A = arith.constant 1 : i32
        %dma_wait3A_168 = arith.constant 0 : i32
        %dma_wait3A_169 = tpu.memref_slice %arg8[%dma_wait3A, %dma_wait3A_168] : memref<2x128xi32, #tpu.memory_space<vmem>> -> memref<1x128xi32, #tpu.memory_space<vmem>>
        %dma_wait3A_170 = tpu.memref_squeeze %dma_wait3A_169 : memref<1x128xi32, #tpu.memory_space<vmem>> -> memref<128xi32, #tpu.memory_space<vmem>>
        %dma_wait3A_171 = arith.constant 0 : i32
        %dma_wait3A_172 = arith.constant 0 : i32
        %dma_wait3A_173 = tpu.memref_slice %arg5[%dma_wait3A_171, %dma_wait3A_172] : memref<10000x128xf32, #tpu.memory_space<vmem_shared>> -> memref<10000x128xf32, #tpu.memory_space<vmem_shared>>
        tpu.wait_indirect_dma semaphore(%arg20 : memref<!tpu.dma_semaphore, #tpu.memory_space<semaphore_mem>>) src(%arg11 : memref<128x128xf32, #tpu.memory_space<vmem>>) dst(%dma_wait3A_173 : memref<10000x128xf32, #tpu.memory_space<vmem_shared>>)
      } else {
      }
      %lt3A_147 = arith.cmpi slt, %add3A_137, %select_n3A : i32
      %convert_element_type3A_148 = arith.extui %lt3A_147 : i1 to i32
      %cond3A_149 = arith.constant 0 : i32
      %cond3A_150 = arith.cmpi ne, %convert_element_type3A_148, %cond3A_149 : i32
      scf.if %cond3A_150 {
        %add3A_168 = arith.addi %add3A_4, %add3A_137 : i32
        %mul3A_169 = arith.constant 128 : i32
        %mul3A_170 = arith.muli %add3A_168, %mul3A_169 : i32
        %dma_start3A = arith.constant 0 : i32
        %dma_start3A_171 = tpu.memref_slice %arg3[%dma_start3A, %mul3A_170] : memref<2x320000xi32, #tpu.memory_space<hbm>> -> memref<2x128xi32, #tpu.memory_space<hbm>>
        %dma_start3A_172 = arith.constant 0 : i32
        %dma_start3A_173 = tpu.memref_slice %arg3[%dma_start3A_172, %mul3A_170] : memref<2x320000xi32, #tpu.memory_space<hbm>> -> memref<2x128xi32, #tpu.memory_space<hbm>>
        tpu.enqueue_dma source(%dma_start3A_173 : memref<2x128xi32, #tpu.memory_space<hbm>>) target(%arg8 : memref<2x128xi32, #tpu.memory_space<vmem>>) target_semaphore(%arg14 : memref<!tpu.dma_semaphore, #tpu.memory_space<semaphore_mem>>)
      } else {
      }
      %ge3A_151 = arith.constant 1 : i32
      %ge3A_152 = arith.cmpi sge, %add3A_137, %ge3A_151 : i32
      %le3A_153 = arith.cmpi sle, %add3A_137, %select_n3A : i32
      %and3A_154 = arith.andi %ge3A_152, %le3A_153 : i1
      %convert_element_type3A_155 = arith.extui %and3A_154 : i1 to i32
      %cond3A_156 = arith.constant 0 : i32
      %cond3A_157 = arith.cmpi ne, %convert_element_type3A_155, %cond3A_156 : i32
      scf.if %cond3A_157 {
        %dma_wait3A = arith.constant 0 : i32
        %dma_wait3A_168 = arith.constant 0 : i32
        %dma_wait3A_169 = tpu.memref_slice %arg3[%dma_wait3A, %dma_wait3A_168] : memref<2x320000xi32, #tpu.memory_space<hbm>> -> memref<2x128xi32, #tpu.memory_space<hbm>>
        %dma_wait3A_170 = arith.constant 0 : i32
        %dma_wait3A_171 = arith.constant 0 : i32
        %dma_wait3A_172 = tpu.memref_slice %arg3[%dma_wait3A_170, %dma_wait3A_171] : memref<2x320000xi32, #tpu.memory_space<hbm>> -> memref<2x128xi32, #tpu.memory_space<hbm>>
        tpu.wait_dma2 semaphore(%arg13 : memref<!tpu.dma_semaphore, #tpu.memory_space<semaphore_mem>>) src(%dma_wait3A_172 : memref<2x128xi32, #tpu.memory_space<hbm>>) dst(%arg7 : memref<2x128xi32, #tpu.memory_space<vmem>>)
        %dma_start3A = arith.constant 0 : i32
        %dma_start3A_173 = arith.constant 0 : i32
        %dma_start3A_174 = tpu.memref_slice %arg7[%dma_start3A, %dma_start3A_173] : memref<2x128xi32, #tpu.memory_space<vmem>> -> memref<1x128xi32, #tpu.memory_space<vmem>>
        %dma_start3A_175 = tpu.memref_squeeze %dma_start3A_174 : memref<1x128xi32, #tpu.memory_space<vmem>> -> memref<128xi32, #tpu.memory_space<vmem>>
        %dma_start3A_176 = arith.constant 0 : i32
        %dma_start3A_177 = arith.constant 0 : i32
        %dma_start3A_178 = tpu.memref_slice %arg2[%dma_start3A_176, %dma_start3A_177] : memref<10000x128xf32, #tpu.memory_space<hbm>> -> memref<10000x128xf32, #tpu.memory_space<hbm>>
        tpu.enqueue_indirect_dma source(%dma_start3A_178 : memref<10000x128xf32, #tpu.memory_space<hbm>>) target(%arg10 : memref<128x128xf32, #tpu.memory_space<vmem>>) offsets(%dma_start3A_175 : memref<128xi32, #tpu.memory_space<vmem>>) semaphore(%arg16 : memref<!tpu.dma_semaphore, #tpu.memory_space<semaphore_mem>>)
      } else {
      }
      %ge3A_158 = arith.constant 2 : i32
      %ge3A_159 = arith.cmpi sge, %add3A_137, %ge3A_158 : i32
      %add3A_160 = arith.constant 1 : i32
      %add3A_161 = arith.addi %select_n3A, %add3A_160 : i32
      %le3A_162 = arith.cmpi sle, %add3A_137, %add3A_161 : i32
      %and3A_163 = arith.andi %ge3A_159, %le3A_162 : i1
      %convert_element_type3A_164 = arith.extui %and3A_163 : i1 to i32
      %cond3A_165 = arith.constant 0 : i32
      %cond3A_166 = arith.cmpi ne, %convert_element_type3A_164, %cond3A_165 : i32
      scf.if %cond3A_166 {
        %dma_wait3A = arith.constant 0 : i32
        %dma_wait3A_168 = arith.constant 0 : i32
        %dma_wait3A_169 = tpu.memref_slice %arg6[%dma_wait3A, %dma_wait3A_168] : memref<2x128xi32, #tpu.memory_space<vmem>> -> memref<1x128xi32, #tpu.memory_space<vmem>>
        %dma_wait3A_170 = tpu.memref_squeeze %dma_wait3A_169 : memref<1x128xi32, #tpu.memory_space<vmem>> -> memref<128xi32, #tpu.memory_space<vmem>>
        %dma_wait3A_171 = arith.constant 0 : i32
        %dma_wait3A_172 = arith.constant 0 : i32
        %dma_wait3A_173 = tpu.memref_slice %arg2[%dma_wait3A_171, %dma_wait3A_172] : memref<10000x128xf32, #tpu.memory_space<hbm>> -> memref<10000x128xf32, #tpu.memory_space<hbm>>
        tpu.wait_indirect_dma semaphore(%arg15 : memref<!tpu.dma_semaphore, #tpu.memory_space<semaphore_mem>>) src(%dma_wait3A_173 : memref<10000x128xf32, #tpu.memory_space<hbm>>) dst(%arg9 : memref<128x128xf32, #tpu.memory_space<vmem>>)
        %dma_start3A = arith.constant 1 : i32
        %dma_start3A_174 = arith.constant 0 : i32
        %dma_start3A_175 = tpu.memref_slice %arg6[%dma_start3A, %dma_start3A_174] : memref<2x128xi32, #tpu.memory_space<vmem>> -> memref<1x128xi32, #tpu.memory_space<vmem>>
        %dma_start3A_176 = tpu.memref_squeeze %dma_start3A_175 : memref<1x128xi32, #tpu.memory_space<vmem>> -> memref<128xi32, #tpu.memory_space<vmem>>
        %dma_start3A_177 = arith.constant 0 : i32
        %dma_start3A_178 = arith.constant 0 : i32
        %dma_start3A_179 = tpu.memref_slice %arg5[%dma_start3A_177, %dma_start3A_178] : memref<10000x128xf32, #tpu.memory_space<vmem_shared>> -> memref<10000x128xf32, #tpu.memory_space<vmem_shared>>
        tpu.enqueue_indirect_dma source(%arg9 : memref<128x128xf32, #tpu.memory_space<vmem>>) target(%dma_start3A_179 : memref<10000x128xf32, #tpu.memory_space<vmem_shared>>) offsets(%dma_start3A_176 : memref<128xi32, #tpu.memory_space<vmem>>) semaphore(%arg18 : memref<!tpu.dma_semaphore, #tpu.memory_space<semaphore_mem>>) {add = true}
      } else {
      }
      %while3A_167 = arith.constant 0 : i32
      scf.yield %while3A_167 : i32
    }
    %barrier3A_65 = arith.constant 0 : index
    tpu.barrier barrier_id(%barrier3A_65)
    %mul3A_66 = arith.constant 624 : i32
    %mul3A_67 = arith.muli %arg1, %mul3A_66 : i32
    %mul3A_68 = arith.constant 624 : i32
    %mul3A_69 = arith.muli %arg1, %mul3A_68 : i32
    "tpu.region"() ({
      %run_scoped3A = tpu.sem_alloc : memref<!tpu.dma_semaphore, #tpu.memory_space<semaphore_mem>>
      %dma_start3A = arith.constant 0 : i32
      %dma_start3A_70 = tpu.memref_slice %arg4[%arg0, %mul3A_69, %dma_start3A] : memref<2x10000x128xf32, #tpu.memory_space<hbm>> -> memref<1x640x128xf32, #tpu.memory_space<hbm>>
      %dma_start3A_71 = tpu.memref_squeeze %dma_start3A_70 : memref<1x640x128xf32, #tpu.memory_space<hbm>> -> memref<640x128xf32, #tpu.memory_space<hbm>>
      %dma_start3A_72 = arith.constant 0 : i32
      %dma_start3A_73 = tpu.memref_slice %arg5[%mul3A_67, %dma_start3A_72] : memref<10000x128xf32, #tpu.memory_space<vmem_shared>> -> memref<640x128xf32, #tpu.memory_space<vmem_shared>>
      tpu.enqueue_dma source(%dma_start3A_73 : memref<640x128xf32, #tpu.memory_space<vmem_shared>>) target(%dma_start3A_71 : memref<640x128xf32, #tpu.memory_space<hbm>>) target_semaphore(%run_scoped3A : memref<!tpu.dma_semaphore, #tpu.memory_space<semaphore_mem>>)
      %dma_wait3A = arith.constant 0 : i32
      %dma_wait3A_74 = tpu.memref_slice %arg4[%arg0, %mul3A_69, %dma_wait3A] : memref<2x10000x128xf32, #tpu.memory_space<hbm>> -> memref<1x640x128xf32, #tpu.memory_space<hbm>>
      %dma_wait3A_75 = tpu.memref_squeeze %dma_wait3A_74 : memref<1x640x128xf32, #tpu.memory_space<hbm>> -> memref<640x128xf32, #tpu.memory_space<hbm>>
      %dma_wait3A_76 = arith.constant 0 : i32
      %dma_wait3A_77 = tpu.memref_slice %arg5[%mul3A_67, %dma_wait3A_76] : memref<10000x128xf32, #tpu.memory_space<vmem_shared>> -> memref<640x128xf32, #tpu.memory_space<vmem_shared>>
      tpu.wait_dma2 semaphore(%run_scoped3A : memref<!tpu.dma_semaphore, #tpu.memory_space<semaphore_mem>>) src(%dma_wait3A_77 : memref<640x128xf32, #tpu.memory_space<vmem_shared>>) dst(%dma_wait3A_75 : memref<640x128xf32, #tpu.memory_space<hbm>>)
      tpu.yield
    }) : () -> ()
    return
  }
}

module attributes {stable_mosaic.version = 14 : i64} {
  func.func @_tc_fin_body(%arg0: i32, %arg1: memref<2x1000x128xf32, #tpu.memory_space<vmem>>, %arg2: memref<1000x128xf32, #tpu.memory_space<vmem>>, %arg3: memref<2x1000x16xf32, #tpu.memory_space<vmem>>, %arg4: memref<1x128xf32, #tpu.memory_space<vmem>>, %arg5: memref<1000x128xf32, #tpu.memory_space<vmem>>) attributes {dimension_semantics = [#tpu.dimension_semantics<arbitrary>], iteration_bounds = array<i64: 10>, scalar_prefetch = 0 : i64, scratch_operands = 0 : i64, tpu.core_type = #tpu.core_type<tc>, window_params = [{transform_indices = @transform_0, window_bounds = array<i64: 2, 1000, 128>}, {transform_indices = @transform_1, window_bounds = array<i64: 1000, 128>}, {transform_indices = @transform_2, window_bounds = array<i64: 2, 1000, 16>}, {pipeline_mode = #tpu.pipeline_mode<synchronous>, transform_indices = @transform_3, window_bounds = array<i64: 1, 128>}, {transform_indices = @transform_4, window_bounds = array<i64: 1000, 128>}]} {
    %get3A = arith.constant 0 : index
    %get3A_0 = arith.constant 0 : index
    %get3A_1 = arith.constant 0 : index
    %get3A_2 = vector.load %arg3[%get3A, %get3A_0, %get3A_1] : memref<2x1000x16xf32, #tpu.memory_space<vmem>>, vector<2x1000x16xf32>
    %slice3A = vector.extract_strided_slice %get3A_2 {offsets = [0, 0, 0], sizes = [1, 1000, 1], strides = [1, 1, 1]} : vector<2x1000x16xf32> to vector<1x1000x1xf32>
    %squeeze3A = vector.shape_cast %slice3A : vector<1x1000x1xf32> to vector<1000xf32>
    %slice3A_3 = vector.extract_strided_slice %get3A_2 {offsets = [1, 0, 0], sizes = [1, 1000, 1], strides = [1, 1, 1]} : vector<2x1000x16xf32> to vector<1x1000x1xf32>
    %squeeze3A_4 = vector.shape_cast %slice3A_3 : vector<1x1000x1xf32> to vector<1000xf32>
    %add3A = arith.addf %squeeze3A, %squeeze3A_4 : vector<1000xf32>
    %add3A_5 = arith.constant 1.000000e+00 : f32
    %add3A_6 = vector.broadcast %add3A_5 : f32 to vector<1000xf32>
    %add3A_7 = arith.addf %add3A, %add3A_6 : vector<1000xf32>
    %rsqrt3A = math.rsqrt %add3A_7 : vector<1000xf32>
    %div3A = arith.constant 1.000000e+00 : f32
    %div3A_8 = vector.broadcast %div3A : f32 to vector<1000xf32>
    %div3A_9 = arith.divf %div3A_8, %add3A_7 : vector<1000xf32>
    %get3A_10 = arith.constant 0 : index
    %get3A_11 = arith.constant 0 : index
    %get3A_12 = arith.constant 0 : index
    %get3A_13 = vector.load %arg1[%get3A_10, %get3A_11, %get3A_12] : memref<2x1000x128xf32, #tpu.memory_space<vmem>>, vector<1x1000x128xf32>
    %get3A_14 = vector.shape_cast %get3A_13 : vector<1x1000x128xf32> to vector<1000x128xf32>
    %get3A_15 = arith.constant 1 : index
    %get3A_16 = arith.constant 0 : index
    %get3A_17 = arith.constant 0 : index
    %get3A_18 = vector.load %arg1[%get3A_15, %get3A_16, %get3A_17] : memref<2x1000x128xf32, #tpu.memory_space<vmem>>, vector<1x1000x128xf32>
    %get3A_19 = vector.shape_cast %get3A_18 : vector<1x1000x128xf32> to vector<1000x128xf32>
    %add3A_20 = arith.addf %get3A_14, %get3A_19 : vector<1000x128xf32>
    %broadcast_in_dim3A = vector.shape_cast %rsqrt3A : vector<1000xf32> to vector<1000x1xf32>
    %mul3A = vector.broadcast %broadcast_in_dim3A : vector<1000x1xf32> to vector<1000x128xf32>
    %mul3A_21 = arith.mulf %add3A_20, %mul3A : vector<1000x128xf32>
    %get3A_22 = arith.constant 0 : index
    %get3A_23 = arith.constant 0 : index
    %get3A_24 = vector.load %arg2[%get3A_22, %get3A_23] : memref<1000x128xf32, #tpu.memory_space<vmem>>, vector<1000x128xf32>
    %broadcast_in_dim3A_25 = vector.shape_cast %div3A_9 : vector<1000xf32> to vector<1000x1xf32>
    %mul3A_26 = vector.broadcast %broadcast_in_dim3A_25 : vector<1000x1xf32> to vector<1000x128xf32>
    %mul3A_27 = arith.mulf %get3A_24, %mul3A_26 : vector<1000x128xf32>
    %add3A_28 = arith.addf %mul3A_21, %mul3A_27 : vector<1000x128xf32>
    %get3A_29 = arith.constant 0 : index
    %get3A_30 = arith.constant 0 : index
    %get3A_31 = vector.load %arg4[%get3A_29, %get3A_30] : memref<1x128xf32, #tpu.memory_space<vmem>>, vector<1x128xf32>
    %add3A_32 = vector.broadcast %get3A_31 : vector<1x128xf32> to vector<1000x128xf32>
    %add3A_33 = arith.addf %add3A_28, %add3A_32 : vector<1000x128xf32>
    %swap3A = arith.constant 0 : index
    %swap3A_34 = arith.constant 0 : index
    %swap3A_35 = vector.load %arg5[%swap3A, %swap3A_34] : memref<1000x128xf32, #tpu.memory_space<vmem>>, vector<1000x128xf32>
    tpu.vector_store %arg5[%swap3A, %swap3A_34], %add3A_33 {strides = array<i32>} : memref<1000x128xf32, #tpu.memory_space<vmem>>, vector<1000x128xf32>,
    return
  }
  func.func @transform_0(%arg0: i32) -> (i32, i32, i32) {
    %c0_i32 = arith.constant 0 : i32
    %c0_i32_0 = arith.constant 0 : i32
    %c0_i32_1 = arith.constant 0 : i32
    return %c0_i32, %arg0, %c0_i32_0 : i32, i32, i32
  }
  func.func @transform_1(%arg0: i32) -> (i32, i32) {
    %c0_i32 = arith.constant 0 : i32
    %c0_i32_0 = arith.constant 0 : i32
    return %arg0, %c0_i32 : i32, i32
  }
  func.func @transform_2(%arg0: i32) -> (i32, i32, i32) {
    %c0_i32 = arith.constant 0 : i32
    %c0_i32_0 = arith.constant 0 : i32
    %c0_i32_1 = arith.constant 0 : i32
    return %c0_i32, %arg0, %c0_i32_0 : i32, i32, i32
  }
  func.func @transform_3(%arg0: i32) -> (i32, i32) {
    %c0_i32 = arith.constant 0 : i32
    %c0_i32_0 = arith.constant 0 : i32
    %c0_i32_1 = arith.constant 0 : i32
    return %c0_i32, %c0_i32_0 : i32, i32
  }
  func.func @transform_4(%arg0: i32) -> (i32, i32) {
    %c0_i32 = arith.constant 0 : i32
    %c0_i32_0 = arith.constant 0 : i32
    return %arg0, %c0_i32 : i32, i32
  }
}

module attributes {stable_mosaic.version = 14 : i64} {
  func.func @_s1_body(%arg0: i32, %arg1: memref<1000x128xf32, #tpu.memory_space<vmem>>, %arg2: memref<2x1000x16xf32, #tpu.memory_space<vmem>>, %arg3: memref<1000x128xf32, #tpu.memory_space<vmem>>) attributes {dimension_semantics = [#tpu.dimension_semantics<arbitrary>], iteration_bounds = array<i64: 10>, scalar_prefetch = 0 : i64, scratch_operands = 0 : i64, tpu.core_type = #tpu.core_type<tc>, window_params = [{transform_indices = @transform_0, window_bounds = array<i64: 1000, 128>}, {transform_indices = @transform_1, window_bounds = array<i64: 2, 1000, 16>}, {transform_indices = @transform_2, window_bounds = array<i64: 1000, 128>}]} {
    %get3A = arith.constant 0 : index
    %get3A_0 = arith.constant 0 : index
    %get3A_1 = arith.constant 0 : index
    %get3A_2 = vector.load %arg2[%get3A, %get3A_0, %get3A_1] : memref<2x1000x16xf32, #tpu.memory_space<vmem>>, vector<2x1000x16xf32>
    %slice3A = vector.extract_strided_slice %get3A_2 {offsets = [0, 0, 0], sizes = [1, 1000, 1], strides = [1, 1, 1]} : vector<2x1000x16xf32> to vector<1x1000x1xf32>
    %squeeze3A = vector.shape_cast %slice3A : vector<1x1000x1xf32> to vector<1000xf32>
    %slice3A_3 = vector.extract_strided_slice %get3A_2 {offsets = [1, 0, 0], sizes = [1, 1000, 1], strides = [1, 1, 1]} : vector<2x1000x16xf32> to vector<1x1000x1xf32>
    %squeeze3A_4 = vector.shape_cast %slice3A_3 : vector<1x1000x1xf32> to vector<1000xf32>
    %add3A = arith.addf %squeeze3A, %squeeze3A_4 : vector<1000xf32>
    %add3A_5 = arith.constant 1.000000e+00 : f32
    %add3A_6 = vector.broadcast %add3A_5 : f32 to vector<1000xf32>
    %add3A_7 = arith.addf %add3A, %add3A_6 : vector<1000xf32>
    %rsqrt3A = math.rsqrt %add3A_7 : vector<1000xf32>
    %get3A_8 = arith.constant 0 : index
    %get3A_9 = arith.constant 0 : index
    %get3A_10 = vector.load %arg1[%get3A_8, %get3A_9] : memref<1000x128xf32, #tpu.memory_space<vmem>>, vector<1000x128xf32>
    %broadcast_in_dim3A = vector.shape_cast %rsqrt3A : vector<1000xf32> to vector<1000x1xf32>
    %mul3A = vector.broadcast %broadcast_in_dim3A : vector<1000x1xf32> to vector<1000x128xf32>
    %mul3A_11 = arith.mulf %get3A_10, %mul3A : vector<1000x128xf32>
    %swap3A = arith.constant 0 : index
    %swap3A_12 = arith.constant 0 : index
    %swap3A_13 = vector.load %arg3[%swap3A, %swap3A_12] : memref<1000x128xf32, #tpu.memory_space<vmem>>, vector<1000x128xf32>
    tpu.vector_store %arg3[%swap3A, %swap3A_12], %mul3A_11 {strides = array<i32>} : memref<1000x128xf32, #tpu.memory_space<vmem>>, vector<1000x128xf32>,
    return
  }
  func.func @transform_0(%arg0: i32) -> (i32, i32) {
    %c0_i32 = arith.constant 0 : i32
    %c0_i32_0 = arith.constant 0 : i32
    return %arg0, %c0_i32 : i32, i32
  }
  func.func @transform_1(%arg0: i32) -> (i32, i32, i32) {
    %c0_i32 = arith.constant 0 : i32
    %c0_i32_0 = arith.constant 0 : i32
    %c0_i32_1 = arith.constant 0 : i32
    return %c0_i32, %arg0, %c0_i32_0 : i32, i32, i32
  }
  func.func @transform_2(%arg0: i32) -> (i32, i32) {
    %c0_i32 = arith.constant 0 : i32
    %c0_i32_0 = arith.constant 0 : i32
    return %arg0, %c0_i32 : i32, i32
  }
}

module attributes {stable_mosaic.version = 14 : i64} {
  func.func @_m1_body(%arg0: i32, %arg1: memref<1000x128xf32, #tpu.memory_space<vmem>>, %arg2: memref<128x128xf32, #tpu.memory_space<vmem>>, %arg3: memref<1000x128xf32, #tpu.memory_space<vmem>>) attributes {dimension_semantics = [#tpu.dimension_semantics<arbitrary>], iteration_bounds = array<i64: 10>, scalar_prefetch = 0 : i64, scratch_operands = 0 : i64, tpu.core_type = #tpu.core_type<tc>, window_params = [{transform_indices = @transform_0, window_bounds = array<i64: 1000, 128>}, {pipeline_mode = #tpu.pipeline_mode<synchronous>, transform_indices = @transform_1, window_bounds = array<i64: 128, 128>}, {transform_indices = @transform_2, window_bounds = array<i64: 1000, 128>}]} {
    %get3A = arith.constant 0 : index
    %get3A_0 = arith.constant 0 : index
    %get3A_1 = vector.load %arg1[%get3A, %get3A_0] : memref<1000x128xf32, #tpu.memory_space<vmem>>, vector<1000x128xf32>
    %get3A_2 = arith.constant 0 : index
    %get3A_3 = arith.constant 0 : index
    %get3A_4 = vector.load %arg2[%get3A_2, %get3A_3] : memref<128x128xf32, #tpu.memory_space<vmem>>, vector<128x128xf32>
    %dot_general3A = arith.constant dense<0.000000e+00> : vector<1000x128xf32>
    %dot_general3A_5 = tpu.matmul %get3A_1, %get3A_4, %dot_general3A {dimension_numbers = #tpu.dot_dimension_numbers<[1], [0], [0], [1], [0, 0, 1, 1], [], []>, transpose_lhs_hint = false} : vector<1000x128xf32>, vector<128x128xf32>, vector<1000x128xf32> -> vector<1000x128xf32>
    %swap3A = arith.constant 0 : index
    %swap3A_6 = arith.constant 0 : index
    %swap3A_7 = vector.load %arg3[%swap3A, %swap3A_6] : memref<1000x128xf32, #tpu.memory_space<vmem>>, vector<1000x128xf32>
    tpu.vector_store %arg3[%swap3A, %swap3A_6], %dot_general3A_5 {strides = array<i32>} : memref<1000x128xf32, #tpu.memory_space<vmem>>, vector<1000x128xf32>,
    return
  }
  func.func @transform_0(%arg0: i32) -> (i32, i32) {
    %c0_i32 = arith.constant 0 : i32
    %c0_i32_0 = arith.constant 0 : i32
    return %arg0, %c0_i32 : i32, i32
  }
  func.func @transform_1(%arg0: i32) -> (i32, i32) {
    %c0_i32 = arith.constant 0 : i32
    %c0_i32_0 = arith.constant 0 : i32
    %c0_i32_1 = arith.constant 0 : i32
    return %c0_i32, %c0_i32_0 : i32, i32
  }
  func.func @transform_2(%arg0: i32) -> (i32, i32) {
    %c0_i32 = arith.constant 0 : i32
    %c0_i32_0 = arith.constant 0 : i32
    return %arg0, %c0_i32 : i32, i32
  }
}

module attributes {stable_mosaic.version = 14 : i64} {
  func.func @_tc_mid_body(%arg0: i32, %arg1: memref<2x1000x128xf32, #tpu.memory_space<vmem>>, %arg2: memref<1000x128xf32, #tpu.memory_space<vmem>>, %arg3: memref<2x1000x16xf32, #tpu.memory_space<vmem>>, %arg4: memref<1x128xf32, #tpu.memory_space<vmem>>, %arg5: memref<128x128xf32, #tpu.memory_space<vmem>>, %arg6: memref<1000x128xf32, #tpu.memory_space<vmem>>, %arg7: memref<1000x128xf32, #tpu.memory_space<vmem>>) attributes {dimension_semantics = [#tpu.dimension_semantics<arbitrary>], iteration_bounds = array<i64: 10>, scalar_prefetch = 0 : i64, scratch_operands = 0 : i64, tpu.core_type = #tpu.core_type<tc>, window_params = [{transform_indices = @transform_0, window_bounds = array<i64: 2, 1000, 128>}, {transform_indices = @transform_1, window_bounds = array<i64: 1000, 128>}, {transform_indices = @transform_2, window_bounds = array<i64: 2, 1000, 16>}, {pipeline_mode = #tpu.pipeline_mode<synchronous>, transform_indices = @transform_3, window_bounds = array<i64: 1, 128>}, {pipeline_mode = #tpu.pipeline_mode<synchronous>, transform_indices = @transform_4, window_bounds = array<i64: 128, 128>}, {transform_indices = @transform_5, window_bounds = array<i64: 1000, 128>}, {transform_indices = @transform_6, window_bounds = array<i64: 1000, 128>}]} {
    %get3A = arith.constant 0 : index
    %get3A_0 = arith.constant 0 : index
    %get3A_1 = arith.constant 0 : index
    %get3A_2 = vector.load %arg3[%get3A, %get3A_0, %get3A_1] : memref<2x1000x16xf32, #tpu.memory_space<vmem>>, vector<2x1000x16xf32>
    %slice3A = vector.extract_strided_slice %get3A_2 {offsets = [0, 0, 0], sizes = [1, 1000, 1], strides = [1, 1, 1]} : vector<2x1000x16xf32> to vector<1x1000x1xf32>
    %squeeze3A = vector.shape_cast %slice3A : vector<1x1000x1xf32> to vector<1000xf32>
    %slice3A_3 = vector.extract_strided_slice %get3A_2 {offsets = [1, 0, 0], sizes = [1, 1000, 1], strides = [1, 1, 1]} : vector<2x1000x16xf32> to vector<1x1000x1xf32>
    %squeeze3A_4 = vector.shape_cast %slice3A_3 : vector<1x1000x1xf32> to vector<1000xf32>
    %add3A = arith.addf %squeeze3A, %squeeze3A_4 : vector<1000xf32>
    %add3A_5 = arith.constant 1.000000e+00 : f32
    %add3A_6 = vector.broadcast %add3A_5 : f32 to vector<1000xf32>
    %add3A_7 = arith.addf %add3A, %add3A_6 : vector<1000xf32>
    %rsqrt3A = math.rsqrt %add3A_7 : vector<1000xf32>
    %div3A = arith.constant 1.000000e+00 : f32
    %div3A_8 = vector.broadcast %div3A : f32 to vector<1000xf32>
    %div3A_9 = arith.divf %div3A_8, %add3A_7 : vector<1000xf32>
    %get3A_10 = arith.constant 0 : index
    %get3A_11 = arith.constant 0 : index
    %get3A_12 = arith.constant 0 : index
    %get3A_13 = vector.load %arg1[%get3A_10, %get3A_11, %get3A_12] : memref<2x1000x128xf32, #tpu.memory_space<vmem>>, vector<1x1000x128xf32>
    %get3A_14 = vector.shape_cast %get3A_13 : vector<1x1000x128xf32> to vector<1000x128xf32>
    %get3A_15 = arith.constant 1 : index
    %get3A_16 = arith.constant 0 : index
    %get3A_17 = arith.constant 0 : index
    %get3A_18 = vector.load %arg1[%get3A_15, %get3A_16, %get3A_17] : memref<2x1000x128xf32, #tpu.memory_space<vmem>>, vector<1x1000x128xf32>
    %get3A_19 = vector.shape_cast %get3A_18 : vector<1x1000x128xf32> to vector<1000x128xf32>
    %add3A_20 = arith.addf %get3A_14, %get3A_19 : vector<1000x128xf32>
    %broadcast_in_dim3A = vector.shape_cast %rsqrt3A : vector<1000xf32> to vector<1000x1xf32>
    %mul3A = vector.broadcast %broadcast_in_dim3A : vector<1000x1xf32> to vector<1000x128xf32>
    %mul3A_21 = arith.mulf %add3A_20, %mul3A : vector<1000x128xf32>
    %get3A_22 = arith.constant 0 : index
    %get3A_23 = arith.constant 0 : index
    %get3A_24 = vector.load %arg2[%get3A_22, %get3A_23] : memref<1000x128xf32, #tpu.memory_space<vmem>>, vector<1000x128xf32>
    %broadcast_in_dim3A_25 = vector.shape_cast %div3A_9 : vector<1000xf32> to vector<1000x1xf32>
    %mul3A_26 = vector.broadcast %broadcast_in_dim3A_25 : vector<1000x1xf32> to vector<1000x128xf32>
    %mul3A_27 = arith.mulf %get3A_24, %mul3A_26 : vector<1000x128xf32>
    %add3A_28 = arith.addf %mul3A_21, %mul3A_27 : vector<1000x128xf32>
    %get3A_29 = arith.constant 0 : index
    %get3A_30 = arith.constant 0 : index
    %get3A_31 = vector.load %arg4[%get3A_29, %get3A_30] : memref<1x128xf32, #tpu.memory_space<vmem>>, vector<1x128xf32>
    %add3A_32 = vector.broadcast %get3A_31 : vector<1x128xf32> to vector<1000x128xf32>
    %add3A_33 = arith.addf %add3A_28, %add3A_32 : vector<1000x128xf32>
    %mul3A_34 = arith.constant 5.000000e-01 : f32
    %mul3A_35 = vector.broadcast %mul3A_34 : f32 to vector<1000x128xf32>
    %mul3A_36 = arith.mulf %mul3A_35, %add3A_33 : vector<1000x128xf32>
    %mul3A_37 = arith.constant 0.707106769 : f32
    %mul3A_38 = vector.broadcast %mul3A_37 : f32 to vector<1000x128xf32>
    %mul3A_39 = arith.mulf %add3A_33, %mul3A_38 : vector<1000x128xf32>
    %erf3A = math.erf %mul3A_39 : vector<1000x128xf32>
    %add3A_40 = arith.constant 1.000000e+00 : f32
    %add3A_41 = vector.broadcast %add3A_40 : f32 to vector<1000x128xf32>
    %add3A_42 = arith.addf %add3A_41, %erf3A : vector<1000x128xf32>
    %mul3A_43 = arith.mulf %mul3A_36, %add3A_42 : vector<1000x128xf32>
    %get3A_44 = arith.constant 0 : index
    %get3A_45 = arith.constant 0 : index
    %get3A_46 = vector.load %arg5[%get3A_44, %get3A_45] : memref<128x128xf32, #tpu.memory_space<vmem>>, vector<128x128xf32>
    %dot_general3A = arith.constant dense<0.000000e+00> : vector<1000x128xf32>
    %dot_general3A_47 = tpu.matmul %mul3A_43, %get3A_46, %dot_general3A {dimension_numbers = #tpu.dot_dimension_numbers<[1], [0], [0], [1], [0, 0, 1, 1], [], []>, transpose_lhs_hint = false} : vector<1000x128xf32>, vector<128x128xf32>, vector<1000x128xf32> -> vector<1000x128xf32>
    %swap3A = arith.constant 0 : index
    %swap3A_48 = arith.constant 0 : index
    %swap3A_49 = vector.load %arg6[%swap3A, %swap3A_48] : memref<1000x128xf32, #tpu.memory_space<vmem>>, vector<1000x128xf32>
    tpu.vector_store %arg6[%swap3A, %swap3A_48], %dot_general3A_47 {strides = array<i32>} : memref<1000x128xf32, #tpu.memory_space<vmem>>, vector<1000x128xf32>,
    %broadcast_in_dim3A_50 = vector.shape_cast %rsqrt3A : vector<1000xf32> to vector<1000x1xf32>
    %mul3A_51 = vector.broadcast %broadcast_in_dim3A_50 : vector<1000x1xf32> to vector<1000x128xf32>
    %mul3A_52 = arith.mulf %dot_general3A_47, %mul3A_51 : vector<1000x128xf32>
    %swap3A_53 = arith.constant 0 : index
    %swap3A_54 = arith.constant 0 : index
    %swap3A_55 = vector.load %arg7[%swap3A_53, %swap3A_54] : memref<1000x128xf32, #tpu.memory_space<vmem>>, vector<1000x128xf32>
    tpu.vector_store %arg7[%swap3A_53, %swap3A_54], %mul3A_52 {strides = array<i32>} : memref<1000x128xf32, #tpu.memory_space<vmem>>, vector<1000x128xf32>,
    return
  }
  func.func @transform_0(%arg0: i32) -> (i32, i32, i32) {
    %c0_i32 = arith.constant 0 : i32
    %c0_i32_0 = arith.constant 0 : i32
    %c0_i32_1 = arith.constant 0 : i32
    return %c0_i32, %arg0, %c0_i32_0 : i32, i32, i32
  }
  func.func @transform_1(%arg0: i32) -> (i32, i32) {
    %c0_i32 = arith.constant 0 : i32
    %c0_i32_0 = arith.constant 0 : i32
    return %arg0, %c0_i32 : i32, i32
  }
  func.func @transform_2(%arg0: i32) -> (i32, i32, i32) {
    %c0_i32 = arith.constant 0 : i32
    %c0_i32_0 = arith.constant 0 : i32
    %c0_i32_1 = arith.constant 0 : i32
    return %c0_i32, %arg0, %c0_i32_0 : i32, i32, i32
  }
  func.func @transform_3(%arg0: i32) -> (i32, i32) {
    %c0_i32 = arith.constant 0 : i32
    %c0_i32_0 = arith.constant 0 : i32
    %c0_i32_1 = arith.constant 0 : i32
    return %c0_i32, %c0_i32_0 : i32, i32
  }
  func.func @transform_4(%arg0: i32) -> (i32, i32) {
    %c0_i32 = arith.constant 0 : i32
    %c0_i32_0 = arith.constant 0 : i32
    %c0_i32_1 = arith.constant 0 : i32
    return %c0_i32, %c0_i32_0 : i32, i32
  }
  func.func @transform_5(%arg0: i32) -> (i32, i32) {
    %c0_i32 = arith.constant 0 : i32
    %c0_i32_0 = arith.constant 0 : i32
    return %arg0, %c0_i32 : i32, i32
  }
  func.func @transform_6(%arg0: i32) -> (i32, i32) {
    %c0_i32 = arith.constant 0 : i32
    %c0_i32_0 = arith.constant 0 : i32
    return %arg0, %c0_i32 : i32, i32
  }
}

</mosaic_0001>

<sc_bundles>
// kernel: kernel.11.cloned.1.call-start
scs
__scs_entry_jumppad:
0x0: {  	(pc) =	sbr.rel $0x88, $3  }
0x1: {  	(tag) =	ssettag $0x0;
	lr =	simm.s32 $0x1  }
0x2: {  	[smem:$0x3F99] =	sst lr;
	_ =	strace $0xD0000000  }
0x3: {  	_ = 	snop  }
0x4: {  	_ = 	snop  }
0x5: {  	_ = 	snop  }
0x6: {  	_ = 	snop  }
0x7: {  	_ = 	snop  }
__scs_overlays_trampoline_lowered:
0x8: {  	[smem:$0x3FA8] =	sst s0  }
0x9: {  	[smem:$0x3FA9] =	sst s1  }
0xa: {  	[smem:$0x3FAA] =	sst s2  }
0xb: {  	[smem:$0x3FAB] =	sst s3  }
0xc: {  	[smem:$0x3FAC] =	sst s4  }
0xd: {  	[smem:$0x3FAD] =	sst s5  }
0xe: {  	[smem:$0x3FAE] =	sst s6  }
0xf: {  	[smem:$0x3FAF] =	sst s7  }
0x10: {  	[smem:$0x3FB0] =	sst s8  }
0x11: {  	[smem:$0x3FB1] =	sst s9;
	s0 =	simm.s32 @!p0 $0x0  }
0x12: {  	s1 =	sld [smem:$0x3F97];
	s0 =	simm.s32 @p0 $0x1  }
0x13: {  	[smem:$0x3FB2] =	sst s0;
	s0 =	simm.s32 @!p1 $0x0  }
0x14: {  	s2 =	sld [smem:$0x3F96];
	s0 =	simm.s32 @p1 $0x1  }
0x15: {  	[smem:$0x3FB3] =	sst s0;
	s0 =	simm.s32 @!p2 $0x0  }
0x16: {  	s3 =	sld [smem:$0x3FDB];
	s0 =	simm.s32 @p2 $0x1  }
0x17: {  	s4 =	simm.s32 $0x1BF5;
	[smem:$0x3FB5] =	sst s0  }
0x18: {  	s0 =	sld [smem:$0x3F98];
	_ =	swait.ge [sflag:s4], $0x0  }
0x19: {  	s7 =	sld [smem:$0x3F99]  }
0x1a: {  	s8 =	sadd.s32 $0xFFFFE003, lr  }
0x1b: {  	s9 =	sadd.s32 $0xFFFFFEF7, lr;
	s5 =	simm.s32 $0xFFFFFFFF;
	p2 =	slt.u32 s8, $0xFFFFF086  }
0x1c: {  	p1 =	slt.u32 s9, $0xF7A;
	s5 =	simm.s32 @!p2 $0x0  }
0x1d: {  	s5 =	simm.s32 @p1 $0x1;
	p0 =	seq.s32 s7, s2  }
0x1e: {  	s7 =	smul.u32 @!p0 $0xF7A, s2;
	p2 =	seq.s32 @!p0 s5, $0x0  }
0x1f: {  	s9 =	smul.u32 $0xF7A, s1;
	s8 =	simm.s32 @!p0 $0x1BF5;
	p2 =	por !p2, p0  }
0x20: {  	[sflag:s8] =	ssyncset.s32 @!p0 $0xFFFFF086;
	s6 =	sadd.s32 @!p0 s3, s7;
	s7 =	simm.s32 @!p0 $0x108  }
0x21: {  	s3 =	sadd.s32 s3, s9;
	s6 =	sadd.s32 @!p0 $0x88, s6;
	s7 =	simm.s32 @p2 $0x1082  }
0x22: {  	[simem:s7], [sflag:s8] =	dma.local @!p0 [hbm:s6], $0xF7A  }
0x23: {  	s9 =	sor.u32 $0xD0000000, s2;
	s6 =	simm.s32 $0x108;
	_ =	swait.ge @!p0 [sflag:s8], $0x0  }
0x24: {  	s3 =	sadd.s32 $0x88, s3;
	s6 =	simm.s32 @!p1 $0x1082;
	[sflag:s4] =	ssyncset.s32 $0xFFFFF086  }
0x25: {  	[simem:s6], [sflag:s4] =	dma.local [hbm:s3], $0xF7A  }
0x26: {  	[smem:$0x3F99] =	sst s1;
	(tag) =	ssettag s2;
	_ =	strace s9  }
0x27: {  	s1 =	sld [smem:$0x3FA9]  }
0x28: {  	s2 =	sld [smem:$0x3FAA]  }
0x29: {  	s4 =	sld [smem:$0x3FAC]  }
0x2a: {  	p0 =	seq.s32 s5, $0x0;
	s5 =	sld [smem:$0x3FAD]  }
0x2b: {  	s6 =	sld [smem:$0x3FAE]  }
0x2c: {  	s7 =	sld [smem:$0x3FAF]  }
0x2d: {  	s3 =	simm.s32 $0x108;
	s8 =	sld [smem:$0x3FB0]  }
0x2e: {  	s3 =	simm.s32 @!p0 $0x1082;
	s9 =	sld [smem:$0x3FB1]  }
0x2f: {  	lr =	sadd.s32 s0, s3;
	s0 =	sld [smem:$0x3FA8]  }
0x30: {  	s3 =	sld [smem:$0x3FAB]  }
0x31: {  	[smem:$0x3FB4] =	sst s10  }
0x32: {  	s10 =	sld [smem:$0x3FB2];
	_ =	sdelay $0x3  }
0x33: {  	p0 =	seq.s32 s10, $0x1;
	s10 =	sld [smem:$0x3FB4];
	_ =	sdelay $0x3  }
0x34: {  	[smem:$0x3FB4] =	sst s10  }
0x35: {  	s10 =	sld [smem:$0x3FB3];
	_ =	sdelay $0x3  }
0x36: {  	p1 =	seq.s32 s10, $0x1;
	s10 =	sld [smem:$0x3FB4];
	_ =	sdelay $0x3  }
0x37: {  	[smem:$0x3FB4] =	sst s10  }
0x38: {  	s10 =	sld [smem:$0x3FB5]  }
0x39: {  	_ = 	snop;
	(pc) =	sbr.ind lr, $3  }
0x3a: {  	_ = 	snop  }
0x3b: {  	_ = 	snop  }
0x3c: {  	p2 =	seq.s32 s10, $0x1;
	s10 =	sld [smem:$0x3FB4]  }
0x3d: {  	_ =	shalt  }
0x3e: {  	_ =	shalt  }
0x3f: {  	_ =	shalt  }
0x40: {  	_ =	shalt  }
0x41: {  	_ =	shalt  }
0x42: {  	_ =	shalt  }
0x43: {  	_ =	shalt  }
0x44: {  	_ =	shalt  }
0x45: {  	_ =	shalt  }
0x46: {  	_ =	shalt  }
0x47: {  	_ =	shalt  }
0x48: {  	_ =	shalt  }
0x49: {  	_ =	shalt  }
0x4a: {  	_ =	shalt  }
0x4b: {  	_ =	shalt  }
0x4c: {  	_ =	shalt  }
0x4d: {  	_ =	shalt  }
0x4e: {  	_ =	shalt  }
0x4f: {  	_ =	shalt  }
0x50: {  	_ =	shalt  }
0x51: {  	_ =	shalt  }
0x52: {  	_ =	shalt  }
0x53: {  	_ =	shalt  }
0x54: {  	_ =	shalt  }
0x55: {  	_ =	shalt  }
0x56: {  	_ =	shalt  }
0x57: {  	_ =	shalt  }
0x58: {  	_ =	shalt  }
0x59: {  	_ =	shalt  }
0x5a: {  	_ =	shalt  }
0x5b: {  	_ =	shalt  }
0x5c: {  	_ =	shalt  }
0x5d: {  	_ =	shalt  }
0x5e: {  	_ =	shalt  }
0x5f: {  	_ =	shalt  }
0x60: {  	_ =	shalt  }
0x61: {  	_ =	shalt  }
0x62: {  	_ =	shalt  }
0x63: {  	_ =	shalt  }
0x64: {  	_ =	shalt  }
0x65: {  	_ =	shalt  }
0x66: {  	_ =	shalt  }
0x67: {  	_ =	shalt  }
0x68: {  	_ =	shalt  }
0x69: {  	_ =	shalt  }
0x6a: {  	_ =	shalt  }
0x6b: {  	_ =	shalt  }
0x6c: {  	_ =	shalt  }
0x6d: {  	_ =	shalt  }
0x6e: {  	_ =	shalt  }
0x6f: {  	_ =	shalt  }
0x70: {  	_ =	shalt  }
0x71: {  	_ =	shalt  }
0x72: {  	_ =	shalt  }
0x73: {  	_ =	shalt  }
0x74: {  	_ =	shalt  }
0x75: {  	_ =	shalt  }
0x76: {  	_ =	shalt  }
0x77: {  	_ =	shalt  }
0x78: {  	_ =	shalt  }
0x79: {  	_ =	shalt  }
0x7a: {  	_ =	shalt  }
0x7b: {  	_ =	shalt  }
0x7c: {  	_ =	shalt  }
0x7d: {  	_ =	shalt  }
0x7e: {  	_ =	shalt  }
0x7f: {  	_ =	shalt  }
0x80: {  	_ =	shalt  }
0x81: {  	_ =	shalt  }
0x82: {  	_ =	shalt  }
0x83: {  	_ =	shalt  }
0x84: {  	_ =	shalt  }
0x85: {  	_ =	shalt  }
0x86: {  	_ =	shalt  }
0x87: {  	_ =	shalt  }
.Lfunc_end0:
.L_simem_size_0:
called_computation_lowered:
.L_overlay_start_0:
0x88: {  	s2 =	sld [smem:$0x3FD9]  }
0x89: {  	s3 =	sld [smem:$0x3FFE];
	_ =	sdelay $0x1  }
0x8a: {  	s1 =	srdreg.scid  }
0x8b: {  	s0 =	sand.u32 $0x1, s1  }
0x8c: {  	s17 =	sshll.u32 s0, $0xA;
	s2 =	sadd.s32 s3, s2  }
0x8d: {  	s2 =	sadd.s32 s2, s17  }
0x8e: {  	[smem:$0x3FC0] =	sst s2  }
0x8f: {  	_ = 	snop  }
0x90: {  	s2 =	sld [smem:$0x3FC8];
	(tm) =	ssettm $0x1  }
0x91: {  	s18 =	sld [smem:$0x3FFB];
	_ =	sdelay $0x3  }
0x92: {  	_ =	strace s18  }
0x93: {  	s3 =	sld [smem:$0x3FFC];
	_ =	sdelay $0x3  }
0x94: {  	_ =	strace s3  }
0x95: {  	s3 =	sld [smem:$0x3FFD];
	_ =	sdelay $0x3  }
0x96: {  	_ =	strace s3  }
0x97: {  	_ =	strace $0x8FFFFFFF  }
0x98: {  	s19 =	sld [smem:$0x3FDB];
	_ =	sdelay $0x1  }
0x99: {  	s4 =	simm.s32 $_scs_section_size  }
0x9a: {  	s5 =	simm.s32 $_size__tile_overlayer_lowered;
	s6 =	simm.s32 $_tile_overlayer_lowered  }
0x9b: {  	s22 =	simm.s32 $0x1BFF;
	s21 =	sshll.u32 s6, $0x1;
	s3 =	sadd.s32 s4, s19  }
0x9c: {  	s7 =	simm.s32 $0x0;
	s20 =	sshll.u32 s5, $0x1;
	s5 =	sadd.s32 s21, s3  }
0x9d: {  	[timem:s7], [sflag:s22] =	dma.local [hbm:s5], s20  }
0x9e: {  	_ =	swait.ge [sflag:s22], s20  }
0x9f: {  	s4 =	ssub.s32 $0x0, s20;
	[sflag:s22] =	ssyncset.done $0x0  }
0xa0: {  	[sflag:s22] =	ssyncadd.s32 s4;
	_ =	sdelay $0x1  }
0xa1: {  	s23 =	simm.s32 $0x1B8B  }
0xa2: {  	_ =	swait.ge [sflag:s23], $0x1  }
0xa3: {  	[sflag:s23] =	ssyncset.done $0x0  }
0xa4: {  	s25 =	simm.s32 $0x1B8E;
	s24 =	sld [smem:$0x3FFE];
	[sflag:s23] =	ssyncadd.s32 $0xFFFFFFFF  }
0xa5: {  	s26 =	simm.s32 $execute0_lowered;
	[smem:$0x3FD2] =	sst s25  }
0xa6: {  	s5 =	sshll.u32 s26, $0x1;
	_ =	strace $0x80000046;
	[dreg:$0x1] =	wrdreg $0xFFFFFFFF  }
0xa7: {  	s28 =	simm.s32 $_size_execute0_lowered;
	s3 =	sadd.s32 s3, s5;
	[dreg:$0x0] =	wrdreg $0x0  }
0xa8: {  	s5 =	sshll.u32 s28, $0x1;
	[dreg:$0x2] =	wrdreg s3  }
0xa9: {  	[dreg:$0x3] =	wrdreg s5  }
0xaa: {  	[dreg:$0x4] =	wrdreg $0xC0  }
0xab: {  	_ =	task [dreg:s7], $0x5FFFF  }
0xac: {  	[dreg:$0x1] =	wrdreg $0xFFFFFFFF  }
0xad: {  	[dreg:$0x0] =	wrdreg $0x60  }
0xae: {  	[dreg:$0x2] =	wrdreg s2  }
0xaf: {  	[dreg:$0x3] =	wrdreg s24  }
0xb0: {  	[dreg:$0x4] =	wrdreg $0x0  }
0xb1: {  	[dreg:$0x5] =	wrdreg $0x9  }
0xb2: {  	_ =	task.clear_ibuf [dreg:s7], $0x6FFFF;
	_ =	strace $0x90000046  }
0xb3: {  	s29 =	simm.s32 $0x9;
	_ =	strace $0x80000048  }
0xb4: {  	_ =	swait.ge [sflag:s29], $0x1  }
0xb5: {  	[sflag:s29] =	ssyncadd.s32 $0xFFFFFFFF  }
0xb6: {  	_ =	strace $0x90000048  }
0xb7: {  	_ =	sfence  }
0xb8: {  	s30 =	sld [smem:$0x0];
	_ =	sdelay $0x2  }
0xb9: {  	s31 =	sshll.u32 s1, $0xD;
	s1 =	sshrl.u32 s1, $0x2  }
0xba: {  	s3 =	sand.u32 $0x4000, s31;
	s1 =	sadd.s32 s1, s30  }
0xbb: {  	s0 =	sor.u32 s3, s0;
	s1 =	sshll.u32 s1, $0x11  }
0xbc: {  	s0 =	sor.u32 s1, s0  }
0xbd: {  	s0 =	sadd.s32 $0x8F2B, s0  }
0xbe: {  	[sflag:s0] =	ssyncadd.remote.s32 $0x1  }
0xbf: {  	_ =	sfence.sel $0xFFFF  }
0xc0: {  	[dreg:$0x0] =	wrdreg $0xFFFFFFFF;
	(pc) =	sbr.abs _section_cstart, $3  }
0xc1: {  	[dreg:$0x1] =	wrdreg $0xFFFFFFFF  }
0xc2: {  	_ =	task.clear_ibuf [dreg:s7], $0x2FFFF;
	_ =	strace $0x9FFFFFFF  }
0xc3: {  	(tm) =	ssettm $0x7FFFFFFF  }
tec
execute0_lowered:
.L_overlay_start_1:
0x0: {  	(tag) =	ssettag $0x1  }
0x1: {  	s12 =	rddreg [dreg:$0x0]  }
0x2: {  	s0 =	srdreg.scid;
	s4 =	rddreg [dreg:$0x1]  }
0x3: {  	s26 =	stileid.u32;
	s2 =	rddreg [dreg:$0x2]  }
0x4: {  	s3 =	simm.s32 $0x0;
	s17 =	simm.s32 $0x6A10;
	s6 =	smul.u32 $0x13800, s26  }
0x5: {  	s18 =	simm.s32 $0x7;
	s7 =	sand.u32 $0x1, s0;
	s30 =	smul.u32 $0x4E000, s26  }
0x6: {  	[smem:$0x7FF] =	sst s3;
	s8 =	sshll.u32 s26, $0x1;
	s9 =	smul.u32 $0x9C, s26  }
0x7: {  	p0 =	slt.u32 s26, $0x2;
	s5 =	smul.u32 $0x138800, s7;
	_ =	strace $0x80000047  }
0x8: {  	s28 =	ssub.s32 $0x2, s7;
	s10 =	smul.u32 $0x4E, s7;
	s8 =	sor.u32 s7, s8  }
0x9: {  	s29 =	sshrl.u32 s28, $0x1;
	s31 =	smin.u32 s8, $0x4;
	s5 =	sadd.s32 s6, s5  }
0xa: {  	s13 =	ssub.s32 s28, s29;
	s9 =	sadd.s32 s10, s9;
	s5 =	sshrl.u32 s5, $0x3  }
0xb: {  	s10 =	sadd.s32 s31, s9;
	s11 =	sadd.s32 s5, s4;
	s4 =	simm.s32 $0x4F  }
0xc: {  	s13 =	smax.u32 s13, $0x1;
	s5 =	sshrl.u32 s30, $0x2;
	s4 =	simm.s32 @!p0 $0x4E  }
0xd: {  	s15 =	sshll.u32 s10, $0x5;
	s5 =	sadd.s32 s5, s2;
	s14 =	smul.u32 $0x56, s4  }
0xe: {  	s11 =	sadd.s32 $0x2C00, s11;
	s12 =	sadd.s32 s15, s12;
	s6 =	sadd.s32 $0x4000, s5  }
0xf: {  	s7 =	sadd.s32 $0x8000, s5;
	s8 =	sadd.s32 $0xC000, s5;
	s14 =	sadd.s32 $0x1AE, s14  }
0x10: {  	s9 =	sadd.s32 $0x10000, s5;
	s10 =	sadd.s32 $0x3, s4;
	s14 =	sshrl.u32 s14, $0x8  }
0x11: {  	v0 =	vimm.f32 $1.000000000e+00;
	v1 =	vimm.f32 $0.0e+00;
	s15 =	sadd.s32 $0x40, s12;
	s16 =	sadd.s32 $0x20, s12;
	s14 =	smul.u32 $0x3, s14  }
.LBB2_1:
0x12: {  	s19 =	simm.s32 $0x0  }
.LBB2_2:
0x13: {  	p0 =	sne.s32 s19, $0xFE00  }
.Ltmp0:
0x14: {  	_ = 	snop;
	(pc) =	sbr.rel @p0 .LBB2_2-.Ltmp0, $3  }
0x15: {  	_ =	sdelay $0x1  }
0x16: {  	s20 =	sshra.s32 s19, $0x2  }
0x17: {  	s19 =	sadd.s32 $0x200, s19;
	[tilespmem:s20+$0x2A10] =	vst v0  }
0x18: {  	s19 =	simm.s32 $0x200;
	s20 =	simm.s32 $0x0  }
.LBB2_4:
0x19: {  	p0 =	sne.s32 s19, $0xFE00;
	[tilespmem:s20+$0x6A10] =	vst v1;
	s20 =	smov.u32 s19;
	s19 =	sadd.s32 $0x200, s19  }
.Ltmp1:
0x1a: {  	(pc) =	sbr.rel @p0 .LBB2_4-.Ltmp1, $2  }
0x1b: {  	_ =	sdelay $0x2  }
0x1c: {  	s20 =	sshra.s32 s20, $0x2  }
0x1d: {  	[tilespmem:s20+$0x6A10] =	vst v1  }
0x1e: {  	[spmem:s5] =	stream.linear.scatter [tilespmem:s17], [sflag:$0x7], $0x4000, $0x38;
	[tilespmem:$0xAA10] =	vst v63  }
0x1f: {  	_ =	swait.ge [sflag:s18], $0x4000  }
0x20: {  	[sflag:s18] =	ssyncset.done $0x0  }
0x21: {  	[sflag:s18] =	ssyncadd.s32 $0xFFFFC000  }
0x22: {  	[spmem:s6] =	stream.linear.scatter [tilespmem:s17], [sflag:$0x7], $0x4000, $0x38;
	[tilespmem:$0xAA10] =	vst v63  }
0x23: {  	_ =	swait.ge [sflag:s18], $0x4000  }
0x24: {  	[sflag:s18] =	ssyncset.done $0x0  }
0x25: {  	[sflag:s18] =	ssyncadd.s32 $0xFFFFC000  }
0x26: {  	[spmem:s7] =	stream.linear.scatter [tilespmem:s17], [sflag:$0x7], $0x4000, $0x38;
	[tilespmem:$0xAA10] =	vst v63  }
0x27: {  	_ =	swait.ge [sflag:s18], $0x4000  }
0x28: {  	[sflag:s18] =	ssyncset.done $0x0  }
0x29: {  	[sflag:s18] =	ssyncadd.s32 $0xFFFFC000  }
0x2a: {  	[spmem:s8] =	stream.linear.scatter [tilespmem:s17], [sflag:$0x7], $0x4000, $0x38;
	[tilespmem:$0xAA10] =	vst v63  }
0x2b: {  	_ =	swait.ge [sflag:s18], $0x4000  }
0x2c: {  	[sflag:s18] =	ssyncset.done $0x0  }
0x2d: {  	p1 =	sne.s32 s14, $0x3;
	[sflag:s18] =	ssyncadd.s32 $0xFFFFC000  }
0x2e: {  	[spmem:s9] =	stream.linear.scatter [tilespmem:s17], [sflag:$0x7], $0x4000, $0x38;
	[tilespmem:$0xAA10] =	vst v63  }
.Ltmp2:
0x2f: {  	_ =	swait.ge [sflag:s18], $0x4000;
	(pc) =	sbr.rel @!p1 .LBB2_6-.Ltmp2, $4  }
0x30: {  	s25 =	simm.s32 $0x0;
	p0 =	por $0x1, $0x1;
	[sflag:s18] =	ssyncset.done $0x0  }
0x31: {  	s19 =	simm.s32 $0x2;
	p2 =	slt.u32 @!p0 s4, $0x0;
	[sflag:s18] =	ssyncadd.s32 $0xFFFFC000  }
0x32: {  	s24 =	simm.s32 $0x3;
	p6 =	por p2, p0;
	[bflag:$0x0] =	sbarrier.arrive $0xFFFF  }
0x33: {  	p4 =	sle.u32 @!p0 s10, $0x2;
	p2 =	sle.u32 @!p0 s10, $0x0;
	s23 =	simm.s32 @!p6 $0x2990  }
0x34: {  	p3 =	por p0, p0  }
0x35: {  	p1 =	por p2, p3  }
0x36: {  	p0 =	sle.u32 s4, $0x0;
	s21 =	simm.s32 @!p6 $0x3;
	s19 =	simm.s32 @!p1 $0x4  }
0x37: {  	s22 =	simm.s32 @!p6 $0x2A10;
	p4 =	por p4, p4;
	_ =	swait.ge @!p1 [sflag:s19], $0x800  }
0x38: {  	p5 =	sle.u32 s4, $0x1;
	s25 =	simm.s32 $0x6;
	[sflag:s19] =	ssyncset.done @!p1 $0x0  }
0x39: {  	s20 =	simm.s32 @!p0 $0x2710;
	[sflag:s19] =	ssyncadd.s32 @!p1 $0xFFFFF800;
	s19 =	simm.s32 @!p0 $0x0  }
0x3a: {  	[tilespmem:s20], [sflag:$0x1] =	stream.linear.gather @!p0 [hbm4b:s12+s19], $0x100, $0x38;
	[tilespmem:$0xAA10] =	vst v63  }
0x3b: {  	s28 =	smov.u32 s15;
	p2 =	por $0x0, $0x0;
	_ =	swait.ge @!p6 [sflag:s21], $0x100  }
0x3c: {  	p4 =	por p4, p3;
	p1 =	sle.u32 @!p3 s10, $0x1;
	[sflag:s21] =	ssyncset.done @!p6 $0x0  }
0x3d: {  	s20 =	simm.s32 @!p6 $0x80;
	p1 =	por p1, p3;
	[sflag:s21] =	ssyncadd.s32 @!p6 $0xFFFFFF00  }
0x3e: {  	[spmem:s2] =	stream.indirect.scatter.add.f32 @!p6 [tilespmem:s22], [sflag:$0x6], $0x10, s23, s20, $0xb8;
	[tilespmem:$0xAA10] =	vst v63  }
0x3f: {  	s26 =	simm.s32 @!p4 $0x6;
	s21 =	simm.s32 @!p1 $0x5;
	p6 =	sle.u32 @!p2 s10, $0x5  }
0x40: {  	s20 =	simm.s32 @!p5 $0x2810;
	_ =	swait.ge @!p1 [sflag:s21], $0x800;
	s0 =	simm.s32 @!p6 $0x0  }
0x41: {  	s22 =	simm.s32 @!p0 $0x1;
	s0 =	simm.s32 @p6 $0x1;
	[sflag:s21] =	ssyncset.done @!p1 $0x0  }
0x42: {  	[smem:$0x7FD] =	sst s0;
	[sflag:s21] =	ssyncadd.s32 @!p1 $0xFFFFF800;
	s21 =	simm.s32 @!p5 $0x0  }
0x43: {  	[tilespmem:s20], [sflag:$0x2] =	stream.linear.gather @!p5 [hbm4b:s16+s21], $0x100, $0x38;
	[tilespmem:$0xAA10] =	vst v63  }
0x44: {  	s19 =	simm.s32 $0x5;
	p3 =	slt.u32 s4, $0x2;
	_ =	swait.ge @!p0 [sflag:s22], $0x100  }
0x45: {  	s29 =	simm.s32 @!p3 $0x2A10;
	s20 =	simm.s32 @!p0 $0x80;
	[sflag:s22] =	ssyncset.done @!p0 $0x0  }
0x46: {  	s21 =	simm.s32 @!p0 $0x2790;
	[sflag:s22] =	ssyncadd.s32 @!p0 $0xFFFFFF00;
	s22 =	simm.s32 @!p0 $0x2A10  }
0x47: {  	[spmem:s2] =	stream.indirect.scatter.add.f32 @!p0 [tilespmem:s22], [sflag:$0x4], $0x10, s21, s20, $0xb8;
	[tilespmem:$0xAA10] =	vst v63  }
0x48: {  	p1 =	sne.s32 s14, $0x6;
	p5 =	sle.u32 s4, $0x2;
	_ =	swait.ge @!p4 [sflag:s26], $0x800  }
.Ltmp3:
0x49: {  	p0 =	slt.u32 @!p2 s4, $0x3;
	[sflag:s26] =	ssyncset.done @!p4 $0x0;
	(pc) =	sbr.rel @!p1 .LBB2_8-.Ltmp3, $4  }
0x4a: {  	s21 =	sadd.s32 $0x60, s16;
	[sflag:s26] =	ssyncadd.s32 @!p4 $0xFFFFF800;
	p4 =	por $0x1, $0x1  }
0x4b: {  	s22 =	sadd.s32 $0x60, s12;
	s20 =	sadd.s32 $0x60, s15;
	s0 =	simm.s32 @!p4 $0x0  }
0x4c: {  	p6 =	por p0, p2;
	p2 =	sle.u32 @!p2 s10, $0x3;
	s0 =	simm.s32 @p4 $0x1  }
0x4d: {  	s23 =	simm.s32 @!p6 $0x2990;
	p4 =	por $0x0, $0x0;
	[smem:$0x7FC] =	sst s0  }
.LBB2_9:
0x4e: {  	s1 =	sld [smem:$0x7FD]  }
0x4f: {  	s0 =	simm.s32 @!p2 $0x0  }
0x50: {  	s0 =	simm.s32 @p2 $0x1;
	p2 =	por p4, p4  }
0x51: {  	[smem:$0x7F8] =	sst s0;
	s0 =	simm.s32 @!p2 $0x0;
	p1 =	seq.s32 s1, $0x1  }
0x52: {  	s0 =	simm.s32 @p2 $0x1;
	s1 =	sld [smem:$0x7F8];
	p4 =	por p1, p1  }
0x53: {  	s26 =	smov.u32 s19;
	[smem:$0x7F9] =	sst s0;
	s0 =	simm.s32 @!p4 $0x0  }
0x54: {  	s19 =	sadd.s32 $0x2, s25;
	p0 =	seq.s32 s25, $0x0;
	s0 =	simm.s32 @p4 $0x1  }
0x55: {  	p4 =	por p0, p0;
	p1 =	seq.s32 s1, $0x1;
	s1 =	simm.s32 @!p5 $0x0  }
0x56: {  	[smem:$0x7FA] =	sst s0;
	s0 =	simm.s32 @!p5 $0x2910;
	p0 =	sge.u32 @!p4 s19, s10  }
0x57: {  	[tilespmem:s0], [sflag:$0x3] =	stream.linear.gather @!p5 [hbm4b:s28+s1], $0x100, $0x38;
	[tilespmem:$0xAA10] =	vst v63  }
0x58: {  	s0 =	simm.s32 @!p0 $0x0  }
0x59: {  	s30 =	simm.s32 @!p3 $0x2;
	s0 =	simm.s32 @p0 $0x1  }
0x5a: {  	s31 =	smov.u32 s25;
	s25 =	sadd.s32 $0x3, s25;
	[smem:$0x7FD] =	sst s0  }
0x5b: {  	p1 =	por p1, p2;
	p2 =	sne.s32 s14, s25;
	_ =	swait.ge @!p3 [sflag:s30], $0x100  }
0x5c: {  	s1 =	simm.s32 @!p3 $0x80;
	s28 =	simm.s32 @!p3 $0x2890;
	[sflag:s30] =	ssyncset.done @!p3 $0x0  }
0x5d: {  	p0 =	sge.u32 s24, s4;
	s0 =	simm.s32 @!p1 $0x4;
	[sflag:s30] =	ssyncadd.s32 @!p3 $0xFFFFFF00  }
0x5e: {  	[spmem:s2] =	stream.indirect.scatter.add.f32 @!p3 [tilespmem:s29], [sflag:$0x5], $0x10, s28, s1, $0xb8;
	[tilespmem:$0xAA10] =	vst v63  }
0x5f: {  	s1 =	simm.s32 @!p0 $0x2710;
	s29 =	simm.s32 @!p2 $0x0;
	_ =	swait.ge @!p1 [sflag:s0], $0x800  }
0x60: {  	s28 =	simm.s32 @!p6 $0x3;
	s29 =	simm.s32 @p2 $0x1;
	[sflag:s0] =	ssyncset.done @!p1 $0x0  }
0x61: {  	[smem:$0x7FB] =	sst s29;
	[sflag:s0] =	ssyncadd.s32 @!p1 $0xFFFFF800;
	s0 =	simm.s32 @!p0 $0x0  }
0x62: {  	[tilespmem:s1], [sflag:$0x1] =	stream.linear.gather @!p0 [hbm4b:s22+s0], $0x100, $0x38;
	[tilespmem:$0xAA10] =	vst v63  }
0x63: {  	_ =	swait.ge @!p6 [sflag:s28], $0x100  }
0x64: {  	s30 =	sld [smem:$0x7F9];
	[sflag:s28] =	ssyncset.done @!p6 $0x0  }
0x65: {  	s0 =	simm.s32 @!p6 $0x80;
	s1 =	simm.s32 @!p6 $0x2A10;
	[sflag:s28] =	ssyncadd.s32 @!p6 $0xFFFFFF00  }
0x66: {  	[spmem:s2] =	stream.indirect.scatter.add.f32 @!p6 [tilespmem:s1], [sflag:$0x6], $0x10, s23, s0, $0xb8;
	[tilespmem:$0xAA10] =	vst v63  }
0x67: {  	s24 =	sadd.s32 $0x1, s24;
	p2 =	seq.s32 s30, $0x1  }
0x68: {  	p1 =	sge.u32 @!p2 s24, s10  }
0x69: {  	p1 =	por p1, p2  }
0x6a: {  	s29 =	simm.s32 @!p1 $0x5  }
0x6b: {  	p5 =	sge.u32 s24, s4;
	_ =	swait.ge @!p1 [sflag:s29], $0x800  }
0x6c: {  	s0 =	simm.s32 @!p5 $0x2810;
	[sflag:s29] =	ssyncset.done @!p1 $0x0  }
0x6d: {  	s1 =	simm.s32 @!p0 $0x1;
	s23 =	simm.s32 @!p5 $0x0;
	[sflag:s29] =	ssyncadd.s32 @!p1 $0xFFFFF800  }
0x6e: {  	[tilespmem:s0], [sflag:$0x2] =	stream.linear.gather @!p5 [hbm4b:s21+s23], $0x100, $0x38;
	[tilespmem:$0xAA10] =	vst v63  }
0x6f: {  	_ =	swait.ge @!p0 [sflag:s1], $0x100  }
0x70: {  	s0 =	simm.s32 @!p0 $0x80;
	[sflag:s1] =	ssyncset.done @!p0 $0x0;
	s29 =	sld [smem:$0x7FA]  }
0x71: {  	s23 =	simm.s32 @!p0 $0x2790;
	[sflag:s1] =	ssyncadd.s32 @!p0 $0xFFFFFF00;
	s1 =	simm.s32 @!p0 $0x2A10  }
0x72: {  	[spmem:s2] =	stream.indirect.scatter.add.f32 @!p0 [tilespmem:s1], [sflag:$0x4], $0x10, s23, s0, $0xb8;
	[tilespmem:$0xAA10] =	vst v63  }
0x73: {  	p6 =	seq.s32 s29, $0x1  }
0x74: {  	p1 =	por p6, p2  }
0x75: {  	s0 =	simm.s32 @!p1 $0x6  }
0x76: {  	_ =	swait.ge @!p1 [sflag:s0], $0x800  }
0x77: {  	p3 =	sgt.u32 @!p4 s31, s4;
	s24 =	smov.u32 s31;
	s31 =	sld [smem:$0x7FB]  }
0x78: {  	_ =	sdelay $0x1  }
0x79: {  	p0 =	seq.s32 s31, $0x1  }
.Ltmp4:
0x7a: {  	_ = 	snop;
	(pc) =	sbr.rel @p0 .LBB2_9-.Ltmp4, $4  }
0x7b: {  	s22 =	sadd.s32 $0x60, s22;
	s28 =	smov.u32 s20;
	s20 =	sadd.s32 $0x60, s20  }
0x7c: {  	s21 =	sadd.s32 $0x60, s21;
	p5 =	sge.u32 s26, s4;
	p6 =	por p3, p4  }
0x7d: {  	p3 =	sgt.u32 s26, s4;
	p2 =	sge.u32 @!p4 s24, s10;
	[sflag:s0] =	ssyncset.done @!p1 $0x0  }
0x7e: {  	s23 =	simm.s32 @!p6 $0x2990;
	s29 =	simm.s32 @!p3 $0x2A10;
	[sflag:s0] =	ssyncadd.s32 @!p1 $0xFFFFF800  }
0x7f: {  	p0 =	por p4, p4;
	s25 =	smov.u32 s24  }
.LBB2_11:
0x80: {  	s0 =	sld [smem:$0x7FC];
	_ =	sdelay $0x2  }
0x81: {  	p4 =	seq.s32 s0, $0x1  }
0x82: {  	p1 =	por p3, !p4;
	p3 =	por p5, !p4  }
0x83: {  	s0 =	simm.s32 @!p1 $0x2;
	s1 =	simm.s32 @!p3 $0x0;
	s24 =	simm.s32 @!p3 $0x2910  }
0x84: {  	[tilespmem:s24], [sflag:$0x3] =	stream.linear.gather @!p3 [hbm4b:s28+s1], $0x100, $0x38;
	[tilespmem:$0xAA10] =	vst v63  }
0x85: {  	p4 =	por p0, p0;
	_ =	swait.ge @!p1 [sflag:s0], $0x100  }
0x86: {  	p3 =	por p2, p4;
	s24 =	simm.s32 @!p1 $0x2890;
	[sflag:s0] =	ssyncset.done @!p1 $0x0  }
0x87: {  	s1 =	simm.s32 @!p3 $0x4;
	[sflag:s0] =	ssyncadd.s32 @!p1 $0xFFFFFF00;
	s0 =	simm.s32 @!p1 $0x80  }
0x88: {  	[spmem:s2] =	stream.indirect.scatter.add.f32 @!p1 [tilespmem:s29], [sflag:$0x5], $0x10, s24, s0, $0xb8;
	[tilespmem:$0xAA10] =	vst v63  }
0x89: {  	p0 =	sge.u32 s25, s4;
	_ =	swait.ge @!p3 [sflag:s1], $0x800  }
0x8a: {  	s25 =	sadd.s32 $0x1, s25;
	s0 =	simm.s32 @!p0 $0x2710;
	[sflag:s1] =	ssyncset.done @!p3 $0x0  }
0x8b: {  	s24 =	simm.s32 @!p6 $0x3;
	[sflag:s1] =	ssyncadd.s32 @!p3 $0xFFFFF800;
	s1 =	simm.s32 @!p0 $0x0  }
0x8c: {  	[tilespmem:s0], [sflag:$0x1] =	stream.linear.gather @!p0 [hbm4b:s22+s1], $0x100, $0x38;
	[tilespmem:$0xAA10] =	vst v63  }
0x8d: {  	p1 =	sge.u32 @!p4 s25, s10;
	_ =	swait.ge @!p6 [sflag:s24], $0x100  }
0x8e: {  	p1 =	por p1, p4;
	s0 =	simm.s32 @!p6 $0x80;
	[sflag:s24] =	ssyncset.done @!p6 $0x0  }
0x8f: {  	s1 =	simm.s32 @!p6 $0x2A10;
	s22 =	simm.s32 @!p1 $0x5;
	[sflag:s24] =	ssyncadd.s32 @!p6 $0xFFFFFF00  }
0x90: {  	[spmem:s2] =	stream.indirect.scatter.add.f32 @!p6 [tilespmem:s1], [sflag:$0x6], $0x10, s23, s0, $0xb8;
	[tilespmem:$0xAA10] =	vst v63  }
0x91: {  	p3 =	sge.u32 s25, s4;
	_ =	swait.ge @!p1 [sflag:s22], $0x800  }
0x92: {  	s0 =	simm.s32 @!p3 $0x2810;
	[sflag:s22] =	ssyncset.done @!p1 $0x0;
	s29 =	sld [smem:$0x7FD]  }
0x93: {  	s1 =	simm.s32 @!p0 $0x1;
	[sflag:s22] =	ssyncadd.s32 @!p1 $0xFFFFF800;
	s22 =	simm.s32 @!p3 $0x0  }
0x94: {  	[tilespmem:s0], [sflag:$0x2] =	stream.linear.gather @!p3 [hbm4b:s21+s22], $0x100, $0x38;
	[tilespmem:$0xAA10] =	vst v63  }
0x95: {  	s0 =	simm.s32 @!p0 $0x80;
	p6 =	seq.s32 s29, $0x1;
	_ =	swait.ge @!p0 [sflag:s1], $0x100  }
0x96: {  	s21 =	simm.s32 @!p0 $0x2790;
	p1 =	por p6, p6;
	[sflag:s1] =	ssyncset.done @!p0 $0x0  }
0x97: {  	[sflag:s1] =	ssyncadd.s32 @!p0 $0xFFFFFF00;
	s1 =	simm.s32 @!p0 $0x2A10;
	p1 =	por p1, p4  }
0x98: {  	[spmem:s2] =	stream.indirect.scatter.add.f32 @!p0 [tilespmem:s1], [sflag:$0x4], $0x10, s21, s0, $0xb8;
	[tilespmem:$0xAA10] =	vst v63  }
0x99: {  	s0 =	simm.s32 @!p1 $0x6  }
0x9a: {  	p2 =	sge.u32 s19, s4;
	_ =	swait.ge @!p1 [sflag:s0], $0x800  }
0x9b: {  	p0 =	sgt.u32 s19, s4;
	s1 =	simm.s32 @!p2 $0x0;
	[sflag:s0] =	ssyncset.done @!p1 $0x0  }
0x9c: {  	s19 =	simm.s32 @!p2 $0x2910;
	[sflag:s0] =	ssyncadd.s32 @!p1 $0xFFFFF800;
	s0 =	simm.s32 @!p0 $0x2  }
0x9d: {  	[tilespmem:s19], [sflag:$0x3] =	stream.linear.gather @!p2 [hbm4b:s20+s1], $0x100, $0x38;
	[tilespmem:$0xAA10] =	vst v63  }
0x9e: {  	_ =	swait.ge @!p0 [sflag:s0], $0x100  }
0x9f: {  	s30 =	stileid.u32;
	s1 =	simm.s32 @!p0 $0x2A10;
	[sflag:s0] =	ssyncset.done @!p0 $0x0  }
0xa0: {  	s19 =	simm.s32 @!p0 $0x2890;
	[sflag:s0] =	ssyncadd.s32 @!p0 $0xFFFFFF00;
	s0 =	simm.s32 @!p0 $0x80  }
0xa1: {  	[spmem:s2] =	stream.indirect.scatter.add.f32 @!p0 [tilespmem:s1], [sflag:$0x5], $0x10, s19, s0, $0xb8;
	[tilespmem:$0xAA10] =	vst v63  }
0xa2: {  	s31 =	sshrl.u32 s5, $0x3;
	s3 =	sadd.s32 $0x1, s3;
	s0 =	sshll.u32 s30, $0x6  }
0xa3: {  	p0 =	sne.s32 s3, s13;
	[bflag:$0x0] =	sbarrier.arrive $0xFFFF;
	s0 =	sor.u32 $0x1C07, s0  }
0xa4: {  	[hbm:s11], [sflag:s0] =	dma.local [spmem:s31], $0x2800  }
.Ltmp5:
0xa5: {  	_ = 	snop;
	(pc) =	sbr.rel @p0 .LBB2_1-.Ltmp5, $4  }
.Ltmp6:
0xa6: {  	_ = 	snop;
	(pc) =	sbr.rel @!p0 .LBB2_12-.Ltmp6, $4  }
0xa7: {  	_ =	swait.ge [sflag:s18], $0x2800  }
0xa8: {  	[sflag:s18] =	ssyncset.done $0x0  }
0xa9: {  	[sflag:s18] =	ssyncadd.s32 $0xFFFFD800  }
0xaa: {  	_ = 	snop  }
.LBB2_6:
0xab: {  	p1 =	por $0x0, $0x0  }
.Ltmp7:
0xac: {  	s0 =	simm.s32 @!p1 $0x0;
	(pc) =	sbr.rel .LBB2_11-.Ltmp7, $4  }
0xad: {  	s0 =	simm.s32 @p1 $0x1  }
0xae: {  	[smem:$0x7FC] =	sst s0;
	s0 =	simm.s32 @!p4 $0x0  }
0xaf: {  	s22 =	smov.u32 s12;
	s0 =	simm.s32 @p4 $0x1  }
0xb0: {  	s20 =	smov.u32 s15;
	s21 =	smov.u32 s16;
	[smem:$0x7FD] =	sst s0  }
.LBB2_8:
.Ltmp8:
0xb1: {  	(pc) =	sbr.rel .LBB2_11-.Ltmp8, $2  }
0xb2: {  	_ =	sdelay $0x2  }
0xb3: {  	p0 =	por $0x0, $0x0;
	s28 =	smov.u32 s15;
	s25 =	simm.s32 $0x3  }
.LBB2_12:
0xb4: {  	_ =	sfence.sel $0x180000  }
0xb5: {  	[bflag:$0x0] =	sbarrier.arrive $0xFFFF  }
0xb6: {  	_ =	strace $0x90000047  }
0xb7: {  	s0 =	stileid.u32;
	[bflag:$0x2] =	sbarrier.arrive $0xFFFF  }
0xb8: {  	p0 =	sne.s32 s0, $0x0;
	s0 =	rddreg [dreg:$0x3]  }
0xb9: {  	s0 =	sadd.s32 @!p0 $0x100000, s0  }
0xba: {  	[sflag:s0] =	ssyncadd.tile.s32 @!p0 $0x1;
	_ =	shalt  }
.Lfunc_end2:
_tile_overlayer_lowered:
.L_overlay_start_2:
0xbb: {  	(tag) =	ssettag $0x2  }
0xbc: {  	s0 =	rddreg [dreg:$0x0];
	s2 =	stileid.u32  }
0xbd: {  	s1 =	rddreg [dreg:$0x1];
	p0 =	sne.s32 s2, $0x0  }
0xbe: {  	s3 =	rddreg [dreg:$0x2];
	[bflag:$0x3] =	sbarrier.arrive $0xFFFF;
	s2 =	simm.s32 @!p0 $0x1C07  }
0xbf: {  	[timem:s3], [sflag:s2] =	dma.local @!p0 [hbm:s0], s1  }
0xc0: {  	s0 =	simm.s32 @!p0 $0x7  }
0xc1: {  	_ =	swait.ge @!p0 [sflag:s0], s1  }
0xc2: {  	s1 =	ssub.s32 @!p0 $0x0, s1;
	[sflag:s0] =	ssyncset.done @!p0 $0x0  }
0xc3: {  	[sflag:s0] =	ssyncadd.s32 @!p0 s1  }
0xc4: {  	[bflag:$0x3] =	sbarrier.arrive $0xFFFF  }
0xc5: {  	_ =	shalt  }

// kernel: kernel.14.cloned.1.call-start
scs
__scs_entry_jumppad:
0x0: {  	(pc) =	sbr.rel $0x88, $3  }
0x1: {  	(tag) =	ssettag $0x0;
	lr =	simm.s32 $0x1  }
0x2: {  	[smem:$0x3F99] =	sst lr;
	_ =	strace $0xD0000000  }
0x3: {  	_ = 	snop  }
0x4: {  	_ = 	snop  }
0x5: {  	_ = 	snop  }
0x6: {  	_ = 	snop  }
0x7: {  	_ = 	snop  }
__scs_overlays_trampoline_lowered:
0x8: {  	[smem:$0x3FA8] =	sst s0  }
0x9: {  	[smem:$0x3FA9] =	sst s1  }
0xa: {  	[smem:$0x3FAA] =	sst s2  }
0xb: {  	[smem:$0x3FAB] =	sst s3  }
0xc: {  	[smem:$0x3FAC] =	sst s4  }
0xd: {  	[smem:$0x3FAD] =	sst s5  }
0xe: {  	[smem:$0x3FAE] =	sst s6  }
0xf: {  	[smem:$0x3FAF] =	sst s7  }
0x10: {  	[smem:$0x3FB0] =	sst s8  }
0x11: {  	[smem:$0x3FB1] =	sst s9;
	s0 =	simm.s32 @!p0 $0x0  }
0x12: {  	s1 =	sld [smem:$0x3F97];
	s0 =	simm.s32 @p0 $0x1  }
0x13: {  	[smem:$0x3FB2] =	sst s0;
	s0 =	simm.s32 @!p1 $0x0  }
0x14: {  	s2 =	sld [smem:$0x3F96];
	s0 =	simm.s32 @p1 $0x1  }
0x15: {  	[smem:$0x3FB3] =	sst s0;
	s0 =	simm.s32 @!p2 $0x0  }
0x16: {  	s3 =	sld [smem:$0x3FDB];
	s0 =	simm.s32 @p2 $0x1  }
0x17: {  	s4 =	simm.s32 $0x1BF5;
	[smem:$0x3FB5] =	sst s0  }
0x18: {  	s0 =	sld [smem:$0x3F98];
	_ =	swait.ge [sflag:s4], $0x0  }
0x19: {  	s7 =	sld [smem:$0x3F99]  }
0x1a: {  	s8 =	sadd.s32 $0xFFFFE003, lr  }
0x1b: {  	s9 =	sadd.s32 $0xFFFFFEF7, lr;
	s5 =	simm.s32 $0xFFFFFFFF;
	p2 =	slt.u32 s8, $0xFFFFF086  }
0x1c: {  	p1 =	slt.u32 s9, $0xF7A;
	s5 =	simm.s32 @!p2 $0x0  }
0x1d: {  	s5 =	simm.s32 @p1 $0x1;
	p0 =	seq.s32 s7, s2  }
0x1e: {  	s7 =	smul.u32 @!p0 $0xF7A, s2;
	p2 =	seq.s32 @!p0 s5, $0x0  }
0x1f: {  	s9 =	smul.u32 $0xF7A, s1;
	s8 =	simm.s32 @!p0 $0x1BF5;
	p2 =	por !p2, p0  }
0x20: {  	[sflag:s8] =	ssyncset.s32 @!p0 $0xFFFFF086;
	s6 =	sadd.s32 @!p0 s3, s7;
	s7 =	simm.s32 @!p0 $0x108  }
0x21: {  	s3 =	sadd.s32 s3, s9;
	s6 =	sadd.s32 @!p0 $0x88, s6;
	s7 =	simm.s32 @p2 $0x1082  }
0x22: {  	[simem:s7], [sflag:s8] =	dma.local @!p0 [hbm:s6], $0xF7A  }
0x23: {  	s9 =	sor.u32 $0xD0000000, s2;
	s6 =	simm.s32 $0x108;
	_ =	swait.ge @!p0 [sflag:s8], $0x0  }
0x24: {  	s3 =	sadd.s32 $0x88, s3;
	s6 =	simm.s32 @!p1 $0x1082;
	[sflag:s4] =	ssyncset.s32 $0xFFFFF086  }
0x25: {  	[simem:s6], [sflag:s4] =	dma.local [hbm:s3], $0xF7A  }
0x26: {  	[smem:$0x3F99] =	sst s1;
	(tag) =	ssettag s2;
	_ =	strace s9  }
0x27: {  	s1 =	sld [smem:$0x3FA9]  }
0x28: {  	s2 =	sld [smem:$0x3FAA]  }
0x29: {  	s4 =	sld [smem:$0x3FAC]  }
0x2a: {  	p0 =	seq.s32 s5, $0x0;
	s5 =	sld [smem:$0x3FAD]  }
0x2b: {  	s6 =	sld [smem:$0x3FAE]  }
0x2c: {  	s7 =	sld [smem:$0x3FAF]  }
0x2d: {  	s3 =	simm.s32 $0x108;
	s8 =	sld [smem:$0x3FB0]  }
0x2e: {  	s3 =	simm.s32 @!p0 $0x1082;
	s9 =	sld [smem:$0x3FB1]  }
0x2f: {  	lr =	sadd.s32 s0, s3;
	s0 =	sld [smem:$0x3FA8]  }
0x30: {  	s3 =	sld [smem:$0x3FAB]  }
0x31: {  	[smem:$0x3FB4] =	sst s10  }
0x32: {  	s10 =	sld [smem:$0x3FB2];
	_ =	sdelay $0x3  }
0x33: {  	p0 =	seq.s32 s10, $0x1;
	s10 =	sld [smem:$0x3FB4];
	_ =	sdelay $0x3  }
0x34: {  	[smem:$0x3FB4] =	sst s10  }
0x35: {  	s10 =	sld [smem:$0x3FB3];
	_ =	sdelay $0x3  }
0x36: {  	p1 =	seq.s32 s10, $0x1;
	s10 =	sld [smem:$0x3FB4];
	_ =	sdelay $0x3  }
0x37: {  	[smem:$0x3FB4] =	sst s10  }
0x38: {  	s10 =	sld [smem:$0x3FB5]  }
0x39: {  	_ = 	snop;
	(pc) =	sbr.ind lr, $3  }
0x3a: {  	_ = 	snop  }
0x3b: {  	_ = 	snop  }
0x3c: {  	p2 =	seq.s32 s10, $0x1;
	s10 =	sld [smem:$0x3FB4]  }
0x3d: {  	_ =	shalt  }
0x3e: {  	_ =	shalt  }
0x3f: {  	_ =	shalt  }
0x40: {  	_ =	shalt  }
0x41: {  	_ =	shalt  }
0x42: {  	_ =	shalt  }
0x43: {  	_ =	shalt  }
0x44: {  	_ =	shalt  }
0x45: {  	_ =	shalt  }
0x46: {  	_ =	shalt  }
0x47: {  	_ =	shalt  }
0x48: {  	_ =	shalt  }
0x49: {  	_ =	shalt  }
0x4a: {  	_ =	shalt  }
0x4b: {  	_ =	shalt  }
0x4c: {  	_ =	shalt  }
0x4d: {  	_ =	shalt  }
0x4e: {  	_ =	shalt  }
0x4f: {  	_ =	shalt  }
0x50: {  	_ =	shalt  }
0x51: {  	_ =	shalt  }
0x52: {  	_ =	shalt  }
0x53: {  	_ =	shalt  }
0x54: {  	_ =	shalt  }
0x55: {  	_ =	shalt  }
0x56: {  	_ =	shalt  }
0x57: {  	_ =	shalt  }
0x58: {  	_ =	shalt  }
0x59: {  	_ =	shalt  }
0x5a: {  	_ =	shalt  }
0x5b: {  	_ =	shalt  }
0x5c: {  	_ =	shalt  }
0x5d: {  	_ =	shalt  }
0x5e: {  	_ =	shalt  }
0x5f: {  	_ =	shalt  }
0x60: {  	_ =	shalt  }
0x61: {  	_ =	shalt  }
0x62: {  	_ =	shalt  }
0x63: {  	_ =	shalt  }
0x64: {  	_ =	shalt  }
0x65: {  	_ =	shalt  }
0x66: {  	_ =	shalt  }
0x67: {  	_ =	shalt  }
0x68: {  	_ =	shalt  }
0x69: {  	_ =	shalt  }
0x6a: {  	_ =	shalt  }
0x6b: {  	_ =	shalt  }
0x6c: {  	_ =	shalt  }
0x6d: {  	_ =	shalt  }
0x6e: {  	_ =	shalt  }
0x6f: {  	_ =	shalt  }
0x70: {  	_ =	shalt  }
0x71: {  	_ =	shalt  }
0x72: {  	_ =	shalt  }
0x73: {  	_ =	shalt  }
0x74: {  	_ =	shalt  }
0x75: {  	_ =	shalt  }
0x76: {  	_ =	shalt  }
0x77: {  	_ =	shalt  }
0x78: {  	_ =	shalt  }
0x79: {  	_ =	shalt  }
0x7a: {  	_ =	shalt  }
0x7b: {  	_ =	shalt  }
0x7c: {  	_ =	shalt  }
0x7d: {  	_ =	shalt  }
0x7e: {  	_ =	shalt  }
0x7f: {  	_ =	shalt  }
0x80: {  	_ =	shalt  }
0x81: {  	_ =	shalt  }
0x82: {  	_ =	shalt  }
0x83: {  	_ =	shalt  }
0x84: {  	_ =	shalt  }
0x85: {  	_ =	shalt  }
0x86: {  	_ =	shalt  }
0x87: {  	_ =	shalt  }
.Lfunc_end0:
.L_simem_size_0:
called_computation.1_lowered:
.L_overlay_start_0:
0x88: {  	s2 =	sld [smem:$0x3FD9]  }
0x89: {  	s3 =	sld [smem:$0x3FFE];
	_ =	sdelay $0x1  }
0x8a: {  	s1 =	srdreg.scid  }
0x8b: {  	s0 =	sand.u32 $0x1, s1  }
0x8c: {  	s17 =	sshll.u32 s0, $0xA;
	s2 =	sadd.s32 s3, s2  }
0x8d: {  	s2 =	sadd.s32 s2, s17  }
0x8e: {  	[smem:$0x3FC0] =	sst s2  }
0x8f: {  	_ = 	snop  }
0x90: {  	s2 =	sld [smem:$0x3FC8]  }
0x91: {  	s18 =	sld [smem:$0x3FD0];
	(tm) =	ssettm $0x1  }
0x92: {  	s4 =	sld [smem:$0x3FFB];
	_ =	sdelay $0x3  }
0x93: {  	_ =	strace s4  }
0x94: {  	s4 =	sld [smem:$0x3FFC];
	_ =	sdelay $0x3  }
0x95: {  	_ =	strace s4  }
0x96: {  	s4 =	sld [smem:$0x3FFD];
	_ =	sdelay $0x3  }
0x97: {  	_ =	strace s4  }
0x98: {  	_ =	strace $0x8FFFFFFF  }
0x99: {  	s19 =	sld [smem:$0x3FDB];
	_ =	sdelay $0x1  }
0x9a: {  	s5 =	simm.s32 $_scs_section_size  }
0x9b: {  	s6 =	simm.s32 $_size__tile_overlayer_lowered;
	s7 =	simm.s32 $_tile_overlayer_lowered  }
0x9c: {  	s22 =	simm.s32 $0x1BFF;
	s21 =	sshll.u32 s7, $0x1;
	s4 =	sadd.s32 s5, s19  }
0x9d: {  	s8 =	simm.s32 $0x0;
	s20 =	sshll.u32 s6, $0x1;
	s6 =	sadd.s32 s21, s4  }
0x9e: {  	[timem:s8], [sflag:s22] =	dma.local [hbm:s6], s20  }
0x9f: {  	_ =	swait.ge [sflag:s22], s20  }
0xa0: {  	s5 =	ssub.s32 $0x0, s20;
	[sflag:s22] =	ssyncset.done $0x0  }
0xa1: {  	[sflag:s22] =	ssyncadd.s32 s5;
	_ =	sdelay $0x1  }
0xa2: {  	s23 =	simm.s32 $0x1B8B  }
0xa3: {  	_ =	swait.ge [sflag:s23], $0x1  }
0xa4: {  	[sflag:s23] =	ssyncset.done $0x0  }
0xa5: {  	s25 =	simm.s32 $0x1B8E;
	s24 =	sld [smem:$0x3FFE];
	[sflag:s23] =	ssyncadd.s32 $0xFFFFFFFF  }
0xa6: {  	s26 =	simm.s32 $execute0_lowered;
	[smem:$0x3FD2] =	sst s25  }
0xa7: {  	s6 =	sshll.u32 s26, $0x1;
	_ =	strace $0x80000049;
	[dreg:$0x1] =	wrdreg $0xFFFFFFFF  }
0xa8: {  	s28 =	simm.s32 $_size_execute0_lowered;
	s4 =	sadd.s32 s4, s6;
	[dreg:$0x0] =	wrdreg $0x0  }
0xa9: {  	s6 =	sshll.u32 s28, $0x1;
	[dreg:$0x2] =	wrdreg s4  }
0xaa: {  	[dreg:$0x3] =	wrdreg s6  }
0xab: {  	[dreg:$0x4] =	wrdreg $0xC0  }
0xac: {  	_ =	task [dreg:s8], $0x5FFFF  }
0xad: {  	[dreg:$0x1] =	wrdreg $0xFFFFFFFF  }
0xae: {  	[dreg:$0x0] =	wrdreg $0x60  }
0xaf: {  	[dreg:$0x2] =	wrdreg s18  }
0xb0: {  	[dreg:$0x3] =	wrdreg s2  }
0xb1: {  	[dreg:$0x4] =	wrdreg s24  }
0xb2: {  	[dreg:$0x5] =	wrdreg $0x0  }
0xb3: {  	[dreg:$0x6] =	wrdreg $0x9  }
0xb4: {  	_ =	task.clear_ibuf [dreg:s8], $0x7FFFF;
	_ =	strace $0x90000049  }
0xb5: {  	s29 =	simm.s32 $0x9;
	_ =	strace $0x8000004B  }
0xb6: {  	_ =	swait.ge [sflag:s29], $0x1  }
0xb7: {  	[sflag:s29] =	ssyncadd.s32 $0xFFFFFFFF  }
0xb8: {  	_ =	strace $0x9000004B  }
0xb9: {  	_ =	sfence  }
0xba: {  	s30 =	sld [smem:$0x0];
	_ =	sdelay $0x2  }
0xbb: {  	s31 =	sshll.u32 s1, $0xD;
	s1 =	sshrl.u32 s1, $0x2  }
0xbc: {  	s3 =	sand.u32 $0x4000, s31;
	s1 =	sadd.s32 s1, s30  }
0xbd: {  	s0 =	sor.u32 s3, s0;
	s1 =	sshll.u32 s1, $0x11  }
0xbe: {  	s0 =	sor.u32 s1, s0  }
0xbf: {  	s0 =	sadd.s32 $0x8F2B, s0  }
0xc0: {  	[sflag:s0] =	ssyncadd.remote.s32 $0x1  }
0xc1: {  	_ =	sfence.sel $0xFFFF  }
0xc2: {  	[dreg:$0x0] =	wrdreg $0xFFFFFFFF;
	(pc) =	sbr.abs _section_cstart, $3  }
0xc3: {  	[dreg:$0x1] =	wrdreg $0xFFFFFFFF  }
0xc4: {  	_ =	task.clear_ibuf [dreg:s8], $0x2FFFF;
	_ =	strace $0x9FFFFFFF  }
0xc5: {  	(tm) =	ssettm $0x7FFFFFFF  }
tec
execute0_lowered:
.L_overlay_start_1:
0x0: {  	(tag) =	ssettag $0x1  }
0x1: {  	s0 =	rddreg [dreg:$0x0]  }
0x2: {  	s14 =	rddreg [dreg:$0x1]  }
0x3: {  	s6 =	rddreg [dreg:$0x2]  }
0x4: {  	s1 =	srdreg.scid;
	s3 =	rddreg [dreg:$0x3]  }
0x5: {  	s2 =	rddreg [dreg:$0x4];
	s10 =	sand.u32 $0x1, s1  }
0x6: {  	s1 =	stileid.u32;
	s5 =	smul.u32 $0x138800, s10  }
0x7: {  	s4 =	simm.s32 $0x0;
	s18 =	simm.s32 $0x13B80;
	s7 =	smul.u32 $0x13800, s1  }
0x8: {  	s19 =	simm.s32 $0xA;
	[smem:$0x7FF] =	sst s4;
	s8 =	smul.u32 $0x4E000, s1  }
0x9: {  	_ =	strace $0x8000004A;
	p0 =	slt.u32 s1, $0x2;
	s12 =	smul.u32 $0x9C, s1  }
0xa: {  	s26 =	ssub.s32 $0x2, s10;
	s16 =	sshll.u32 s1, $0x1;
	s17 =	smul.u32 $0x4E, s10  }
0xb: {  	s28 =	sshrl.u32 s26, $0x1;
	s10 =	sor.u32 s10, s16;
	s5 =	sadd.s32 s7, s5  }
0xc: {  	s8 =	sshrl.u32 s8, $0x2;
	s7 =	sshrl.u32 s5, $0x3;
	s5 =	simm.s32 $0x4F  }
0xd: {  	s12 =	sadd.s32 s17, s12;
	s16 =	smin.u32 s10, $0x4;
	s5 =	simm.s32 @!p0 $0x4E  }
0xe: {  	s15 =	ssub.s32 s26, s28;
	s12 =	sadd.s32 s16, s12;
	s11 =	smul.u32 $0x56, s5  }
0xf: {  	s15 =	smax.u32 s15, $0x1;
	s13 =	sadd.s32 s7, s6;
	s6 =	sadd.s32 s8, s3  }
0x10: {  	s31 =	sshll.u32 s12, $0x5;
	s7 =	sadd.s32 $0x4000, s6;
	s11 =	sadd.s32 $0x1AE, s11  }
0x11: {  	s8 =	sadd.s32 $0x8000, s6;
	s9 =	sadd.s32 $0xC000, s6;
	s29 =	sshrl.u32 s11, $0x8  }
0x12: {  	s10 =	sadd.s32 $0x10000, s6;
	s14 =	sadd.s32 s31, s14;
	s30 =	smul.u32 $0x3, s29  }
0x13: {  	s12 =	sadd.s32 $0x1, s5;
	s13 =	sadd.s32 $0x50E00, s13;
	s16 =	sadd.s32 $0x40, s14  }
0x14: {  	v0 =	vimm.f32 $0.0e+00;
	s17 =	sadd.s32 $0x20, s14;
	s11 =	sadd.s32 $0x3, s5;
	[dreg:$0x5] =	wrdreg s30  }
.LBB2_1:
0x15: {  	s20 =	simm.s32 $0x0;
	s21 =	simm.s32 $0x200  }
.LBB2_2:
0x16: {  	p0 =	sne.s32 s21, $0xFE00;
	[tilespmem:s20+$0x13BF0] =	vst v0  }
0x17: {  	[tilespmem:s20+$0x13B80] =	vst v0  }
0x18: {  	[tilespmem:s20+$0x13B90] =	vst v0  }
.Ltmp0:
0x19: {  	[tilespmem:s20+$0x13BA0] =	vst v0;
	(pc) =	sbr.rel @p0 .LBB2_2-.Ltmp0, $4  }
0x1a: {  	[tilespmem:s20+$0x13BB0] =	vst v0  }
0x1b: {  	[tilespmem:s20+$0x13BC0] =	vst v0  }
0x1c: {  	[tilespmem:s20+$0x13BD0] =	vst v0  }
0x1d: {  	[tilespmem:s20+$0x13BE0] =	vst v0;
	s20 =	sshra.s32 s21, $0x2;
	s21 =	sadd.s32 $0x200, s21  }
0x1e: {  	[tilespmem:s20+$0x13BF0] =	vst v0  }
0x1f: {  	[tilespmem:s20+$0x13B80] =	vst v0  }
0x20: {  	[tilespmem:s20+$0x13B90] =	vst v0  }
0x21: {  	[tilespmem:s20+$0x13BA0] =	vst v0  }
0x22: {  	[tilespmem:s20+$0x13BB0] =	vst v0  }
0x23: {  	[tilespmem:s20+$0x13BC0] =	vst v0  }
0x24: {  	[tilespmem:s20+$0x13BD0] =	vst v0  }
0x25: {  	[tilespmem:s20+$0x13BE0] =	vst v0  }
0x26: {  	[spmem:s6] =	stream.linear.scatter [tilespmem:s18], [sflag:$0xA], $0x4000, $0x38;
	[tilespmem:$0x1FB80] =	vst v63  }
0x27: {  	_ =	swait.ge [sflag:s19], $0x4000  }
0x28: {  	[sflag:s19] =	ssyncset.done $0x0  }
0x29: {  	[sflag:s19] =	ssyncadd.s32 $0xFFFFC000  }
0x2a: {  	[spmem:s7] =	stream.linear.scatter [tilespmem:s18], [sflag:$0xA], $0x4000, $0x38;
	[tilespmem:$0x1FB80] =	vst v63  }
0x2b: {  	_ =	swait.ge [sflag:s19], $0x4000  }
0x2c: {  	[sflag:s19] =	ssyncset.done $0x0  }
0x2d: {  	[sflag:s19] =	ssyncadd.s32 $0xFFFFC000  }
0x2e: {  	[spmem:s8] =	stream.linear.scatter [tilespmem:s18], [sflag:$0xA], $0x4000, $0x38;
	[tilespmem:$0x1FB80] =	vst v63  }
0x2f: {  	_ =	swait.ge [sflag:s19], $0x4000  }
0x30: {  	[sflag:s19] =	ssyncset.done $0x0  }
0x31: {  	[sflag:s19] =	ssyncadd.s32 $0xFFFFC000  }
0x32: {  	[spmem:s9] =	stream.linear.scatter [tilespmem:s18], [sflag:$0xA], $0x4000, $0x38;
	[tilespmem:$0x1FB80] =	vst v63  }
0x33: {  	_ =	swait.ge [sflag:s19], $0x4000  }
0x34: {  	[sflag:s19] =	ssyncset.done $0x0  }
0x35: {  	[sflag:s19] =	ssyncadd.s32 $0xFFFFC000  }
0x36: {  	[spmem:s10] =	stream.linear.scatter [tilespmem:s18], [sflag:$0xA], $0x4000, $0x38;
	[tilespmem:$0x1FB80] =	vst v63  }
0x37: {  	_ =	swait.ge [sflag:s19], $0x4000  }
0x38: {  	[sflag:s19] =	ssyncset.done $0x0  }
0x39: {  	s20 =	simm.s32 $0x0;
	s21 =	smov.u32 s17;
	[sflag:s19] =	ssyncadd.s32 $0xFFFFC000  }
0x3a: {  	s22 =	smov.u32 s16;
	s23 =	smov.u32 s14;
	[bflag:$0x0] =	sbarrier.arrive $0xFFFF  }
.LBB2_4:
0x3b: {  	p0 =	seq.s32 s20, $0x0  }
0x3c: {  	p1 =	sge.u32 @!p0 s20, s11  }
0x3d: {  	p2 =	por p1, p0  }
0x3e: {  	s24 =	simm.s32 @!p2 $0x7  }
0x3f: {  	p6 =	sne.s32 s20, $0x0;
	p1 =	sge.u32 s20, s5;
	_ =	swait.ge @!p2 [sflag:s24], $0x4000  }
0x40: {  	p3 =	sle.u32 s20, s5;
	s25 =	simm.s32 @!p1 $0x13880;
	[sflag:s24] =	ssyncset.done @!p2 $0x0  }
0x41: {  	[sflag:s24] =	ssyncadd.s32 @!p2 $0xFFFFC000;
	s24 =	simm.s32 @!p1 $0x0;
	p2 =	por !p6, !p3  }
0x42: {  	[tilespmem:s25], [sflag:$0x1] =	stream.linear.gather @!p1 [hbm4b:s23+s24], $0x100, $0x38;
	[tilespmem:$0x1FB80] =	vst v63  }
0x43: {  	p2 =	por !p2, !p2  }
0x44: {  	s24 =	simm.s32 @p2 $0x3  }
0x45: {  	p3 =	sgt.u32 @!p0 s20, s12;
	_ =	swait.ge @p2 [sflag:s24], $0x100  }
0x46: {  	p3 =	por p3, p0;
	s26 =	simm.s32 @p2 $0x13A80;
	[sflag:s24] =	ssyncset.done @p2 $0x0  }
0x47: {  	s28 =	simm.s32 @p2 $0x1BB80;
	[sflag:s24] =	ssyncadd.s32 @p2 $0xFFFFFF00;
	s24 =	simm.s32 @p2 $0x80  }
0x48: {  	[tilespmem:s28], [sflag:$0x6] =	stream.indirect.gather @p2 [hbm4b:s0+s24], $0x80, s26, s24, $0xb8;
	[tilespmem:$0x1FB80] =	vst v63  }
0x49: {  	s26 =	simm.s32 @!p3 $0x5  }
0x4a: {  	_ =	swait.ge @!p3 [sflag:s26], $0x4000  }
0x4b: {  	s29 =	simm.s32 @!p3 $0x13A00;
	[sflag:s26] =	ssyncset.done @!p3 $0x0  }
0x4c: {  	s30 =	simm.s32 @!p3 $0x17B80;
	[sflag:s26] =	ssyncadd.s32 @!p3 $0xFFFFC000;
	s26 =	simm.s32 @!p3 $0x80  }
0x4d: {  	[spmem:s3] =	stream.indirect.scatter.add.f32 @!p3 [tilespmem:s30], [sflag:$0x8], $0x80, s29, s26, $0xb8;
	[tilespmem:$0x1FB80] =	vst v63  }
0x4e: {  	s26 =	sadd.s32 $0x1, s20  }
0x4f: {  	p3 =	sge.u32 @!p0 s26, s11  }
0x50: {  	p3 =	por p3, p0  }
0x51: {  	s29 =	simm.s32 @!p3 $0x8  }
0x52: {  	_ =	swait.ge @!p3 [sflag:s29], $0x4000  }
0x53: {  	p4 =	sge.u32 s26, s5;
	[sflag:s29] =	ssyncset.done @!p3 $0x0  }
0x54: {  	s26 =	simm.s32 @!p4 $0x0;
	[sflag:s29] =	ssyncadd.s32 @!p3 $0xFFFFC000;
	s29 =	simm.s32 @!p4 $0x13980  }
0x55: {  	[tilespmem:s29], [sflag:$0x2] =	stream.linear.gather @!p4 [hbm4b:s21+s26], $0x100, $0x38;
	[tilespmem:$0x1FB80] =	vst v63  }
0x56: {  	s26 =	simm.s32 @!p1 $0x1  }
0x57: {  	_ =	swait.ge @!p1 [sflag:s26], $0x100  }
0x58: {  	[sflag:s26] =	ssyncset.done @!p1 $0x0  }
0x59: {  	s29 =	simm.s32 @!p1 $0x13B80;
	[sflag:s26] =	ssyncadd.s32 @!p1 $0xFFFFFF00;
	s26 =	simm.s32 @!p1 $0x80  }
0x5a: {  	[tilespmem:s29], [sflag:$0x4] =	stream.indirect.gather @!p1 [hbm4b:s0+s26], $0x80, s25, s26, $0xb8;
	[tilespmem:$0x1FB80] =	vst v63  }
0x5b: {  	s25 =	simm.s32 @p2 $0x6  }
0x5c: {  	_ =	swait.ge @p2 [sflag:s25], $0x4000  }
0x5d: {  	[sflag:s25] =	ssyncset.done @p2 $0x0  }
0x5e: {  	[sflag:s25] =	ssyncadd.s32 @p2 $0xFFFFC000;
	s25 =	simm.s32 @p2 $0x13B00  }
0x5f: {  	[spmem:s3] =	stream.indirect.scatter.add.f32 @p2 [tilespmem:s28], [sflag:$0x9], $0x80, s25, s24, $0xb8;
	[tilespmem:$0x1FB80] =	vst v63  }
0x60: {  	s24 =	sadd.s32 $0x2, s20  }
0x61: {  	p1 =	sge.u32 @!p0 s24, s11  }
0x62: {  	p0 =	por p1, p0  }
0x63: {  	s25 =	simm.s32 @!p0 $0x9  }
0x64: {  	p1 =	sge.u32 s24, s5;
	_ =	swait.ge @!p0 [sflag:s25], $0x4000  }
0x65: {  	s26 =	simm.s32 @!p1 $0x13A80;
	[sflag:s25] =	ssyncset.done @!p0 $0x0  }
0x66: {  	[sflag:s25] =	ssyncadd.s32 @!p0 $0xFFFFC000;
	s25 =	simm.s32 @!p1 $0x0;
	p0 =	sgt.u32 s24, s5  }
0x67: {  	[tilespmem:s26], [sflag:$0x3] =	stream.linear.gather @!p1 [hbm4b:s22+s25], $0x100, $0x38;
	[tilespmem:$0x1FB80] =	vst v63  }
0x68: {  	s25 =	simm.s32 @!p0 $0x2  }
0x69: {  	_ =	swait.ge @!p0 [sflag:s25], $0x100  }
0x6a: {  	s26 =	simm.s32 @!p0 $0x13980;
	[sflag:s25] =	ssyncset.done @!p0 $0x0  }
0x6b: {  	s28 =	simm.s32 @!p0 $0x17B80;
	[sflag:s25] =	ssyncadd.s32 @!p0 $0xFFFFFF00;
	s25 =	simm.s32 @!p0 $0x80  }
0x6c: {  	[tilespmem:s28], [sflag:$0x5] =	stream.indirect.gather @!p0 [hbm4b:s0+s25], $0x80, s26, s25, $0xb8;
	[tilespmem:$0x1FB80] =	vst v63  }
0x6d: {  	p0 =	sgt.u32 s24, s12  }
0x6e: {  	s24 =	simm.s32 @!p0 $0x4  }
0x6f: {  	s20 =	sadd.s32 $0x3, s20;
	_ =	swait.ge @!p0 [sflag:s24], $0x4000  }
0x70: {  	s25 =	simm.s32 @!p0 $0x13900;
	s26 =	simm.s32 @!p0 $0x13B80;
	[sflag:s24] =	ssyncset.done @!p0 $0x0  }
0x71: {  	s31 =	rddreg [dreg:$0x5];
	[sflag:s24] =	ssyncadd.s32 @!p0 $0xFFFFC000;
	s24 =	simm.s32 @!p0 $0x80  }
0x72: {  	[spmem:s3] =	stream.indirect.scatter.add.f32 @!p0 [tilespmem:s26], [sflag:$0x7], $0x80, s25, s24, $0xb8;
	[tilespmem:$0x1FB80] =	vst v63  }
0x73: {  	p0 =	sne.s32 s31, s20  }
.Ltmp1:
0x74: {  	_ = 	snop;
	(pc) =	sbr.rel @p0 .LBB2_4-.Ltmp1, $2  }
0x75: {  	_ =	sdelay $0x2  }
0x76: {  	s23 =	sadd.s32 $0x60, s23;
	s21 =	sadd.s32 $0x60, s21;
	s22 =	sadd.s32 $0x60, s22  }
0x77: {  	s4 =	sadd.s32 $0x1, s4  }
0x78: {  	s20 =	sshll.u32 s1, $0x6;
	[bflag:$0x0] =	sbarrier.arrive $0xFFFF;
	p0 =	sne.s32 s4, s15  }
.Ltmp2:
0x79: {  	s21 =	sshrl.u32 s6, $0x3;
	s20 =	sor.u32 $0x1C0A, s20;
	(pc) =	sbr.rel @p0 .LBB2_1-.Ltmp2, $4  }
0x7a: {  	[hbm:s13], [sflag:s20] =	dma.local [spmem:s21], $0x2800  }
0x7b: {  	_ =	swait.ge [sflag:s19], $0x2800  }
0x7c: {  	[sflag:s19] =	ssyncset.done $0x0  }
0x7d: {  	[sflag:s19] =	ssyncadd.s32 $0xFFFFD800  }
0x7e: {  	_ =	sfence.sel $0x180000  }
0x7f: {  	[bflag:$0x0] =	sbarrier.arrive $0xFFFF  }
0x80: {  	p0 =	sne.s32 s1, $0x0;
	_ =	strace $0x9000004A  }
0x81: {  	s0 =	sadd.s32 @!p0 $0x100000, s2;
	[bflag:$0x2] =	sbarrier.arrive $0xFFFF  }
0x82: {  	[sflag:s0] =	ssyncadd.tile.s32 @!p0 $0x1;
	_ =	shalt  }
.Lfunc_end2:
_tile_overlayer_lowered:
.L_overlay_start_2:
0x83: {  	(tag) =	ssettag $0x2  }
0x84: {  	s0 =	rddreg [dreg:$0x0];
	s2 =	stileid.u32  }
0x85: {  	s1 =	rddreg [dreg:$0x1];
	p0 =	sne.s32 s2, $0x0  }
0x86: {  	s3 =	rddreg [dreg:$0x2];
	[bflag:$0x3] =	sbarrier.arrive $0xFFFF;
	s2 =	simm.s32 @!p0 $0x1C0A  }
0x87: {  	[timem:s3], [sflag:s2] =	dma.local @!p0 [hbm:s0], s1  }
0x88: {  	s0 =	simm.s32 @!p0 $0xA  }
0x89: {  	_ =	swait.ge @!p0 [sflag:s0], s1  }
0x8a: {  	s1 =	ssub.s32 @!p0 $0x0, s1;
	[sflag:s0] =	ssyncset.done @!p0 $0x0  }
0x8b: {  	[sflag:s0] =	ssyncadd.s32 @!p0 s1  }
0x8c: {  	[bflag:$0x3] =	sbarrier.arrive $0xFFFF  }
0x8d: {  	_ =	shalt  }

// kernel: kernel.17.cloned.1.call-start
scs
__scs_entry_jumppad:
0x0: {  	(pc) =	sbr.rel $0x88, $3  }
0x1: {  	(tag) =	ssettag $0x0;
	lr =	simm.s32 $0x1  }
0x2: {  	[smem:$0x3F99] =	sst lr;
	_ =	strace $0xD0000000  }
0x3: {  	_ = 	snop  }
0x4: {  	_ = 	snop  }
0x5: {  	_ = 	snop  }
0x6: {  	_ = 	snop  }
0x7: {  	_ = 	snop  }
__scs_overlays_trampoline_lowered:
0x8: {  	[smem:$0x3FA8] =	sst s0  }
0x9: {  	[smem:$0x3FA9] =	sst s1  }
0xa: {  	[smem:$0x3FAA] =	sst s2  }
0xb: {  	[smem:$0x3FAB] =	sst s3  }
0xc: {  	[smem:$0x3FAC] =	sst s4  }
0xd: {  	[smem:$0x3FAD] =	sst s5  }
0xe: {  	[smem:$0x3FAE] =	sst s6  }
0xf: {  	[smem:$0x3FAF] =	sst s7  }
0x10: {  	[smem:$0x3FB0] =	sst s8  }
0x11: {  	[smem:$0x3FB1] =	sst s9;
	s0 =	simm.s32 @!p0 $0x0  }
0x12: {  	s1 =	sld [smem:$0x3F97];
	s0 =	simm.s32 @p0 $0x1  }
0x13: {  	[smem:$0x3FB2] =	sst s0;
	s0 =	simm.s32 @!p1 $0x0  }
0x14: {  	s2 =	sld [smem:$0x3F96];
	s0 =	simm.s32 @p1 $0x1  }
0x15: {  	[smem:$0x3FB3] =	sst s0;
	s0 =	simm.s32 @!p2 $0x0  }
0x16: {  	s3 =	sld [smem:$0x3FDB];
	s0 =	simm.s32 @p2 $0x1  }
0x17: {  	s4 =	simm.s32 $0x1BF5;
	[smem:$0x3FB5] =	sst s0  }
0x18: {  	s0 =	sld [smem:$0x3F98];
	_ =	swait.ge [sflag:s4], $0x0  }
0x19: {  	s7 =	sld [smem:$0x3F99]  }
0x1a: {  	s8 =	sadd.s32 $0xFFFFE003, lr  }
0x1b: {  	s9 =	sadd.s32 $0xFFFFFEF7, lr;
	s5 =	simm.s32 $0xFFFFFFFF;
	p2 =	slt.u32 s8, $0xFFFFF086  }
0x1c: {  	p1 =	slt.u32 s9, $0xF7A;
	s5 =	simm.s32 @!p2 $0x0  }
0x1d: {  	s5 =	simm.s32 @p1 $0x1;
	p0 =	seq.s32 s7, s2  }
0x1e: {  	s7 =	smul.u32 @!p0 $0xF7A, s2;
	p2 =	seq.s32 @!p0 s5, $0x0  }
0x1f: {  	s9 =	smul.u32 $0xF7A, s1;
	s8 =	simm.s32 @!p0 $0x1BF5;
	p2 =	por !p2, p0  }
0x20: {  	[sflag:s8] =	ssyncset.s32 @!p0 $0xFFFFF086;
	s6 =	sadd.s32 @!p0 s3, s7;
	s7 =	simm.s32 @!p0 $0x108  }
0x21: {  	s3 =	sadd.s32 s3, s9;
	s6 =	sadd.s32 @!p0 $0x88, s6;
	s7 =	simm.s32 @p2 $0x1082  }
0x22: {  	[simem:s7], [sflag:s8] =	dma.local @!p0 [hbm:s6], $0xF7A  }
0x23: {  	s9 =	sor.u32 $0xD0000000, s2;
	s6 =	simm.s32 $0x108;
	_ =	swait.ge @!p0 [sflag:s8], $0x0  }
0x24: {  	s3 =	sadd.s32 $0x88, s3;
	s6 =	simm.s32 @!p1 $0x1082;
	[sflag:s4] =	ssyncset.s32 $0xFFFFF086  }
0x25: {  	[simem:s6], [sflag:s4] =	dma.local [hbm:s3], $0xF7A  }
0x26: {  	[smem:$0x3F99] =	sst s1;
	(tag) =	ssettag s2;
	_ =	strace s9  }
0x27: {  	s1 =	sld [smem:$0x3FA9]  }
0x28: {  	s2 =	sld [smem:$0x3FAA]  }
0x29: {  	s4 =	sld [smem:$0x3FAC]  }
0x2a: {  	p0 =	seq.s32 s5, $0x0;
	s5 =	sld [smem:$0x3FAD]  }
0x2b: {  	s6 =	sld [smem:$0x3FAE]  }
0x2c: {  	s7 =	sld [smem:$0x3FAF]  }
0x2d: {  	s3 =	simm.s32 $0x108;
	s8 =	sld [smem:$0x3FB0]  }
0x2e: {  	s3 =	simm.s32 @!p0 $0x1082;
	s9 =	sld [smem:$0x3FB1]  }
0x2f: {  	lr =	sadd.s32 s0, s3;
	s0 =	sld [smem:$0x3FA8]  }
0x30: {  	s3 =	sld [smem:$0x3FAB]  }
0x31: {  	[smem:$0x3FB4] =	sst s10  }
0x32: {  	s10 =	sld [smem:$0x3FB2];
	_ =	sdelay $0x3  }
0x33: {  	p0 =	seq.s32 s10, $0x1;
	s10 =	sld [smem:$0x3FB4];
	_ =	sdelay $0x3  }
0x34: {  	[smem:$0x3FB4] =	sst s10  }
0x35: {  	s10 =	sld [smem:$0x3FB3];
	_ =	sdelay $0x3  }
0x36: {  	p1 =	seq.s32 s10, $0x1;
	s10 =	sld [smem:$0x3FB4];
	_ =	sdelay $0x3  }
0x37: {  	[smem:$0x3FB4] =	sst s10  }
0x38: {  	s10 =	sld [smem:$0x3FB5]  }
0x39: {  	_ = 	snop;
	(pc) =	sbr.ind lr, $3  }
0x3a: {  	_ = 	snop  }
0x3b: {  	_ = 	snop  }
0x3c: {  	p2 =	seq.s32 s10, $0x1;
	s10 =	sld [smem:$0x3FB4]  }
0x3d: {  	_ =	shalt  }
0x3e: {  	_ =	shalt  }
0x3f: {  	_ =	shalt  }
0x40: {  	_ =	shalt  }
0x41: {  	_ =	shalt  }
0x42: {  	_ =	shalt  }
0x43: {  	_ =	shalt  }
0x44: {  	_ =	shalt  }
0x45: {  	_ =	shalt  }
0x46: {  	_ =	shalt  }
0x47: {  	_ =	shalt  }
0x48: {  	_ =	shalt  }
0x49: {  	_ =	shalt  }
0x4a: {  	_ =	shalt  }
0x4b: {  	_ =	shalt  }
0x4c: {  	_ =	shalt  }
0x4d: {  	_ =	shalt  }
0x4e: {  	_ =	shalt  }
0x4f: {  	_ =	shalt  }
0x50: {  	_ =	shalt  }
0x51: {  	_ =	shalt  }
0x52: {  	_ =	shalt  }
0x53: {  	_ =	shalt  }
0x54: {  	_ =	shalt  }
0x55: {  	_ =	shalt  }
0x56: {  	_ =	shalt  }
0x57: {  	_ =	shalt  }
0x58: {  	_ =	shalt  }
0x59: {  	_ =	shalt  }
0x5a: {  	_ =	shalt  }
0x5b: {  	_ =	shalt  }
0x5c: {  	_ =	shalt  }
0x5d: {  	_ =	shalt  }
0x5e: {  	_ =	shalt  }
0x5f: {  	_ =	shalt  }
0x60: {  	_ =	shalt  }
0x61: {  	_ =	shalt  }
0x62: {  	_ =	shalt  }
0x63: {  	_ =	shalt  }
0x64: {  	_ =	shalt  }
0x65: {  	_ =	shalt  }
0x66: {  	_ =	shalt  }
0x67: {  	_ =	shalt  }
0x68: {  	_ =	shalt  }
0x69: {  	_ =	shalt  }
0x6a: {  	_ =	shalt  }
0x6b: {  	_ =	shalt  }
0x6c: {  	_ =	shalt  }
0x6d: {  	_ =	shalt  }
0x6e: {  	_ =	shalt  }
0x6f: {  	_ =	shalt  }
0x70: {  	_ =	shalt  }
0x71: {  	_ =	shalt  }
0x72: {  	_ =	shalt  }
0x73: {  	_ =	shalt  }
0x74: {  	_ =	shalt  }
0x75: {  	_ =	shalt  }
0x76: {  	_ =	shalt  }
0x77: {  	_ =	shalt  }
0x78: {  	_ =	shalt  }
0x79: {  	_ =	shalt  }
0x7a: {  	_ =	shalt  }
0x7b: {  	_ =	shalt  }
0x7c: {  	_ =	shalt  }
0x7d: {  	_ =	shalt  }
0x7e: {  	_ =	shalt  }
0x7f: {  	_ =	shalt  }
0x80: {  	_ =	shalt  }
0x81: {  	_ =	shalt  }
0x82: {  	_ =	shalt  }
0x83: {  	_ =	shalt  }
0x84: {  	_ =	shalt  }
0x85: {  	_ =	shalt  }
0x86: {  	_ =	shalt  }
0x87: {  	_ =	shalt  }
.Lfunc_end0:
.L_simem_size_0:
called_computation.2_lowered:
.L_overlay_start_0:
0x88: {  	s2 =	sld [smem:$0x3FD9]  }
0x89: {  	s3 =	sld [smem:$0x3FFE];
	_ =	sdelay $0x1  }
0x8a: {  	s1 =	srdreg.scid  }
0x8b: {  	s0 =	sand.u32 $0x1, s1  }
0x8c: {  	s17 =	sshll.u32 s0, $0xA;
	s2 =	sadd.s32 s3, s2  }
0x8d: {  	s2 =	sadd.s32 s2, s17  }
0x8e: {  	[smem:$0x3FC0] =	sst s2  }
0x8f: {  	_ = 	snop  }
0x90: {  	s2 =	sld [smem:$0x3FC8]  }
0x91: {  	s18 =	sld [smem:$0x3FD0];
	(tm) =	ssettm $0x1  }
0x92: {  	s4 =	sld [smem:$0x3FFB];
	_ =	sdelay $0x3  }
0x93: {  	_ =	strace s4  }
0x94: {  	s4 =	sld [smem:$0x3FFC];
	_ =	sdelay $0x3  }
0x95: {  	_ =	strace s4  }
0x96: {  	s4 =	sld [smem:$0x3FFD];
	_ =	sdelay $0x3  }
0x97: {  	_ =	strace s4  }
0x98: {  	_ =	strace $0x8FFFFFFF  }
0x99: {  	s19 =	sld [smem:$0x3FDB];
	_ =	sdelay $0x1  }
0x9a: {  	s5 =	simm.s32 $_scs_section_size  }
0x9b: {  	s6 =	simm.s32 $_size__tile_overlayer_lowered;
	s7 =	simm.s32 $_tile_overlayer_lowered  }
0x9c: {  	s22 =	simm.s32 $0x1BFF;
	s21 =	sshll.u32 s7, $0x1;
	s4 =	sadd.s32 s5, s19  }
0x9d: {  	s8 =	simm.s32 $0x0;
	s20 =	sshll.u32 s6, $0x1;
	s6 =	sadd.s32 s21, s4  }
0x9e: {  	[timem:s8], [sflag:s22] =	dma.local [hbm:s6], s20  }
0x9f: {  	_ =	swait.ge [sflag:s22], s20  }
0xa0: {  	s5 =	ssub.s32 $0x0, s20;
	[sflag:s22] =	ssyncset.done $0x0  }
0xa1: {  	[sflag:s22] =	ssyncadd.s32 s5;
	_ =	sdelay $0x1  }
0xa2: {  	s23 =	simm.s32 $0x1B8B  }
0xa3: {  	_ =	swait.ge [sflag:s23], $0x1  }
0xa4: {  	[sflag:s23] =	ssyncset.done $0x0  }
0xa5: {  	s25 =	simm.s32 $0x1B8E;
	s24 =	sld [smem:$0x3FFE];
	[sflag:s23] =	ssyncadd.s32 $0xFFFFFFFF  }
0xa6: {  	s26 =	simm.s32 $execute0_lowered;
	[smem:$0x3FD2] =	sst s25  }
0xa7: {  	s6 =	sshll.u32 s26, $0x1;
	_ =	strace $0x8000004C;
	[dreg:$0x1] =	wrdreg $0xFFFFFFFF  }
0xa8: {  	s28 =	simm.s32 $_size_execute0_lowered;
	s4 =	sadd.s32 s4, s6;
	[dreg:$0x0] =	wrdreg $0x0  }
0xa9: {  	s6 =	sshll.u32 s28, $0x1;
	[dreg:$0x2] =	wrdreg s4  }
0xaa: {  	[dreg:$0x3] =	wrdreg s6  }
0xab: {  	[dreg:$0x4] =	wrdreg $0xC0  }
0xac: {  	_ =	task [dreg:s8], $0x5FFFF  }
0xad: {  	[dreg:$0x1] =	wrdreg $0xFFFFFFFF  }
0xae: {  	[dreg:$0x0] =	wrdreg $0x60  }
0xaf: {  	[dreg:$0x2] =	wrdreg s18  }
0xb0: {  	[dreg:$0x3] =	wrdreg s2  }
0xb1: {  	[dreg:$0x4] =	wrdreg s24  }
0xb2: {  	[dreg:$0x5] =	wrdreg $0x0  }
0xb3: {  	[dreg:$0x6] =	wrdreg $0x9  }
0xb4: {  	_ =	task.clear_ibuf [dreg:s8], $0x7FFFF;
	_ =	strace $0x9000004C  }
0xb5: {  	s29 =	simm.s32 $0x9;
	_ =	strace $0x8000004E  }
0xb6: {  	_ =	swait.ge [sflag:s29], $0x1  }
0xb7: {  	[sflag:s29] =	ssyncadd.s32 $0xFFFFFFFF  }
0xb8: {  	_ =	strace $0x9000004E  }
0xb9: {  	_ =	sfence  }
0xba: {  	s30 =	sld [smem:$0x0];
	_ =	sdelay $0x2  }
0xbb: {  	s31 =	sshll.u32 s1, $0xD;
	s1 =	sshrl.u32 s1, $0x2  }
0xbc: {  	s3 =	sand.u32 $0x4000, s31;
	s1 =	sadd.s32 s1, s30  }
0xbd: {  	s0 =	sor.u32 s3, s0;
	s1 =	sshll.u32 s1, $0x11  }
0xbe: {  	s0 =	sor.u32 s1, s0  }
0xbf: {  	s0 =	sadd.s32 $0x8F2B, s0  }
0xc0: {  	[sflag:s0] =	ssyncadd.remote.s32 $0x1  }
0xc1: {  	_ =	sfence.sel $0xFFFF  }
0xc2: {  	[dreg:$0x0] =	wrdreg $0xFFFFFFFF;
	(pc) =	sbr.abs _section_cstart, $3  }
0xc3: {  	[dreg:$0x1] =	wrdreg $0xFFFFFFFF  }
0xc4: {  	_ =	task.clear_ibuf [dreg:s8], $0x2FFFF;
	_ =	strace $0x9FFFFFFF  }
0xc5: {  	(tm) =	ssettm $0x7FFFFFFF  }
tec
execute0_lowered:
.L_overlay_start_1:
0x0: {  	(tag) =	ssettag $0x1  }
0x1: {  	s0 =	rddreg [dreg:$0x0]  }
0x2: {  	s14 =	rddreg [dreg:$0x1]  }
0x3: {  	s6 =	rddreg [dreg:$0x2]  }
0x4: {  	s1 =	srdreg.scid;
	s3 =	rddreg [dreg:$0x3]  }
0x5: {  	s2 =	rddreg [dreg:$0x4];
	s10 =	sand.u32 $0x1, s1  }
0x6: {  	s1 =	stileid.u32;
	s5 =	smul.u32 $0x138800, s10  }
0x7: {  	s4 =	simm.s32 $0x0;
	s18 =	simm.s32 $0x13B80;
	s7 =	smul.u32 $0x13800, s1  }
0x8: {  	s19 =	simm.s32 $0xA;
	[smem:$0x7FF] =	sst s4;
	s8 =	smul.u32 $0x4E000, s1  }
0x9: {  	_ =	strace $0x8000004D;
	p0 =	slt.u32 s1, $0x2;
	s12 =	smul.u32 $0x9C, s1  }
0xa: {  	s26 =	ssub.s32 $0x2, s10;
	s16 =	sshll.u32 s1, $0x1;
	s17 =	smul.u32 $0x4E, s10  }
0xb: {  	s28 =	sshrl.u32 s26, $0x1;
	s10 =	sor.u32 s10, s16;
	s5 =	sadd.s32 s7, s5  }
0xc: {  	s8 =	sshrl.u32 s8, $0x2;
	s7 =	sshrl.u32 s5, $0x3;
	s5 =	simm.s32 $0x4F  }
0xd: {  	s12 =	sadd.s32 s17, s12;
	s16 =	smin.u32 s10, $0x4;
	s5 =	simm.s32 @!p0 $0x4E  }
0xe: {  	s15 =	ssub.s32 s26, s28;
	s12 =	sadd.s32 s16, s12;
	s11 =	smul.u32 $0x56, s5  }
0xf: {  	s15 =	smax.u32 s15, $0x1;
	s13 =	sadd.s32 s7, s6;
	s6 =	sadd.s32 s8, s3  }
0x10: {  	s31 =	sshll.u32 s12, $0x5;
	s7 =	sadd.s32 $0x4000, s6;
	s11 =	sadd.s32 $0x1AE, s11  }
0x11: {  	s8 =	sadd.s32 $0x8000, s6;
	s9 =	sadd.s32 $0xC000, s6;
	s29 =	sshrl.u32 s11, $0x8  }
0x12: {  	s10 =	sadd.s32 $0x10000, s6;
	s14 =	sadd.s32 s31, s14;
	s30 =	smul.u32 $0x3, s29  }
0x13: {  	s12 =	sadd.s32 $0x1, s5;
	s13 =	sadd.s32 $0x50E00, s13;
	s16 =	sadd.s32 $0x40, s14  }
0x14: {  	v0 =	vimm.f32 $0.0e+00;
	s17 =	sadd.s32 $0x20, s14;
	s11 =	sadd.s32 $0x3, s5;
	[dreg:$0x5] =	wrdreg s30  }
.LBB2_1:
0x15: {  	s20 =	simm.s32 $0x0;
	s21 =	simm.s32 $0x200  }
.LBB2_2:
0x16: {  	p0 =	sne.s32 s21, $0xFE00;
	[tilespmem:s20+$0x13BF0] =	vst v0  }
0x17: {  	[tilespmem:s20+$0x13B80] =	vst v0  }
0x18: {  	[tilespmem:s20+$0x13B90] =	vst v0  }
.Ltmp0:
0x19: {  	[tilespmem:s20+$0x13BA0] =	vst v0;
	(pc) =	sbr.rel @p0 .LBB2_2-.Ltmp0, $4  }
0x1a: {  	[tilespmem:s20+$0x13BB0] =	vst v0  }
0x1b: {  	[tilespmem:s20+$0x13BC0] =	vst v0  }
0x1c: {  	[tilespmem:s20+$0x13BD0] =	vst v0  }
0x1d: {  	[tilespmem:s20+$0x13BE0] =	vst v0;
	s20 =	sshra.s32 s21, $0x2;
	s21 =	sadd.s32 $0x200, s21  }
0x1e: {  	[tilespmem:s20+$0x13BF0] =	vst v0  }
0x1f: {  	[tilespmem:s20+$0x13B80] =	vst v0  }
0x20: {  	[tilespmem:s20+$0x13B90] =	vst v0  }
0x21: {  	[tilespmem:s20+$0x13BA0] =	vst v0  }
0x22: {  	[tilespmem:s20+$0x13BB0] =	vst v0  }
0x23: {  	[tilespmem:s20+$0x13BC0] =	vst v0  }
0x24: {  	[tilespmem:s20+$0x13BD0] =	vst v0  }
0x25: {  	[tilespmem:s20+$0x13BE0] =	vst v0  }
0x26: {  	[spmem:s6] =	stream.linear.scatter [tilespmem:s18], [sflag:$0xA], $0x4000, $0x38;
	[tilespmem:$0x1FB80] =	vst v63  }
0x27: {  	_ =	swait.ge [sflag:s19], $0x4000  }
0x28: {  	[sflag:s19] =	ssyncset.done $0x0  }
0x29: {  	[sflag:s19] =	ssyncadd.s32 $0xFFFFC000  }
0x2a: {  	[spmem:s7] =	stream.linear.scatter [tilespmem:s18], [sflag:$0xA], $0x4000, $0x38;
	[tilespmem:$0x1FB80] =	vst v63  }
0x2b: {  	_ =	swait.ge [sflag:s19], $0x4000  }
0x2c: {  	[sflag:s19] =	ssyncset.done $0x0  }
0x2d: {  	[sflag:s19] =	ssyncadd.s32 $0xFFFFC000  }
0x2e: {  	[spmem:s8] =	stream.linear.scatter [tilespmem:s18], [sflag:$0xA], $0x4000, $0x38;
	[tilespmem:$0x1FB80] =	vst v63  }
0x2f: {  	_ =	swait.ge [sflag:s19], $0x4000  }
0x30: {  	[sflag:s19] =	ssyncset.done $0x0  }
0x31: {  	[sflag:s19] =	ssyncadd.s32 $0xFFFFC000  }
0x32: {  	[spmem:s9] =	stream.linear.scatter [tilespmem:s18], [sflag:$0xA], $0x4000, $0x38;
	[tilespmem:$0x1FB80] =	vst v63  }
0x33: {  	_ =	swait.ge [sflag:s19], $0x4000  }
0x34: {  	[sflag:s19] =	ssyncset.done $0x0  }
0x35: {  	[sflag:s19] =	ssyncadd.s32 $0xFFFFC000  }
0x36: {  	[spmem:s10] =	stream.linear.scatter [tilespmem:s18], [sflag:$0xA], $0x4000, $0x38;
	[tilespmem:$0x1FB80] =	vst v63  }
0x37: {  	_ =	swait.ge [sflag:s19], $0x4000  }
0x38: {  	[sflag:s19] =	ssyncset.done $0x0  }
0x39: {  	s20 =	simm.s32 $0x0;
	s21 =	smov.u32 s17;
	[sflag:s19] =	ssyncadd.s32 $0xFFFFC000  }
0x3a: {  	s22 =	smov.u32 s16;
	s23 =	smov.u32 s14;
	[bflag:$0x0] =	sbarrier.arrive $0xFFFF  }
.LBB2_4:
0x3b: {  	p0 =	seq.s32 s20, $0x0  }
0x3c: {  	p1 =	sge.u32 @!p0 s20, s11  }
0x3d: {  	p2 =	por p1, p0  }
0x3e: {  	s24 =	simm.s32 @!p2 $0x7  }
0x3f: {  	p6 =	sne.s32 s20, $0x0;
	p1 =	sge.u32 s20, s5;
	_ =	swait.ge @!p2 [sflag:s24], $0x4000  }
0x40: {  	p3 =	sle.u32 s20, s5;
	s25 =	simm.s32 @!p1 $0x13880;
	[sflag:s24] =	ssyncset.done @!p2 $0x0  }
0x41: {  	[sflag:s24] =	ssyncadd.s32 @!p2 $0xFFFFC000;
	s24 =	simm.s32 @!p1 $0x0;
	p2 =	por !p6, !p3  }
0x42: {  	[tilespmem:s25], [sflag:$0x1] =	stream.linear.gather @!p1 [hbm4b:s23+s24], $0x100, $0x38;
	[tilespmem:$0x1FB80] =	vst v63  }
0x43: {  	p2 =	por !p2, !p2  }
0x44: {  	s24 =	simm.s32 @p2 $0x3  }
0x45: {  	p3 =	sgt.u32 @!p0 s20, s12;
	_ =	swait.ge @p2 [sflag:s24], $0x100  }
0x46: {  	p3 =	por p3, p0;
	s26 =	simm.s32 @p2 $0x13A80;
	[sflag:s24] =	ssyncset.done @p2 $0x0  }
0x47: {  	s28 =	simm.s32 @p2 $0x1BB80;
	[sflag:s24] =	ssyncadd.s32 @p2 $0xFFFFFF00;
	s24 =	simm.s32 @p2 $0x80  }
0x48: {  	[tilespmem:s28], [sflag:$0x6] =	stream.indirect.gather @p2 [hbm4b:s0+s24], $0x80, s26, s24, $0xb8;
	[tilespmem:$0x1FB80] =	vst v63  }
0x49: {  	s26 =	simm.s32 @!p3 $0x5  }
0x4a: {  	_ =	swait.ge @!p3 [sflag:s26], $0x4000  }
0x4b: {  	s29 =	simm.s32 @!p3 $0x13A00;
	[sflag:s26] =	ssyncset.done @!p3 $0x0  }
0x4c: {  	s30 =	simm.s32 @!p3 $0x17B80;
	[sflag:s26] =	ssyncadd.s32 @!p3 $0xFFFFC000;
	s26 =	simm.s32 @!p3 $0x80  }
0x4d: {  	[spmem:s3] =	stream.indirect.scatter.add.f32 @!p3 [tilespmem:s30], [sflag:$0x8], $0x80, s29, s26, $0xb8;
	[tilespmem:$0x1FB80] =	vst v63  }
0x4e: {  	s26 =	sadd.s32 $0x1, s20  }
0x4f: {  	p3 =	sge.u32 @!p0 s26, s11  }
0x50: {  	p3 =	por p3, p0  }
0x51: {  	s29 =	simm.s32 @!p3 $0x8  }
0x52: {  	_ =	swait.ge @!p3 [sflag:s29], $0x4000  }
0x53: {  	p4 =	sge.u32 s26, s5;
	[sflag:s29] =	ssyncset.done @!p3 $0x0  }
0x54: {  	s26 =	simm.s32 @!p4 $0x0;
	[sflag:s29] =	ssyncadd.s32 @!p3 $0xFFFFC000;
	s29 =	simm.s32 @!p4 $0x13980  }
0x55: {  	[tilespmem:s29], [sflag:$0x2] =	stream.linear.gather @!p4 [hbm4b:s21+s26], $0x100, $0x38;
	[tilespmem:$0x1FB80] =	vst v63  }
0x56: {  	s26 =	simm.s32 @!p1 $0x1  }
0x57: {  	_ =	swait.ge @!p1 [sflag:s26], $0x100  }
0x58: {  	[sflag:s26] =	ssyncset.done @!p1 $0x0  }
0x59: {  	s29 =	simm.s32 @!p1 $0x13B80;
	[sflag:s26] =	ssyncadd.s32 @!p1 $0xFFFFFF00;
	s26 =	simm.s32 @!p1 $0x80  }
0x5a: {  	[tilespmem:s29], [sflag:$0x4] =	stream.indirect.gather @!p1 [hbm4b:s0+s26], $0x80, s25, s26, $0xb8;
	[tilespmem:$0x1FB80] =	vst v63  }
0x5b: {  	s25 =	simm.s32 @p2 $0x6  }
0x5c: {  	_ =	swait.ge @p2 [sflag:s25], $0x4000  }
0x5d: {  	[sflag:s25] =	ssyncset.done @p2 $0x0  }
0x5e: {  	[sflag:s25] =	ssyncadd.s32 @p2 $0xFFFFC000;
	s25 =	simm.s32 @p2 $0x13B00  }
0x5f: {  	[spmem:s3] =	stream.indirect.scatter.add.f32 @p2 [tilespmem:s28], [sflag:$0x9], $0x80, s25, s24, $0xb8;
	[tilespmem:$0x1FB80] =	vst v63  }
0x60: {  	s24 =	sadd.s32 $0x2, s20  }
0x61: {  	p1 =	sge.u32 @!p0 s24, s11  }
0x62: {  	p0 =	por p1, p0  }
0x63: {  	s25 =	simm.s32 @!p0 $0x9  }
0x64: {  	p1 =	sge.u32 s24, s5;
	_ =	swait.ge @!p0 [sflag:s25], $0x4000  }
0x65: {  	s26 =	simm.s32 @!p1 $0x13A80;
	[sflag:s25] =	ssyncset.done @!p0 $0x0  }
0x66: {  	[sflag:s25] =	ssyncadd.s32 @!p0 $0xFFFFC000;
	s25 =	simm.s32 @!p1 $0x0;
	p0 =	sgt.u32 s24, s5  }
0x67: {  	[tilespmem:s26], [sflag:$0x3] =	stream.linear.gather @!p1 [hbm4b:s22+s25], $0x100, $0x38;
	[tilespmem:$0x1FB80] =	vst v63  }
0x68: {  	s25 =	simm.s32 @!p0 $0x2  }
0x69: {  	_ =	swait.ge @!p0 [sflag:s25], $0x100  }
0x6a: {  	s26 =	simm.s32 @!p0 $0x13980;
	[sflag:s25] =	ssyncset.done @!p0 $0x0  }
0x6b: {  	s28 =	simm.s32 @!p0 $0x17B80;
	[sflag:s25] =	ssyncadd.s32 @!p0 $0xFFFFFF00;
	s25 =	simm.s32 @!p0 $0x80  }
0x6c: {  	[tilespmem:s28], [sflag:$0x5] =	stream.indirect.gather @!p0 [hbm4b:s0+s25], $0x80, s26, s25, $0xb8;
	[tilespmem:$0x1FB80] =	vst v63  }
0x6d: {  	p0 =	sgt.u32 s24, s12  }
0x6e: {  	s24 =	simm.s32 @!p0 $0x4  }
0x6f: {  	s20 =	sadd.s32 $0x3, s20;
	_ =	swait.ge @!p0 [sflag:s24], $0x4000  }
0x70: {  	s25 =	simm.s32 @!p0 $0x13900;
	s26 =	simm.s32 @!p0 $0x13B80;
	[sflag:s24] =	ssyncset.done @!p0 $0x0  }
0x71: {  	s31 =	rddreg [dreg:$0x5];
	[sflag:s24] =	ssyncadd.s32 @!p0 $0xFFFFC000;
	s24 =	simm.s32 @!p0 $0x80  }
0x72: {  	[spmem:s3] =	stream.indirect.scatter.add.f32 @!p0 [tilespmem:s26], [sflag:$0x7], $0x80, s25, s24, $0xb8;
	[tilespmem:$0x1FB80] =	vst v63  }
0x73: {  	p0 =	sne.s32 s31, s20  }
.Ltmp1:
0x74: {  	_ = 	snop;
	(pc) =	sbr.rel @p0 .LBB2_4-.Ltmp1, $2  }
0x75: {  	_ =	sdelay $0x2  }
0x76: {  	s23 =	sadd.s32 $0x60, s23;
	s21 =	sadd.s32 $0x60, s21;
	s22 =	sadd.s32 $0x60, s22  }
0x77: {  	s4 =	sadd.s32 $0x1, s4  }
0x78: {  	s20 =	sshll.u32 s1, $0x6;
	[bflag:$0x0] =	sbarrier.arrive $0xFFFF;
	p0 =	sne.s32 s4, s15  }
.Ltmp2:
0x79: {  	s21 =	sshrl.u32 s6, $0x3;
	s20 =	sor.u32 $0x1C0A, s20;
	(pc) =	sbr.rel @p0 .LBB2_1-.Ltmp2, $4  }
0x7a: {  	[hbm:s13], [sflag:s20] =	dma.local [spmem:s21], $0x2800  }
0x7b: {  	_ =	swait.ge [sflag:s19], $0x2800  }
0x7c: {  	[sflag:s19] =	ssyncset.done $0x0  }
0x7d: {  	[sflag:s19] =	ssyncadd.s32 $0xFFFFD800  }
0x7e: {  	_ =	sfence.sel $0x180000  }
0x7f: {  	[bflag:$0x0] =	sbarrier.arrive $0xFFFF  }
0x80: {  	p0 =	sne.s32 s1, $0x0;
	_ =	strace $0x9000004D  }
0x81: {  	s0 =	sadd.s32 @!p0 $0x100000, s2;
	[bflag:$0x2] =	sbarrier.arrive $0xFFFF  }
0x82: {  	[sflag:s0] =	ssyncadd.tile.s32 @!p0 $0x1;
	_ =	shalt  }
.Lfunc_end2:
_tile_overlayer_lowered:
.L_overlay_start_2:
0x83: {  	(tag) =	ssettag $0x2  }
0x84: {  	s0 =	rddreg [dreg:$0x0];
	s2 =	stileid.u32  }
0x85: {  	s1 =	rddreg [dreg:$0x1];
	p0 =	sne.s32 s2, $0x0  }
0x86: {  	s3 =	rddreg [dreg:$0x2];
	[bflag:$0x3] =	sbarrier.arrive $0xFFFF;
	s2 =	simm.s32 @!p0 $0x1C0A  }
0x87: {  	[timem:s3], [sflag:s2] =	dma.local @!p0 [hbm:s0], s1  }
0x88: {  	s0 =	simm.s32 @!p0 $0xA  }
0x89: {  	_ =	swait.ge @!p0 [sflag:s0], s1  }
0x8a: {  	s1 =	ssub.s32 @!p0 $0x0, s1;
	[sflag:s0] =	ssyncset.done @!p0 $0x0  }
0x8b: {  	[sflag:s0] =	ssyncadd.s32 @!p0 s1  }
0x8c: {  	[bflag:$0x3] =	sbarrier.arrive $0xFFFF  }
0x8d: {  	_ =	shalt  }

// kernel: kernel.20.cloned.1.call-start
scs
__scs_entry_jumppad:
0x0: {  	(pc) =	sbr.rel $0x88, $3  }
0x1: {  	(tag) =	ssettag $0x0;
	lr =	simm.s32 $0x1  }
0x2: {  	[smem:$0x3F99] =	sst lr;
	_ =	strace $0xD0000000  }
0x3: {  	_ = 	snop  }
0x4: {  	_ = 	snop  }
0x5: {  	_ = 	snop  }
0x6: {  	_ = 	snop  }
0x7: {  	_ = 	snop  }
__scs_overlays_trampoline_lowered:
0x8: {  	[smem:$0x3FA8] =	sst s0  }
0x9: {  	[smem:$0x3FA9] =	sst s1  }
0xa: {  	[smem:$0x3FAA] =	sst s2  }
0xb: {  	[smem:$0x3FAB] =	sst s3  }
0xc: {  	[smem:$0x3FAC] =	sst s4  }
0xd: {  	[smem:$0x3FAD] =	sst s5  }
0xe: {  	[smem:$0x3FAE] =	sst s6  }
0xf: {  	[smem:$0x3FAF] =	sst s7  }
0x10: {  	[smem:$0x3FB0] =	sst s8  }
0x11: {  	[smem:$0x3FB1] =	sst s9;
	s0 =	simm.s32 @!p0 $0x0  }
0x12: {  	s1 =	sld [smem:$0x3F97];
	s0 =	simm.s32 @p0 $0x1  }
0x13: {  	[smem:$0x3FB2] =	sst s0;
	s0 =	simm.s32 @!p1 $0x0  }
0x14: {  	s2 =	sld [smem:$0x3F96];
	s0 =	simm.s32 @p1 $0x1  }
0x15: {  	[smem:$0x3FB3] =	sst s0;
	s0 =	simm.s32 @!p2 $0x0  }
0x16: {  	s3 =	sld [smem:$0x3FDB];
	s0 =	simm.s32 @p2 $0x1  }
0x17: {  	s4 =	simm.s32 $0x1BF5;
	[smem:$0x3FB5] =	sst s0  }
0x18: {  	s0 =	sld [smem:$0x3F98];
	_ =	swait.ge [sflag:s4], $0x0  }
0x19: {  	s7 =	sld [smem:$0x3F99]  }
0x1a: {  	s8 =	sadd.s32 $0xFFFFE003, lr  }
0x1b: {  	s9 =	sadd.s32 $0xFFFFFEF7, lr;
	s5 =	simm.s32 $0xFFFFFFFF;
	p2 =	slt.u32 s8, $0xFFFFF086  }
0x1c: {  	p1 =	slt.u32 s9, $0xF7A;
	s5 =	simm.s32 @!p2 $0x0  }
0x1d: {  	s5 =	simm.s32 @p1 $0x1;
	p0 =	seq.s32 s7, s2  }
0x1e: {  	s7 =	smul.u32 @!p0 $0xF7A, s2;
	p2 =	seq.s32 @!p0 s5, $0x0  }
0x1f: {  	s9 =	smul.u32 $0xF7A, s1;
	s8 =	simm.s32 @!p0 $0x1BF5;
	p2 =	por !p2, p0  }
0x20: {  	[sflag:s8] =	ssyncset.s32 @!p0 $0xFFFFF086;
	s6 =	sadd.s32 @!p0 s3, s7;
	s7 =	simm.s32 @!p0 $0x108  }
0x21: {  	s3 =	sadd.s32 s3, s9;
	s6 =	sadd.s32 @!p0 $0x88, s6;
	s7 =	simm.s32 @p2 $0x1082  }
0x22: {  	[simem:s7], [sflag:s8] =	dma.local @!p0 [hbm:s6], $0xF7A  }
0x23: {  	s9 =	sor.u32 $0xD0000000, s2;
	s6 =	simm.s32 $0x108;
	_ =	swait.ge @!p0 [sflag:s8], $0x0  }
0x24: {  	s3 =	sadd.s32 $0x88, s3;
	s6 =	simm.s32 @!p1 $0x1082;
	[sflag:s4] =	ssyncset.s32 $0xFFFFF086  }
0x25: {  	[simem:s6], [sflag:s4] =	dma.local [hbm:s3], $0xF7A  }
0x26: {  	[smem:$0x3F99] =	sst s1;
	(tag) =	ssettag s2;
	_ =	strace s9  }
0x27: {  	s1 =	sld [smem:$0x3FA9]  }
0x28: {  	s2 =	sld [smem:$0x3FAA]  }
0x29: {  	s4 =	sld [smem:$0x3FAC]  }
0x2a: {  	p0 =	seq.s32 s5, $0x0;
	s5 =	sld [smem:$0x3FAD]  }
0x2b: {  	s6 =	sld [smem:$0x3FAE]  }
0x2c: {  	s7 =	sld [smem:$0x3FAF]  }
0x2d: {  	s3 =	simm.s32 $0x108;
	s8 =	sld [smem:$0x3FB0]  }
0x2e: {  	s3 =	simm.s32 @!p0 $0x1082;
	s9 =	sld [smem:$0x3FB1]  }
0x2f: {  	lr =	sadd.s32 s0, s3;
	s0 =	sld [smem:$0x3FA8]  }
0x30: {  	s3 =	sld [smem:$0x3FAB]  }
0x31: {  	[smem:$0x3FB4] =	sst s10  }
0x32: {  	s10 =	sld [smem:$0x3FB2];
	_ =	sdelay $0x3  }
0x33: {  	p0 =	seq.s32 s10, $0x1;
	s10 =	sld [smem:$0x3FB4];
	_ =	sdelay $0x3  }
0x34: {  	[smem:$0x3FB4] =	sst s10  }
0x35: {  	s10 =	sld [smem:$0x3FB3];
	_ =	sdelay $0x3  }
0x36: {  	p1 =	seq.s32 s10, $0x1;
	s10 =	sld [smem:$0x3FB4];
	_ =	sdelay $0x3  }
0x37: {  	[smem:$0x3FB4] =	sst s10  }
0x38: {  	s10 =	sld [smem:$0x3FB5]  }
0x39: {  	_ = 	snop;
	(pc) =	sbr.ind lr, $3  }
0x3a: {  	_ = 	snop  }
0x3b: {  	_ = 	snop  }
0x3c: {  	p2 =	seq.s32 s10, $0x1;
	s10 =	sld [smem:$0x3FB4]  }
0x3d: {  	_ =	shalt  }
0x3e: {  	_ =	shalt  }
0x3f: {  	_ =	shalt  }
0x40: {  	_ =	shalt  }
0x41: {  	_ =	shalt  }
0x42: {  	_ =	shalt  }
0x43: {  	_ =	shalt  }
0x44: {  	_ =	shalt  }
0x45: {  	_ =	shalt  }
0x46: {  	_ =	shalt  }
0x47: {  	_ =	shalt  }
0x48: {  	_ =	shalt  }
0x49: {  	_ =	shalt  }
0x4a: {  	_ =	shalt  }
0x4b: {  	_ =	shalt  }
0x4c: {  	_ =	shalt  }
0x4d: {  	_ =	shalt  }
0x4e: {  	_ =	shalt  }
0x4f: {  	_ =	shalt  }
0x50: {  	_ =	shalt  }
0x51: {  	_ =	shalt  }
0x52: {  	_ =	shalt  }
0x53: {  	_ =	shalt  }
0x54: {  	_ =	shalt  }
0x55: {  	_ =	shalt  }
0x56: {  	_ =	shalt  }
0x57: {  	_ =	shalt  }
0x58: {  	_ =	shalt  }
0x59: {  	_ =	shalt  }
0x5a: {  	_ =	shalt  }
0x5b: {  	_ =	shalt  }
0x5c: {  	_ =	shalt  }
0x5d: {  	_ =	shalt  }
0x5e: {  	_ =	shalt  }
0x5f: {  	_ =	shalt  }
0x60: {  	_ =	shalt  }
0x61: {  	_ =	shalt  }
0x62: {  	_ =	shalt  }
0x63: {  	_ =	shalt  }
0x64: {  	_ =	shalt  }
0x65: {  	_ =	shalt  }
0x66: {  	_ =	shalt  }
0x67: {  	_ =	shalt  }
0x68: {  	_ =	shalt  }
0x69: {  	_ =	shalt  }
0x6a: {  	_ =	shalt  }
0x6b: {  	_ =	shalt  }
0x6c: {  	_ =	shalt  }
0x6d: {  	_ =	shalt  }
0x6e: {  	_ =	shalt  }
0x6f: {  	_ =	shalt  }
0x70: {  	_ =	shalt  }
0x71: {  	_ =	shalt  }
0x72: {  	_ =	shalt  }
0x73: {  	_ =	shalt  }
0x74: {  	_ =	shalt  }
0x75: {  	_ =	shalt  }
0x76: {  	_ =	shalt  }
0x77: {  	_ =	shalt  }
0x78: {  	_ =	shalt  }
0x79: {  	_ =	shalt  }
0x7a: {  	_ =	shalt  }
0x7b: {  	_ =	shalt  }
0x7c: {  	_ =	shalt  }
0x7d: {  	_ =	shalt  }
0x7e: {  	_ =	shalt  }
0x7f: {  	_ =	shalt  }
0x80: {  	_ =	shalt  }
0x81: {  	_ =	shalt  }
0x82: {  	_ =	shalt  }
0x83: {  	_ =	shalt  }
0x84: {  	_ =	shalt  }
0x85: {  	_ =	shalt  }
0x86: {  	_ =	shalt  }
0x87: {  	_ =	shalt  }
.Lfunc_end0:
.L_simem_size_0:
called_computation.3_lowered:
.L_overlay_start_0:
0x88: {  	s2 =	sld [smem:$0x3FD9]  }
0x89: {  	s3 =	sld [smem:$0x3FFE];
	_ =	sdelay $0x1  }
0x8a: {  	s1 =	srdreg.scid  }
0x8b: {  	s0 =	sand.u32 $0x1, s1  }
0x8c: {  	s17 =	sshll.u32 s0, $0xA;
	s2 =	sadd.s32 s3, s2  }
0x8d: {  	s2 =	sadd.s32 s2, s17  }
0x8e: {  	[smem:$0x3FC0] =	sst s2  }
0x8f: {  	_ = 	snop  }
0x90: {  	s2 =	sld [smem:$0x3FC8]  }
0x91: {  	s18 =	sld [smem:$0x3FD0];
	(tm) =	ssettm $0x1  }
0x92: {  	s4 =	sld [smem:$0x3FFB];
	_ =	sdelay $0x3  }
0x93: {  	_ =	strace s4  }
0x94: {  	s4 =	sld [smem:$0x3FFC];
	_ =	sdelay $0x3  }
0x95: {  	_ =	strace s4  }
0x96: {  	s4 =	sld [smem:$0x3FFD];
	_ =	sdelay $0x3  }
0x97: {  	_ =	strace s4  }
0x98: {  	_ =	strace $0x8FFFFFFF  }
0x99: {  	s19 =	sld [smem:$0x3FDB];
	_ =	sdelay $0x1  }
0x9a: {  	s5 =	simm.s32 $_scs_section_size  }
0x9b: {  	s6 =	simm.s32 $_size__tile_overlayer_lowered;
	s7 =	simm.s32 $_tile_overlayer_lowered  }
0x9c: {  	s22 =	simm.s32 $0x1BFF;
	s21 =	sshll.u32 s7, $0x1;
	s4 =	sadd.s32 s5, s19  }
0x9d: {  	s8 =	simm.s32 $0x0;
	s20 =	sshll.u32 s6, $0x1;
	s6 =	sadd.s32 s21, s4  }
0x9e: {  	[timem:s8], [sflag:s22] =	dma.local [hbm:s6], s20  }
0x9f: {  	_ =	swait.ge [sflag:s22], s20  }
0xa0: {  	s5 =	ssub.s32 $0x0, s20;
	[sflag:s22] =	ssyncset.done $0x0  }
0xa1: {  	[sflag:s22] =	ssyncadd.s32 s5;
	_ =	sdelay $0x1  }
0xa2: {  	s23 =	simm.s32 $0x1B8B  }
0xa3: {  	_ =	swait.ge [sflag:s23], $0x1  }
0xa4: {  	[sflag:s23] =	ssyncset.done $0x0  }
0xa5: {  	s25 =	simm.s32 $0x1B8E;
	s24 =	sld [smem:$0x3FFE];
	[sflag:s23] =	ssyncadd.s32 $0xFFFFFFFF  }
0xa6: {  	s26 =	simm.s32 $execute0_lowered;
	[smem:$0x3FD2] =	sst s25  }
0xa7: {  	s6 =	sshll.u32 s26, $0x1;
	_ =	strace $0x8000004F;
	[dreg:$0x1] =	wrdreg $0xFFFFFFFF  }
0xa8: {  	s28 =	simm.s32 $_size_execute0_lowered;
	s4 =	sadd.s32 s4, s6;
	[dreg:$0x0] =	wrdreg $0x0  }
0xa9: {  	s6 =	sshll.u32 s28, $0x1;
	[dreg:$0x2] =	wrdreg s4  }
0xaa: {  	[dreg:$0x3] =	wrdreg s6  }
0xab: {  	[dreg:$0x4] =	wrdreg $0xC0  }
0xac: {  	_ =	task [dreg:s8], $0x5FFFF  }
0xad: {  	[dreg:$0x1] =	wrdreg $0xFFFFFFFF  }
0xae: {  	[dreg:$0x0] =	wrdreg $0x60  }
0xaf: {  	[dreg:$0x2] =	wrdreg s18  }
0xb0: {  	[dreg:$0x3] =	wrdreg s2  }
0xb1: {  	[dreg:$0x4] =	wrdreg s24  }
0xb2: {  	[dreg:$0x5] =	wrdreg $0x0  }
0xb3: {  	[dreg:$0x6] =	wrdreg $0x9  }
0xb4: {  	_ =	task.clear_ibuf [dreg:s8], $0x7FFFF;
	_ =	strace $0x9000004F  }
0xb5: {  	s29 =	simm.s32 $0x9;
	_ =	strace $0x80000051  }
0xb6: {  	_ =	swait.ge [sflag:s29], $0x1  }
0xb7: {  	[sflag:s29] =	ssyncadd.s32 $0xFFFFFFFF  }
0xb8: {  	_ =	strace $0x90000051  }
0xb9: {  	_ =	sfence  }
0xba: {  	s30 =	sld [smem:$0x0];
	_ =	sdelay $0x2  }
0xbb: {  	s31 =	sshll.u32 s1, $0xD;
	s1 =	sshrl.u32 s1, $0x2  }
0xbc: {  	s3 =	sand.u32 $0x4000, s31;
	s1 =	sadd.s32 s1, s30  }
0xbd: {  	s0 =	sor.u32 s3, s0;
	s1 =	sshll.u32 s1, $0x11  }
0xbe: {  	s0 =	sor.u32 s1, s0  }
0xbf: {  	s0 =	sadd.s32 $0x8F2B, s0  }
0xc0: {  	[sflag:s0] =	ssyncadd.remote.s32 $0x1  }
0xc1: {  	_ =	sfence.sel $0xFFFF  }
0xc2: {  	[dreg:$0x0] =	wrdreg $0xFFFFFFFF;
	(pc) =	sbr.abs _section_cstart, $3  }
0xc3: {  	[dreg:$0x1] =	wrdreg $0xFFFFFFFF  }
0xc4: {  	_ =	task.clear_ibuf [dreg:s8], $0x2FFFF;
	_ =	strace $0x9FFFFFFF  }
0xc5: {  	(tm) =	ssettm $0x7FFFFFFF  }
tec
execute0_lowered:
.L_overlay_start_1:
0x0: {  	(tag) =	ssettag $0x1  }
0x1: {  	s0 =	rddreg [dreg:$0x0]  }
0x2: {  	s14 =	rddreg [dreg:$0x1]  }
0x3: {  	s6 =	rddreg [dreg:$0x2]  }
0x4: {  	s1 =	srdreg.scid;
	s3 =	rddreg [dreg:$0x3]  }
0x5: {  	s2 =	rddreg [dreg:$0x4];
	s10 =	sand.u32 $0x1, s1  }
0x6: {  	s1 =	stileid.u32;
	s5 =	smul.u32 $0x138800, s10  }
0x7: {  	s4 =	simm.s32 $0x0;
	s18 =	simm.s32 $0x13B80;
	s7 =	smul.u32 $0x13800, s1  }
0x8: {  	s19 =	simm.s32 $0xA;
	[smem:$0x7FF] =	sst s4;
	s8 =	smul.u32 $0x4E000, s1  }
0x9: {  	_ =	strace $0x80000050;
	p0 =	slt.u32 s1, $0x2;
	s12 =	smul.u32 $0x9C, s1  }
0xa: {  	s26 =	ssub.s32 $0x2, s10;
	s16 =	sshll.u32 s1, $0x1;
	s17 =	smul.u32 $0x4E, s10  }
0xb: {  	s28 =	sshrl.u32 s26, $0x1;
	s10 =	sor.u32 s10, s16;
	s5 =	sadd.s32 s7, s5  }
0xc: {  	s8 =	sshrl.u32 s8, $0x2;
	s7 =	sshrl.u32 s5, $0x3;
	s5 =	simm.s32 $0x4F  }
0xd: {  	s12 =	sadd.s32 s17, s12;
	s16 =	smin.u32 s10, $0x4;
	s5 =	simm.s32 @!p0 $0x4E  }
0xe: {  	s15 =	ssub.s32 s26, s28;
	s12 =	sadd.s32 s16, s12;
	s11 =	smul.u32 $0x56, s5  }
0xf: {  	s15 =	smax.u32 s15, $0x1;
	s13 =	sadd.s32 s7, s6;
	s6 =	sadd.s32 s8, s3  }
0x10: {  	s31 =	sshll.u32 s12, $0x5;
	s7 =	sadd.s32 $0x4000, s6;
	s11 =	sadd.s32 $0x1AE, s11  }
0x11: {  	s8 =	sadd.s32 $0x8000, s6;
	s9 =	sadd.s32 $0xC000, s6;
	s29 =	sshrl.u32 s11, $0x8  }
0x12: {  	s10 =	sadd.s32 $0x10000, s6;
	s14 =	sadd.s32 s31, s14;
	s30 =	smul.u32 $0x3, s29  }
0x13: {  	s12 =	sadd.s32 $0x1, s5;
	s13 =	sadd.s32 $0x50E00, s13;
	s16 =	sadd.s32 $0x40, s14  }
0x14: {  	v0 =	vimm.f32 $0.0e+00;
	s17 =	sadd.s32 $0x20, s14;
	s11 =	sadd.s32 $0x3, s5;
	[dreg:$0x5] =	wrdreg s30  }
.LBB2_1:
0x15: {  	s20 =	simm.s32 $0x0;
	s21 =	simm.s32 $0x200  }
.LBB2_2:
0x16: {  	p0 =	sne.s32 s21, $0xFE00;
	[tilespmem:s20+$0x13BF0] =	vst v0  }
0x17: {  	[tilespmem:s20+$0x13B80] =	vst v0  }
0x18: {  	[tilespmem:s20+$0x13B90] =	vst v0  }
.Ltmp0:
0x19: {  	[tilespmem:s20+$0x13BA0] =	vst v0;
	(pc) =	sbr.rel @p0 .LBB2_2-.Ltmp0, $4  }
0x1a: {  	[tilespmem:s20+$0x13BB0] =	vst v0  }
0x1b: {  	[tilespmem:s20+$0x13BC0] =	vst v0  }
0x1c: {  	[tilespmem:s20+$0x13BD0] =	vst v0  }
0x1d: {  	[tilespmem:s20+$0x13BE0] =	vst v0;
	s20 =	sshra.s32 s21, $0x2;
	s21 =	sadd.s32 $0x200, s21  }
0x1e: {  	[tilespmem:s20+$0x13BF0] =	vst v0  }
0x1f: {  	[tilespmem:s20+$0x13B80] =	vst v0  }
0x20: {  	[tilespmem:s20+$0x13B90] =	vst v0  }
0x21: {  	[tilespmem:s20+$0x13BA0] =	vst v0  }
0x22: {  	[tilespmem:s20+$0x13BB0] =	vst v0  }
0x23: {  	[tilespmem:s20+$0x13BC0] =	vst v0  }
0x24: {  	[tilespmem:s20+$0x13BD0] =	vst v0  }
0x25: {  	[tilespmem:s20+$0x13BE0] =	vst v0  }
0x26: {  	[spmem:s6] =	stream.linear.scatter [tilespmem:s18], [sflag:$0xA], $0x4000, $0x38;
	[tilespmem:$0x1FB80] =	vst v63  }
0x27: {  	_ =	swait.ge [sflag:s19], $0x4000  }
0x28: {  	[sflag:s19] =	ssyncset.done $0x0  }
0x29: {  	[sflag:s19] =	ssyncadd.s32 $0xFFFFC000  }
0x2a: {  	[spmem:s7] =	stream.linear.scatter [tilespmem:s18], [sflag:$0xA], $0x4000, $0x38;
	[tilespmem:$0x1FB80] =	vst v63  }
0x2b: {  	_ =	swait.ge [sflag:s19], $0x4000  }
0x2c: {  	[sflag:s19] =	ssyncset.done $0x0  }
0x2d: {  	[sflag:s19] =	ssyncadd.s32 $0xFFFFC000  }
0x2e: {  	[spmem:s8] =	stream.linear.scatter [tilespmem:s18], [sflag:$0xA], $0x4000, $0x38;
	[tilespmem:$0x1FB80] =	vst v63  }
0x2f: {  	_ =	swait.ge [sflag:s19], $0x4000  }
0x30: {  	[sflag:s19] =	ssyncset.done $0x0  }
0x31: {  	[sflag:s19] =	ssyncadd.s32 $0xFFFFC000  }
0x32: {  	[spmem:s9] =	stream.linear.scatter [tilespmem:s18], [sflag:$0xA], $0x4000, $0x38;
	[tilespmem:$0x1FB80] =	vst v63  }
0x33: {  	_ =	swait.ge [sflag:s19], $0x4000  }
0x34: {  	[sflag:s19] =	ssyncset.done $0x0  }
0x35: {  	[sflag:s19] =	ssyncadd.s32 $0xFFFFC000  }
0x36: {  	[spmem:s10] =	stream.linear.scatter [tilespmem:s18], [sflag:$0xA], $0x4000, $0x38;
	[tilespmem:$0x1FB80] =	vst v63  }
0x37: {  	_ =	swait.ge [sflag:s19], $0x4000  }
0x38: {  	[sflag:s19] =	ssyncset.done $0x0  }
0x39: {  	s20 =	simm.s32 $0x0;
	s21 =	smov.u32 s17;
	[sflag:s19] =	ssyncadd.s32 $0xFFFFC000  }
0x3a: {  	s22 =	smov.u32 s16;
	s23 =	smov.u32 s14;
	[bflag:$0x0] =	sbarrier.arrive $0xFFFF  }
.LBB2_4:
0x3b: {  	p0 =	seq.s32 s20, $0x0  }
0x3c: {  	p1 =	sge.u32 @!p0 s20, s11  }
0x3d: {  	p2 =	por p1, p0  }
0x3e: {  	s24 =	simm.s32 @!p2 $0x7  }
0x3f: {  	p6 =	sne.s32 s20, $0x0;
	p1 =	sge.u32 s20, s5;
	_ =	swait.ge @!p2 [sflag:s24], $0x4000  }
0x40: {  	p3 =	sle.u32 s20, s5;
	s25 =	simm.s32 @!p1 $0x13880;
	[sflag:s24] =	ssyncset.done @!p2 $0x0  }
0x41: {  	[sflag:s24] =	ssyncadd.s32 @!p2 $0xFFFFC000;
	s24 =	simm.s32 @!p1 $0x0;
	p2 =	por !p6, !p3  }
0x42: {  	[tilespmem:s25], [sflag:$0x1] =	stream.linear.gather @!p1 [hbm4b:s23+s24], $0x100, $0x38;
	[tilespmem:$0x1FB80] =	vst v63  }
0x43: {  	p2 =	por !p2, !p2  }
0x44: {  	s24 =	simm.s32 @p2 $0x3  }
0x45: {  	p3 =	sgt.u32 @!p0 s20, s12;
	_ =	swait.ge @p2 [sflag:s24], $0x100  }
0x46: {  	p3 =	por p3, p0;
	s26 =	simm.s32 @p2 $0x13A80;
	[sflag:s24] =	ssyncset.done @p2 $0x0  }
0x47: {  	s28 =	simm.s32 @p2 $0x1BB80;
	[sflag:s24] =	ssyncadd.s32 @p2 $0xFFFFFF00;
	s24 =	simm.s32 @p2 $0x80  }
0x48: {  	[tilespmem:s28], [sflag:$0x6] =	stream.indirect.gather @p2 [hbm4b:s0+s24], $0x80, s26, s24, $0xb8;
	[tilespmem:$0x1FB80] =	vst v63  }
0x49: {  	s26 =	simm.s32 @!p3 $0x5  }
0x4a: {  	_ =	swait.ge @!p3 [sflag:s26], $0x4000  }
0x4b: {  	s29 =	simm.s32 @!p3 $0x13A00;
	[sflag:s26] =	ssyncset.done @!p3 $0x0  }
0x4c: {  	s30 =	simm.s32 @!p3 $0x17B80;
	[sflag:s26] =	ssyncadd.s32 @!p3 $0xFFFFC000;
	s26 =	simm.s32 @!p3 $0x80  }
0x4d: {  	[spmem:s3] =	stream.indirect.scatter.add.f32 @!p3 [tilespmem:s30], [sflag:$0x8], $0x80, s29, s26, $0xb8;
	[tilespmem:$0x1FB80] =	vst v63  }
0x4e: {  	s26 =	sadd.s32 $0x1, s20  }
0x4f: {  	p3 =	sge.u32 @!p0 s26, s11  }
0x50: {  	p3 =	por p3, p0  }
0x51: {  	s29 =	simm.s32 @!p3 $0x8  }
0x52: {  	_ =	swait.ge @!p3 [sflag:s29], $0x4000  }
0x53: {  	p4 =	sge.u32 s26, s5;
	[sflag:s29] =	ssyncset.done @!p3 $0x0  }
0x54: {  	s26 =	simm.s32 @!p4 $0x0;
	[sflag:s29] =	ssyncadd.s32 @!p3 $0xFFFFC000;
	s29 =	simm.s32 @!p4 $0x13980  }
0x55: {  	[tilespmem:s29], [sflag:$0x2] =	stream.linear.gather @!p4 [hbm4b:s21+s26], $0x100, $0x38;
	[tilespmem:$0x1FB80] =	vst v63  }
0x56: {  	s26 =	simm.s32 @!p1 $0x1  }
0x57: {  	_ =	swait.ge @!p1 [sflag:s26], $0x100  }
0x58: {  	[sflag:s26] =	ssyncset.done @!p1 $0x0  }
0x59: {  	s29 =	simm.s32 @!p1 $0x13B80;
	[sflag:s26] =	ssyncadd.s32 @!p1 $0xFFFFFF00;
	s26 =	simm.s32 @!p1 $0x80  }
0x5a: {  	[tilespmem:s29], [sflag:$0x4] =	stream.indirect.gather @!p1 [hbm4b:s0+s26], $0x80, s25, s26, $0xb8;
	[tilespmem:$0x1FB80] =	vst v63  }
0x5b: {  	s25 =	simm.s32 @p2 $0x6  }
0x5c: {  	_ =	swait.ge @p2 [sflag:s25], $0x4000  }
0x5d: {  	[sflag:s25] =	ssyncset.done @p2 $0x0  }
0x5e: {  	[sflag:s25] =	ssyncadd.s32 @p2 $0xFFFFC000;
	s25 =	simm.s32 @p2 $0x13B00  }
0x5f: {  	[spmem:s3] =	stream.indirect.scatter.add.f32 @p2 [tilespmem:s28], [sflag:$0x9], $0x80, s25, s24, $0xb8;
	[tilespmem:$0x1FB80] =	vst v63  }
0x60: {  	s24 =	sadd.s32 $0x2, s20  }
0x61: {  	p1 =	sge.u32 @!p0 s24, s11  }
0x62: {  	p0 =	por p1, p0  }
0x63: {  	s25 =	simm.s32 @!p0 $0x9  }
0x64: {  	p1 =	sge.u32 s24, s5;
	_ =	swait.ge @!p0 [sflag:s25], $0x4000  }
0x65: {  	s26 =	simm.s32 @!p1 $0x13A80;
	[sflag:s25] =	ssyncset.done @!p0 $0x0  }
0x66: {  	[sflag:s25] =	ssyncadd.s32 @!p0 $0xFFFFC000;
	s25 =	simm.s32 @!p1 $0x0;
	p0 =	sgt.u32 s24, s5  }
0x67: {  	[tilespmem:s26], [sflag:$0x3] =	stream.linear.gather @!p1 [hbm4b:s22+s25], $0x100, $0x38;
	[tilespmem:$0x1FB80] =	vst v63  }
0x68: {  	s25 =	simm.s32 @!p0 $0x2  }
0x69: {  	_ =	swait.ge @!p0 [sflag:s25], $0x100  }
0x6a: {  	s26 =	simm.s32 @!p0 $0x13980;
	[sflag:s25] =	ssyncset.done @!p0 $0x0  }
0x6b: {  	s28 =	simm.s32 @!p0 $0x17B80;
	[sflag:s25] =	ssyncadd.s32 @!p0 $0xFFFFFF00;
	s25 =	simm.s32 @!p0 $0x80  }
0x6c: {  	[tilespmem:s28], [sflag:$0x5] =	stream.indirect.gather @!p0 [hbm4b:s0+s25], $0x80, s26, s25, $0xb8;
	[tilespmem:$0x1FB80] =	vst v63  }
0x6d: {  	p0 =	sgt.u32 s24, s12  }
0x6e: {  	s24 =	simm.s32 @!p0 $0x4  }
0x6f: {  	s20 =	sadd.s32 $0x3, s20;
	_ =	swait.ge @!p0 [sflag:s24], $0x4000  }
0x70: {  	s25 =	simm.s32 @!p0 $0x13900;
	s26 =	simm.s32 @!p0 $0x13B80;
	[sflag:s24] =	ssyncset.done @!p0 $0x0  }
0x71: {  	s31 =	rddreg [dreg:$0x5];
	[sflag:s24] =	ssyncadd.s32 @!p0 $0xFFFFC000;
	s24 =	simm.s32 @!p0 $0x80  }
0x72: {  	[spmem:s3] =	stream.indirect.scatter.add.f32 @!p0 [tilespmem:s26], [sflag:$0x7], $0x80, s25, s24, $0xb8;
	[tilespmem:$0x1FB80] =	vst v63  }
0x73: {  	p0 =	sne.s32 s31, s20  }
.Ltmp1:
0x74: {  	_ = 	snop;
	(pc) =	sbr.rel @p0 .LBB2_4-.Ltmp1, $2  }
0x75: {  	_ =	sdelay $0x2  }
0x76: {  	s23 =	sadd.s32 $0x60, s23;
	s21 =	sadd.s32 $0x60, s21;
	s22 =	sadd.s32 $0x60, s22  }
0x77: {  	s4 =	sadd.s32 $0x1, s4  }
0x78: {  	s20 =	sshll.u32 s1, $0x6;
	[bflag:$0x0] =	sbarrier.arrive $0xFFFF;
	p0 =	sne.s32 s4, s15  }
.Ltmp2:
0x79: {  	s21 =	sshrl.u32 s6, $0x3;
	s20 =	sor.u32 $0x1C0A, s20;
	(pc) =	sbr.rel @p0 .LBB2_1-.Ltmp2, $4  }
0x7a: {  	[hbm:s13], [sflag:s20] =	dma.local [spmem:s21], $0x2800  }
0x7b: {  	_ =	swait.ge [sflag:s19], $0x2800  }
0x7c: {  	[sflag:s19] =	ssyncset.done $0x0  }
0x7d: {  	[sflag:s19] =	ssyncadd.s32 $0xFFFFD800  }
0x7e: {  	_ =	sfence.sel $0x180000  }
0x7f: {  	[bflag:$0x0] =	sbarrier.arrive $0xFFFF  }
0x80: {  	p0 =	sne.s32 s1, $0x0;
	_ =	strace $0x90000050  }
0x81: {  	s0 =	sadd.s32 @!p0 $0x100000, s2;
	[bflag:$0x2] =	sbarrier.arrive $0xFFFF  }
0x82: {  	[sflag:s0] =	ssyncadd.tile.s32 @!p0 $0x1;
	_ =	shalt  }
.Lfunc_end2:
_tile_overlayer_lowered:
.L_overlay_start_2:
0x83: {  	(tag) =	ssettag $0x2  }
0x84: {  	s0 =	rddreg [dreg:$0x0];
	s2 =	stileid.u32  }
0x85: {  	s1 =	rddreg [dreg:$0x1];
	p0 =	sne.s32 s2, $0x0  }
0x86: {  	s3 =	rddreg [dreg:$0x2];
	[bflag:$0x3] =	sbarrier.arrive $0xFFFF;
	s2 =	simm.s32 @!p0 $0x1C0A  }
0x87: {  	[timem:s3], [sflag:s2] =	dma.local @!p0 [hbm:s0], s1  }
0x88: {  	s0 =	simm.s32 @!p0 $0xA  }
0x89: {  	_ =	swait.ge @!p0 [sflag:s0], s1  }
0x8a: {  	s1 =	ssub.s32 @!p0 $0x0, s1;
	[sflag:s0] =	ssyncset.done @!p0 $0x0  }
0x8b: {  	[sflag:s0] =	ssyncadd.s32 @!p0 s1  }
0x8c: {  	[bflag:$0x3] =	sbarrier.arrive $0xFFFF  }
0x8d: {  	_ =	shalt  }

</sc_bundles>
